<compile_context>
chip_gen: v7x
topology: tpu7x:2x2x1
jax: 0.10.2.dev20260603
libtpu: 0.0.44.dev20260713+nightly
codegen_flags: <defaults>
</compile_context>

<pallas_src>
import functools

import jax
import jax.numpy as jnp
from jax import lax
from jax.experimental import pallas as pl
from jax.experimental.pallas import tpu as pltpu, tpu_sc as plsc

L = 224
NP = 16
NV = L // 16
ROWS = L // 2
NCHUNK = 7
CHUNK = ROWS // NCHUNK
IMG = L * L
TILE = ROWS * L
OUT_FLAT = NP * 3 * IMG


def _sc_body(series_hbm, w_hbm, out_hbm, xbuf, abuf, bbuf, cbuf, wbuf,
             obuf, obuf2, sem0, sem1):
    sid = lax.axis_index("s")
    cid = lax.axis_index("c")
    p = lax.rem(sid + cid * 8, 16)
    half = cid
    b = p // 4
    d = p % 4

    pltpu.sync_copy(series_hbm.at[p], xbuf)
    pltpu.sync_copy(w_hbm, wbuf)

    xraw = [xbuf[pl.ds(16 * k, 16)] for k in range(NV)]
    mn = xraw[0]
    mx = xraw[0]
    for k in range(1, NV):
        mn = jnp.minimum(mn, xraw[k])
        mx = jnp.maximum(mx, xraw[k])
    dnums = lax.GatherDimensionNumbers(
        offset_dims=(), collapsed_slice_dims=(0,), start_index_map=(0,))

    def _shuffle(v, idx):
        return lax.gather(v, idx[:, None], dimension_numbers=dnums,
                          slice_sizes=(1,),
                          mode=lax.GatherScatterMode.PROMISE_IN_BOUNDS)

    lanes = lax.iota(jnp.int32, 16)
    zero16 = lanes * 0
    for shift in (8, 4, 2, 1):
        idx = lax.rem(lanes + shift, 16)
        mn = jnp.minimum(mn, _shuffle(mn, idx))
        mx = jnp.maximum(mx, _shuffle(mx, idx))
    scale = 2.0 / (mx - mn + 1e-8)

    w0v, w1v, w2v, w3v = (
        plsc.load_gather(wbuf, [zero16 + b, zero16 + d, zero16 + m])
        for m in range(4))
    cxx = w0v + w3v

    xns, ss, w2xs = [], [], []
    for k in range(NV):
        xn = jnp.clip(scale * (xraw[k] - mn) - 1.0, -1.0 + 1e-6, 1.0 - 1e-6)
        t = 1.0 - xn * xn
        bi = lax.bitcast_convert_type(t, jnp.int32)
        bi = 0x5F3759DF - lax.shift_right_arithmetic(bi, 1)
        y = lax.bitcast_convert_type(bi, jnp.float32)
        y = y * (1.5 - 0.5 * t * y * y)
        y = y * (1.5 - 0.5 * t * y * y)
        y = y * (1.5 - 0.5 * t * y * y)
        sv = t * y
        av = cxx * xn - w1v * sv
        bv = w1v * xn - w0v * sv
        w2x = w2v * xn
        abuf[pl.ds(16 * k, 16)] = av
        bbuf[pl.ds(16 * k, 16)] = bv
        cbuf[pl.ds(16 * k, 16)] = w2x
        xns.append(xn)
        ss.append(sv)
        w2xs.append(w2x)

    row0 = half * ROWS

    bufs = (obuf, obuf2)
    sems = (sem0, sem1)
    handles = [None] * NCHUNK
    for cnk in range(NCHUNK):
        buf = bufs[cnk % 2]
        if cnk >= 2:
            for h in handles[cnk - 2]:
                h.wait()
        base = row0 + cnk * CHUNK

        def row_body(i, carry):
            gi = jnp.full((16,), base + i, jnp.int32)
            av = plsc.load_gather(abuf, [gi])
            bv = plsc.load_gather(bbuf, [gi])
            wv = plsc.load_gather(cbuf, [gi])
            for k in range(NV):
                t1 = av * xns[k] + w2v
                t2 = bv * ss[k] + t1
                r = t2 - jnp.abs(wv - w2xs[k])
                buf[i, pl.ds(16 * k, 16)] = r
            return carry

        lax.fori_loop(0, CHUNK, row_body, jnp.int32(0), unroll=2)
        handles[cnk] = [
            pltpu.make_async_copy(
                buf, out_hbm.at[b, d, c, pl.ds(base, CHUNK), :], sems[cnk % 2])
            for c in range(3)
        ]
        for h in handles[cnk]:
            h.start()
    for cnk in (NCHUNK - 2, NCHUNK - 1):
        for h in handles[cnk]:
            h.wait()


@jax.jit
def _fused_images(series, w):
    k = pl.kernel(
        _sc_body,
        mesh=plsc.VectorSubcoreMesh(core_axis_name="c", subcore_axis_name="s"),
        compiler_params=pltpu.CompilerParams(
            needs_layout_passes=False,
            disable_bounds_checks=True,
            disable_semaphore_checks=True,
        ),
        out_type=jax.ShapeDtypeStruct((4, 4, 3, L, L), jnp.float32),
        scratch_types=[
            pltpu.VMEM((L,), jnp.float32),
            pltpu.VMEM((L,), jnp.float32),
            pltpu.VMEM((L,), jnp.float32),
            pltpu.VMEM((L,), jnp.float32),
            pltpu.VMEM((4, 4, 4), jnp.float32),
            pltpu.VMEM((CHUNK, L), jnp.float32),
            pltpu.VMEM((CHUNK, L), jnp.float32),
            pltpu.SemaphoreType.DMA,
            pltpu.SemaphoreType.DMA,
        ],
    )
    return k(series, w)


def kernel(x, ts2img_weights, fusion_strategy):
    B, Lx, D = x.shape
    series = jnp.transpose(x, (0, 2, 1)).reshape(B * D, Lx)
    return _fused_images(series, ts2img_weights)

# --- scband reference (transcript-rebuilt; emitter-appended) ---
"""Pipeline reference for scband-mt2-vencoder-fusion-46763603919530 (READ-ONLY COPY).

The authoritative reference and input builder live on the scoring server;
editing this copy changes nothing except your own understanding.
"""

import jax, jax.numpy as jnp
import numpy as np

IMAGE_SIZE = 224
N_METHODS = 4
THREE_CHANNEL = True

def _normalize(s):
    # s: [N, S] -> rescale each series to [-1, 1]
    mn = jnp.min(s, axis=1, keepdims=True)
    mx = jnp.max(s, axis=1, keepdims=True)
    x = 2.0 * (s - mn) / (mx - mn + 1e-8) - 1.0
    return jnp.clip(x, -1.0 + 1e-6, 1.0 - 1e-6)

def _gasf(s):
    phi = jnp.arccos(_normalize(s))
    return jnp.cos(phi[:, :, None] + phi[:, None, :])

def _gadf(s):
    phi = jnp.arccos(_normalize(s))
    return jnp.sin(phi[:, None, :] - phi[:, :, None])

def _rplot(s):
    x = _normalize(s)
    return 1.0 - jnp.abs(x[:, :, None] - x[:, None, :])

def _outer(s):
    x = _normalize(s)
    return x[:, :, None] * x[:, None, :]

TS2IMG_FNS = (_gasf, _gadf, _rplot, _outer)

def setup_inputs(seed: int = 0):
    key = jax.random.key(seed)
    k1, k2 = jax.random.split(key)
    B, L, D = 4, IMAGE_SIZE, 4
    x = jax.random.normal(k1, (B, L, D), dtype=jnp.float32)
    w = jax.random.uniform(k2, (B, D, N_METHODS), dtype=jnp.float32)
    w = w / jnp.sum(w, axis=-1, keepdims=True)
    return {"x": x, "ts2img_weights": w, "fusion_strategy": 2}

def reference(x, ts2img_weights, fusion_strategy):
    # fusion_strategy==2 -> 'weighted_sum' path of MT2VEncoderFusion.fuse
    B, L, D = x.shape
    # compute_all_method_images: encode every (batch, variable) series with every method
    series = jnp.transpose(x, (0, 2, 1)).reshape(B * D, L)  # [B*D, L]
    imgs = jnp.stack([fn(series) for fn in TS2IMG_FNS], axis=1)  # [B*D, M, S, S]
    imgs = imgs.reshape(B, D, N_METHODS, 1, IMAGE_SIZE, IMAGE_SIZE)
    if THREE_CHANNEL:
        imgs = jnp.repeat(imgs, 3, axis=3)  # [B, D, M, 3, S, S]
    w = ts2img_weights[:, :, :, None, None, None]  # [B, D, M, 1, 1, 1]
    out = jnp.sum(imgs * w, axis=2)  # [B, D, C, S, S]
    return out

if __name__ == "__main__":
    import jax
    _d = setup_inputs()
    print(jax.jit(kernel)(*tuple(_d.values())))

</pallas_src>

<mosaic_0001>
#map = affine_map<(d0, d1) -> (0, 0)>
#map1 = affine_map<(d0, d1) -> (0, 0, 0)>
#map2 = affine_map<(d0, d1) -> (0, 0, 0, 0, 0)>
module attributes {stable_mosaic.version = 14 : i64} {
  func.func @_sc_body(%arg0: i32, %arg1: i32, %arg2: memref<16x224xf32, #tpu.memory_space<hbm>>, %arg3: memref<4x4x4xf32, #tpu.memory_space<hbm>>, %arg4: memref<4x4x3x224x224xf32, #tpu.memory_space<hbm>>, %arg5: memref<224xf32, #tpu.memory_space<vmem>>, %arg6: memref<224xf32, #tpu.memory_space<vmem>>, %arg7: memref<224xf32, #tpu.memory_space<vmem>>, %arg8: memref<224xf32, #tpu.memory_space<vmem>>, %arg9: memref<4x4x4xf32, #tpu.memory_space<vmem>>, %arg10: memref<16x224xf32, #tpu.memory_space<vmem>>, %arg11: memref<16x224xf32, #tpu.memory_space<vmem>>, %arg12: memref<!tpu.dma_semaphore, #tpu.memory_space<semaphore_mem>>, %arg13: memref<!tpu.dma_semaphore, #tpu.memory_space<semaphore_mem>>) attributes {dimension_semantics = [#tpu.dimension_semantics<core_parallel>, #tpu.dimension_semantics<subcore_parallel>], iteration_bounds = array<i64: 2, 16>, scalar_prefetch = 0 : i64, scratch_operands = 9 : i64, tpu.core_type = #tpu.core_type<sc_vector_subcore>, window_params = [{transform_indices = #map}, {transform_indices = #map1}, {transform_indices = #map2}]} {
    %mul3A = arith.constant 8 : i32
    %mul3A_0 = arith.muli %arg0, %mul3A : i32
    %add3A = arith.addi %arg1, %mul3A_0 : i32
    %rem3A = arith.constant 16 : i32
    %rem3A_1 = arith.remsi %add3A, %rem3A : i32
    %jit3A = arith.constant 4 : i32
    %div3A = arith.divsi %rem3A_1, %jit3A : i32
    %sign3A = arith.constant 0 : i32
    %sign3A_2 = arith.cmpi sgt, %rem3A_1, %sign3A : i32
    %sign3A_3 = arith.extui %sign3A_2 : i1 to i32
    %sign3A_4 = arith.constant 0 : i32
    %sign3A_5 = arith.cmpi slt, %rem3A_1, %sign3A_4 : i32
    %sign3A_6 = arith.extui %sign3A_5 : i1 to i32
    %sign3A_7 = arith.subi %sign3A_3, %sign3A_6 : i32
    %sign3A_8 = arith.constant 0 : i32
    %sign3A_9 = arith.cmpi sgt, %jit3A, %sign3A_8 : i32
    %sign3A_10 = arith.extui %sign3A_9 : i1 to i32
    %sign3A_11 = arith.constant 0 : i32
    %sign3A_12 = arith.cmpi slt, %jit3A, %sign3A_11 : i32
    %sign3A_13 = arith.extui %sign3A_12 : i1 to i32
    %sign3A_14 = arith.subi %sign3A_10, %sign3A_13 : i32
    %ne3A = arith.cmpi ne, %sign3A_7, %sign3A_14 : i32
    %rem3A_15 = arith.remsi %rem3A_1, %jit3A : i32
    %ne3A_16 = arith.constant 0 : i32
    %ne3A_17 = arith.cmpi ne, %rem3A_15, %ne3A_16 : i32
    %and3A = arith.andi %ne3A, %ne3A_17 : i1
    %sub3A = arith.constant 1 : i32
    %sub3A_18 = arith.subi %div3A, %sub3A : i32
    %select_n3A = arith.select %and3A, %sub3A_18, %div3A : i32
    %jit3A_19 = arith.constant 4 : i32
    %eq3A = arith.constant 0 : i32
    %eq3A_20 = arith.cmpi eq, %jit3A_19, %eq3A : i32
    %jit3A_21 = arith.constant 1 : i32
    %select_n3A_22 = arith.select %eq3A_20, %jit3A_21, %jit3A_19 : i32
    %rem3A_23 = arith.remsi %rem3A_1, %select_n3A_22 : i32
    %ne3A_24 = arith.constant 0 : i32
    %ne3A_25 = arith.cmpi ne, %rem3A_23, %ne3A_24 : i32
    %lt3A = arith.constant 0 : i32
    %lt3A_26 = arith.cmpi slt, %rem3A_23, %lt3A : i32
    %lt3A_27 = arith.constant 0 : i32
    %lt3A_28 = arith.cmpi slt, %select_n3A_22, %lt3A_27 : i32
    %ne3A_29 = arith.xori %lt3A_26, %lt3A_28 : i1
    %and3A_30 = arith.andi %ne3A_29, %ne3A_25 : i1
    %add3A_31 = arith.addi %rem3A_23, %select_n3A_22 : i32
    %select_n3A_32 = arith.select %and3A_30, %add3A_31, %rem3A_23 : i32
    "tpu.region"() ({
      %run_scoped3A = tpu.sem_alloc : memref<!tpu.dma_semaphore, #tpu.memory_space<semaphore_mem>>
      %dma_start3A_1423 = arith.constant 0 : i32
      %dma_start3A_1424 = tpu.memref_slice %arg2[%rem3A_1, %dma_start3A_1423] : memref<16x224xf32, #tpu.memory_space<hbm>> -> memref<1x224xf32, #tpu.memory_space<hbm>>
      %dma_start3A_1425 = tpu.memref_squeeze %dma_start3A_1424 : memref<1x224xf32, #tpu.memory_space<hbm>> -> memref<224xf32, #tpu.memory_space<hbm>>
      %dma_start3A_1426 = arith.constant 0 : i32
      %dma_start3A_1427 = tpu.memref_slice %arg2[%rem3A_1, %dma_start3A_1426] : memref<16x224xf32, #tpu.memory_space<hbm>> -> memref<1x224xf32, #tpu.memory_space<hbm>>
      %dma_start3A_1428 = tpu.memref_squeeze %dma_start3A_1427 : memref<1x224xf32, #tpu.memory_space<hbm>> -> memref<224xf32, #tpu.memory_space<hbm>>
      tpu.enqueue_dma source(%dma_start3A_1428 : memref<224xf32, #tpu.memory_space<hbm>>) target(%arg5 : memref<224xf32, #tpu.memory_space<vmem>>) target_semaphore(%run_scoped3A : memref<!tpu.dma_semaphore, #tpu.memory_space<semaphore_mem>>)
      %dma_wait3A_1429 = arith.constant 0 : i32
      %dma_wait3A_1430 = tpu.memref_slice %arg2[%rem3A_1, %dma_wait3A_1429] : memref<16x224xf32, #tpu.memory_space<hbm>> -> memref<1x224xf32, #tpu.memory_space<hbm>>
      %dma_wait3A_1431 = tpu.memref_squeeze %dma_wait3A_1430 : memref<1x224xf32, #tpu.memory_space<hbm>> -> memref<224xf32, #tpu.memory_space<hbm>>
      %dma_wait3A_1432 = arith.constant 0 : i32
      %dma_wait3A_1433 = tpu.memref_slice %arg2[%rem3A_1, %dma_wait3A_1432] : memref<16x224xf32, #tpu.memory_space<hbm>> -> memref<1x224xf32, #tpu.memory_space<hbm>>
      %dma_wait3A_1434 = tpu.memref_squeeze %dma_wait3A_1433 : memref<1x224xf32, #tpu.memory_space<hbm>> -> memref<224xf32, #tpu.memory_space<hbm>>
      tpu.wait_dma2 semaphore(%run_scoped3A : memref<!tpu.dma_semaphore, #tpu.memory_space<semaphore_mem>>) src(%dma_wait3A_1434 : memref<224xf32, #tpu.memory_space<hbm>>) dst(%arg5 : memref<224xf32, #tpu.memory_space<vmem>>)
      tpu.yield
    }) : () -> ()
    "tpu.region"() ({
      %run_scoped3A = tpu.sem_alloc : memref<!tpu.dma_semaphore, #tpu.memory_space<semaphore_mem>>
      tpu.enqueue_dma source(%arg3 : memref<4x4x4xf32, #tpu.memory_space<hbm>>) target(%arg9 : memref<4x4x4xf32, #tpu.memory_space<vmem>>) target_semaphore(%run_scoped3A : memref<!tpu.dma_semaphore, #tpu.memory_space<semaphore_mem>>)
      tpu.wait_dma2 semaphore(%run_scoped3A : memref<!tpu.dma_semaphore, #tpu.memory_space<semaphore_mem>>) src(%arg3 : memref<4x4x4xf32, #tpu.memory_space<hbm>>) dst(%arg9 : memref<4x4x4xf32, #tpu.memory_space<vmem>>)
      tpu.yield
    }) : () -> ()
    %get3A = arith.constant 0 : index
    %get3A_33 = tpu.vector_load %arg5[%get3A] {strides = array<i32>} : memref<224xf32, #tpu.memory_space<vmem>>, vector<16xf32>,
    %get3A_34 = arith.constant 16 : index
    %get3A_35 = tpu.vector_load %arg5[%get3A_34] {strides = array<i32>} : memref<224xf32, #tpu.memory_space<vmem>>, vector<16xf32>,
    %get3A_36 = arith.constant 32 : index
    %get3A_37 = tpu.vector_load %arg5[%get3A_36] {strides = array<i32>} : memref<224xf32, #tpu.memory_space<vmem>>, vector<16xf32>,
    %get3A_38 = arith.constant 48 : index
    %get3A_39 = tpu.vector_load %arg5[%get3A_38] {strides = array<i32>} : memref<224xf32, #tpu.memory_space<vmem>>, vector<16xf32>,
    %get3A_40 = arith.constant 64 : index
    %get3A_41 = tpu.vector_load %arg5[%get3A_40] {strides = array<i32>} : memref<224xf32, #tpu.memory_space<vmem>>, vector<16xf32>,
    %get3A_42 = arith.constant 80 : index
    %get3A_43 = tpu.vector_load %arg5[%get3A_42] {strides = array<i32>} : memref<224xf32, #tpu.memory_space<vmem>>, vector<16xf32>,
    %get3A_44 = arith.constant 96 : index
    %get3A_45 = tpu.vector_load %arg5[%get3A_44] {strides = array<i32>} : memref<224xf32, #tpu.memory_space<vmem>>, vector<16xf32>,
    %get3A_46 = arith.constant 112 : index
    %get3A_47 = tpu.vector_load %arg5[%get3A_46] {strides = array<i32>} : memref<224xf32, #tpu.memory_space<vmem>>, vector<16xf32>,
    %get3A_48 = arith.constant 128 : index
    %get3A_49 = tpu.vector_load %arg5[%get3A_48] {strides = array<i32>} : memref<224xf32, #tpu.memory_space<vmem>>, vector<16xf32>,
    %get3A_50 = arith.constant 144 : index
    %get3A_51 = tpu.vector_load %arg5[%get3A_50] {strides = array<i32>} : memref<224xf32, #tpu.memory_space<vmem>>, vector<16xf32>,
    %get3A_52 = arith.constant 160 : index
    %get3A_53 = tpu.vector_load %arg5[%get3A_52] {strides = array<i32>} : memref<224xf32, #tpu.memory_space<vmem>>, vector<16xf32>,
    %get3A_54 = arith.constant 176 : index
    %get3A_55 = tpu.vector_load %arg5[%get3A_54] {strides = array<i32>} : memref<224xf32, #tpu.memory_space<vmem>>, vector<16xf32>,
    %get3A_56 = arith.constant 192 : index
    %get3A_57 = tpu.vector_load %arg5[%get3A_56] {strides = array<i32>} : memref<224xf32, #tpu.memory_space<vmem>>, vector<16xf32>,
    %get3A_58 = arith.constant 208 : index
    %get3A_59 = tpu.vector_load %arg5[%get3A_58] {strides = array<i32>} : memref<224xf32, #tpu.memory_space<vmem>>, vector<16xf32>,
    %min3A = arith.minimumf %get3A_33, %get3A_35 : vector<16xf32>
    %max3A = arith.maximumf %get3A_33, %get3A_35 : vector<16xf32>
    %min3A_60 = arith.minimumf %min3A, %get3A_37 : vector<16xf32>
    %max3A_61 = arith.maximumf %max3A, %get3A_37 : vector<16xf32>
    %min3A_62 = arith.minimumf %min3A_60, %get3A_39 : vector<16xf32>
    %max3A_63 = arith.maximumf %max3A_61, %get3A_39 : vector<16xf32>
    %min3A_64 = arith.minimumf %min3A_62, %get3A_41 : vector<16xf32>
    %max3A_65 = arith.maximumf %max3A_63, %get3A_41 : vector<16xf32>
    %min3A_66 = arith.minimumf %min3A_64, %get3A_43 : vector<16xf32>
    %max3A_67 = arith.maximumf %max3A_65, %get3A_43 : vector<16xf32>
    %min3A_68 = arith.minimumf %min3A_66, %get3A_45 : vector<16xf32>
    %max3A_69 = arith.maximumf %max3A_67, %get3A_45 : vector<16xf32>
    %min3A_70 = arith.minimumf %min3A_68, %get3A_47 : vector<16xf32>
    %max3A_71 = arith.maximumf %max3A_69, %get3A_47 : vector<16xf32>
    %min3A_72 = arith.minimumf %min3A_70, %get3A_49 : vector<16xf32>
    %max3A_73 = arith.maximumf %max3A_71, %get3A_49 : vector<16xf32>
    %min3A_74 = arith.minimumf %min3A_72, %get3A_51 : vector<16xf32>
    %max3A_75 = arith.maximumf %max3A_73, %get3A_51 : vector<16xf32>
    %min3A_76 = arith.minimumf %min3A_74, %get3A_53 : vector<16xf32>
    %max3A_77 = arith.maximumf %max3A_75, %get3A_53 : vector<16xf32>
    %min3A_78 = arith.minimumf %min3A_76, %get3A_55 : vector<16xf32>
    %max3A_79 = arith.maximumf %max3A_77, %get3A_55 : vector<16xf32>
    %min3A_80 = arith.minimumf %min3A_78, %get3A_57 : vector<16xf32>
    %max3A_81 = arith.maximumf %max3A_79, %get3A_57 : vector<16xf32>
    %min3A_82 = arith.minimumf %min3A_80, %get3A_59 : vector<16xf32>
    %max3A_83 = arith.maximumf %max3A_81, %get3A_59 : vector<16xf32>
    %iota3A = tpu.iota {dimensions = array<i32: 0>} : vector<16xi32>
    %mul3A_84 = arith.constant 0 : i32
    %mul3A_85 = vector.broadcast %mul3A_84 : i32 to vector<16xi32>
    %mul3A_86 = arith.muli %iota3A, %mul3A_85 : vector<16xi32>
    %add3A_87 = arith.constant 8 : i32
    %add3A_88 = vector.broadcast %add3A_87 : i32 to vector<16xi32>
    %add3A_89 = arith.addi %iota3A, %add3A_88 : vector<16xi32>
    %rem3A_90 = arith.constant 16 : i32
    %rem3A_91 = vector.broadcast %rem3A_90 : i32 to vector<16xi32>
    %rem3A_92 = arith.remsi %add3A_89, %rem3A_91 : vector<16xi32>
    %broadcast_in_dim3A = vector.shape_cast %rem3A_92 : vector<16xi32> to vector<16x1xi32>
    %gather3A = vector.shape_cast %broadcast_in_dim3A : vector<16x1xi32> to vector<16xi32>
    %gather3A_93 = tpu.dynamic_gather %min3A_82[%gather3A] in [0] : vector<16xf32>, vector<16xi32> -> vector<16xf32>
    %min3A_94 = arith.minimumf %min3A_82, %gather3A_93 : vector<16xf32>
    %broadcast_in_dim3A_95 = vector.shape_cast %rem3A_92 : vector<16xi32> to vector<16x1xi32>
    %gather3A_96 = vector.shape_cast %broadcast_in_dim3A_95 : vector<16x1xi32> to vector<16xi32>
    %gather3A_97 = tpu.dynamic_gather %max3A_83[%gather3A_96] in [0] : vector<16xf32>, vector<16xi32> -> vector<16xf32>
    %max3A_98 = arith.maximumf %max3A_83, %gather3A_97 : vector<16xf32>
    %add3A_99 = arith.constant 4 : i32
    %add3A_100 = vector.broadcast %add3A_99 : i32 to vector<16xi32>
    %add3A_101 = arith.addi %iota3A, %add3A_100 : vector<16xi32>
    %rem3A_102 = arith.constant 16 : i32
    %rem3A_103 = vector.broadcast %rem3A_102 : i32 to vector<16xi32>
    %rem3A_104 = arith.remsi %add3A_101, %rem3A_103 : vector<16xi32>
    %broadcast_in_dim3A_105 = vector.shape_cast %rem3A_104 : vector<16xi32> to vector<16x1xi32>
    %gather3A_106 = vector.shape_cast %broadcast_in_dim3A_105 : vector<16x1xi32> to vector<16xi32>
    %gather3A_107 = tpu.dynamic_gather %min3A_94[%gather3A_106] in [0] : vector<16xf32>, vector<16xi32> -> vector<16xf32>
    %min3A_108 = arith.minimumf %min3A_94, %gather3A_107 : vector<16xf32>
    %broadcast_in_dim3A_109 = vector.shape_cast %rem3A_104 : vector<16xi32> to vector<16x1xi32>
    %gather3A_110 = vector.shape_cast %broadcast_in_dim3A_109 : vector<16x1xi32> to vector<16xi32>
    %gather3A_111 = tpu.dynamic_gather %max3A_98[%gather3A_110] in [0] : vector<16xf32>, vector<16xi32> -> vector<16xf32>
    %max3A_112 = arith.maximumf %max3A_98, %gather3A_111 : vector<16xf32>
    %add3A_113 = arith.constant 2 : i32
    %add3A_114 = vector.broadcast %add3A_113 : i32 to vector<16xi32>
    %add3A_115 = arith.addi %iota3A, %add3A_114 : vector<16xi32>
    %rem3A_116 = arith.constant 16 : i32
    %rem3A_117 = vector.broadcast %rem3A_116 : i32 to vector<16xi32>
    %rem3A_118 = arith.remsi %add3A_115, %rem3A_117 : vector<16xi32>
    %broadcast_in_dim3A_119 = vector.shape_cast %rem3A_118 : vector<16xi32> to vector<16x1xi32>
    %gather3A_120 = vector.shape_cast %broadcast_in_dim3A_119 : vector<16x1xi32> to vector<16xi32>
    %gather3A_121 = tpu.dynamic_gather %min3A_108[%gather3A_120] in [0] : vector<16xf32>, vector<16xi32> -> vector<16xf32>
    %min3A_122 = arith.minimumf %min3A_108, %gather3A_121 : vector<16xf32>
    %broadcast_in_dim3A_123 = vector.shape_cast %rem3A_118 : vector<16xi32> to vector<16x1xi32>
    %gather3A_124 = vector.shape_cast %broadcast_in_dim3A_123 : vector<16x1xi32> to vector<16xi32>
    %gather3A_125 = tpu.dynamic_gather %max3A_112[%gather3A_124] in [0] : vector<16xf32>, vector<16xi32> -> vector<16xf32>
    %max3A_126 = arith.maximumf %max3A_112, %gather3A_125 : vector<16xf32>
    %add3A_127 = arith.constant 1 : i32
    %add3A_128 = vector.broadcast %add3A_127 : i32 to vector<16xi32>
    %add3A_129 = arith.addi %iota3A, %add3A_128 : vector<16xi32>
    %rem3A_130 = arith.constant 16 : i32
    %rem3A_131 = vector.broadcast %rem3A_130 : i32 to vector<16xi32>
    %rem3A_132 = arith.remsi %add3A_129, %rem3A_131 : vector<16xi32>
    %broadcast_in_dim3A_133 = vector.shape_cast %rem3A_132 : vector<16xi32> to vector<16x1xi32>
    %gather3A_134 = vector.shape_cast %broadcast_in_dim3A_133 : vector<16x1xi32> to vector<16xi32>
    %gather3A_135 = tpu.dynamic_gather %min3A_122[%gather3A_134] in [0] : vector<16xf32>, vector<16xi32> -> vector<16xf32>
    %min3A_136 = arith.minimumf %min3A_122, %gather3A_135 : vector<16xf32>
    %broadcast_in_dim3A_137 = vector.shape_cast %rem3A_132 : vector<16xi32> to vector<16x1xi32>
    %gather3A_138 = vector.shape_cast %broadcast_in_dim3A_137 : vector<16x1xi32> to vector<16xi32>
    %gather3A_139 = tpu.dynamic_gather %max3A_126[%gather3A_138] in [0] : vector<16xf32>, vector<16xi32> -> vector<16xf32>
    %max3A_140 = arith.maximumf %max3A_126, %gather3A_139 : vector<16xf32>
    %sub3A_141 = arith.subf %max3A_140, %min3A_136 : vector<16xf32>
    %add3A_142 = arith.constant 9.99999993E-9 : f32
    %add3A_143 = vector.broadcast %add3A_142 : f32 to vector<16xf32>
    %add3A_144 = arith.addf %sub3A_141, %add3A_143 : vector<16xf32>
    %div3A_145 = arith.constant 2.000000e+00 : f32
    %div3A_146 = vector.broadcast %div3A_145 : f32 to vector<16xf32>
    %div3A_147 = arith.divf %div3A_146, %add3A_144 : vector<16xf32>
    %add3A_148 = vector.broadcast %select_n3A : i32 to vector<16xi32>
    %add3A_149 = arith.addi %mul3A_86, %add3A_148 : vector<16xi32>
    %add3A_150 = vector.broadcast %select_n3A_32 : i32 to vector<16xi32>
    %add3A_151 = arith.addi %mul3A_86, %add3A_150 : vector<16xi32>
    %add3A_152 = arith.constant 0 : i32
    %add3A_153 = vector.broadcast %add3A_152 : i32 to vector<16xi32>
    %add3A_154 = arith.addi %mul3A_86, %add3A_153 : vector<16xi32>
    %gather3A_155 = tpu.vector_load_idx %arg9[%add3A_149, %add3A_151, %add3A_154] : memref<4x4x4xf32, #tpu.memory_space<vmem>>[vector<16xi32>, vector<16xi32>, vector<16xi32>], vector<16xf32>,
    %add3A_156 = vector.broadcast %select_n3A : i32 to vector<16xi32>
    %add3A_157 = arith.addi %mul3A_86, %add3A_156 : vector<16xi32>
    %add3A_158 = vector.broadcast %select_n3A_32 : i32 to vector<16xi32>
    %add3A_159 = arith.addi %mul3A_86, %add3A_158 : vector<16xi32>
    %add3A_160 = arith.constant 1 : i32
    %add3A_161 = vector.broadcast %add3A_160 : i32 to vector<16xi32>
    %add3A_162 = arith.addi %mul3A_86, %add3A_161 : vector<16xi32>
    %gather3A_163 = tpu.vector_load_idx %arg9[%add3A_157, %add3A_159, %add3A_162] : memref<4x4x4xf32, #tpu.memory_space<vmem>>[vector<16xi32>, vector<16xi32>, vector<16xi32>], vector<16xf32>,
    %add3A_164 = vector.broadcast %select_n3A : i32 to vector<16xi32>
    %add3A_165 = arith.addi %mul3A_86, %add3A_164 : vector<16xi32>
    %add3A_166 = vector.broadcast %select_n3A_32 : i32 to vector<16xi32>
    %add3A_167 = arith.addi %mul3A_86, %add3A_166 : vector<16xi32>
    %add3A_168 = arith.constant 2 : i32
    %add3A_169 = vector.broadcast %add3A_168 : i32 to vector<16xi32>
    %add3A_170 = arith.addi %mul3A_86, %add3A_169 : vector<16xi32>
    %gather3A_171 = tpu.vector_load_idx %arg9[%add3A_165, %add3A_167, %add3A_170] : memref<4x4x4xf32, #tpu.memory_space<vmem>>[vector<16xi32>, vector<16xi32>, vector<16xi32>], vector<16xf32>,
    %add3A_172 = vector.broadcast %select_n3A : i32 to vector<16xi32>
    %add3A_173 = arith.addi %mul3A_86, %add3A_172 : vector<16xi32>
    %add3A_174 = vector.broadcast %select_n3A_32 : i32 to vector<16xi32>
    %add3A_175 = arith.addi %mul3A_86, %add3A_174 : vector<16xi32>
    %add3A_176 = arith.constant 3 : i32
    %add3A_177 = vector.broadcast %add3A_176 : i32 to vector<16xi32>
    %add3A_178 = arith.addi %mul3A_86, %add3A_177 : vector<16xi32>
    %gather3A_179 = tpu.vector_load_idx %arg9[%add3A_173, %add3A_175, %add3A_178] : memref<4x4x4xf32, #tpu.memory_space<vmem>>[vector<16xi32>, vector<16xi32>, vector<16xi32>], vector<16xf32>,
    %add3A_180 = arith.addf %gather3A_155, %gather3A_179 : vector<16xf32>
    %sub3A_181 = arith.subf %get3A_33, %min3A_136 : vector<16xf32>
    %mul3A_182 = arith.mulf %div3A_147, %sub3A_181 : vector<16xf32>
    %sub3A_183 = arith.constant 1.000000e+00 : f32
    %sub3A_184 = vector.broadcast %sub3A_183 : f32 to vector<16xf32>
    %sub3A_185 = arith.subf %mul3A_182, %sub3A_184 : vector<16xf32>
    %jit3A_186 = arith.constant -0.999998986 : f32
    %jit3A_187 = arith.constant 0.999998986 : f32
    %max3A_188 = vector.broadcast %jit3A_186 : f32 to vector<16xf32>
    %max3A_189 = arith.maximumf %max3A_188, %sub3A_185 : vector<16xf32>
    %min3A_190 = vector.broadcast %jit3A_187 : f32 to vector<16xf32>
    %min3A_191 = arith.minimumf %min3A_190, %max3A_189 : vector<16xf32>
    %mul3A_192 = arith.mulf %min3A_191, %min3A_191 : vector<16xf32>
    %sub3A_193 = arith.constant 1.000000e+00 : f32
    %sub3A_194 = vector.broadcast %sub3A_193 : f32 to vector<16xf32>
    %sub3A_195 = arith.subf %sub3A_194, %mul3A_192 : vector<16xf32>
    %bitcast_convert_type3A = tpu.bitcast %sub3A_195 : vector<16xf32> -> vector<16xi32>
    %shift_right_arithmetic3A = arith.constant 1 : i32
    %shift_right_arithmetic3A_196 = vector.broadcast %shift_right_arithmetic3A : i32 to vector<16xi32>
    %shift_right_arithmetic3A_197 = arith.shrsi %bitcast_convert_type3A, %shift_right_arithmetic3A_196 : vector<16xi32>
    %sub3A_198 = arith.constant 1597463007 : i32
    %sub3A_199 = vector.broadcast %sub3A_198 : i32 to vector<16xi32>
    %sub3A_200 = arith.subi %sub3A_199, %shift_right_arithmetic3A_197 : vector<16xi32>
    %bitcast_convert_type3A_201 = tpu.bitcast %sub3A_200 : vector<16xi32> -> vector<16xf32>
    %mul3A_202 = arith.constant 5.000000e-01 : f32
    %mul3A_203 = vector.broadcast %mul3A_202 : f32 to vector<16xf32>
    %mul3A_204 = arith.mulf %mul3A_203, %sub3A_195 : vector<16xf32>
    %mul3A_205 = arith.mulf %mul3A_204, %bitcast_convert_type3A_201 : vector<16xf32>
    %mul3A_206 = arith.mulf %mul3A_205, %bitcast_convert_type3A_201 : vector<16xf32>
    %sub3A_207 = arith.constant 1.500000e+00 : f32
    %sub3A_208 = vector.broadcast %sub3A_207 : f32 to vector<16xf32>
    %sub3A_209 = arith.subf %sub3A_208, %mul3A_206 : vector<16xf32>
    %mul3A_210 = arith.mulf %bitcast_convert_type3A_201, %sub3A_209 : vector<16xf32>
    %mul3A_211 = arith.constant 5.000000e-01 : f32
    %mul3A_212 = vector.broadcast %mul3A_211 : f32 to vector<16xf32>
    %mul3A_213 = arith.mulf %mul3A_212, %sub3A_195 : vector<16xf32>
    %mul3A_214 = arith.mulf %mul3A_213, %mul3A_210 : vector<16xf32>
    %mul3A_215 = arith.mulf %mul3A_214, %mul3A_210 : vector<16xf32>
    %sub3A_216 = arith.constant 1.500000e+00 : f32
    %sub3A_217 = vector.broadcast %sub3A_216 : f32 to vector<16xf32>
    %sub3A_218 = arith.subf %sub3A_217, %mul3A_215 : vector<16xf32>
    %mul3A_219 = arith.mulf %mul3A_210, %sub3A_218 : vector<16xf32>
    %mul3A_220 = arith.constant 5.000000e-01 : f32
    %mul3A_221 = vector.broadcast %mul3A_220 : f32 to vector<16xf32>
    %mul3A_222 = arith.mulf %mul3A_221, %sub3A_195 : vector<16xf32>
    %mul3A_223 = arith.mulf %mul3A_222, %mul3A_219 : vector<16xf32>
    %mul3A_224 = arith.mulf %mul3A_223, %mul3A_219 : vector<16xf32>
    %sub3A_225 = arith.constant 1.500000e+00 : f32
    %sub3A_226 = vector.broadcast %sub3A_225 : f32 to vector<16xf32>
    %sub3A_227 = arith.subf %sub3A_226, %mul3A_224 : vector<16xf32>
    %mul3A_228 = arith.mulf %mul3A_219, %sub3A_227 : vector<16xf32>
    %mul3A_229 = arith.mulf %sub3A_195, %mul3A_228 : vector<16xf32>
    %mul3A_230 = arith.mulf %add3A_180, %min3A_191 : vector<16xf32>
    %mul3A_231 = arith.mulf %gather3A_163, %mul3A_229 : vector<16xf32>
    %sub3A_232 = arith.subf %mul3A_230, %mul3A_231 : vector<16xf32>
    %mul3A_233 = arith.mulf %gather3A_163, %min3A_191 : vector<16xf32>
    %mul3A_234 = arith.mulf %gather3A_155, %mul3A_229 : vector<16xf32>
    %sub3A_235 = arith.subf %mul3A_233, %mul3A_234 : vector<16xf32>
    %mul3A_236 = arith.mulf %gather3A_171, %min3A_191 : vector<16xf32>
    %swap3A = arith.constant 0 : index
    %swap3A_237 = tpu.vector_load %arg6[%swap3A] {strides = array<i32>} : memref<224xf32, #tpu.memory_space<vmem>>, vector<16xf32>,
    tpu.vector_store %arg6[%swap3A], %sub3A_232 {strides = array<i32>} : memref<224xf32, #tpu.memory_space<vmem>>, vector<16xf32>,
    %swap3A_238 = arith.constant 0 : index
    %swap3A_239 = tpu.vector_load %arg7[%swap3A_238] {strides = array<i32>} : memref<224xf32, #tpu.memory_space<vmem>>, vector<16xf32>,
    tpu.vector_store %arg7[%swap3A_238], %sub3A_235 {strides = array<i32>} : memref<224xf32, #tpu.memory_space<vmem>>, vector<16xf32>,
    %swap3A_240 = arith.constant 0 : index
    %swap3A_241 = tpu.vector_load %arg8[%swap3A_240] {strides = array<i32>} : memref<224xf32, #tpu.memory_space<vmem>>, vector<16xf32>,
    tpu.vector_store %arg8[%swap3A_240], %mul3A_236 {strides = array<i32>} : memref<224xf32, #tpu.memory_space<vmem>>, vector<16xf32>,
    %sub3A_242 = arith.subf %get3A_35, %min3A_136 : vector<16xf32>
    %mul3A_243 = arith.mulf %div3A_147, %sub3A_242 : vector<16xf32>
    %sub3A_244 = arith.constant 1.000000e+00 : f32
    %sub3A_245 = vector.broadcast %sub3A_244 : f32 to vector<16xf32>
    %sub3A_246 = arith.subf %mul3A_243, %sub3A_245 : vector<16xf32>
    %jit3A_247 = arith.constant -0.999998986 : f32
    %jit3A_248 = arith.constant 0.999998986 : f32
    %max3A_249 = vector.broadcast %jit3A_247 : f32 to vector<16xf32>
    %max3A_250 = arith.maximumf %max3A_249, %sub3A_246 : vector<16xf32>
    %min3A_251 = vector.broadcast %jit3A_248 : f32 to vector<16xf32>
    %min3A_252 = arith.minimumf %min3A_251, %max3A_250 : vector<16xf32>
    %mul3A_253 = arith.mulf %min3A_252, %min3A_252 : vector<16xf32>
    %sub3A_254 = arith.constant 1.000000e+00 : f32
    %sub3A_255 = vector.broadcast %sub3A_254 : f32 to vector<16xf32>
    %sub3A_256 = arith.subf %sub3A_255, %mul3A_253 : vector<16xf32>
    %bitcast_convert_type3A_257 = tpu.bitcast %sub3A_256 : vector<16xf32> -> vector<16xi32>
    %shift_right_arithmetic3A_258 = arith.constant 1 : i32
    %shift_right_arithmetic3A_259 = vector.broadcast %shift_right_arithmetic3A_258 : i32 to vector<16xi32>
    %shift_right_arithmetic3A_260 = arith.shrsi %bitcast_convert_type3A_257, %shift_right_arithmetic3A_259 : vector<16xi32>
    %sub3A_261 = arith.constant 1597463007 : i32
    %sub3A_262 = vector.broadcast %sub3A_261 : i32 to vector<16xi32>
    %sub3A_263 = arith.subi %sub3A_262, %shift_right_arithmetic3A_260 : vector<16xi32>
    %bitcast_convert_type3A_264 = tpu.bitcast %sub3A_263 : vector<16xi32> -> vector<16xf32>
    %mul3A_265 = arith.constant 5.000000e-01 : f32
    %mul3A_266 = vector.broadcast %mul3A_265 : f32 to vector<16xf32>
    %mul3A_267 = arith.mulf %mul3A_266, %sub3A_256 : vector<16xf32>
    %mul3A_268 = arith.mulf %mul3A_267, %bitcast_convert_type3A_264 : vector<16xf32>
    %mul3A_269 = arith.mulf %mul3A_268, %bitcast_convert_type3A_264 : vector<16xf32>
    %sub3A_270 = arith.constant 1.500000e+00 : f32
    %sub3A_271 = vector.broadcast %sub3A_270 : f32 to vector<16xf32>
    %sub3A_272 = arith.subf %sub3A_271, %mul3A_269 : vector<16xf32>
    %mul3A_273 = arith.mulf %bitcast_convert_type3A_264, %sub3A_272 : vector<16xf32>
    %mul3A_274 = arith.constant 5.000000e-01 : f32
    %mul3A_275 = vector.broadcast %mul3A_274 : f32 to vector<16xf32>
    %mul3A_276 = arith.mulf %mul3A_275, %sub3A_256 : vector<16xf32>
    %mul3A_277 = arith.mulf %mul3A_276, %mul3A_273 : vector<16xf32>
    %mul3A_278 = arith.mulf %mul3A_277, %mul3A_273 : vector<16xf32>
    %sub3A_279 = arith.constant 1.500000e+00 : f32
    %sub3A_280 = vector.broadcast %sub3A_279 : f32 to vector<16xf32>
    %sub3A_281 = arith.subf %sub3A_280, %mul3A_278 : vector<16xf32>
    %mul3A_282 = arith.mulf %mul3A_273, %sub3A_281 : vector<16xf32>
    %mul3A_283 = arith.constant 5.000000e-01 : f32
    %mul3A_284 = vector.broadcast %mul3A_283 : f32 to vector<16xf32>
    %mul3A_285 = arith.mulf %mul3A_284, %sub3A_256 : vector<16xf32>
    %mul3A_286 = arith.mulf %mul3A_285, %mul3A_282 : vector<16xf32>
    %mul3A_287 = arith.mulf %mul3A_286, %mul3A_282 : vector<16xf32>
    %sub3A_288 = arith.constant 1.500000e+00 : f32
    %sub3A_289 = vector.broadcast %sub3A_288 : f32 to vector<16xf32>
    %sub3A_290 = arith.subf %sub3A_289, %mul3A_287 : vector<16xf32>
    %mul3A_291 = arith.mulf %mul3A_282, %sub3A_290 : vector<16xf32>
    %mul3A_292 = arith.mulf %sub3A_256, %mul3A_291 : vector<16xf32>
    %mul3A_293 = arith.mulf %add3A_180, %min3A_252 : vector<16xf32>
    %mul3A_294 = arith.mulf %gather3A_163, %mul3A_292 : vector<16xf32>
    %sub3A_295 = arith.subf %mul3A_293, %mul3A_294 : vector<16xf32>
    %mul3A_296 = arith.mulf %gather3A_163, %min3A_252 : vector<16xf32>
    %mul3A_297 = arith.mulf %gather3A_155, %mul3A_292 : vector<16xf32>
    %sub3A_298 = arith.subf %mul3A_296, %mul3A_297 : vector<16xf32>
    %mul3A_299 = arith.mulf %gather3A_171, %min3A_252 : vector<16xf32>
    %swap3A_300 = arith.constant 16 : index
    %swap3A_301 = tpu.vector_load %arg6[%swap3A_300] {strides = array<i32>} : memref<224xf32, #tpu.memory_space<vmem>>, vector<16xf32>,
    tpu.vector_store %arg6[%swap3A_300], %sub3A_295 {strides = array<i32>} : memref<224xf32, #tpu.memory_space<vmem>>, vector<16xf32>,
    %swap3A_302 = arith.constant 16 : index
    %swap3A_303 = tpu.vector_load %arg7[%swap3A_302] {strides = array<i32>} : memref<224xf32, #tpu.memory_space<vmem>>, vector<16xf32>,
    tpu.vector_store %arg7[%swap3A_302], %sub3A_298 {strides = array<i32>} : memref<224xf32, #tpu.memory_space<vmem>>, vector<16xf32>,
    %swap3A_304 = arith.constant 16 : index
    %swap3A_305 = tpu.vector_load %arg8[%swap3A_304] {strides = array<i32>} : memref<224xf32, #tpu.memory_space<vmem>>, vector<16xf32>,
    tpu.vector_store %arg8[%swap3A_304], %mul3A_299 {strides = array<i32>} : memref<224xf32, #tpu.memory_space<vmem>>, vector<16xf32>,
    %sub3A_306 = arith.subf %get3A_37, %min3A_136 : vector<16xf32>
    %mul3A_307 = arith.mulf %div3A_147, %sub3A_306 : vector<16xf32>
    %sub3A_308 = arith.constant 1.000000e+00 : f32
    %sub3A_309 = vector.broadcast %sub3A_308 : f32 to vector<16xf32>
    %sub3A_310 = arith.subf %mul3A_307, %sub3A_309 : vector<16xf32>
    %jit3A_311 = arith.constant -0.999998986 : f32
    %jit3A_312 = arith.constant 0.999998986 : f32
    %max3A_313 = vector.broadcast %jit3A_311 : f32 to vector<16xf32>
    %max3A_314 = arith.maximumf %max3A_313, %sub3A_310 : vector<16xf32>
    %min3A_315 = vector.broadcast %jit3A_312 : f32 to vector<16xf32>
    %min3A_316 = arith.minimumf %min3A_315, %max3A_314 : vector<16xf32>
    %mul3A_317 = arith.mulf %min3A_316, %min3A_316 : vector<16xf32>
    %sub3A_318 = arith.constant 1.000000e+00 : f32
    %sub3A_319 = vector.broadcast %sub3A_318 : f32 to vector<16xf32>
    %sub3A_320 = arith.subf %sub3A_319, %mul3A_317 : vector<16xf32>
    %bitcast_convert_type3A_321 = tpu.bitcast %sub3A_320 : vector<16xf32> -> vector<16xi32>
    %shift_right_arithmetic3A_322 = arith.constant 1 : i32
    %shift_right_arithmetic3A_323 = vector.broadcast %shift_right_arithmetic3A_322 : i32 to vector<16xi32>
    %shift_right_arithmetic3A_324 = arith.shrsi %bitcast_convert_type3A_321, %shift_right_arithmetic3A_323 : vector<16xi32>
    %sub3A_325 = arith.constant 1597463007 : i32
    %sub3A_326 = vector.broadcast %sub3A_325 : i32 to vector<16xi32>
    %sub3A_327 = arith.subi %sub3A_326, %shift_right_arithmetic3A_324 : vector<16xi32>
    %bitcast_convert_type3A_328 = tpu.bitcast %sub3A_327 : vector<16xi32> -> vector<16xf32>
    %mul3A_329 = arith.constant 5.000000e-01 : f32
    %mul3A_330 = vector.broadcast %mul3A_329 : f32 to vector<16xf32>
    %mul3A_331 = arith.mulf %mul3A_330, %sub3A_320 : vector<16xf32>
    %mul3A_332 = arith.mulf %mul3A_331, %bitcast_convert_type3A_328 : vector<16xf32>
    %mul3A_333 = arith.mulf %mul3A_332, %bitcast_convert_type3A_328 : vector<16xf32>
    %sub3A_334 = arith.constant 1.500000e+00 : f32
    %sub3A_335 = vector.broadcast %sub3A_334 : f32 to vector<16xf32>
    %sub3A_336 = arith.subf %sub3A_335, %mul3A_333 : vector<16xf32>
    %mul3A_337 = arith.mulf %bitcast_convert_type3A_328, %sub3A_336 : vector<16xf32>
    %mul3A_338 = arith.constant 5.000000e-01 : f32
    %mul3A_339 = vector.broadcast %mul3A_338 : f32 to vector<16xf32>
    %mul3A_340 = arith.mulf %mul3A_339, %sub3A_320 : vector<16xf32>
    %mul3A_341 = arith.mulf %mul3A_340, %mul3A_337 : vector<16xf32>
    %mul3A_342 = arith.mulf %mul3A_341, %mul3A_337 : vector<16xf32>
    %sub3A_343 = arith.constant 1.500000e+00 : f32
    %sub3A_344 = vector.broadcast %sub3A_343 : f32 to vector<16xf32>
    %sub3A_345 = arith.subf %sub3A_344, %mul3A_342 : vector<16xf32>
    %mul3A_346 = arith.mulf %mul3A_337, %sub3A_345 : vector<16xf32>
    %mul3A_347 = arith.constant 5.000000e-01 : f32
    %mul3A_348 = vector.broadcast %mul3A_347 : f32 to vector<16xf32>
    %mul3A_349 = arith.mulf %mul3A_348, %sub3A_320 : vector<16xf32>
    %mul3A_350 = arith.mulf %mul3A_349, %mul3A_346 : vector<16xf32>
    %mul3A_351 = arith.mulf %mul3A_350, %mul3A_346 : vector<16xf32>
    %sub3A_352 = arith.constant 1.500000e+00 : f32
    %sub3A_353 = vector.broadcast %sub3A_352 : f32 to vector<16xf32>
    %sub3A_354 = arith.subf %sub3A_353, %mul3A_351 : vector<16xf32>
    %mul3A_355 = arith.mulf %mul3A_346, %sub3A_354 : vector<16xf32>
    %mul3A_356 = arith.mulf %sub3A_320, %mul3A_355 : vector<16xf32>
    %mul3A_357 = arith.mulf %add3A_180, %min3A_316 : vector<16xf32>
    %mul3A_358 = arith.mulf %gather3A_163, %mul3A_356 : vector<16xf32>
    %sub3A_359 = arith.subf %mul3A_357, %mul3A_358 : vector<16xf32>
    %mul3A_360 = arith.mulf %gather3A_163, %min3A_316 : vector<16xf32>
    %mul3A_361 = arith.mulf %gather3A_155, %mul3A_356 : vector<16xf32>
    %sub3A_362 = arith.subf %mul3A_360, %mul3A_361 : vector<16xf32>
    %mul3A_363 = arith.mulf %gather3A_171, %min3A_316 : vector<16xf32>
    %swap3A_364 = arith.constant 32 : index
    %swap3A_365 = tpu.vector_load %arg6[%swap3A_364] {strides = array<i32>} : memref<224xf32, #tpu.memory_space<vmem>>, vector<16xf32>,
    tpu.vector_store %arg6[%swap3A_364], %sub3A_359 {strides = array<i32>} : memref<224xf32, #tpu.memory_space<vmem>>, vector<16xf32>,
    %swap3A_366 = arith.constant 32 : index
    %swap3A_367 = tpu.vector_load %arg7[%swap3A_366] {strides = array<i32>} : memref<224xf32, #tpu.memory_space<vmem>>, vector<16xf32>,
    tpu.vector_store %arg7[%swap3A_366], %sub3A_362 {strides = array<i32>} : memref<224xf32, #tpu.memory_space<vmem>>, vector<16xf32>,
    %swap3A_368 = arith.constant 32 : index
    %swap3A_369 = tpu.vector_load %arg8[%swap3A_368] {strides = array<i32>} : memref<224xf32, #tpu.memory_space<vmem>>, vector<16xf32>,
    tpu.vector_store %arg8[%swap3A_368], %mul3A_363 {strides = array<i32>} : memref<224xf32, #tpu.memory_space<vmem>>, vector<16xf32>,
    %sub3A_370 = arith.subf %get3A_39, %min3A_136 : vector<16xf32>
    %mul3A_371 = arith.mulf %div3A_147, %sub3A_370 : vector<16xf32>
    %sub3A_372 = arith.constant 1.000000e+00 : f32
    %sub3A_373 = vector.broadcast %sub3A_372 : f32 to vector<16xf32>
    %sub3A_374 = arith.subf %mul3A_371, %sub3A_373 : vector<16xf32>
    %jit3A_375 = arith.constant -0.999998986 : f32
    %jit3A_376 = arith.constant 0.999998986 : f32
    %max3A_377 = vector.broadcast %jit3A_375 : f32 to vector<16xf32>
    %max3A_378 = arith.maximumf %max3A_377, %sub3A_374 : vector<16xf32>
    %min3A_379 = vector.broadcast %jit3A_376 : f32 to vector<16xf32>
    %min3A_380 = arith.minimumf %min3A_379, %max3A_378 : vector<16xf32>
    %mul3A_381 = arith.mulf %min3A_380, %min3A_380 : vector<16xf32>
    %sub3A_382 = arith.constant 1.000000e+00 : f32
    %sub3A_383 = vector.broadcast %sub3A_382 : f32 to vector<16xf32>
    %sub3A_384 = arith.subf %sub3A_383, %mul3A_381 : vector<16xf32>
    %bitcast_convert_type3A_385 = tpu.bitcast %sub3A_384 : vector<16xf32> -> vector<16xi32>
    %shift_right_arithmetic3A_386 = arith.constant 1 : i32
    %shift_right_arithmetic3A_387 = vector.broadcast %shift_right_arithmetic3A_386 : i32 to vector<16xi32>
    %shift_right_arithmetic3A_388 = arith.shrsi %bitcast_convert_type3A_385, %shift_right_arithmetic3A_387 : vector<16xi32>
    %sub3A_389 = arith.constant 1597463007 : i32
    %sub3A_390 = vector.broadcast %sub3A_389 : i32 to vector<16xi32>
    %sub3A_391 = arith.subi %sub3A_390, %shift_right_arithmetic3A_388 : vector<16xi32>
    %bitcast_convert_type3A_392 = tpu.bitcast %sub3A_391 : vector<16xi32> -> vector<16xf32>
    %mul3A_393 = arith.constant 5.000000e-01 : f32
    %mul3A_394 = vector.broadcast %mul3A_393 : f32 to vector<16xf32>
    %mul3A_395 = arith.mulf %mul3A_394, %sub3A_384 : vector<16xf32>
    %mul3A_396 = arith.mulf %mul3A_395, %bitcast_convert_type3A_392 : vector<16xf32>
    %mul3A_397 = arith.mulf %mul3A_396, %bitcast_convert_type3A_392 : vector<16xf32>
    %sub3A_398 = arith.constant 1.500000e+00 : f32
    %sub3A_399 = vector.broadcast %sub3A_398 : f32 to vector<16xf32>
    %sub3A_400 = arith.subf %sub3A_399, %mul3A_397 : vector<16xf32>
    %mul3A_401 = arith.mulf %bitcast_convert_type3A_392, %sub3A_400 : vector<16xf32>
    %mul3A_402 = arith.constant 5.000000e-01 : f32
    %mul3A_403 = vector.broadcast %mul3A_402 : f32 to vector<16xf32>
    %mul3A_404 = arith.mulf %mul3A_403, %sub3A_384 : vector<16xf32>
    %mul3A_405 = arith.mulf %mul3A_404, %mul3A_401 : vector<16xf32>
    %mul3A_406 = arith.mulf %mul3A_405, %mul3A_401 : vector<16xf32>
    %sub3A_407 = arith.constant 1.500000e+00 : f32
    %sub3A_408 = vector.broadcast %sub3A_407 : f32 to vector<16xf32>
    %sub3A_409 = arith.subf %sub3A_408, %mul3A_406 : vector<16xf32>
    %mul3A_410 = arith.mulf %mul3A_401, %sub3A_409 : vector<16xf32>
    %mul3A_411 = arith.constant 5.000000e-01 : f32
    %mul3A_412 = vector.broadcast %mul3A_411 : f32 to vector<16xf32>
    %mul3A_413 = arith.mulf %mul3A_412, %sub3A_384 : vector<16xf32>
    %mul3A_414 = arith.mulf %mul3A_413, %mul3A_410 : vector<16xf32>
    %mul3A_415 = arith.mulf %mul3A_414, %mul3A_410 : vector<16xf32>
    %sub3A_416 = arith.constant 1.500000e+00 : f32
    %sub3A_417 = vector.broadcast %sub3A_416 : f32 to vector<16xf32>
    %sub3A_418 = arith.subf %sub3A_417, %mul3A_415 : vector<16xf32>
    %mul3A_419 = arith.mulf %mul3A_410, %sub3A_418 : vector<16xf32>
    %mul3A_420 = arith.mulf %sub3A_384, %mul3A_419 : vector<16xf32>
    %mul3A_421 = arith.mulf %add3A_180, %min3A_380 : vector<16xf32>
    %mul3A_422 = arith.mulf %gather3A_163, %mul3A_420 : vector<16xf32>
    %sub3A_423 = arith.subf %mul3A_421, %mul3A_422 : vector<16xf32>
    %mul3A_424 = arith.mulf %gather3A_163, %min3A_380 : vector<16xf32>
    %mul3A_425 = arith.mulf %gather3A_155, %mul3A_420 : vector<16xf32>
    %sub3A_426 = arith.subf %mul3A_424, %mul3A_425 : vector<16xf32>
    %mul3A_427 = arith.mulf %gather3A_171, %min3A_380 : vector<16xf32>
    %swap3A_428 = arith.constant 48 : index
    %swap3A_429 = tpu.vector_load %arg6[%swap3A_428] {strides = array<i32>} : memref<224xf32, #tpu.memory_space<vmem>>, vector<16xf32>,
    tpu.vector_store %arg6[%swap3A_428], %sub3A_423 {strides = array<i32>} : memref<224xf32, #tpu.memory_space<vmem>>, vector<16xf32>,
    %swap3A_430 = arith.constant 48 : index
    %swap3A_431 = tpu.vector_load %arg7[%swap3A_430] {strides = array<i32>} : memref<224xf32, #tpu.memory_space<vmem>>, vector<16xf32>,
    tpu.vector_store %arg7[%swap3A_430], %sub3A_426 {strides = array<i32>} : memref<224xf32, #tpu.memory_space<vmem>>, vector<16xf32>,
    %swap3A_432 = arith.constant 48 : index
    %swap3A_433 = tpu.vector_load %arg8[%swap3A_432] {strides = array<i32>} : memref<224xf32, #tpu.memory_space<vmem>>, vector<16xf32>,
    tpu.vector_store %arg8[%swap3A_432], %mul3A_427 {strides = array<i32>} : memref<224xf32, #tpu.memory_space<vmem>>, vector<16xf32>,
    %sub3A_434 = arith.subf %get3A_41, %min3A_136 : vector<16xf32>
    %mul3A_435 = arith.mulf %div3A_147, %sub3A_434 : vector<16xf32>
    %sub3A_436 = arith.constant 1.000000e+00 : f32
    %sub3A_437 = vector.broadcast %sub3A_436 : f32 to vector<16xf32>
    %sub3A_438 = arith.subf %mul3A_435, %sub3A_437 : vector<16xf32>
    %jit3A_439 = arith.constant -0.999998986 : f32
    %jit3A_440 = arith.constant 0.999998986 : f32
    %max3A_441 = vector.broadcast %jit3A_439 : f32 to vector<16xf32>
    %max3A_442 = arith.maximumf %max3A_441, %sub3A_438 : vector<16xf32>
    %min3A_443 = vector.broadcast %jit3A_440 : f32 to vector<16xf32>
    %min3A_444 = arith.minimumf %min3A_443, %max3A_442 : vector<16xf32>
    %mul3A_445 = arith.mulf %min3A_444, %min3A_444 : vector<16xf32>
    %sub3A_446 = arith.constant 1.000000e+00 : f32
    %sub3A_447 = vector.broadcast %sub3A_446 : f32 to vector<16xf32>
    %sub3A_448 = arith.subf %sub3A_447, %mul3A_445 : vector<16xf32>
    %bitcast_convert_type3A_449 = tpu.bitcast %sub3A_448 : vector<16xf32> -> vector<16xi32>
    %shift_right_arithmetic3A_450 = arith.constant 1 : i32
    %shift_right_arithmetic3A_451 = vector.broadcast %shift_right_arithmetic3A_450 : i32 to vector<16xi32>
    %shift_right_arithmetic3A_452 = arith.shrsi %bitcast_convert_type3A_449, %shift_right_arithmetic3A_451 : vector<16xi32>
    %sub3A_453 = arith.constant 1597463007 : i32
    %sub3A_454 = vector.broadcast %sub3A_453 : i32 to vector<16xi32>
    %sub3A_455 = arith.subi %sub3A_454, %shift_right_arithmetic3A_452 : vector<16xi32>
    %bitcast_convert_type3A_456 = tpu.bitcast %sub3A_455 : vector<16xi32> -> vector<16xf32>
    %mul3A_457 = arith.constant 5.000000e-01 : f32
    %mul3A_458 = vector.broadcast %mul3A_457 : f32 to vector<16xf32>
    %mul3A_459 = arith.mulf %mul3A_458, %sub3A_448 : vector<16xf32>
    %mul3A_460 = arith.mulf %mul3A_459, %bitcast_convert_type3A_456 : vector<16xf32>
    %mul3A_461 = arith.mulf %mul3A_460, %bitcast_convert_type3A_456 : vector<16xf32>
    %sub3A_462 = arith.constant 1.500000e+00 : f32
    %sub3A_463 = vector.broadcast %sub3A_462 : f32 to vector<16xf32>
    %sub3A_464 = arith.subf %sub3A_463, %mul3A_461 : vector<16xf32>
    %mul3A_465 = arith.mulf %bitcast_convert_type3A_456, %sub3A_464 : vector<16xf32>
    %mul3A_466 = arith.constant 5.000000e-01 : f32
    %mul3A_467 = vector.broadcast %mul3A_466 : f32 to vector<16xf32>
    %mul3A_468 = arith.mulf %mul3A_467, %sub3A_448 : vector<16xf32>
    %mul3A_469 = arith.mulf %mul3A_468, %mul3A_465 : vector<16xf32>
    %mul3A_470 = arith.mulf %mul3A_469, %mul3A_465 : vector<16xf32>
    %sub3A_471 = arith.constant 1.500000e+00 : f32
    %sub3A_472 = vector.broadcast %sub3A_471 : f32 to vector<16xf32>
    %sub3A_473 = arith.subf %sub3A_472, %mul3A_470 : vector<16xf32>
    %mul3A_474 = arith.mulf %mul3A_465, %sub3A_473 : vector<16xf32>
    %mul3A_475 = arith.constant 5.000000e-01 : f32
    %mul3A_476 = vector.broadcast %mul3A_475 : f32 to vector<16xf32>
    %mul3A_477 = arith.mulf %mul3A_476, %sub3A_448 : vector<16xf32>
    %mul3A_478 = arith.mulf %mul3A_477, %mul3A_474 : vector<16xf32>
    %mul3A_479 = arith.mulf %mul3A_478, %mul3A_474 : vector<16xf32>
    %sub3A_480 = arith.constant 1.500000e+00 : f32
    %sub3A_481 = vector.broadcast %sub3A_480 : f32 to vector<16xf32>
    %sub3A_482 = arith.subf %sub3A_481, %mul3A_479 : vector<16xf32>
    %mul3A_483 = arith.mulf %mul3A_474, %sub3A_482 : vector<16xf32>
    %mul3A_484 = arith.mulf %sub3A_448, %mul3A_483 : vector<16xf32>
    %mul3A_485 = arith.mulf %add3A_180, %min3A_444 : vector<16xf32>
    %mul3A_486 = arith.mulf %gather3A_163, %mul3A_484 : vector<16xf32>
    %sub3A_487 = arith.subf %mul3A_485, %mul3A_486 : vector<16xf32>
    %mul3A_488 = arith.mulf %gather3A_163, %min3A_444 : vector<16xf32>
    %mul3A_489 = arith.mulf %gather3A_155, %mul3A_484 : vector<16xf32>
    %sub3A_490 = arith.subf %mul3A_488, %mul3A_489 : vector<16xf32>
    %mul3A_491 = arith.mulf %gather3A_171, %min3A_444 : vector<16xf32>
    %swap3A_492 = arith.constant 64 : index
    %swap3A_493 = tpu.vector_load %arg6[%swap3A_492] {strides = array<i32>} : memref<224xf32, #tpu.memory_space<vmem>>, vector<16xf32>,
    tpu.vector_store %arg6[%swap3A_492], %sub3A_487 {strides = array<i32>} : memref<224xf32, #tpu.memory_space<vmem>>, vector<16xf32>,
    %swap3A_494 = arith.constant 64 : index
    %swap3A_495 = tpu.vector_load %arg7[%swap3A_494] {strides = array<i32>} : memref<224xf32, #tpu.memory_space<vmem>>, vector<16xf32>,
    tpu.vector_store %arg7[%swap3A_494], %sub3A_490 {strides = array<i32>} : memref<224xf32, #tpu.memory_space<vmem>>, vector<16xf32>,
    %swap3A_496 = arith.constant 64 : index
    %swap3A_497 = tpu.vector_load %arg8[%swap3A_496] {strides = array<i32>} : memref<224xf32, #tpu.memory_space<vmem>>, vector<16xf32>,
    tpu.vector_store %arg8[%swap3A_496], %mul3A_491 {strides = array<i32>} : memref<224xf32, #tpu.memory_space<vmem>>, vector<16xf32>,
    %sub3A_498 = arith.subf %get3A_43, %min3A_136 : vector<16xf32>
    %mul3A_499 = arith.mulf %div3A_147, %sub3A_498 : vector<16xf32>
    %sub3A_500 = arith.constant 1.000000e+00 : f32
    %sub3A_501 = vector.broadcast %sub3A_500 : f32 to vector<16xf32>
    %sub3A_502 = arith.subf %mul3A_499, %sub3A_501 : vector<16xf32>
    %jit3A_503 = arith.constant -0.999998986 : f32
    %jit3A_504 = arith.constant 0.999998986 : f32
    %max3A_505 = vector.broadcast %jit3A_503 : f32 to vector<16xf32>
    %max3A_506 = arith.maximumf %max3A_505, %sub3A_502 : vector<16xf32>
    %min3A_507 = vector.broadcast %jit3A_504 : f32 to vector<16xf32>
    %min3A_508 = arith.minimumf %min3A_507, %max3A_506 : vector<16xf32>
    %mul3A_509 = arith.mulf %min3A_508, %min3A_508 : vector<16xf32>
    %sub3A_510 = arith.constant 1.000000e+00 : f32
    %sub3A_511 = vector.broadcast %sub3A_510 : f32 to vector<16xf32>
    %sub3A_512 = arith.subf %sub3A_511, %mul3A_509 : vector<16xf32>
    %bitcast_convert_type3A_513 = tpu.bitcast %sub3A_512 : vector<16xf32> -> vector<16xi32>
    %shift_right_arithmetic3A_514 = arith.constant 1 : i32
    %shift_right_arithmetic3A_515 = vector.broadcast %shift_right_arithmetic3A_514 : i32 to vector<16xi32>
    %shift_right_arithmetic3A_516 = arith.shrsi %bitcast_convert_type3A_513, %shift_right_arithmetic3A_515 : vector<16xi32>
    %sub3A_517 = arith.constant 1597463007 : i32
    %sub3A_518 = vector.broadcast %sub3A_517 : i32 to vector<16xi32>
    %sub3A_519 = arith.subi %sub3A_518, %shift_right_arithmetic3A_516 : vector<16xi32>
    %bitcast_convert_type3A_520 = tpu.bitcast %sub3A_519 : vector<16xi32> -> vector<16xf32>
    %mul3A_521 = arith.constant 5.000000e-01 : f32
    %mul3A_522 = vector.broadcast %mul3A_521 : f32 to vector<16xf32>
    %mul3A_523 = arith.mulf %mul3A_522, %sub3A_512 : vector<16xf32>
    %mul3A_524 = arith.mulf %mul3A_523, %bitcast_convert_type3A_520 : vector<16xf32>
    %mul3A_525 = arith.mulf %mul3A_524, %bitcast_convert_type3A_520 : vector<16xf32>
    %sub3A_526 = arith.constant 1.500000e+00 : f32
    %sub3A_527 = vector.broadcast %sub3A_526 : f32 to vector<16xf32>
    %sub3A_528 = arith.subf %sub3A_527, %mul3A_525 : vector<16xf32>
    %mul3A_529 = arith.mulf %bitcast_convert_type3A_520, %sub3A_528 : vector<16xf32>
    %mul3A_530 = arith.constant 5.000000e-01 : f32
    %mul3A_531 = vector.broadcast %mul3A_530 : f32 to vector<16xf32>
    %mul3A_532 = arith.mulf %mul3A_531, %sub3A_512 : vector<16xf32>
    %mul3A_533 = arith.mulf %mul3A_532, %mul3A_529 : vector<16xf32>
    %mul3A_534 = arith.mulf %mul3A_533, %mul3A_529 : vector<16xf32>
    %sub3A_535 = arith.constant 1.500000e+00 : f32
    %sub3A_536 = vector.broadcast %sub3A_535 : f32 to vector<16xf32>
    %sub3A_537 = arith.subf %sub3A_536, %mul3A_534 : vector<16xf32>
    %mul3A_538 = arith.mulf %mul3A_529, %sub3A_537 : vector<16xf32>
    %mul3A_539 = arith.constant 5.000000e-01 : f32
    %mul3A_540 = vector.broadcast %mul3A_539 : f32 to vector<16xf32>
    %mul3A_541 = arith.mulf %mul3A_540, %sub3A_512 : vector<16xf32>
    %mul3A_542 = arith.mulf %mul3A_541, %mul3A_538 : vector<16xf32>
    %mul3A_543 = arith.mulf %mul3A_542, %mul3A_538 : vector<16xf32>
    %sub3A_544 = arith.constant 1.500000e+00 : f32
    %sub3A_545 = vector.broadcast %sub3A_544 : f32 to vector<16xf32>
    %sub3A_546 = arith.subf %sub3A_545, %mul3A_543 : vector<16xf32>
    %mul3A_547 = arith.mulf %mul3A_538, %sub3A_546 : vector<16xf32>
    %mul3A_548 = arith.mulf %sub3A_512, %mul3A_547 : vector<16xf32>
    %mul3A_549 = arith.mulf %add3A_180, %min3A_508 : vector<16xf32>
    %mul3A_550 = arith.mulf %gather3A_163, %mul3A_548 : vector<16xf32>
    %sub3A_551 = arith.subf %mul3A_549, %mul3A_550 : vector<16xf32>
    %mul3A_552 = arith.mulf %gather3A_163, %min3A_508 : vector<16xf32>
    %mul3A_553 = arith.mulf %gather3A_155, %mul3A_548 : vector<16xf32>
    %sub3A_554 = arith.subf %mul3A_552, %mul3A_553 : vector<16xf32>
    %mul3A_555 = arith.mulf %gather3A_171, %min3A_508 : vector<16xf32>
    %swap3A_556 = arith.constant 80 : index
    %swap3A_557 = tpu.vector_load %arg6[%swap3A_556] {strides = array<i32>} : memref<224xf32, #tpu.memory_space<vmem>>, vector<16xf32>,
    tpu.vector_store %arg6[%swap3A_556], %sub3A_551 {strides = array<i32>} : memref<224xf32, #tpu.memory_space<vmem>>, vector<16xf32>,
    %swap3A_558 = arith.constant 80 : index
    %swap3A_559 = tpu.vector_load %arg7[%swap3A_558] {strides = array<i32>} : memref<224xf32, #tpu.memory_space<vmem>>, vector<16xf32>,
    tpu.vector_store %arg7[%swap3A_558], %sub3A_554 {strides = array<i32>} : memref<224xf32, #tpu.memory_space<vmem>>, vector<16xf32>,
    %swap3A_560 = arith.constant 80 : index
    %swap3A_561 = tpu.vector_load %arg8[%swap3A_560] {strides = array<i32>} : memref<224xf32, #tpu.memory_space<vmem>>, vector<16xf32>,
    tpu.vector_store %arg8[%swap3A_560], %mul3A_555 {strides = array<i32>} : memref<224xf32, #tpu.memory_space<vmem>>, vector<16xf32>,
    %sub3A_562 = arith.subf %get3A_45, %min3A_136 : vector<16xf32>
    %mul3A_563 = arith.mulf %div3A_147, %sub3A_562 : vector<16xf32>
    %sub3A_564 = arith.constant 1.000000e+00 : f32
    %sub3A_565 = vector.broadcast %sub3A_564 : f32 to vector<16xf32>
    %sub3A_566 = arith.subf %mul3A_563, %sub3A_565 : vector<16xf32>
    %jit3A_567 = arith.constant -0.999998986 : f32
    %jit3A_568 = arith.constant 0.999998986 : f32
    %max3A_569 = vector.broadcast %jit3A_567 : f32 to vector<16xf32>
    %max3A_570 = arith.maximumf %max3A_569, %sub3A_566 : vector<16xf32>
    %min3A_571 = vector.broadcast %jit3A_568 : f32 to vector<16xf32>
    %min3A_572 = arith.minimumf %min3A_571, %max3A_570 : vector<16xf32>
    %mul3A_573 = arith.mulf %min3A_572, %min3A_572 : vector<16xf32>
    %sub3A_574 = arith.constant 1.000000e+00 : f32
    %sub3A_575 = vector.broadcast %sub3A_574 : f32 to vector<16xf32>
    %sub3A_576 = arith.subf %sub3A_575, %mul3A_573 : vector<16xf32>
    %bitcast_convert_type3A_577 = tpu.bitcast %sub3A_576 : vector<16xf32> -> vector<16xi32>
    %shift_right_arithmetic3A_578 = arith.constant 1 : i32
    %shift_right_arithmetic3A_579 = vector.broadcast %shift_right_arithmetic3A_578 : i32 to vector<16xi32>
    %shift_right_arithmetic3A_580 = arith.shrsi %bitcast_convert_type3A_577, %shift_right_arithmetic3A_579 : vector<16xi32>
    %sub3A_581 = arith.constant 1597463007 : i32
    %sub3A_582 = vector.broadcast %sub3A_581 : i32 to vector<16xi32>
    %sub3A_583 = arith.subi %sub3A_582, %shift_right_arithmetic3A_580 : vector<16xi32>
    %bitcast_convert_type3A_584 = tpu.bitcast %sub3A_583 : vector<16xi32> -> vector<16xf32>
    %mul3A_585 = arith.constant 5.000000e-01 : f32
    %mul3A_586 = vector.broadcast %mul3A_585 : f32 to vector<16xf32>
    %mul3A_587 = arith.mulf %mul3A_586, %sub3A_576 : vector<16xf32>
    %mul3A_588 = arith.mulf %mul3A_587, %bitcast_convert_type3A_584 : vector<16xf32>
    %mul3A_589 = arith.mulf %mul3A_588, %bitcast_convert_type3A_584 : vector<16xf32>
    %sub3A_590 = arith.constant 1.500000e+00 : f32
    %sub3A_591 = vector.broadcast %sub3A_590 : f32 to vector<16xf32>
    %sub3A_592 = arith.subf %sub3A_591, %mul3A_589 : vector<16xf32>
    %mul3A_593 = arith.mulf %bitcast_convert_type3A_584, %sub3A_592 : vector<16xf32>
    %mul3A_594 = arith.constant 5.000000e-01 : f32
    %mul3A_595 = vector.broadcast %mul3A_594 : f32 to vector<16xf32>
    %mul3A_596 = arith.mulf %mul3A_595, %sub3A_576 : vector<16xf32>
    %mul3A_597 = arith.mulf %mul3A_596, %mul3A_593 : vector<16xf32>
    %mul3A_598 = arith.mulf %mul3A_597, %mul3A_593 : vector<16xf32>
    %sub3A_599 = arith.constant 1.500000e+00 : f32
    %sub3A_600 = vector.broadcast %sub3A_599 : f32 to vector<16xf32>
    %sub3A_601 = arith.subf %sub3A_600, %mul3A_598 : vector<16xf32>
    %mul3A_602 = arith.mulf %mul3A_593, %sub3A_601 : vector<16xf32>
    %mul3A_603 = arith.constant 5.000000e-01 : f32
    %mul3A_604 = vector.broadcast %mul3A_603 : f32 to vector<16xf32>
    %mul3A_605 = arith.mulf %mul3A_604, %sub3A_576 : vector<16xf32>
    %mul3A_606 = arith.mulf %mul3A_605, %mul3A_602 : vector<16xf32>
    %mul3A_607 = arith.mulf %mul3A_606, %mul3A_602 : vector<16xf32>
    %sub3A_608 = arith.constant 1.500000e+00 : f32
    %sub3A_609 = vector.broadcast %sub3A_608 : f32 to vector<16xf32>
    %sub3A_610 = arith.subf %sub3A_609, %mul3A_607 : vector<16xf32>
    %mul3A_611 = arith.mulf %mul3A_602, %sub3A_610 : vector<16xf32>
    %mul3A_612 = arith.mulf %sub3A_576, %mul3A_611 : vector<16xf32>
    %mul3A_613 = arith.mulf %add3A_180, %min3A_572 : vector<16xf32>
    %mul3A_614 = arith.mulf %gather3A_163, %mul3A_612 : vector<16xf32>
    %sub3A_615 = arith.subf %mul3A_613, %mul3A_614 : vector<16xf32>
    %mul3A_616 = arith.mulf %gather3A_163, %min3A_572 : vector<16xf32>
    %mul3A_617 = arith.mulf %gather3A_155, %mul3A_612 : vector<16xf32>
    %sub3A_618 = arith.subf %mul3A_616, %mul3A_617 : vector<16xf32>
    %mul3A_619 = arith.mulf %gather3A_171, %min3A_572 : vector<16xf32>
    %swap3A_620 = arith.constant 96 : index
    %swap3A_621 = tpu.vector_load %arg6[%swap3A_620] {strides = array<i32>} : memref<224xf32, #tpu.memory_space<vmem>>, vector<16xf32>,
    tpu.vector_store %arg6[%swap3A_620], %sub3A_615 {strides = array<i32>} : memref<224xf32, #tpu.memory_space<vmem>>, vector<16xf32>,
    %swap3A_622 = arith.constant 96 : index
    %swap3A_623 = tpu.vector_load %arg7[%swap3A_622] {strides = array<i32>} : memref<224xf32, #tpu.memory_space<vmem>>, vector<16xf32>,
    tpu.vector_store %arg7[%swap3A_622], %sub3A_618 {strides = array<i32>} : memref<224xf32, #tpu.memory_space<vmem>>, vector<16xf32>,
    %swap3A_624 = arith.constant 96 : index
    %swap3A_625 = tpu.vector_load %arg8[%swap3A_624] {strides = array<i32>} : memref<224xf32, #tpu.memory_space<vmem>>, vector<16xf32>,
    tpu.vector_store %arg8[%swap3A_624], %mul3A_619 {strides = array<i32>} : memref<224xf32, #tpu.memory_space<vmem>>, vector<16xf32>,
    %sub3A_626 = arith.subf %get3A_47, %min3A_136 : vector<16xf32>
    %mul3A_627 = arith.mulf %div3A_147, %sub3A_626 : vector<16xf32>
    %sub3A_628 = arith.constant 1.000000e+00 : f32
    %sub3A_629 = vector.broadcast %sub3A_628 : f32 to vector<16xf32>
    %sub3A_630 = arith.subf %mul3A_627, %sub3A_629 : vector<16xf32>
    %jit3A_631 = arith.constant -0.999998986 : f32
    %jit3A_632 = arith.constant 0.999998986 : f32
    %max3A_633 = vector.broadcast %jit3A_631 : f32 to vector<16xf32>
    %max3A_634 = arith.maximumf %max3A_633, %sub3A_630 : vector<16xf32>
    %min3A_635 = vector.broadcast %jit3A_632 : f32 to vector<16xf32>
    %min3A_636 = arith.minimumf %min3A_635, %max3A_634 : vector<16xf32>
    %mul3A_637 = arith.mulf %min3A_636, %min3A_636 : vector<16xf32>
    %sub3A_638 = arith.constant 1.000000e+00 : f32
    %sub3A_639 = vector.broadcast %sub3A_638 : f32 to vector<16xf32>
    %sub3A_640 = arith.subf %sub3A_639, %mul3A_637 : vector<16xf32>
    %bitcast_convert_type3A_641 = tpu.bitcast %sub3A_640 : vector<16xf32> -> vector<16xi32>
    %shift_right_arithmetic3A_642 = arith.constant 1 : i32
    %shift_right_arithmetic3A_643 = vector.broadcast %shift_right_arithmetic3A_642 : i32 to vector<16xi32>
    %shift_right_arithmetic3A_644 = arith.shrsi %bitcast_convert_type3A_641, %shift_right_arithmetic3A_643 : vector<16xi32>
    %sub3A_645 = arith.constant 1597463007 : i32
    %sub3A_646 = vector.broadcast %sub3A_645 : i32 to vector<16xi32>
    %sub3A_647 = arith.subi %sub3A_646, %shift_right_arithmetic3A_644 : vector<16xi32>
    %bitcast_convert_type3A_648 = tpu.bitcast %sub3A_647 : vector<16xi32> -> vector<16xf32>
    %mul3A_649 = arith.constant 5.000000e-01 : f32
    %mul3A_650 = vector.broadcast %mul3A_649 : f32 to vector<16xf32>
    %mul3A_651 = arith.mulf %mul3A_650, %sub3A_640 : vector<16xf32>
    %mul3A_652 = arith.mulf %mul3A_651, %bitcast_convert_type3A_648 : vector<16xf32>
    %mul3A_653 = arith.mulf %mul3A_652, %bitcast_convert_type3A_648 : vector<16xf32>
    %sub3A_654 = arith.constant 1.500000e+00 : f32
    %sub3A_655 = vector.broadcast %sub3A_654 : f32 to vector<16xf32>
    %sub3A_656 = arith.subf %sub3A_655, %mul3A_653 : vector<16xf32>
    %mul3A_657 = arith.mulf %bitcast_convert_type3A_648, %sub3A_656 : vector<16xf32>
    %mul3A_658 = arith.constant 5.000000e-01 : f32
    %mul3A_659 = vector.broadcast %mul3A_658 : f32 to vector<16xf32>
    %mul3A_660 = arith.mulf %mul3A_659, %sub3A_640 : vector<16xf32>
    %mul3A_661 = arith.mulf %mul3A_660, %mul3A_657 : vector<16xf32>
    %mul3A_662 = arith.mulf %mul3A_661, %mul3A_657 : vector<16xf32>
    %sub3A_663 = arith.constant 1.500000e+00 : f32
    %sub3A_664 = vector.broadcast %sub3A_663 : f32 to vector<16xf32>
    %sub3A_665 = arith.subf %sub3A_664, %mul3A_662 : vector<16xf32>
    %mul3A_666 = arith.mulf %mul3A_657, %sub3A_665 : vector<16xf32>
    %mul3A_667 = arith.constant 5.000000e-01 : f32
    %mul3A_668 = vector.broadcast %mul3A_667 : f32 to vector<16xf32>
    %mul3A_669 = arith.mulf %mul3A_668, %sub3A_640 : vector<16xf32>
    %mul3A_670 = arith.mulf %mul3A_669, %mul3A_666 : vector<16xf32>
    %mul3A_671 = arith.mulf %mul3A_670, %mul3A_666 : vector<16xf32>
    %sub3A_672 = arith.constant 1.500000e+00 : f32
    %sub3A_673 = vector.broadcast %sub3A_672 : f32 to vector<16xf32>
    %sub3A_674 = arith.subf %sub3A_673, %mul3A_671 : vector<16xf32>
    %mul3A_675 = arith.mulf %mul3A_666, %sub3A_674 : vector<16xf32>
    %mul3A_676 = arith.mulf %sub3A_640, %mul3A_675 : vector<16xf32>
    %mul3A_677 = arith.mulf %add3A_180, %min3A_636 : vector<16xf32>
    %mul3A_678 = arith.mulf %gather3A_163, %mul3A_676 : vector<16xf32>
    %sub3A_679 = arith.subf %mul3A_677, %mul3A_678 : vector<16xf32>
    %mul3A_680 = arith.mulf %gather3A_163, %min3A_636 : vector<16xf32>
    %mul3A_681 = arith.mulf %gather3A_155, %mul3A_676 : vector<16xf32>
    %sub3A_682 = arith.subf %mul3A_680, %mul3A_681 : vector<16xf32>
    %mul3A_683 = arith.mulf %gather3A_171, %min3A_636 : vector<16xf32>
    %swap3A_684 = arith.constant 112 : index
    %swap3A_685 = tpu.vector_load %arg6[%swap3A_684] {strides = array<i32>} : memref<224xf32, #tpu.memory_space<vmem>>, vector<16xf32>,
    tpu.vector_store %arg6[%swap3A_684], %sub3A_679 {strides = array<i32>} : memref<224xf32, #tpu.memory_space<vmem>>, vector<16xf32>,
    %swap3A_686 = arith.constant 112 : index
    %swap3A_687 = tpu.vector_load %arg7[%swap3A_686] {strides = array<i32>} : memref<224xf32, #tpu.memory_space<vmem>>, vector<16xf32>,
    tpu.vector_store %arg7[%swap3A_686], %sub3A_682 {strides = array<i32>} : memref<224xf32, #tpu.memory_space<vmem>>, vector<16xf32>,
    %swap3A_688 = arith.constant 112 : index
    %swap3A_689 = tpu.vector_load %arg8[%swap3A_688] {strides = array<i32>} : memref<224xf32, #tpu.memory_space<vmem>>, vector<16xf32>,
    tpu.vector_store %arg8[%swap3A_688], %mul3A_683 {strides = array<i32>} : memref<224xf32, #tpu.memory_space<vmem>>, vector<16xf32>,
    %sub3A_690 = arith.subf %get3A_49, %min3A_136 : vector<16xf32>
    %mul3A_691 = arith.mulf %div3A_147, %sub3A_690 : vector<16xf32>
    %sub3A_692 = arith.constant 1.000000e+00 : f32
    %sub3A_693 = vector.broadcast %sub3A_692 : f32 to vector<16xf32>
    %sub3A_694 = arith.subf %mul3A_691, %sub3A_693 : vector<16xf32>
    %jit3A_695 = arith.constant -0.999998986 : f32
    %jit3A_696 = arith.constant 0.999998986 : f32
    %max3A_697 = vector.broadcast %jit3A_695 : f32 to vector<16xf32>
    %max3A_698 = arith.maximumf %max3A_697, %sub3A_694 : vector<16xf32>
    %min3A_699 = vector.broadcast %jit3A_696 : f32 to vector<16xf32>
    %min3A_700 = arith.minimumf %min3A_699, %max3A_698 : vector<16xf32>
    %mul3A_701 = arith.mulf %min3A_700, %min3A_700 : vector<16xf32>
    %sub3A_702 = arith.constant 1.000000e+00 : f32
    %sub3A_703 = vector.broadcast %sub3A_702 : f32 to vector<16xf32>
    %sub3A_704 = arith.subf %sub3A_703, %mul3A_701 : vector<16xf32>
    %bitcast_convert_type3A_705 = tpu.bitcast %sub3A_704 : vector<16xf32> -> vector<16xi32>
    %shift_right_arithmetic3A_706 = arith.constant 1 : i32
    %shift_right_arithmetic3A_707 = vector.broadcast %shift_right_arithmetic3A_706 : i32 to vector<16xi32>
    %shift_right_arithmetic3A_708 = arith.shrsi %bitcast_convert_type3A_705, %shift_right_arithmetic3A_707 : vector<16xi32>
    %sub3A_709 = arith.constant 1597463007 : i32
    %sub3A_710 = vector.broadcast %sub3A_709 : i32 to vector<16xi32>
    %sub3A_711 = arith.subi %sub3A_710, %shift_right_arithmetic3A_708 : vector<16xi32>
    %bitcast_convert_type3A_712 = tpu.bitcast %sub3A_711 : vector<16xi32> -> vector<16xf32>
    %mul3A_713 = arith.constant 5.000000e-01 : f32
    %mul3A_714 = vector.broadcast %mul3A_713 : f32 to vector<16xf32>
    %mul3A_715 = arith.mulf %mul3A_714, %sub3A_704 : vector<16xf32>
    %mul3A_716 = arith.mulf %mul3A_715, %bitcast_convert_type3A_712 : vector<16xf32>
    %mul3A_717 = arith.mulf %mul3A_716, %bitcast_convert_type3A_712 : vector<16xf32>
    %sub3A_718 = arith.constant 1.500000e+00 : f32
    %sub3A_719 = vector.broadcast %sub3A_718 : f32 to vector<16xf32>
    %sub3A_720 = arith.subf %sub3A_719, %mul3A_717 : vector<16xf32>
    %mul3A_721 = arith.mulf %bitcast_convert_type3A_712, %sub3A_720 : vector<16xf32>
    %mul3A_722 = arith.constant 5.000000e-01 : f32
    %mul3A_723 = vector.broadcast %mul3A_722 : f32 to vector<16xf32>
    %mul3A_724 = arith.mulf %mul3A_723, %sub3A_704 : vector<16xf32>
    %mul3A_725 = arith.mulf %mul3A_724, %mul3A_721 : vector<16xf32>
    %mul3A_726 = arith.mulf %mul3A_725, %mul3A_721 : vector<16xf32>
    %sub3A_727 = arith.constant 1.500000e+00 : f32
    %sub3A_728 = vector.broadcast %sub3A_727 : f32 to vector<16xf32>
    %sub3A_729 = arith.subf %sub3A_728, %mul3A_726 : vector<16xf32>
    %mul3A_730 = arith.mulf %mul3A_721, %sub3A_729 : vector<16xf32>
    %mul3A_731 = arith.constant 5.000000e-01 : f32
    %mul3A_732 = vector.broadcast %mul3A_731 : f32 to vector<16xf32>
    %mul3A_733 = arith.mulf %mul3A_732, %sub3A_704 : vector<16xf32>
    %mul3A_734 = arith.mulf %mul3A_733, %mul3A_730 : vector<16xf32>
    %mul3A_735 = arith.mulf %mul3A_734, %mul3A_730 : vector<16xf32>
    %sub3A_736 = arith.constant 1.500000e+00 : f32
    %sub3A_737 = vector.broadcast %sub3A_736 : f32 to vector<16xf32>
    %sub3A_738 = arith.subf %sub3A_737, %mul3A_735 : vector<16xf32>
    %mul3A_739 = arith.mulf %mul3A_730, %sub3A_738 : vector<16xf32>
    %mul3A_740 = arith.mulf %sub3A_704, %mul3A_739 : vector<16xf32>
    %mul3A_741 = arith.mulf %add3A_180, %min3A_700 : vector<16xf32>
    %mul3A_742 = arith.mulf %gather3A_163, %mul3A_740 : vector<16xf32>
    %sub3A_743 = arith.subf %mul3A_741, %mul3A_742 : vector<16xf32>
    %mul3A_744 = arith.mulf %gather3A_163, %min3A_700 : vector<16xf32>
    %mul3A_745 = arith.mulf %gather3A_155, %mul3A_740 : vector<16xf32>
    %sub3A_746 = arith.subf %mul3A_744, %mul3A_745 : vector<16xf32>
    %mul3A_747 = arith.mulf %gather3A_171, %min3A_700 : vector<16xf32>
    %swap3A_748 = arith.constant 128 : index
    %swap3A_749 = tpu.vector_load %arg6[%swap3A_748] {strides = array<i32>} : memref<224xf32, #tpu.memory_space<vmem>>, vector<16xf32>,
    tpu.vector_store %arg6[%swap3A_748], %sub3A_743 {strides = array<i32>} : memref<224xf32, #tpu.memory_space<vmem>>, vector<16xf32>,
    %swap3A_750 = arith.constant 128 : index
    %swap3A_751 = tpu.vector_load %arg7[%swap3A_750] {strides = array<i32>} : memref<224xf32, #tpu.memory_space<vmem>>, vector<16xf32>,
    tpu.vector_store %arg7[%swap3A_750], %sub3A_746 {strides = array<i32>} : memref<224xf32, #tpu.memory_space<vmem>>, vector<16xf32>,
    %swap3A_752 = arith.constant 128 : index
    %swap3A_753 = tpu.vector_load %arg8[%swap3A_752] {strides = array<i32>} : memref<224xf32, #tpu.memory_space<vmem>>, vector<16xf32>,
    tpu.vector_store %arg8[%swap3A_752], %mul3A_747 {strides = array<i32>} : memref<224xf32, #tpu.memory_space<vmem>>, vector<16xf32>,
    %sub3A_754 = arith.subf %get3A_51, %min3A_136 : vector<16xf32>
    %mul3A_755 = arith.mulf %div3A_147, %sub3A_754 : vector<16xf32>
    %sub3A_756 = arith.constant 1.000000e+00 : f32
    %sub3A_757 = vector.broadcast %sub3A_756 : f32 to vector<16xf32>
    %sub3A_758 = arith.subf %mul3A_755, %sub3A_757 : vector<16xf32>
    %jit3A_759 = arith.constant -0.999998986 : f32
    %jit3A_760 = arith.constant 0.999998986 : f32
    %max3A_761 = vector.broadcast %jit3A_759 : f32 to vector<16xf32>
    %max3A_762 = arith.maximumf %max3A_761, %sub3A_758 : vector<16xf32>
    %min3A_763 = vector.broadcast %jit3A_760 : f32 to vector<16xf32>
    %min3A_764 = arith.minimumf %min3A_763, %max3A_762 : vector<16xf32>
    %mul3A_765 = arith.mulf %min3A_764, %min3A_764 : vector<16xf32>
    %sub3A_766 = arith.constant 1.000000e+00 : f32
    %sub3A_767 = vector.broadcast %sub3A_766 : f32 to vector<16xf32>
    %sub3A_768 = arith.subf %sub3A_767, %mul3A_765 : vector<16xf32>
    %bitcast_convert_type3A_769 = tpu.bitcast %sub3A_768 : vector<16xf32> -> vector<16xi32>
    %shift_right_arithmetic3A_770 = arith.constant 1 : i32
    %shift_right_arithmetic3A_771 = vector.broadcast %shift_right_arithmetic3A_770 : i32 to vector<16xi32>
    %shift_right_arithmetic3A_772 = arith.shrsi %bitcast_convert_type3A_769, %shift_right_arithmetic3A_771 : vector<16xi32>
    %sub3A_773 = arith.constant 1597463007 : i32
    %sub3A_774 = vector.broadcast %sub3A_773 : i32 to vector<16xi32>
    %sub3A_775 = arith.subi %sub3A_774, %shift_right_arithmetic3A_772 : vector<16xi32>
    %bitcast_convert_type3A_776 = tpu.bitcast %sub3A_775 : vector<16xi32> -> vector<16xf32>
    %mul3A_777 = arith.constant 5.000000e-01 : f32
    %mul3A_778 = vector.broadcast %mul3A_777 : f32 to vector<16xf32>
    %mul3A_779 = arith.mulf %mul3A_778, %sub3A_768 : vector<16xf32>
    %mul3A_780 = arith.mulf %mul3A_779, %bitcast_convert_type3A_776 : vector<16xf32>
    %mul3A_781 = arith.mulf %mul3A_780, %bitcast_convert_type3A_776 : vector<16xf32>
    %sub3A_782 = arith.constant 1.500000e+00 : f32
    %sub3A_783 = vector.broadcast %sub3A_782 : f32 to vector<16xf32>
    %sub3A_784 = arith.subf %sub3A_783, %mul3A_781 : vector<16xf32>
    %mul3A_785 = arith.mulf %bitcast_convert_type3A_776, %sub3A_784 : vector<16xf32>
    %mul3A_786 = arith.constant 5.000000e-01 : f32
    %mul3A_787 = vector.broadcast %mul3A_786 : f32 to vector<16xf32>
    %mul3A_788 = arith.mulf %mul3A_787, %sub3A_768 : vector<16xf32>
    %mul3A_789 = arith.mulf %mul3A_788, %mul3A_785 : vector<16xf32>
    %mul3A_790 = arith.mulf %mul3A_789, %mul3A_785 : vector<16xf32>
    %sub3A_791 = arith.constant 1.500000e+00 : f32
    %sub3A_792 = vector.broadcast %sub3A_791 : f32 to vector<16xf32>
    %sub3A_793 = arith.subf %sub3A_792, %mul3A_790 : vector<16xf32>
    %mul3A_794 = arith.mulf %mul3A_785, %sub3A_793 : vector<16xf32>
    %mul3A_795 = arith.constant 5.000000e-01 : f32
    %mul3A_796 = vector.broadcast %mul3A_795 : f32 to vector<16xf32>
    %mul3A_797 = arith.mulf %mul3A_796, %sub3A_768 : vector<16xf32>
    %mul3A_798 = arith.mulf %mul3A_797, %mul3A_794 : vector<16xf32>
    %mul3A_799 = arith.mulf %mul3A_798, %mul3A_794 : vector<16xf32>
    %sub3A_800 = arith.constant 1.500000e+00 : f32
    %sub3A_801 = vector.broadcast %sub3A_800 : f32 to vector<16xf32>
    %sub3A_802 = arith.subf %sub3A_801, %mul3A_799 : vector<16xf32>
    %mul3A_803 = arith.mulf %mul3A_794, %sub3A_802 : vector<16xf32>
    %mul3A_804 = arith.mulf %sub3A_768, %mul3A_803 : vector<16xf32>
    %mul3A_805 = arith.mulf %add3A_180, %min3A_764 : vector<16xf32>
    %mul3A_806 = arith.mulf %gather3A_163, %mul3A_804 : vector<16xf32>
    %sub3A_807 = arith.subf %mul3A_805, %mul3A_806 : vector<16xf32>
    %mul3A_808 = arith.mulf %gather3A_163, %min3A_764 : vector<16xf32>
    %mul3A_809 = arith.mulf %gather3A_155, %mul3A_804 : vector<16xf32>
    %sub3A_810 = arith.subf %mul3A_808, %mul3A_809 : vector<16xf32>
    %mul3A_811 = arith.mulf %gather3A_171, %min3A_764 : vector<16xf32>
    %swap3A_812 = arith.constant 144 : index
    %swap3A_813 = tpu.vector_load %arg6[%swap3A_812] {strides = array<i32>} : memref<224xf32, #tpu.memory_space<vmem>>, vector<16xf32>,
    tpu.vector_store %arg6[%swap3A_812], %sub3A_807 {strides = array<i32>} : memref<224xf32, #tpu.memory_space<vmem>>, vector<16xf32>,
    %swap3A_814 = arith.constant 144 : index
    %swap3A_815 = tpu.vector_load %arg7[%swap3A_814] {strides = array<i32>} : memref<224xf32, #tpu.memory_space<vmem>>, vector<16xf32>,
    tpu.vector_store %arg7[%swap3A_814], %sub3A_810 {strides = array<i32>} : memref<224xf32, #tpu.memory_space<vmem>>, vector<16xf32>,
    %swap3A_816 = arith.constant 144 : index
    %swap3A_817 = tpu.vector_load %arg8[%swap3A_816] {strides = array<i32>} : memref<224xf32, #tpu.memory_space<vmem>>, vector<16xf32>,
    tpu.vector_store %arg8[%swap3A_816], %mul3A_811 {strides = array<i32>} : memref<224xf32, #tpu.memory_space<vmem>>, vector<16xf32>,
    %sub3A_818 = arith.subf %get3A_53, %min3A_136 : vector<16xf32>
    %mul3A_819 = arith.mulf %div3A_147, %sub3A_818 : vector<16xf32>
    %sub3A_820 = arith.constant 1.000000e+00 : f32
    %sub3A_821 = vector.broadcast %sub3A_820 : f32 to vector<16xf32>
    %sub3A_822 = arith.subf %mul3A_819, %sub3A_821 : vector<16xf32>
    %jit3A_823 = arith.constant -0.999998986 : f32
    %jit3A_824 = arith.constant 0.999998986 : f32
    %max3A_825 = vector.broadcast %jit3A_823 : f32 to vector<16xf32>
    %max3A_826 = arith.maximumf %max3A_825, %sub3A_822 : vector<16xf32>
    %min3A_827 = vector.broadcast %jit3A_824 : f32 to vector<16xf32>
    %min3A_828 = arith.minimumf %min3A_827, %max3A_826 : vector<16xf32>
    %mul3A_829 = arith.mulf %min3A_828, %min3A_828 : vector<16xf32>
    %sub3A_830 = arith.constant 1.000000e+00 : f32
    %sub3A_831 = vector.broadcast %sub3A_830 : f32 to vector<16xf32>
    %sub3A_832 = arith.subf %sub3A_831, %mul3A_829 : vector<16xf32>
    %bitcast_convert_type3A_833 = tpu.bitcast %sub3A_832 : vector<16xf32> -> vector<16xi32>
    %shift_right_arithmetic3A_834 = arith.constant 1 : i32
    %shift_right_arithmetic3A_835 = vector.broadcast %shift_right_arithmetic3A_834 : i32 to vector<16xi32>
    %shift_right_arithmetic3A_836 = arith.shrsi %bitcast_convert_type3A_833, %shift_right_arithmetic3A_835 : vector<16xi32>
    %sub3A_837 = arith.constant 1597463007 : i32
    %sub3A_838 = vector.broadcast %sub3A_837 : i32 to vector<16xi32>
    %sub3A_839 = arith.subi %sub3A_838, %shift_right_arithmetic3A_836 : vector<16xi32>
    %bitcast_convert_type3A_840 = tpu.bitcast %sub3A_839 : vector<16xi32> -> vector<16xf32>
    %mul3A_841 = arith.constant 5.000000e-01 : f32
    %mul3A_842 = vector.broadcast %mul3A_841 : f32 to vector<16xf32>
    %mul3A_843 = arith.mulf %mul3A_842, %sub3A_832 : vector<16xf32>
    %mul3A_844 = arith.mulf %mul3A_843, %bitcast_convert_type3A_840 : vector<16xf32>
    %mul3A_845 = arith.mulf %mul3A_844, %bitcast_convert_type3A_840 : vector<16xf32>
    %sub3A_846 = arith.constant 1.500000e+00 : f32
    %sub3A_847 = vector.broadcast %sub3A_846 : f32 to vector<16xf32>
    %sub3A_848 = arith.subf %sub3A_847, %mul3A_845 : vector<16xf32>
    %mul3A_849 = arith.mulf %bitcast_convert_type3A_840, %sub3A_848 : vector<16xf32>
    %mul3A_850 = arith.constant 5.000000e-01 : f32
    %mul3A_851 = vector.broadcast %mul3A_850 : f32 to vector<16xf32>
    %mul3A_852 = arith.mulf %mul3A_851, %sub3A_832 : vector<16xf32>
    %mul3A_853 = arith.mulf %mul3A_852, %mul3A_849 : vector<16xf32>
    %mul3A_854 = arith.mulf %mul3A_853, %mul3A_849 : vector<16xf32>
    %sub3A_855 = arith.constant 1.500000e+00 : f32
    %sub3A_856 = vector.broadcast %sub3A_855 : f32 to vector<16xf32>
    %sub3A_857 = arith.subf %sub3A_856, %mul3A_854 : vector<16xf32>
    %mul3A_858 = arith.mulf %mul3A_849, %sub3A_857 : vector<16xf32>
    %mul3A_859 = arith.constant 5.000000e-01 : f32
    %mul3A_860 = vector.broadcast %mul3A_859 : f32 to vector<16xf32>
    %mul3A_861 = arith.mulf %mul3A_860, %sub3A_832 : vector<16xf32>
    %mul3A_862 = arith.mulf %mul3A_861, %mul3A_858 : vector<16xf32>
    %mul3A_863 = arith.mulf %mul3A_862, %mul3A_858 : vector<16xf32>
    %sub3A_864 = arith.constant 1.500000e+00 : f32
    %sub3A_865 = vector.broadcast %sub3A_864 : f32 to vector<16xf32>
    %sub3A_866 = arith.subf %sub3A_865, %mul3A_863 : vector<16xf32>
    %mul3A_867 = arith.mulf %mul3A_858, %sub3A_866 : vector<16xf32>
    %mul3A_868 = arith.mulf %sub3A_832, %mul3A_867 : vector<16xf32>
    %mul3A_869 = arith.mulf %add3A_180, %min3A_828 : vector<16xf32>
    %mul3A_870 = arith.mulf %gather3A_163, %mul3A_868 : vector<16xf32>
    %sub3A_871 = arith.subf %mul3A_869, %mul3A_870 : vector<16xf32>
    %mul3A_872 = arith.mulf %gather3A_163, %min3A_828 : vector<16xf32>
    %mul3A_873 = arith.mulf %gather3A_155, %mul3A_868 : vector<16xf32>
    %sub3A_874 = arith.subf %mul3A_872, %mul3A_873 : vector<16xf32>
    %mul3A_875 = arith.mulf %gather3A_171, %min3A_828 : vector<16xf32>
    %swap3A_876 = arith.constant 160 : index
    %swap3A_877 = tpu.vector_load %arg6[%swap3A_876] {strides = array<i32>} : memref<224xf32, #tpu.memory_space<vmem>>, vector<16xf32>,
    tpu.vector_store %arg6[%swap3A_876], %sub3A_871 {strides = array<i32>} : memref<224xf32, #tpu.memory_space<vmem>>, vector<16xf32>,
    %swap3A_878 = arith.constant 160 : index
    %swap3A_879 = tpu.vector_load %arg7[%swap3A_878] {strides = array<i32>} : memref<224xf32, #tpu.memory_space<vmem>>, vector<16xf32>,
    tpu.vector_store %arg7[%swap3A_878], %sub3A_874 {strides = array<i32>} : memref<224xf32, #tpu.memory_space<vmem>>, vector<16xf32>,
    %swap3A_880 = arith.constant 160 : index
    %swap3A_881 = tpu.vector_load %arg8[%swap3A_880] {strides = array<i32>} : memref<224xf32, #tpu.memory_space<vmem>>, vector<16xf32>,
    tpu.vector_store %arg8[%swap3A_880], %mul3A_875 {strides = array<i32>} : memref<224xf32, #tpu.memory_space<vmem>>, vector<16xf32>,
    %sub3A_882 = arith.subf %get3A_55, %min3A_136 : vector<16xf32>
    %mul3A_883 = arith.mulf %div3A_147, %sub3A_882 : vector<16xf32>
    %sub3A_884 = arith.constant 1.000000e+00 : f32
    %sub3A_885 = vector.broadcast %sub3A_884 : f32 to vector<16xf32>
    %sub3A_886 = arith.subf %mul3A_883, %sub3A_885 : vector<16xf32>
    %jit3A_887 = arith.constant -0.999998986 : f32
    %jit3A_888 = arith.constant 0.999998986 : f32
    %max3A_889 = vector.broadcast %jit3A_887 : f32 to vector<16xf32>
    %max3A_890 = arith.maximumf %max3A_889, %sub3A_886 : vector<16xf32>
    %min3A_891 = vector.broadcast %jit3A_888 : f32 to vector<16xf32>
    %min3A_892 = arith.minimumf %min3A_891, %max3A_890 : vector<16xf32>
    %mul3A_893 = arith.mulf %min3A_892, %min3A_892 : vector<16xf32>
    %sub3A_894 = arith.constant 1.000000e+00 : f32
    %sub3A_895 = vector.broadcast %sub3A_894 : f32 to vector<16xf32>
    %sub3A_896 = arith.subf %sub3A_895, %mul3A_893 : vector<16xf32>
    %bitcast_convert_type3A_897 = tpu.bitcast %sub3A_896 : vector<16xf32> -> vector<16xi32>
    %shift_right_arithmetic3A_898 = arith.constant 1 : i32
    %shift_right_arithmetic3A_899 = vector.broadcast %shift_right_arithmetic3A_898 : i32 to vector<16xi32>
    %shift_right_arithmetic3A_900 = arith.shrsi %bitcast_convert_type3A_897, %shift_right_arithmetic3A_899 : vector<16xi32>
    %sub3A_901 = arith.constant 1597463007 : i32
    %sub3A_902 = vector.broadcast %sub3A_901 : i32 to vector<16xi32>
    %sub3A_903 = arith.subi %sub3A_902, %shift_right_arithmetic3A_900 : vector<16xi32>
    %bitcast_convert_type3A_904 = tpu.bitcast %sub3A_903 : vector<16xi32> -> vector<16xf32>
    %mul3A_905 = arith.constant 5.000000e-01 : f32
    %mul3A_906 = vector.broadcast %mul3A_905 : f32 to vector<16xf32>
    %mul3A_907 = arith.mulf %mul3A_906, %sub3A_896 : vector<16xf32>
    %mul3A_908 = arith.mulf %mul3A_907, %bitcast_convert_type3A_904 : vector<16xf32>
    %mul3A_909 = arith.mulf %mul3A_908, %bitcast_convert_type3A_904 : vector<16xf32>
    %sub3A_910 = arith.constant 1.500000e+00 : f32
    %sub3A_911 = vector.broadcast %sub3A_910 : f32 to vector<16xf32>
    %sub3A_912 = arith.subf %sub3A_911, %mul3A_909 : vector<16xf32>
    %mul3A_913 = arith.mulf %bitcast_convert_type3A_904, %sub3A_912 : vector<16xf32>
    %mul3A_914 = arith.constant 5.000000e-01 : f32
    %mul3A_915 = vector.broadcast %mul3A_914 : f32 to vector<16xf32>
    %mul3A_916 = arith.mulf %mul3A_915, %sub3A_896 : vector<16xf32>
    %mul3A_917 = arith.mulf %mul3A_916, %mul3A_913 : vector<16xf32>
    %mul3A_918 = arith.mulf %mul3A_917, %mul3A_913 : vector<16xf32>
    %sub3A_919 = arith.constant 1.500000e+00 : f32
    %sub3A_920 = vector.broadcast %sub3A_919 : f32 to vector<16xf32>
    %sub3A_921 = arith.subf %sub3A_920, %mul3A_918 : vector<16xf32>
    %mul3A_922 = arith.mulf %mul3A_913, %sub3A_921 : vector<16xf32>
    %mul3A_923 = arith.constant 5.000000e-01 : f32
    %mul3A_924 = vector.broadcast %mul3A_923 : f32 to vector<16xf32>
    %mul3A_925 = arith.mulf %mul3A_924, %sub3A_896 : vector<16xf32>
    %mul3A_926 = arith.mulf %mul3A_925, %mul3A_922 : vector<16xf32>
    %mul3A_927 = arith.mulf %mul3A_926, %mul3A_922 : vector<16xf32>
    %sub3A_928 = arith.constant 1.500000e+00 : f32
    %sub3A_929 = vector.broadcast %sub3A_928 : f32 to vector<16xf32>
    %sub3A_930 = arith.subf %sub3A_929, %mul3A_927 : vector<16xf32>
    %mul3A_931 = arith.mulf %mul3A_922, %sub3A_930 : vector<16xf32>
    %mul3A_932 = arith.mulf %sub3A_896, %mul3A_931 : vector<16xf32>
    %mul3A_933 = arith.mulf %add3A_180, %min3A_892 : vector<16xf32>
    %mul3A_934 = arith.mulf %gather3A_163, %mul3A_932 : vector<16xf32>
    %sub3A_935 = arith.subf %mul3A_933, %mul3A_934 : vector<16xf32>
    %mul3A_936 = arith.mulf %gather3A_163, %min3A_892 : vector<16xf32>
    %mul3A_937 = arith.mulf %gather3A_155, %mul3A_932 : vector<16xf32>
    %sub3A_938 = arith.subf %mul3A_936, %mul3A_937 : vector<16xf32>
    %mul3A_939 = arith.mulf %gather3A_171, %min3A_892 : vector<16xf32>
    %swap3A_940 = arith.constant 176 : index
    %swap3A_941 = tpu.vector_load %arg6[%swap3A_940] {strides = array<i32>} : memref<224xf32, #tpu.memory_space<vmem>>, vector<16xf32>,
    tpu.vector_store %arg6[%swap3A_940], %sub3A_935 {strides = array<i32>} : memref<224xf32, #tpu.memory_space<vmem>>, vector<16xf32>,
    %swap3A_942 = arith.constant 176 : index
    %swap3A_943 = tpu.vector_load %arg7[%swap3A_942] {strides = array<i32>} : memref<224xf32, #tpu.memory_space<vmem>>, vector<16xf32>,
    tpu.vector_store %arg7[%swap3A_942], %sub3A_938 {strides = array<i32>} : memref<224xf32, #tpu.memory_space<vmem>>, vector<16xf32>,
    %swap3A_944 = arith.constant 176 : index
    %swap3A_945 = tpu.vector_load %arg8[%swap3A_944] {strides = array<i32>} : memref<224xf32, #tpu.memory_space<vmem>>, vector<16xf32>,
    tpu.vector_store %arg8[%swap3A_944], %mul3A_939 {strides = array<i32>} : memref<224xf32, #tpu.memory_space<vmem>>, vector<16xf32>,
    %sub3A_946 = arith.subf %get3A_57, %min3A_136 : vector<16xf32>
    %mul3A_947 = arith.mulf %div3A_147, %sub3A_946 : vector<16xf32>
    %sub3A_948 = arith.constant 1.000000e+00 : f32
    %sub3A_949 = vector.broadcast %sub3A_948 : f32 to vector<16xf32>
    %sub3A_950 = arith.subf %mul3A_947, %sub3A_949 : vector<16xf32>
    %jit3A_951 = arith.constant -0.999998986 : f32
    %jit3A_952 = arith.constant 0.999998986 : f32
    %max3A_953 = vector.broadcast %jit3A_951 : f32 to vector<16xf32>
    %max3A_954 = arith.maximumf %max3A_953, %sub3A_950 : vector<16xf32>
    %min3A_955 = vector.broadcast %jit3A_952 : f32 to vector<16xf32>
    %min3A_956 = arith.minimumf %min3A_955, %max3A_954 : vector<16xf32>
    %mul3A_957 = arith.mulf %min3A_956, %min3A_956 : vector<16xf32>
    %sub3A_958 = arith.constant 1.000000e+00 : f32
    %sub3A_959 = vector.broadcast %sub3A_958 : f32 to vector<16xf32>
    %sub3A_960 = arith.subf %sub3A_959, %mul3A_957 : vector<16xf32>
    %bitcast_convert_type3A_961 = tpu.bitcast %sub3A_960 : vector<16xf32> -> vector<16xi32>
    %shift_right_arithmetic3A_962 = arith.constant 1 : i32
    %shift_right_arithmetic3A_963 = vector.broadcast %shift_right_arithmetic3A_962 : i32 to vector<16xi32>
    %shift_right_arithmetic3A_964 = arith.shrsi %bitcast_convert_type3A_961, %shift_right_arithmetic3A_963 : vector<16xi32>
    %sub3A_965 = arith.constant 1597463007 : i32
    %sub3A_966 = vector.broadcast %sub3A_965 : i32 to vector<16xi32>
    %sub3A_967 = arith.subi %sub3A_966, %shift_right_arithmetic3A_964 : vector<16xi32>
    %bitcast_convert_type3A_968 = tpu.bitcast %sub3A_967 : vector<16xi32> -> vector<16xf32>
    %mul3A_969 = arith.constant 5.000000e-01 : f32
    %mul3A_970 = vector.broadcast %mul3A_969 : f32 to vector<16xf32>
    %mul3A_971 = arith.mulf %mul3A_970, %sub3A_960 : vector<16xf32>
    %mul3A_972 = arith.mulf %mul3A_971, %bitcast_convert_type3A_968 : vector<16xf32>
    %mul3A_973 = arith.mulf %mul3A_972, %bitcast_convert_type3A_968 : vector<16xf32>
    %sub3A_974 = arith.constant 1.500000e+00 : f32
    %sub3A_975 = vector.broadcast %sub3A_974 : f32 to vector<16xf32>
    %sub3A_976 = arith.subf %sub3A_975, %mul3A_973 : vector<16xf32>
    %mul3A_977 = arith.mulf %bitcast_convert_type3A_968, %sub3A_976 : vector<16xf32>
    %mul3A_978 = arith.constant 5.000000e-01 : f32
    %mul3A_979 = vector.broadcast %mul3A_978 : f32 to vector<16xf32>
    %mul3A_980 = arith.mulf %mul3A_979, %sub3A_960 : vector<16xf32>
    %mul3A_981 = arith.mulf %mul3A_980, %mul3A_977 : vector<16xf32>
    %mul3A_982 = arith.mulf %mul3A_981, %mul3A_977 : vector<16xf32>
    %sub3A_983 = arith.constant 1.500000e+00 : f32
    %sub3A_984 = vector.broadcast %sub3A_983 : f32 to vector<16xf32>
    %sub3A_985 = arith.subf %sub3A_984, %mul3A_982 : vector<16xf32>
    %mul3A_986 = arith.mulf %mul3A_977, %sub3A_985 : vector<16xf32>
    %mul3A_987 = arith.constant 5.000000e-01 : f32
    %mul3A_988 = vector.broadcast %mul3A_987 : f32 to vector<16xf32>
    %mul3A_989 = arith.mulf %mul3A_988, %sub3A_960 : vector<16xf32>
    %mul3A_990 = arith.mulf %mul3A_989, %mul3A_986 : vector<16xf32>
    %mul3A_991 = arith.mulf %mul3A_990, %mul3A_986 : vector<16xf32>
    %sub3A_992 = arith.constant 1.500000e+00 : f32
    %sub3A_993 = vector.broadcast %sub3A_992 : f32 to vector<16xf32>
    %sub3A_994 = arith.subf %sub3A_993, %mul3A_991 : vector<16xf32>
    %mul3A_995 = arith.mulf %mul3A_986, %sub3A_994 : vector<16xf32>
    %mul3A_996 = arith.mulf %sub3A_960, %mul3A_995 : vector<16xf32>
    %mul3A_997 = arith.mulf %add3A_180, %min3A_956 : vector<16xf32>
    %mul3A_998 = arith.mulf %gather3A_163, %mul3A_996 : vector<16xf32>
    %sub3A_999 = arith.subf %mul3A_997, %mul3A_998 : vector<16xf32>
    %mul3A_1000 = arith.mulf %gather3A_163, %min3A_956 : vector<16xf32>
    %mul3A_1001 = arith.mulf %gather3A_155, %mul3A_996 : vector<16xf32>
    %sub3A_1002 = arith.subf %mul3A_1000, %mul3A_1001 : vector<16xf32>
    %mul3A_1003 = arith.mulf %gather3A_171, %min3A_956 : vector<16xf32>
    %swap3A_1004 = arith.constant 192 : index
    %swap3A_1005 = tpu.vector_load %arg6[%swap3A_1004] {strides = array<i32>} : memref<224xf32, #tpu.memory_space<vmem>>, vector<16xf32>,
    tpu.vector_store %arg6[%swap3A_1004], %sub3A_999 {strides = array<i32>} : memref<224xf32, #tpu.memory_space<vmem>>, vector<16xf32>,
    %swap3A_1006 = arith.constant 192 : index
    %swap3A_1007 = tpu.vector_load %arg7[%swap3A_1006] {strides = array<i32>} : memref<224xf32, #tpu.memory_space<vmem>>, vector<16xf32>,
    tpu.vector_store %arg7[%swap3A_1006], %sub3A_1002 {strides = array<i32>} : memref<224xf32, #tpu.memory_space<vmem>>, vector<16xf32>,
    %swap3A_1008 = arith.constant 192 : index
    %swap3A_1009 = tpu.vector_load %arg8[%swap3A_1008] {strides = array<i32>} : memref<224xf32, #tpu.memory_space<vmem>>, vector<16xf32>,
    tpu.vector_store %arg8[%swap3A_1008], %mul3A_1003 {strides = array<i32>} : memref<224xf32, #tpu.memory_space<vmem>>, vector<16xf32>,
    %sub3A_1010 = arith.subf %get3A_59, %min3A_136 : vector<16xf32>
    %mul3A_1011 = arith.mulf %div3A_147, %sub3A_1010 : vector<16xf32>
    %sub3A_1012 = arith.constant 1.000000e+00 : f32
    %sub3A_1013 = vector.broadcast %sub3A_1012 : f32 to vector<16xf32>
    %sub3A_1014 = arith.subf %mul3A_1011, %sub3A_1013 : vector<16xf32>
    %jit3A_1015 = arith.constant -0.999998986 : f32
    %jit3A_1016 = arith.constant 0.999998986 : f32
    %max3A_1017 = vector.broadcast %jit3A_1015 : f32 to vector<16xf32>
    %max3A_1018 = arith.maximumf %max3A_1017, %sub3A_1014 : vector<16xf32>
    %min3A_1019 = vector.broadcast %jit3A_1016 : f32 to vector<16xf32>
    %min3A_1020 = arith.minimumf %min3A_1019, %max3A_1018 : vector<16xf32>
    %mul3A_1021 = arith.mulf %min3A_1020, %min3A_1020 : vector<16xf32>
    %sub3A_1022 = arith.constant 1.000000e+00 : f32
    %sub3A_1023 = vector.broadcast %sub3A_1022 : f32 to vector<16xf32>
    %sub3A_1024 = arith.subf %sub3A_1023, %mul3A_1021 : vector<16xf32>
    %bitcast_convert_type3A_1025 = tpu.bitcast %sub3A_1024 : vector<16xf32> -> vector<16xi32>
    %shift_right_arithmetic3A_1026 = arith.constant 1 : i32
    %shift_right_arithmetic3A_1027 = vector.broadcast %shift_right_arithmetic3A_1026 : i32 to vector<16xi32>
    %shift_right_arithmetic3A_1028 = arith.shrsi %bitcast_convert_type3A_1025, %shift_right_arithmetic3A_1027 : vector<16xi32>
    %sub3A_1029 = arith.constant 1597463007 : i32
    %sub3A_1030 = vector.broadcast %sub3A_1029 : i32 to vector<16xi32>
    %sub3A_1031 = arith.subi %sub3A_1030, %shift_right_arithmetic3A_1028 : vector<16xi32>
    %bitcast_convert_type3A_1032 = tpu.bitcast %sub3A_1031 : vector<16xi32> -> vector<16xf32>
    %mul3A_1033 = arith.constant 5.000000e-01 : f32
    %mul3A_1034 = vector.broadcast %mul3A_1033 : f32 to vector<16xf32>
    %mul3A_1035 = arith.mulf %mul3A_1034, %sub3A_1024 : vector<16xf32>
    %mul3A_1036 = arith.mulf %mul3A_1035, %bitcast_convert_type3A_1032 : vector<16xf32>
    %mul3A_1037 = arith.mulf %mul3A_1036, %bitcast_convert_type3A_1032 : vector<16xf32>
    %sub3A_1038 = arith.constant 1.500000e+00 : f32
    %sub3A_1039 = vector.broadcast %sub3A_1038 : f32 to vector<16xf32>
    %sub3A_1040 = arith.subf %sub3A_1039, %mul3A_1037 : vector<16xf32>
    %mul3A_1041 = arith.mulf %bitcast_convert_type3A_1032, %sub3A_1040 : vector<16xf32>
    %mul3A_1042 = arith.constant 5.000000e-01 : f32
    %mul3A_1043 = vector.broadcast %mul3A_1042 : f32 to vector<16xf32>
    %mul3A_1044 = arith.mulf %mul3A_1043, %sub3A_1024 : vector<16xf32>
    %mul3A_1045 = arith.mulf %mul3A_1044, %mul3A_1041 : vector<16xf32>
    %mul3A_1046 = arith.mulf %mul3A_1045, %mul3A_1041 : vector<16xf32>
    %sub3A_1047 = arith.constant 1.500000e+00 : f32
    %sub3A_1048 = vector.broadcast %sub3A_1047 : f32 to vector<16xf32>
    %sub3A_1049 = arith.subf %sub3A_1048, %mul3A_1046 : vector<16xf32>
    %mul3A_1050 = arith.mulf %mul3A_1041, %sub3A_1049 : vector<16xf32>
    %mul3A_1051 = arith.constant 5.000000e-01 : f32
    %mul3A_1052 = vector.broadcast %mul3A_1051 : f32 to vector<16xf32>
    %mul3A_1053 = arith.mulf %mul3A_1052, %sub3A_1024 : vector<16xf32>
    %mul3A_1054 = arith.mulf %mul3A_1053, %mul3A_1050 : vector<16xf32>
    %mul3A_1055 = arith.mulf %mul3A_1054, %mul3A_1050 : vector<16xf32>
    %sub3A_1056 = arith.constant 1.500000e+00 : f32
    %sub3A_1057 = vector.broadcast %sub3A_1056 : f32 to vector<16xf32>
    %sub3A_1058 = arith.subf %sub3A_1057, %mul3A_1055 : vector<16xf32>
    %mul3A_1059 = arith.mulf %mul3A_1050, %sub3A_1058 : vector<16xf32>
    %mul3A_1060 = arith.mulf %sub3A_1024, %mul3A_1059 : vector<16xf32>
    %mul3A_1061 = arith.mulf %add3A_180, %min3A_1020 : vector<16xf32>
    %mul3A_1062 = arith.mulf %gather3A_163, %mul3A_1060 : vector<16xf32>
    %sub3A_1063 = arith.subf %mul3A_1061, %mul3A_1062 : vector<16xf32>
    %mul3A_1064 = arith.mulf %gather3A_163, %min3A_1020 : vector<16xf32>
    %mul3A_1065 = arith.mulf %gather3A_155, %mul3A_1060 : vector<16xf32>
    %sub3A_1066 = arith.subf %mul3A_1064, %mul3A_1065 : vector<16xf32>
    %mul3A_1067 = arith.mulf %gather3A_171, %min3A_1020 : vector<16xf32>
    %swap3A_1068 = arith.constant 208 : index
    %swap3A_1069 = tpu.vector_load %arg6[%swap3A_1068] {strides = array<i32>} : memref<224xf32, #tpu.memory_space<vmem>>, vector<16xf32>,
    tpu.vector_store %arg6[%swap3A_1068], %sub3A_1063 {strides = array<i32>} : memref<224xf32, #tpu.memory_space<vmem>>, vector<16xf32>,
    %swap3A_1070 = arith.constant 208 : index
    %swap3A_1071 = tpu.vector_load %arg7[%swap3A_1070] {strides = array<i32>} : memref<224xf32, #tpu.memory_space<vmem>>, vector<16xf32>,
    tpu.vector_store %arg7[%swap3A_1070], %sub3A_1066 {strides = array<i32>} : memref<224xf32, #tpu.memory_space<vmem>>, vector<16xf32>,
    %swap3A_1072 = arith.constant 208 : index
    %swap3A_1073 = tpu.vector_load %arg8[%swap3A_1072] {strides = array<i32>} : memref<224xf32, #tpu.memory_space<vmem>>, vector<16xf32>,
    tpu.vector_store %arg8[%swap3A_1072], %mul3A_1067 {strides = array<i32>} : memref<224xf32, #tpu.memory_space<vmem>>, vector<16xf32>,
    %mul3A_1074 = arith.constant 112 : i32
    %mul3A_1075 = arith.muli %arg0, %mul3A_1074 : i32
    %add3A_1076 = arith.constant 0 : i32
    %add3A_1077 = arith.addi %mul3A_1075, %add3A_1076 : i32
    %scan3A = arith.constant 0 : i32
    %scan3A_1078 = arith.constant 0 : i32
    %scan3A_1079 = arith.constant 16 : i32
    %scan3A_1080 = arith.addi %scan3A_1078, %scan3A_1079 : i32
    %scan3A_1081 = arith.constant 2 : i32
    scf.for %scan3A_1423 = %scan3A_1078 to %scan3A_1080 step %scan3A_1081  : i32 {
      %add3A_1424 = arith.addi %add3A_1077, %scan3A_1423 : i32
      %broadcast_in_dim3A_1425 = vector.broadcast %add3A_1424 : i32 to vector<16xi32>
      %gather3A_1426 = tpu.vector_load_idx %arg6[%broadcast_in_dim3A_1425] : memref<224xf32, #tpu.memory_space<vmem>>[vector<16xi32>], vector<16xf32>,
      %gather3A_1427 = tpu.vector_load_idx %arg7[%broadcast_in_dim3A_1425] : memref<224xf32, #tpu.memory_space<vmem>>[vector<16xi32>], vector<16xf32>,
      %gather3A_1428 = tpu.vector_load_idx %arg8[%broadcast_in_dim3A_1425] : memref<224xf32, #tpu.memory_space<vmem>>[vector<16xi32>], vector<16xf32>,
      %mul3A_1429 = arith.mulf %gather3A_1426, %min3A_191 : vector<16xf32>
      %add3A_1430 = arith.addf %mul3A_1429, %gather3A_171 : vector<16xf32>
      %mul3A_1431 = arith.mulf %gather3A_1427, %mul3A_229 : vector<16xf32>
      %add3A_1432 = arith.addf %mul3A_1431, %add3A_1430 : vector<16xf32>
      %sub3A_1433 = arith.subf %gather3A_1428, %mul3A_236 : vector<16xf32>
      %abs3A = math.absf %sub3A_1433 : vector<16xf32>
      %sub3A_1434 = arith.subf %add3A_1432, %abs3A : vector<16xf32>
      %swap3A_1435 = arith.index_cast %scan3A_1423 : i32 to index
      %swap3A_1436 = arith.constant 0 : index
      %swap3A_1437 = tpu.vector_load %arg10[%swap3A_1435, %swap3A_1436] {strides = array<i32>} : memref<16x224xf32, #tpu.memory_space<vmem>>, vector<16xf32>,
      tpu.vector_store %arg10[%swap3A_1435, %swap3A_1436], %sub3A_1434 {strides = array<i32>} : memref<16x224xf32, #tpu.memory_space<vmem>>, vector<16xf32>,
      %mul3A_1438 = arith.mulf %gather3A_1426, %min3A_252 : vector<16xf32>
      %add3A_1439 = arith.addf %mul3A_1438, %gather3A_171 : vector<16xf32>
      %mul3A_1440 = arith.mulf %gather3A_1427, %mul3A_292 : vector<16xf32>
      %add3A_1441 = arith.addf %mul3A_1440, %add3A_1439 : vector<16xf32>
      %sub3A_1442 = arith.subf %gather3A_1428, %mul3A_299 : vector<16xf32>
      %abs3A_1443 = math.absf %sub3A_1442 : vector<16xf32>
      %sub3A_1444 = arith.subf %add3A_1441, %abs3A_1443 : vector<16xf32>
      %swap3A_1445 = arith.index_cast %scan3A_1423 : i32 to index
      %swap3A_1446 = arith.constant 16 : index
      %swap3A_1447 = tpu.vector_load %arg10[%swap3A_1445, %swap3A_1446] {strides = array<i32>} : memref<16x224xf32, #tpu.memory_space<vmem>>, vector<16xf32>,
      tpu.vector_store %arg10[%swap3A_1445, %swap3A_1446], %sub3A_1444 {strides = array<i32>} : memref<16x224xf32, #tpu.memory_space<vmem>>, vector<16xf32>,
      %mul3A_1448 = arith.mulf %gather3A_1426, %min3A_316 : vector<16xf32>
      %add3A_1449 = arith.addf %mul3A_1448, %gather3A_171 : vector<16xf32>
      %mul3A_1450 = arith.mulf %gather3A_1427, %mul3A_356 : vector<16xf32>
      %add3A_1451 = arith.addf %mul3A_1450, %add3A_1449 : vector<16xf32>
      %sub3A_1452 = arith.subf %gather3A_1428, %mul3A_363 : vector<16xf32>
      %abs3A_1453 = math.absf %sub3A_1452 : vector<16xf32>
      %sub3A_1454 = arith.subf %add3A_1451, %abs3A_1453 : vector<16xf32>
      %swap3A_1455 = arith.index_cast %scan3A_1423 : i32 to index
      %swap3A_1456 = arith.constant 32 : index
      %swap3A_1457 = tpu.vector_load %arg10[%swap3A_1455, %swap3A_1456] {strides = array<i32>} : memref<16x224xf32, #tpu.memory_space<vmem>>, vector<16xf32>,
      tpu.vector_store %arg10[%swap3A_1455, %swap3A_1456], %sub3A_1454 {strides = array<i32>} : memref<16x224xf32, #tpu.memory_space<vmem>>, vector<16xf32>,
      %mul3A_1458 = arith.mulf %gather3A_1426, %min3A_380 : vector<16xf32>
      %add3A_1459 = arith.addf %mul3A_1458, %gather3A_171 : vector<16xf32>
      %mul3A_1460 = arith.mulf %gather3A_1427, %mul3A_420 : vector<16xf32>
      %add3A_1461 = arith.addf %mul3A_1460, %add3A_1459 : vector<16xf32>
      %sub3A_1462 = arith.subf %gather3A_1428, %mul3A_427 : vector<16xf32>
      %abs3A_1463 = math.absf %sub3A_1462 : vector<16xf32>
      %sub3A_1464 = arith.subf %add3A_1461, %abs3A_1463 : vector<16xf32>
      %swap3A_1465 = arith.index_cast %scan3A_1423 : i32 to index
      %swap3A_1466 = arith.constant 48 : index
      %swap3A_1467 = tpu.vector_load %arg10[%swap3A_1465, %swap3A_1466] {strides = array<i32>} : memref<16x224xf32, #tpu.memory_space<vmem>>, vector<16xf32>,
      tpu.vector_store %arg10[%swap3A_1465, %swap3A_1466], %sub3A_1464 {strides = array<i32>} : memref<16x224xf32, #tpu.memory_space<vmem>>, vector<16xf32>,
      %mul3A_1468 = arith.mulf %gather3A_1426, %min3A_444 : vector<16xf32>
      %add3A_1469 = arith.addf %mul3A_1468, %gather3A_171 : vector<16xf32>
      %mul3A_1470 = arith.mulf %gather3A_1427, %mul3A_484 : vector<16xf32>
      %add3A_1471 = arith.addf %mul3A_1470, %add3A_1469 : vector<16xf32>
      %sub3A_1472 = arith.subf %gather3A_1428, %mul3A_491 : vector<16xf32>
      %abs3A_1473 = math.absf %sub3A_1472 : vector<16xf32>
      %sub3A_1474 = arith.subf %add3A_1471, %abs3A_1473 : vector<16xf32>
      %swap3A_1475 = arith.index_cast %scan3A_1423 : i32 to index
      %swap3A_1476 = arith.constant 64 : index
      %swap3A_1477 = tpu.vector_load %arg10[%swap3A_1475, %swap3A_1476] {strides = array<i32>} : memref<16x224xf32, #tpu.memory_space<vmem>>, vector<16xf32>,
      tpu.vector_store %arg10[%swap3A_1475, %swap3A_1476], %sub3A_1474 {strides = array<i32>} : memref<16x224xf32, #tpu.memory_space<vmem>>, vector<16xf32>,
      %mul3A_1478 = arith.mulf %gather3A_1426, %min3A_508 : vector<16xf32>
      %add3A_1479 = arith.addf %mul3A_1478, %gather3A_171 : vector<16xf32>
      %mul3A_1480 = arith.mulf %gather3A_1427, %mul3A_548 : vector<16xf32>
      %add3A_1481 = arith.addf %mul3A_1480, %add3A_1479 : vector<16xf32>
      %sub3A_1482 = arith.subf %gather3A_1428, %mul3A_555 : vector<16xf32>
      %abs3A_1483 = math.absf %sub3A_1482 : vector<16xf32>
      %sub3A_1484 = arith.subf %add3A_1481, %abs3A_1483 : vector<16xf32>
      %swap3A_1485 = arith.index_cast %scan3A_1423 : i32 to index
      %swap3A_1486 = arith.constant 80 : index
      %swap3A_1487 = tpu.vector_load %arg10[%swap3A_1485, %swap3A_1486] {strides = array<i32>} : memref<16x224xf32, #tpu.memory_space<vmem>>, vector<16xf32>,
      tpu.vector_store %arg10[%swap3A_1485, %swap3A_1486], %sub3A_1484 {strides = array<i32>} : memref<16x224xf32, #tpu.memory_space<vmem>>, vector<16xf32>,
      %mul3A_1488 = arith.mulf %gather3A_1426, %min3A_572 : vector<16xf32>
      %add3A_1489 = arith.addf %mul3A_1488, %gather3A_171 : vector<16xf32>
      %mul3A_1490 = arith.mulf %gather3A_1427, %mul3A_612 : vector<16xf32>
      %add3A_1491 = arith.addf %mul3A_1490, %add3A_1489 : vector<16xf32>
      %sub3A_1492 = arith.subf %gather3A_1428, %mul3A_619 : vector<16xf32>
      %abs3A_1493 = math.absf %sub3A_1492 : vector<16xf32>
      %sub3A_1494 = arith.subf %add3A_1491, %abs3A_1493 : vector<16xf32>
      %swap3A_1495 = arith.index_cast %scan3A_1423 : i32 to index
      %swap3A_1496 = arith.constant 96 : index
      %swap3A_1497 = tpu.vector_load %arg10[%swap3A_1495, %swap3A_1496] {strides = array<i32>} : memref<16x224xf32, #tpu.memory_space<vmem>>, vector<16xf32>,
      tpu.vector_store %arg10[%swap3A_1495, %swap3A_1496], %sub3A_1494 {strides = array<i32>} : memref<16x224xf32, #tpu.memory_space<vmem>>, vector<16xf32>,
      %mul3A_1498 = arith.mulf %gather3A_1426, %min3A_636 : vector<16xf32>
      %add3A_1499 = arith.addf %mul3A_1498, %gather3A_171 : vector<16xf32>
      %mul3A_1500 = arith.mulf %gather3A_1427, %mul3A_676 : vector<16xf32>
      %add3A_1501 = arith.addf %mul3A_1500, %add3A_1499 : vector<16xf32>
      %sub3A_1502 = arith.subf %gather3A_1428, %mul3A_683 : vector<16xf32>
      %abs3A_1503 = math.absf %sub3A_1502 : vector<16xf32>
      %sub3A_1504 = arith.subf %add3A_1501, %abs3A_1503 : vector<16xf32>
      %swap3A_1505 = arith.index_cast %scan3A_1423 : i32 to index
      %swap3A_1506 = arith.constant 112 : index
      %swap3A_1507 = tpu.vector_load %arg10[%swap3A_1505, %swap3A_1506] {strides = array<i32>} : memref<16x224xf32, #tpu.memory_space<vmem>>, vector<16xf32>,
      tpu.vector_store %arg10[%swap3A_1505, %swap3A_1506], %sub3A_1504 {strides = array<i32>} : memref<16x224xf32, #tpu.memory_space<vmem>>, vector<16xf32>,
      %mul3A_1508 = arith.mulf %gather3A_1426, %min3A_700 : vector<16xf32>
      %add3A_1509 = arith.addf %mul3A_1508, %gather3A_171 : vector<16xf32>
      %mul3A_1510 = arith.mulf %gather3A_1427, %mul3A_740 : vector<16xf32>
      %add3A_1511 = arith.addf %mul3A_1510, %add3A_1509 : vector<16xf32>
      %sub3A_1512 = arith.subf %gather3A_1428, %mul3A_747 : vector<16xf32>
      %abs3A_1513 = math.absf %sub3A_1512 : vector<16xf32>
      %sub3A_1514 = arith.subf %add3A_1511, %abs3A_1513 : vector<16xf32>
      %swap3A_1515 = arith.index_cast %scan3A_1423 : i32 to index
      %swap3A_1516 = arith.constant 128 : index
      %swap3A_1517 = tpu.vector_load %arg10[%swap3A_1515, %swap3A_1516] {strides = array<i32>} : memref<16x224xf32, #tpu.memory_space<vmem>>, vector<16xf32>,
      tpu.vector_store %arg10[%swap3A_1515, %swap3A_1516], %sub3A_1514 {strides = array<i32>} : memref<16x224xf32, #tpu.memory_space<vmem>>, vector<16xf32>,
      %mul3A_1518 = arith.mulf %gather3A_1426, %min3A_764 : vector<16xf32>
      %add3A_1519 = arith.addf %mul3A_1518, %gather3A_171 : vector<16xf32>
      %mul3A_1520 = arith.mulf %gather3A_1427, %mul3A_804 : vector<16xf32>
      %add3A_1521 = arith.addf %mul3A_1520, %add3A_1519 : vector<16xf32>
      %sub3A_1522 = arith.subf %gather3A_1428, %mul3A_811 : vector<16xf32>
      %abs3A_1523 = math.absf %sub3A_1522 : vector<16xf32>
      %sub3A_1524 = arith.subf %add3A_1521, %abs3A_1523 : vector<16xf32>
      %swap3A_1525 = arith.index_cast %scan3A_1423 : i32 to index
      %swap3A_1526 = arith.constant 144 : index
      %swap3A_1527 = tpu.vector_load %arg10[%swap3A_1525, %swap3A_1526] {strides = array<i32>} : memref<16x224xf32, #tpu.memory_space<vmem>>, vector<16xf32>,
      tpu.vector_store %arg10[%swap3A_1525, %swap3A_1526], %sub3A_1524 {strides = array<i32>} : memref<16x224xf32, #tpu.memory_space<vmem>>, vector<16xf32>,
      %mul3A_1528 = arith.mulf %gather3A_1426, %min3A_828 : vector<16xf32>
      %add3A_1529 = arith.addf %mul3A_1528, %gather3A_171 : vector<16xf32>
      %mul3A_1530 = arith.mulf %gather3A_1427, %mul3A_868 : vector<16xf32>
      %add3A_1531 = arith.addf %mul3A_1530, %add3A_1529 : vector<16xf32>
      %sub3A_1532 = arith.subf %gather3A_1428, %mul3A_875 : vector<16xf32>
      %abs3A_1533 = math.absf %sub3A_1532 : vector<16xf32>
      %sub3A_1534 = arith.subf %add3A_1531, %abs3A_1533 : vector<16xf32>
      %swap3A_1535 = arith.index_cast %scan3A_1423 : i32 to index
      %swap3A_1536 = arith.constant 160 : index
      %swap3A_1537 = tpu.vector_load %arg10[%swap3A_1535, %swap3A_1536] {strides = array<i32>} : memref<16x224xf32, #tpu.memory_space<vmem>>, vector<16xf32>,
      tpu.vector_store %arg10[%swap3A_1535, %swap3A_1536], %sub3A_1534 {strides = array<i32>} : memref<16x224xf32, #tpu.memory_space<vmem>>, vector<16xf32>,
      %mul3A_1538 = arith.mulf %gather3A_1426, %min3A_892 : vector<16xf32>
      %add3A_1539 = arith.addf %mul3A_1538, %gather3A_171 : vector<16xf32>
      %mul3A_1540 = arith.mulf %gather3A_1427, %mul3A_932 : vector<16xf32>
      %add3A_1541 = arith.addf %mul3A_1540, %add3A_1539 : vector<16xf32>
      %sub3A_1542 = arith.subf %gather3A_1428, %mul3A_939 : vector<16xf32>
      %abs3A_1543 = math.absf %sub3A_1542 : vector<16xf32>
      %sub3A_1544 = arith.subf %add3A_1541, %abs3A_1543 : vector<16xf32>
      %swap3A_1545 = arith.index_cast %scan3A_1423 : i32 to index
      %swap3A_1546 = arith.constant 176 : index
      %swap3A_1547 = tpu.vector_load %arg10[%swap3A_1545, %swap3A_1546] {strides = array<i32>} : memref<16x224xf32, #tpu.memory_space<vmem>>, vector<16xf32>,
      tpu.vector_store %arg10[%swap3A_1545, %swap3A_1546], %sub3A_1544 {strides = array<i32>} : memref<16x224xf32, #tpu.memory_space<vmem>>, vector<16xf32>,
      %mul3A_1548 = arith.mulf %gather3A_1426, %min3A_956 : vector<16xf32>
      %add3A_1549 = arith.addf %mul3A_1548, %gather3A_171 : vector<16xf32>
      %mul3A_1550 = arith.mulf %gather3A_1427, %mul3A_996 : vector<16xf32>
      %add3A_1551 = arith.addf %mul3A_1550, %add3A_1549 : vector<16xf32>
      %sub3A_1552 = arith.subf %gather3A_1428, %mul3A_1003 : vector<16xf32>
      %abs3A_1553 = math.absf %sub3A_1552 : vector<16xf32>
      %sub3A_1554 = arith.subf %add3A_1551, %abs3A_1553 : vector<16xf32>
      %swap3A_1555 = arith.index_cast %scan3A_1423 : i32 to index
      %swap3A_1556 = arith.constant 192 : index
      %swap3A_1557 = tpu.vector_load %arg10[%swap3A_1555, %swap3A_1556] {strides = array<i32>} : memref<16x224xf32, #tpu.memory_space<vmem>>, vector<16xf32>,
      tpu.vector_store %arg10[%swap3A_1555, %swap3A_1556], %sub3A_1554 {strides = array<i32>} : memref<16x224xf32, #tpu.memory_space<vmem>>, vector<16xf32>,
      %mul3A_1558 = arith.mulf %gather3A_1426, %min3A_1020 : vector<16xf32>
      %add3A_1559 = arith.addf %mul3A_1558, %gather3A_171 : vector<16xf32>
      %mul3A_1560 = arith.mulf %gather3A_1427, %mul3A_1060 : vector<16xf32>
      %add3A_1561 = arith.addf %mul3A_1560, %add3A_1559 : vector<16xf32>
      %sub3A_1562 = arith.subf %gather3A_1428, %mul3A_1067 : vector<16xf32>
      %abs3A_1563 = math.absf %sub3A_1562 : vector<16xf32>
      %sub3A_1564 = arith.subf %add3A_1561, %abs3A_1563 : vector<16xf32>
      %swap3A_1565 = arith.index_cast %scan3A_1423 : i32 to index
      %swap3A_1566 = arith.constant 208 : index
      %swap3A_1567 = tpu.vector_load %arg10[%swap3A_1565, %swap3A_1566] {strides = array<i32>} : memref<16x224xf32, #tpu.memory_space<vmem>>, vector<16xf32>,
      tpu.vector_store %arg10[%swap3A_1565, %swap3A_1566], %sub3A_1564 {strides = array<i32>} : memref<16x224xf32, #tpu.memory_space<vmem>>, vector<16xf32>,
      %scan3A_1568 = arith.constant 1 : i32
      %scan3A_1569 = arith.addi %scan3A_1423, %scan3A_1568 : i32
      %add3A_1570 = arith.addi %add3A_1077, %scan3A_1569 : i32
      %broadcast_in_dim3A_1571 = vector.broadcast %add3A_1570 : i32 to vector<16xi32>
      %gather3A_1572 = tpu.vector_load_idx %arg6[%broadcast_in_dim3A_1571] : memref<224xf32, #tpu.memory_space<vmem>>[vector<16xi32>], vector<16xf32>,
      %gather3A_1573 = tpu.vector_load_idx %arg7[%broadcast_in_dim3A_1571] : memref<224xf32, #tpu.memory_space<vmem>>[vector<16xi32>], vector<16xf32>,
      %gather3A_1574 = tpu.vector_load_idx %arg8[%broadcast_in_dim3A_1571] : memref<224xf32, #tpu.memory_space<vmem>>[vector<16xi32>], vector<16xf32>,
      %mul3A_1575 = arith.mulf %gather3A_1572, %min3A_191 : vector<16xf32>
      %add3A_1576 = arith.addf %mul3A_1575, %gather3A_171 : vector<16xf32>
      %mul3A_1577 = arith.mulf %gather3A_1573, %mul3A_229 : vector<16xf32>
      %add3A_1578 = arith.addf %mul3A_1577, %add3A_1576 : vector<16xf32>
      %sub3A_1579 = arith.subf %gather3A_1574, %mul3A_236 : vector<16xf32>
      %abs3A_1580 = math.absf %sub3A_1579 : vector<16xf32>
      %sub3A_1581 = arith.subf %add3A_1578, %abs3A_1580 : vector<16xf32>
      %swap3A_1582 = arith.index_cast %scan3A_1569 : i32 to index
      %swap3A_1583 = arith.constant 0 : index
      %swap3A_1584 = tpu.vector_load %arg10[%swap3A_1582, %swap3A_1583] {strides = array<i32>} : memref<16x224xf32, #tpu.memory_space<vmem>>, vector<16xf32>,
      tpu.vector_store %arg10[%swap3A_1582, %swap3A_1583], %sub3A_1581 {strides = array<i32>} : memref<16x224xf32, #tpu.memory_space<vmem>>, vector<16xf32>,
      %mul3A_1585 = arith.mulf %gather3A_1572, %min3A_252 : vector<16xf32>
      %add3A_1586 = arith.addf %mul3A_1585, %gather3A_171 : vector<16xf32>
      %mul3A_1587 = arith.mulf %gather3A_1573, %mul3A_292 : vector<16xf32>
      %add3A_1588 = arith.addf %mul3A_1587, %add3A_1586 : vector<16xf32>
      %sub3A_1589 = arith.subf %gather3A_1574, %mul3A_299 : vector<16xf32>
      %abs3A_1590 = math.absf %sub3A_1589 : vector<16xf32>
      %sub3A_1591 = arith.subf %add3A_1588, %abs3A_1590 : vector<16xf32>
      %swap3A_1592 = arith.index_cast %scan3A_1569 : i32 to index
      %swap3A_1593 = arith.constant 16 : index
      %swap3A_1594 = tpu.vector_load %arg10[%swap3A_1592, %swap3A_1593] {strides = array<i32>} : memref<16x224xf32, #tpu.memory_space<vmem>>, vector<16xf32>,
      tpu.vector_store %arg10[%swap3A_1592, %swap3A_1593], %sub3A_1591 {strides = array<i32>} : memref<16x224xf32, #tpu.memory_space<vmem>>, vector<16xf32>,
      %mul3A_1595 = arith.mulf %gather3A_1572, %min3A_316 : vector<16xf32>
      %add3A_1596 = arith.addf %mul3A_1595, %gather3A_171 : vector<16xf32>
      %mul3A_1597 = arith.mulf %gather3A_1573, %mul3A_356 : vector<16xf32>
      %add3A_1598 = arith.addf %mul3A_1597, %add3A_1596 : vector<16xf32>
      %sub3A_1599 = arith.subf %gather3A_1574, %mul3A_363 : vector<16xf32>
      %abs3A_1600 = math.absf %sub3A_1599 : vector<16xf32>
      %sub3A_1601 = arith.subf %add3A_1598, %abs3A_1600 : vector<16xf32>
      %swap3A_1602 = arith.index_cast %scan3A_1569 : i32 to index
      %swap3A_1603 = arith.constant 32 : index
      %swap3A_1604 = tpu.vector_load %arg10[%swap3A_1602, %swap3A_1603] {strides = array<i32>} : memref<16x224xf32, #tpu.memory_space<vmem>>, vector<16xf32>,
      tpu.vector_store %arg10[%swap3A_1602, %swap3A_1603], %sub3A_1601 {strides = array<i32>} : memref<16x224xf32, #tpu.memory_space<vmem>>, vector<16xf32>,
      %mul3A_1605 = arith.mulf %gather3A_1572, %min3A_380 : vector<16xf32>
      %add3A_1606 = arith.addf %mul3A_1605, %gather3A_171 : vector<16xf32>
      %mul3A_1607 = arith.mulf %gather3A_1573, %mul3A_420 : vector<16xf32>
      %add3A_1608 = arith.addf %mul3A_1607, %add3A_1606 : vector<16xf32>
      %sub3A_1609 = arith.subf %gather3A_1574, %mul3A_427 : vector<16xf32>
      %abs3A_1610 = math.absf %sub3A_1609 : vector<16xf32>
      %sub3A_1611 = arith.subf %add3A_1608, %abs3A_1610 : vector<16xf32>
      %swap3A_1612 = arith.index_cast %scan3A_1569 : i32 to index
      %swap3A_1613 = arith.constant 48 : index
      %swap3A_1614 = tpu.vector_load %arg10[%swap3A_1612, %swap3A_1613] {strides = array<i32>} : memref<16x224xf32, #tpu.memory_space<vmem>>, vector<16xf32>,
      tpu.vector_store %arg10[%swap3A_1612, %swap3A_1613], %sub3A_1611 {strides = array<i32>} : memref<16x224xf32, #tpu.memory_space<vmem>>, vector<16xf32>,
      %mul3A_1615 = arith.mulf %gather3A_1572, %min3A_444 : vector<16xf32>
      %add3A_1616 = arith.addf %mul3A_1615, %gather3A_171 : vector<16xf32>
      %mul3A_1617 = arith.mulf %gather3A_1573, %mul3A_484 : vector<16xf32>
      %add3A_1618 = arith.addf %mul3A_1617, %add3A_1616 : vector<16xf32>
      %sub3A_1619 = arith.subf %gather3A_1574, %mul3A_491 : vector<16xf32>
      %abs3A_1620 = math.absf %sub3A_1619 : vector<16xf32>
      %sub3A_1621 = arith.subf %add3A_1618, %abs3A_1620 : vector<16xf32>
      %swap3A_1622 = arith.index_cast %scan3A_1569 : i32 to index
      %swap3A_1623 = arith.constant 64 : index
      %swap3A_1624 = tpu.vector_load %arg10[%swap3A_1622, %swap3A_1623] {strides = array<i32>} : memref<16x224xf32, #tpu.memory_space<vmem>>, vector<16xf32>,
      tpu.vector_store %arg10[%swap3A_1622, %swap3A_1623], %sub3A_1621 {strides = array<i32>} : memref<16x224xf32, #tpu.memory_space<vmem>>, vector<16xf32>,
      %mul3A_1625 = arith.mulf %gather3A_1572, %min3A_508 : vector<16xf32>
      %add3A_1626 = arith.addf %mul3A_1625, %gather3A_171 : vector<16xf32>
      %mul3A_1627 = arith.mulf %gather3A_1573, %mul3A_548 : vector<16xf32>
      %add3A_1628 = arith.addf %mul3A_1627, %add3A_1626 : vector<16xf32>
      %sub3A_1629 = arith.subf %gather3A_1574, %mul3A_555 : vector<16xf32>
      %abs3A_1630 = math.absf %sub3A_1629 : vector<16xf32>
      %sub3A_1631 = arith.subf %add3A_1628, %abs3A_1630 : vector<16xf32>
      %swap3A_1632 = arith.index_cast %scan3A_1569 : i32 to index
      %swap3A_1633 = arith.constant 80 : index
      %swap3A_1634 = tpu.vector_load %arg10[%swap3A_1632, %swap3A_1633] {strides = array<i32>} : memref<16x224xf32, #tpu.memory_space<vmem>>, vector<16xf32>,
      tpu.vector_store %arg10[%swap3A_1632, %swap3A_1633], %sub3A_1631 {strides = array<i32>} : memref<16x224xf32, #tpu.memory_space<vmem>>, vector<16xf32>,
      %mul3A_1635 = arith.mulf %gather3A_1572, %min3A_572 : vector<16xf32>
      %add3A_1636 = arith.addf %mul3A_1635, %gather3A_171 : vector<16xf32>
      %mul3A_1637 = arith.mulf %gather3A_1573, %mul3A_612 : vector<16xf32>
      %add3A_1638 = arith.addf %mul3A_1637, %add3A_1636 : vector<16xf32>
      %sub3A_1639 = arith.subf %gather3A_1574, %mul3A_619 : vector<16xf32>
      %abs3A_1640 = math.absf %sub3A_1639 : vector<16xf32>
      %sub3A_1641 = arith.subf %add3A_1638, %abs3A_1640 : vector<16xf32>
      %swap3A_1642 = arith.index_cast %scan3A_1569 : i32 to index
      %swap3A_1643 = arith.constant 96 : index
      %swap3A_1644 = tpu.vector_load %arg10[%swap3A_1642, %swap3A_1643] {strides = array<i32>} : memref<16x224xf32, #tpu.memory_space<vmem>>, vector<16xf32>,
      tpu.vector_store %arg10[%swap3A_1642, %swap3A_1643], %sub3A_1641 {strides = array<i32>} : memref<16x224xf32, #tpu.memory_space<vmem>>, vector<16xf32>,
      %mul3A_1645 = arith.mulf %gather3A_1572, %min3A_636 : vector<16xf32>
      %add3A_1646 = arith.addf %mul3A_1645, %gather3A_171 : vector<16xf32>
      %mul3A_1647 = arith.mulf %gather3A_1573, %mul3A_676 : vector<16xf32>
      %add3A_1648 = arith.addf %mul3A_1647, %add3A_1646 : vector<16xf32>
      %sub3A_1649 = arith.subf %gather3A_1574, %mul3A_683 : vector<16xf32>
      %abs3A_1650 = math.absf %sub3A_1649 : vector<16xf32>
      %sub3A_1651 = arith.subf %add3A_1648, %abs3A_1650 : vector<16xf32>
      %swap3A_1652 = arith.index_cast %scan3A_1569 : i32 to index
      %swap3A_1653 = arith.constant 112 : index
      %swap3A_1654 = tpu.vector_load %arg10[%swap3A_1652, %swap3A_1653] {strides = array<i32>} : memref<16x224xf32, #tpu.memory_space<vmem>>, vector<16xf32>,
      tpu.vector_store %arg10[%swap3A_1652, %swap3A_1653], %sub3A_1651 {strides = array<i32>} : memref<16x224xf32, #tpu.memory_space<vmem>>, vector<16xf32>,
      %mul3A_1655 = arith.mulf %gather3A_1572, %min3A_700 : vector<16xf32>
      %add3A_1656 = arith.addf %mul3A_1655, %gather3A_171 : vector<16xf32>
      %mul3A_1657 = arith.mulf %gather3A_1573, %mul3A_740 : vector<16xf32>
      %add3A_1658 = arith.addf %mul3A_1657, %add3A_1656 : vector<16xf32>
      %sub3A_1659 = arith.subf %gather3A_1574, %mul3A_747 : vector<16xf32>
      %abs3A_1660 = math.absf %sub3A_1659 : vector<16xf32>
      %sub3A_1661 = arith.subf %add3A_1658, %abs3A_1660 : vector<16xf32>
      %swap3A_1662 = arith.index_cast %scan3A_1569 : i32 to index
      %swap3A_1663 = arith.constant 128 : index
      %swap3A_1664 = tpu.vector_load %arg10[%swap3A_1662, %swap3A_1663] {strides = array<i32>} : memref<16x224xf32, #tpu.memory_space<vmem>>, vector<16xf32>,
      tpu.vector_store %arg10[%swap3A_1662, %swap3A_1663], %sub3A_1661 {strides = array<i32>} : memref<16x224xf32, #tpu.memory_space<vmem>>, vector<16xf32>,
      %mul3A_1665 = arith.mulf %gather3A_1572, %min3A_764 : vector<16xf32>
      %add3A_1666 = arith.addf %mul3A_1665, %gather3A_171 : vector<16xf32>
      %mul3A_1667 = arith.mulf %gather3A_1573, %mul3A_804 : vector<16xf32>
      %add3A_1668 = arith.addf %mul3A_1667, %add3A_1666 : vector<16xf32>
      %sub3A_1669 = arith.subf %gather3A_1574, %mul3A_811 : vector<16xf32>
      %abs3A_1670 = math.absf %sub3A_1669 : vector<16xf32>
      %sub3A_1671 = arith.subf %add3A_1668, %abs3A_1670 : vector<16xf32>
      %swap3A_1672 = arith.index_cast %scan3A_1569 : i32 to index
      %swap3A_1673 = arith.constant 144 : index
      %swap3A_1674 = tpu.vector_load %arg10[%swap3A_1672, %swap3A_1673] {strides = array<i32>} : memref<16x224xf32, #tpu.memory_space<vmem>>, vector<16xf32>,
      tpu.vector_store %arg10[%swap3A_1672, %swap3A_1673], %sub3A_1671 {strides = array<i32>} : memref<16x224xf32, #tpu.memory_space<vmem>>, vector<16xf32>,
      %mul3A_1675 = arith.mulf %gather3A_1572, %min3A_828 : vector<16xf32>
      %add3A_1676 = arith.addf %mul3A_1675, %gather3A_171 : vector<16xf32>
      %mul3A_1677 = arith.mulf %gather3A_1573, %mul3A_868 : vector<16xf32>
      %add3A_1678 = arith.addf %mul3A_1677, %add3A_1676 : vector<16xf32>
      %sub3A_1679 = arith.subf %gather3A_1574, %mul3A_875 : vector<16xf32>
      %abs3A_1680 = math.absf %sub3A_1679 : vector<16xf32>
      %sub3A_1681 = arith.subf %add3A_1678, %abs3A_1680 : vector<16xf32>
      %swap3A_1682 = arith.index_cast %scan3A_1569 : i32 to index
      %swap3A_1683 = arith.constant 160 : index
      %swap3A_1684 = tpu.vector_load %arg10[%swap3A_1682, %swap3A_1683] {strides = array<i32>} : memref<16x224xf32, #tpu.memory_space<vmem>>, vector<16xf32>,
      tpu.vector_store %arg10[%swap3A_1682, %swap3A_1683], %sub3A_1681 {strides = array<i32>} : memref<16x224xf32, #tpu.memory_space<vmem>>, vector<16xf32>,
      %mul3A_1685 = arith.mulf %gather3A_1572, %min3A_892 : vector<16xf32>
      %add3A_1686 = arith.addf %mul3A_1685, %gather3A_171 : vector<16xf32>
      %mul3A_1687 = arith.mulf %gather3A_1573, %mul3A_932 : vector<16xf32>
      %add3A_1688 = arith.addf %mul3A_1687, %add3A_1686 : vector<16xf32>
      %sub3A_1689 = arith.subf %gather3A_1574, %mul3A_939 : vector<16xf32>
      %abs3A_1690 = math.absf %sub3A_1689 : vector<16xf32>
      %sub3A_1691 = arith.subf %add3A_1688, %abs3A_1690 : vector<16xf32>
      %swap3A_1692 = arith.index_cast %scan3A_1569 : i32 to index
      %swap3A_1693 = arith.constant 176 : index
      %swap3A_1694 = tpu.vector_load %arg10[%swap3A_1692, %swap3A_1693] {strides = array<i32>} : memref<16x224xf32, #tpu.memory_space<vmem>>, vector<16xf32>,
      tpu.vector_store %arg10[%swap3A_1692, %swap3A_1693], %sub3A_1691 {strides = array<i32>} : memref<16x224xf32, #tpu.memory_space<vmem>>, vector<16xf32>,
      %mul3A_1695 = arith.mulf %gather3A_1572, %min3A_956 : vector<16xf32>
      %add3A_1696 = arith.addf %mul3A_1695, %gather3A_171 : vector<16xf32>
      %mul3A_1697 = arith.mulf %gather3A_1573, %mul3A_996 : vector<16xf32>
      %add3A_1698 = arith.addf %mul3A_1697, %add3A_1696 : vector<16xf32>
      %sub3A_1699 = arith.subf %gather3A_1574, %mul3A_1003 : vector<16xf32>
      %abs3A_1700 = math.absf %sub3A_1699 : vector<16xf32>
      %sub3A_1701 = arith.subf %add3A_1698, %abs3A_1700 : vector<16xf32>
      %swap3A_1702 = arith.index_cast %scan3A_1569 : i32 to index
      %swap3A_1703 = arith.constant 192 : index
      %swap3A_1704 = tpu.vector_load %arg10[%swap3A_1702, %swap3A_1703] {strides = array<i32>} : memref<16x224xf32, #tpu.memory_space<vmem>>, vector<16xf32>,
      tpu.vector_store %arg10[%swap3A_1702, %swap3A_1703], %sub3A_1701 {strides = array<i32>} : memref<16x224xf32, #tpu.memory_space<vmem>>, vector<16xf32>,
      %mul3A_1705 = arith.mulf %gather3A_1572, %min3A_1020 : vector<16xf32>
      %add3A_1706 = arith.addf %mul3A_1705, %gather3A_171 : vector<16xf32>
      %mul3A_1707 = arith.mulf %gather3A_1573, %mul3A_1060 : vector<16xf32>
      %add3A_1708 = arith.addf %mul3A_1707, %add3A_1706 : vector<16xf32>
      %sub3A_1709 = arith.subf %gather3A_1574, %mul3A_1067 : vector<16xf32>
      %abs3A_1710 = math.absf %sub3A_1709 : vector<16xf32>
      %sub3A_1711 = arith.subf %add3A_1708, %abs3A_1710 : vector<16xf32>
      %swap3A_1712 = arith.index_cast %scan3A_1569 : i32 to index
      %swap3A_1713 = arith.constant 208 : index
      %swap3A_1714 = tpu.vector_load %arg10[%swap3A_1712, %swap3A_1713] {strides = array<i32>} : memref<16x224xf32, #tpu.memory_space<vmem>>, vector<16xf32>,
      tpu.vector_store %arg10[%swap3A_1712, %swap3A_1713], %sub3A_1711 {strides = array<i32>} : memref<16x224xf32, #tpu.memory_space<vmem>>, vector<16xf32>,
    }
    %scan3A_1082 = arith.constant 16 : i32
    %dma_start3A = arith.constant 0 : i32
    %dma_start3A_1083 = arith.constant 0 : i32
    %dma_start3A_1084 = tpu.memref_slice %arg4[%select_n3A, %select_n3A_32, %dma_start3A, %add3A_1077, %dma_start3A_1083] : memref<4x4x3x224x224xf32, #tpu.memory_space<hbm>> -> memref<1x1x1x16x224xf32, #tpu.memory_space<hbm>>
    %dma_start3A_1085 = tpu.memref_squeeze %dma_start3A_1084 : memref<1x1x1x16x224xf32, #tpu.memory_space<hbm>> -> memref<16x224xf32, #tpu.memory_space<hbm>>
    %dma_start3A_1086 = arith.constant 0 : i32
    %dma_start3A_1087 = tpu.memref_slice %arg4[%select_n3A, %select_n3A_32, %dma_start3A, %add3A_1077, %dma_start3A_1086] : memref<4x4x3x224x224xf32, #tpu.memory_space<hbm>> -> memref<1x1x1x16x224xf32, #tpu.memory_space<hbm>>
    %dma_start3A_1088 = tpu.memref_squeeze %dma_start3A_1087 : memref<1x1x1x16x224xf32, #tpu.memory_space<hbm>> -> memref<16x224xf32, #tpu.memory_space<hbm>>
    tpu.enqueue_dma source(%arg10 : memref<16x224xf32, #tpu.memory_space<vmem>>) target(%dma_start3A_1088 : memref<16x224xf32, #tpu.memory_space<hbm>>) target_semaphore(%arg12 : memref<!tpu.dma_semaphore, #tpu.memory_space<semaphore_mem>>)
    %dma_start3A_1089 = arith.constant 1 : i32
    %dma_start3A_1090 = arith.constant 0 : i32
    %dma_start3A_1091 = tpu.memref_slice %arg4[%select_n3A, %select_n3A_32, %dma_start3A_1089, %add3A_1077, %dma_start3A_1090] : memref<4x4x3x224x224xf32, #tpu.memory_space<hbm>> -> memref<1x1x1x16x224xf32, #tpu.memory_space<hbm>>
    %dma_start3A_1092 = tpu.memref_squeeze %dma_start3A_1091 : memref<1x1x1x16x224xf32, #tpu.memory_space<hbm>> -> memref<16x224xf32, #tpu.memory_space<hbm>>
    %dma_start3A_1093 = arith.constant 0 : i32
    %dma_start3A_1094 = tpu.memref_slice %arg4[%select_n3A, %select_n3A_32, %dma_start3A_1089, %add3A_1077, %dma_start3A_1093] : memref<4x4x3x224x224xf32, #tpu.memory_space<hbm>> -> memref<1x1x1x16x224xf32, #tpu.memory_space<hbm>>
    %dma_start3A_1095 = tpu.memref_squeeze %dma_start3A_1094 : memref<1x1x1x16x224xf32, #tpu.memory_space<hbm>> -> memref<16x224xf32, #tpu.memory_space<hbm>>
    tpu.enqueue_dma source(%arg10 : memref<16x224xf32, #tpu.memory_space<vmem>>) target(%dma_start3A_1095 : memref<16x224xf32, #tpu.memory_space<hbm>>) target_semaphore(%arg12 : memref<!tpu.dma_semaphore, #tpu.memory_space<semaphore_mem>>)
    %dma_start3A_1096 = arith.constant 2 : i32
    %dma_start3A_1097 = arith.constant 0 : i32
    %dma_start3A_1098 = tpu.memref_slice %arg4[%select_n3A, %select_n3A_32, %dma_start3A_1096, %add3A_1077, %dma_start3A_1097] : memref<4x4x3x224x224xf32, #tpu.memory_space<hbm>> -> memref<1x1x1x16x224xf32, #tpu.memory_space<hbm>>
    %dma_start3A_1099 = tpu.memref_squeeze %dma_start3A_1098 : memref<1x1x1x16x224xf32, #tpu.memory_space<hbm>> -> memref<16x224xf32, #tpu.memory_space<hbm>>
    %dma_start3A_1100 = arith.constant 0 : i32
    %dma_start3A_1101 = tpu.memref_slice %arg4[%select_n3A, %select_n3A_32, %dma_start3A_1096, %add3A_1077, %dma_start3A_1100] : memref<4x4x3x224x224xf32, #tpu.memory_space<hbm>> -> memref<1x1x1x16x224xf32, #tpu.memory_space<hbm>>
    %dma_start3A_1102 = tpu.memref_squeeze %dma_start3A_1101 : memref<1x1x1x16x224xf32, #tpu.memory_space<hbm>> -> memref<16x224xf32, #tpu.memory_space<hbm>>
    tpu.enqueue_dma source(%arg10 : memref<16x224xf32, #tpu.memory_space<vmem>>) target(%dma_start3A_1102 : memref<16x224xf32, #tpu.memory_space<hbm>>) target_semaphore(%arg12 : memref<!tpu.dma_semaphore, #tpu.memory_space<semaphore_mem>>)
    %add3A_1103 = arith.constant 16 : i32
    %add3A_1104 = arith.addi %mul3A_1075, %add3A_1103 : i32
    %scan3A_1105 = arith.constant 0 : i32
    %scan3A_1106 = arith.constant 0 : i32
    %scan3A_1107 = arith.constant 16 : i32
    %scan3A_1108 = arith.addi %scan3A_1106, %scan3A_1107 : i32
    %scan3A_1109 = arith.constant 2 : i32
    scf.for %scan3A_1423 = %scan3A_1106 to %scan3A_1108 step %scan3A_1109  : i32 {
      %add3A_1424 = arith.addi %add3A_1104, %scan3A_1423 : i32
      %broadcast_in_dim3A_1425 = vector.broadcast %add3A_1424 : i32 to vector<16xi32>
      %gather3A_1426 = tpu.vector_load_idx %arg6[%broadcast_in_dim3A_1425] : memref<224xf32, #tpu.memory_space<vmem>>[vector<16xi32>], vector<16xf32>,
      %gather3A_1427 = tpu.vector_load_idx %arg7[%broadcast_in_dim3A_1425] : memref<224xf32, #tpu.memory_space<vmem>>[vector<16xi32>], vector<16xf32>,
      %gather3A_1428 = tpu.vector_load_idx %arg8[%broadcast_in_dim3A_1425] : memref<224xf32, #tpu.memory_space<vmem>>[vector<16xi32>], vector<16xf32>,
      %mul3A_1429 = arith.mulf %gather3A_1426, %min3A_191 : vector<16xf32>
      %add3A_1430 = arith.addf %mul3A_1429, %gather3A_171 : vector<16xf32>
      %mul3A_1431 = arith.mulf %gather3A_1427, %mul3A_229 : vector<16xf32>
      %add3A_1432 = arith.addf %mul3A_1431, %add3A_1430 : vector<16xf32>
      %sub3A_1433 = arith.subf %gather3A_1428, %mul3A_236 : vector<16xf32>
      %abs3A = math.absf %sub3A_1433 : vector<16xf32>
      %sub3A_1434 = arith.subf %add3A_1432, %abs3A : vector<16xf32>
      %swap3A_1435 = arith.index_cast %scan3A_1423 : i32 to index
      %swap3A_1436 = arith.constant 0 : index
      %swap3A_1437 = tpu.vector_load %arg11[%swap3A_1435, %swap3A_1436] {strides = array<i32>} : memref<16x224xf32, #tpu.memory_space<vmem>>, vector<16xf32>,
      tpu.vector_store %arg11[%swap3A_1435, %swap3A_1436], %sub3A_1434 {strides = array<i32>} : memref<16x224xf32, #tpu.memory_space<vmem>>, vector<16xf32>,
      %mul3A_1438 = arith.mulf %gather3A_1426, %min3A_252 : vector<16xf32>
      %add3A_1439 = arith.addf %mul3A_1438, %gather3A_171 : vector<16xf32>
      %mul3A_1440 = arith.mulf %gather3A_1427, %mul3A_292 : vector<16xf32>
      %add3A_1441 = arith.addf %mul3A_1440, %add3A_1439 : vector<16xf32>
      %sub3A_1442 = arith.subf %gather3A_1428, %mul3A_299 : vector<16xf32>
      %abs3A_1443 = math.absf %sub3A_1442 : vector<16xf32>
      %sub3A_1444 = arith.subf %add3A_1441, %abs3A_1443 : vector<16xf32>
      %swap3A_1445 = arith.index_cast %scan3A_1423 : i32 to index
      %swap3A_1446 = arith.constant 16 : index
      %swap3A_1447 = tpu.vector_load %arg11[%swap3A_1445, %swap3A_1446] {strides = array<i32>} : memref<16x224xf32, #tpu.memory_space<vmem>>, vector<16xf32>,
      tpu.vector_store %arg11[%swap3A_1445, %swap3A_1446], %sub3A_1444 {strides = array<i32>} : memref<16x224xf32, #tpu.memory_space<vmem>>, vector<16xf32>,
      %mul3A_1448 = arith.mulf %gather3A_1426, %min3A_316 : vector<16xf32>
      %add3A_1449 = arith.addf %mul3A_1448, %gather3A_171 : vector<16xf32>
      %mul3A_1450 = arith.mulf %gather3A_1427, %mul3A_356 : vector<16xf32>
      %add3A_1451 = arith.addf %mul3A_1450, %add3A_1449 : vector<16xf32>
      %sub3A_1452 = arith.subf %gather3A_1428, %mul3A_363 : vector<16xf32>
      %abs3A_1453 = math.absf %sub3A_1452 : vector<16xf32>
      %sub3A_1454 = arith.subf %add3A_1451, %abs3A_1453 : vector<16xf32>
      %swap3A_1455 = arith.index_cast %scan3A_1423 : i32 to index
      %swap3A_1456 = arith.constant 32 : index
      %swap3A_1457 = tpu.vector_load %arg11[%swap3A_1455, %swap3A_1456] {strides = array<i32>} : memref<16x224xf32, #tpu.memory_space<vmem>>, vector<16xf32>,
      tpu.vector_store %arg11[%swap3A_1455, %swap3A_1456], %sub3A_1454 {strides = array<i32>} : memref<16x224xf32, #tpu.memory_space<vmem>>, vector<16xf32>,
      %mul3A_1458 = arith.mulf %gather3A_1426, %min3A_380 : vector<16xf32>
      %add3A_1459 = arith.addf %mul3A_1458, %gather3A_171 : vector<16xf32>
      %mul3A_1460 = arith.mulf %gather3A_1427, %mul3A_420 : vector<16xf32>
      %add3A_1461 = arith.addf %mul3A_1460, %add3A_1459 : vector<16xf32>
      %sub3A_1462 = arith.subf %gather3A_1428, %mul3A_427 : vector<16xf32>
      %abs3A_1463 = math.absf %sub3A_1462 : vector<16xf32>
      %sub3A_1464 = arith.subf %add3A_1461, %abs3A_1463 : vector<16xf32>
      %swap3A_1465 = arith.index_cast %scan3A_1423 : i32 to index
      %swap3A_1466 = arith.constant 48 : index
      %swap3A_1467 = tpu.vector_load %arg11[%swap3A_1465, %swap3A_1466] {strides = array<i32>} : memref<16x224xf32, #tpu.memory_space<vmem>>, vector<16xf32>,
      tpu.vector_store %arg11[%swap3A_1465, %swap3A_1466], %sub3A_1464 {strides = array<i32>} : memref<16x224xf32, #tpu.memory_space<vmem>>, vector<16xf32>,
      %mul3A_1468 = arith.mulf %gather3A_1426, %min3A_444 : vector<16xf32>
      %add3A_1469 = arith.addf %mul3A_1468, %gather3A_171 : vector<16xf32>
      %mul3A_1470 = arith.mulf %gather3A_1427, %mul3A_484 : vector<16xf32>
      %add3A_1471 = arith.addf %mul3A_1470, %add3A_1469 : vector<16xf32>
      %sub3A_1472 = arith.subf %gather3A_1428, %mul3A_491 : vector<16xf32>
      %abs3A_1473 = math.absf %sub3A_1472 : vector<16xf32>
      %sub3A_1474 = arith.subf %add3A_1471, %abs3A_1473 : vector<16xf32>
      %swap3A_1475 = arith.index_cast %scan3A_1423 : i32 to index
      %swap3A_1476 = arith.constant 64 : index
      %swap3A_1477 = tpu.vector_load %arg11[%swap3A_1475, %swap3A_1476] {strides = array<i32>} : memref<16x224xf32, #tpu.memory_space<vmem>>, vector<16xf32>,
      tpu.vector_store %arg11[%swap3A_1475, %swap3A_1476], %sub3A_1474 {strides = array<i32>} : memref<16x224xf32, #tpu.memory_space<vmem>>, vector<16xf32>,
      %mul3A_1478 = arith.mulf %gather3A_1426, %min3A_508 : vector<16xf32>
      %add3A_1479 = arith.addf %mul3A_1478, %gather3A_171 : vector<16xf32>
      %mul3A_1480 = arith.mulf %gather3A_1427, %mul3A_548 : vector<16xf32>
      %add3A_1481 = arith.addf %mul3A_1480, %add3A_1479 : vector<16xf32>
      %sub3A_1482 = arith.subf %gather3A_1428, %mul3A_555 : vector<16xf32>
      %abs3A_1483 = math.absf %sub3A_1482 : vector<16xf32>
      %sub3A_1484 = arith.subf %add3A_1481, %abs3A_1483 : vector<16xf32>
      %swap3A_1485 = arith.index_cast %scan3A_1423 : i32 to index
      %swap3A_1486 = arith.constant 80 : index
      %swap3A_1487 = tpu.vector_load %arg11[%swap3A_1485, %swap3A_1486] {strides = array<i32>} : memref<16x224xf32, #tpu.memory_space<vmem>>, vector<16xf32>,
      tpu.vector_store %arg11[%swap3A_1485, %swap3A_1486], %sub3A_1484 {strides = array<i32>} : memref<16x224xf32, #tpu.memory_space<vmem>>, vector<16xf32>,
      %mul3A_1488 = arith.mulf %gather3A_1426, %min3A_572 : vector<16xf32>
      %add3A_1489 = arith.addf %mul3A_1488, %gather3A_171 : vector<16xf32>
      %mul3A_1490 = arith.mulf %gather3A_1427, %mul3A_612 : vector<16xf32>
      %add3A_1491 = arith.addf %mul3A_1490, %add3A_1489 : vector<16xf32>
      %sub3A_1492 = arith.subf %gather3A_1428, %mul3A_619 : vector<16xf32>
      %abs3A_1493 = math.absf %sub3A_1492 : vector<16xf32>
      %sub3A_1494 = arith.subf %add3A_1491, %abs3A_1493 : vector<16xf32>
      %swap3A_1495 = arith.index_cast %scan3A_1423 : i32 to index
      %swap3A_1496 = arith.constant 96 : index
      %swap3A_1497 = tpu.vector_load %arg11[%swap3A_1495, %swap3A_1496] {strides = array<i32>} : memref<16x224xf32, #tpu.memory_space<vmem>>, vector<16xf32>,
      tpu.vector_store %arg11[%swap3A_1495, %swap3A_1496], %sub3A_1494 {strides = array<i32>} : memref<16x224xf32, #tpu.memory_space<vmem>>, vector<16xf32>,
      %mul3A_1498 = arith.mulf %gather3A_1426, %min3A_636 : vector<16xf32>
      %add3A_1499 = arith.addf %mul3A_1498, %gather3A_171 : vector<16xf32>
      %mul3A_1500 = arith.mulf %gather3A_1427, %mul3A_676 : vector<16xf32>
      %add3A_1501 = arith.addf %mul3A_1500, %add3A_1499 : vector<16xf32>
      %sub3A_1502 = arith.subf %gather3A_1428, %mul3A_683 : vector<16xf32>
      %abs3A_1503 = math.absf %sub3A_1502 : vector<16xf32>
      %sub3A_1504 = arith.subf %add3A_1501, %abs3A_1503 : vector<16xf32>
      %swap3A_1505 = arith.index_cast %scan3A_1423 : i32 to index
      %swap3A_1506 = arith.constant 112 : index
      %swap3A_1507 = tpu.vector_load %arg11[%swap3A_1505, %swap3A_1506] {strides = array<i32>} : memref<16x224xf32, #tpu.memory_space<vmem>>, vector<16xf32>,
      tpu.vector_store %arg11[%swap3A_1505, %swap3A_1506], %sub3A_1504 {strides = array<i32>} : memref<16x224xf32, #tpu.memory_space<vmem>>, vector<16xf32>,
      %mul3A_1508 = arith.mulf %gather3A_1426, %min3A_700 : vector<16xf32>
      %add3A_1509 = arith.addf %mul3A_1508, %gather3A_171 : vector<16xf32>
      %mul3A_1510 = arith.mulf %gather3A_1427, %mul3A_740 : vector<16xf32>
      %add3A_1511 = arith.addf %mul3A_1510, %add3A_1509 : vector<16xf32>
      %sub3A_1512 = arith.subf %gather3A_1428, %mul3A_747 : vector<16xf32>
      %abs3A_1513 = math.absf %sub3A_1512 : vector<16xf32>
      %sub3A_1514 = arith.subf %add3A_1511, %abs3A_1513 : vector<16xf32>
      %swap3A_1515 = arith.index_cast %scan3A_1423 : i32 to index
      %swap3A_1516 = arith.constant 128 : index
      %swap3A_1517 = tpu.vector_load %arg11[%swap3A_1515, %swap3A_1516] {strides = array<i32>} : memref<16x224xf32, #tpu.memory_space<vmem>>, vector<16xf32>,
      tpu.vector_store %arg11[%swap3A_1515, %swap3A_1516], %sub3A_1514 {strides = array<i32>} : memref<16x224xf32, #tpu.memory_space<vmem>>, vector<16xf32>,
      %mul3A_1518 = arith.mulf %gather3A_1426, %min3A_764 : vector<16xf32>
      %add3A_1519 = arith.addf %mul3A_1518, %gather3A_171 : vector<16xf32>
      %mul3A_1520 = arith.mulf %gather3A_1427, %mul3A_804 : vector<16xf32>
      %add3A_1521 = arith.addf %mul3A_1520, %add3A_1519 : vector<16xf32>
      %sub3A_1522 = arith.subf %gather3A_1428, %mul3A_811 : vector<16xf32>
      %abs3A_1523 = math.absf %sub3A_1522 : vector<16xf32>
      %sub3A_1524 = arith.subf %add3A_1521, %abs3A_1523 : vector<16xf32>
      %swap3A_1525 = arith.index_cast %scan3A_1423 : i32 to index
      %swap3A_1526 = arith.constant 144 : index
      %swap3A_1527 = tpu.vector_load %arg11[%swap3A_1525, %swap3A_1526] {strides = array<i32>} : memref<16x224xf32, #tpu.memory_space<vmem>>, vector<16xf32>,
      tpu.vector_store %arg11[%swap3A_1525, %swap3A_1526], %sub3A_1524 {strides = array<i32>} : memref<16x224xf32, #tpu.memory_space<vmem>>, vector<16xf32>,
      %mul3A_1528 = arith.mulf %gather3A_1426, %min3A_828 : vector<16xf32>
      %add3A_1529 = arith.addf %mul3A_1528, %gather3A_171 : vector<16xf32>
      %mul3A_1530 = arith.mulf %gather3A_1427, %mul3A_868 : vector<16xf32>
      %add3A_1531 = arith.addf %mul3A_1530, %add3A_1529 : vector<16xf32>
      %sub3A_1532 = arith.subf %gather3A_1428, %mul3A_875 : vector<16xf32>
      %abs3A_1533 = math.absf %sub3A_1532 : vector<16xf32>
      %sub3A_1534 = arith.subf %add3A_1531, %abs3A_1533 : vector<16xf32>
      %swap3A_1535 = arith.index_cast %scan3A_1423 : i32 to index
      %swap3A_1536 = arith.constant 160 : index
      %swap3A_1537 = tpu.vector_load %arg11[%swap3A_1535, %swap3A_1536] {strides = array<i32>} : memref<16x224xf32, #tpu.memory_space<vmem>>, vector<16xf32>,
      tpu.vector_store %arg11[%swap3A_1535, %swap3A_1536], %sub3A_1534 {strides = array<i32>} : memref<16x224xf32, #tpu.memory_space<vmem>>, vector<16xf32>,
      %mul3A_1538 = arith.mulf %gather3A_1426, %min3A_892 : vector<16xf32>
      %add3A_1539 = arith.addf %mul3A_1538, %gather3A_171 : vector<16xf32>
      %mul3A_1540 = arith.mulf %gather3A_1427, %mul3A_932 : vector<16xf32>
      %add3A_1541 = arith.addf %mul3A_1540, %add3A_1539 : vector<16xf32>
      %sub3A_1542 = arith.subf %gather3A_1428, %mul3A_939 : vector<16xf32>
      %abs3A_1543 = math.absf %sub3A_1542 : vector<16xf32>
      %sub3A_1544 = arith.subf %add3A_1541, %abs3A_1543 : vector<16xf32>
      %swap3A_1545 = arith.index_cast %scan3A_1423 : i32 to index
      %swap3A_1546 = arith.constant 176 : index
      %swap3A_1547 = tpu.vector_load %arg11[%swap3A_1545, %swap3A_1546] {strides = array<i32>} : memref<16x224xf32, #tpu.memory_space<vmem>>, vector<16xf32>,
      tpu.vector_store %arg11[%swap3A_1545, %swap3A_1546], %sub3A_1544 {strides = array<i32>} : memref<16x224xf32, #tpu.memory_space<vmem>>, vector<16xf32>,
      %mul3A_1548 = arith.mulf %gather3A_1426, %min3A_956 : vector<16xf32>
      %add3A_1549 = arith.addf %mul3A_1548, %gather3A_171 : vector<16xf32>
      %mul3A_1550 = arith.mulf %gather3A_1427, %mul3A_996 : vector<16xf32>
      %add3A_1551 = arith.addf %mul3A_1550, %add3A_1549 : vector<16xf32>
      %sub3A_1552 = arith.subf %gather3A_1428, %mul3A_1003 : vector<16xf32>
      %abs3A_1553 = math.absf %sub3A_1552 : vector<16xf32>
      %sub3A_1554 = arith.subf %add3A_1551, %abs3A_1553 : vector<16xf32>
      %swap3A_1555 = arith.index_cast %scan3A_1423 : i32 to index
      %swap3A_1556 = arith.constant 192 : index
      %swap3A_1557 = tpu.vector_load %arg11[%swap3A_1555, %swap3A_1556] {strides = array<i32>} : memref<16x224xf32, #tpu.memory_space<vmem>>, vector<16xf32>,
      tpu.vector_store %arg11[%swap3A_1555, %swap3A_1556], %sub3A_1554 {strides = array<i32>} : memref<16x224xf32, #tpu.memory_space<vmem>>, vector<16xf32>,
      %mul3A_1558 = arith.mulf %gather3A_1426, %min3A_1020 : vector<16xf32>
      %add3A_1559 = arith.addf %mul3A_1558, %gather3A_171 : vector<16xf32>
      %mul3A_1560 = arith.mulf %gather3A_1427, %mul3A_1060 : vector<16xf32>
      %add3A_1561 = arith.addf %mul3A_1560, %add3A_1559 : vector<16xf32>
      %sub3A_1562 = arith.subf %gather3A_1428, %mul3A_1067 : vector<16xf32>
      %abs3A_1563 = math.absf %sub3A_1562 : vector<16xf32>
      %sub3A_1564 = arith.subf %add3A_1561, %abs3A_1563 : vector<16xf32>
      %swap3A_1565 = arith.index_cast %scan3A_1423 : i32 to index
      %swap3A_1566 = arith.constant 208 : index
      %swap3A_1567 = tpu.vector_load %arg11[%swap3A_1565, %swap3A_1566] {strides = array<i32>} : memref<16x224xf32, #tpu.memory_space<vmem>>, vector<16xf32>,
      tpu.vector_store %arg11[%swap3A_1565, %swap3A_1566], %sub3A_1564 {strides = array<i32>} : memref<16x224xf32, #tpu.memory_space<vmem>>, vector<16xf32>,
      %scan3A_1568 = arith.constant 1 : i32
      %scan3A_1569 = arith.addi %scan3A_1423, %scan3A_1568 : i32
      %add3A_1570 = arith.addi %add3A_1104, %scan3A_1569 : i32
      %broadcast_in_dim3A_1571 = vector.broadcast %add3A_1570 : i32 to vector<16xi32>
      %gather3A_1572 = tpu.vector_load_idx %arg6[%broadcast_in_dim3A_1571] : memref<224xf32, #tpu.memory_space<vmem>>[vector<16xi32>], vector<16xf32>,
      %gather3A_1573 = tpu.vector_load_idx %arg7[%broadcast_in_dim3A_1571] : memref<224xf32, #tpu.memory_space<vmem>>[vector<16xi32>], vector<16xf32>,
      %gather3A_1574 = tpu.vector_load_idx %arg8[%broadcast_in_dim3A_1571] : memref<224xf32, #tpu.memory_space<vmem>>[vector<16xi32>], vector<16xf32>,
      %mul3A_1575 = arith.mulf %gather3A_1572, %min3A_191 : vector<16xf32>
      %add3A_1576 = arith.addf %mul3A_1575, %gather3A_171 : vector<16xf32>
      %mul3A_1577 = arith.mulf %gather3A_1573, %mul3A_229 : vector<16xf32>
      %add3A_1578 = arith.addf %mul3A_1577, %add3A_1576 : vector<16xf32>
      %sub3A_1579 = arith.subf %gather3A_1574, %mul3A_236 : vector<16xf32>
      %abs3A_1580 = math.absf %sub3A_1579 : vector<16xf32>
      %sub3A_1581 = arith.subf %add3A_1578, %abs3A_1580 : vector<16xf32>
      %swap3A_1582 = arith.index_cast %scan3A_1569 : i32 to index
      %swap3A_1583 = arith.constant 0 : index
      %swap3A_1584 = tpu.vector_load %arg11[%swap3A_1582, %swap3A_1583] {strides = array<i32>} : memref<16x224xf32, #tpu.memory_space<vmem>>, vector<16xf32>,
      tpu.vector_store %arg11[%swap3A_1582, %swap3A_1583], %sub3A_1581 {strides = array<i32>} : memref<16x224xf32, #tpu.memory_space<vmem>>, vector<16xf32>,
      %mul3A_1585 = arith.mulf %gather3A_1572, %min3A_252 : vector<16xf32>
      %add3A_1586 = arith.addf %mul3A_1585, %gather3A_171 : vector<16xf32>
      %mul3A_1587 = arith.mulf %gather3A_1573, %mul3A_292 : vector<16xf32>
      %add3A_1588 = arith.addf %mul3A_1587, %add3A_1586 : vector<16xf32>
      %sub3A_1589 = arith.subf %gather3A_1574, %mul3A_299 : vector<16xf32>
      %abs3A_1590 = math.absf %sub3A_1589 : vector<16xf32>
      %sub3A_1591 = arith.subf %add3A_1588, %abs3A_1590 : vector<16xf32>
      %swap3A_1592 = arith.index_cast %scan3A_1569 : i32 to index
      %swap3A_1593 = arith.constant 16 : index
      %swap3A_1594 = tpu.vector_load %arg11[%swap3A_1592, %swap3A_1593] {strides = array<i32>} : memref<16x224xf32, #tpu.memory_space<vmem>>, vector<16xf32>,
      tpu.vector_store %arg11[%swap3A_1592, %swap3A_1593], %sub3A_1591 {strides = array<i32>} : memref<16x224xf32, #tpu.memory_space<vmem>>, vector<16xf32>,
      %mul3A_1595 = arith.mulf %gather3A_1572, %min3A_316 : vector<16xf32>
      %add3A_1596 = arith.addf %mul3A_1595, %gather3A_171 : vector<16xf32>
      %mul3A_1597 = arith.mulf %gather3A_1573, %mul3A_356 : vector<16xf32>
      %add3A_1598 = arith.addf %mul3A_1597, %add3A_1596 : vector<16xf32>
      %sub3A_1599 = arith.subf %gather3A_1574, %mul3A_363 : vector<16xf32>
      %abs3A_1600 = math.absf %sub3A_1599 : vector<16xf32>
      %sub3A_1601 = arith.subf %add3A_1598, %abs3A_1600 : vector<16xf32>
      %swap3A_1602 = arith.index_cast %scan3A_1569 : i32 to index
      %swap3A_1603 = arith.constant 32 : index
      %swap3A_1604 = tpu.vector_load %arg11[%swap3A_1602, %swap3A_1603] {strides = array<i32>} : memref<16x224xf32, #tpu.memory_space<vmem>>, vector<16xf32>,
      tpu.vector_store %arg11[%swap3A_1602, %swap3A_1603], %sub3A_1601 {strides = array<i32>} : memref<16x224xf32, #tpu.memory_space<vmem>>, vector<16xf32>,
      %mul3A_1605 = arith.mulf %gather3A_1572, %min3A_380 : vector<16xf32>
      %add3A_1606 = arith.addf %mul3A_1605, %gather3A_171 : vector<16xf32>
      %mul3A_1607 = arith.mulf %gather3A_1573, %mul3A_420 : vector<16xf32>
      %add3A_1608 = arith.addf %mul3A_1607, %add3A_1606 : vector<16xf32>
      %sub3A_1609 = arith.subf %gather3A_1574, %mul3A_427 : vector<16xf32>
      %abs3A_1610 = math.absf %sub3A_1609 : vector<16xf32>
      %sub3A_1611 = arith.subf %add3A_1608, %abs3A_1610 : vector<16xf32>
      %swap3A_1612 = arith.index_cast %scan3A_1569 : i32 to index
      %swap3A_1613 = arith.constant 48 : index
      %swap3A_1614 = tpu.vector_load %arg11[%swap3A_1612, %swap3A_1613] {strides = array<i32>} : memref<16x224xf32, #tpu.memory_space<vmem>>, vector<16xf32>,
      tpu.vector_store %arg11[%swap3A_1612, %swap3A_1613], %sub3A_1611 {strides = array<i32>} : memref<16x224xf32, #tpu.memory_space<vmem>>, vector<16xf32>,
      %mul3A_1615 = arith.mulf %gather3A_1572, %min3A_444 : vector<16xf32>
      %add3A_1616 = arith.addf %mul3A_1615, %gather3A_171 : vector<16xf32>
      %mul3A_1617 = arith.mulf %gather3A_1573, %mul3A_484 : vector<16xf32>
      %add3A_1618 = arith.addf %mul3A_1617, %add3A_1616 : vector<16xf32>
      %sub3A_1619 = arith.subf %gather3A_1574, %mul3A_491 : vector<16xf32>
      %abs3A_1620 = math.absf %sub3A_1619 : vector<16xf32>
      %sub3A_1621 = arith.subf %add3A_1618, %abs3A_1620 : vector<16xf32>
      %swap3A_1622 = arith.index_cast %scan3A_1569 : i32 to index
      %swap3A_1623 = arith.constant 64 : index
      %swap3A_1624 = tpu.vector_load %arg11[%swap3A_1622, %swap3A_1623] {strides = array<i32>} : memref<16x224xf32, #tpu.memory_space<vmem>>, vector<16xf32>,
      tpu.vector_store %arg11[%swap3A_1622, %swap3A_1623], %sub3A_1621 {strides = array<i32>} : memref<16x224xf32, #tpu.memory_space<vmem>>, vector<16xf32>,
      %mul3A_1625 = arith.mulf %gather3A_1572, %min3A_508 : vector<16xf32>
      %add3A_1626 = arith.addf %mul3A_1625, %gather3A_171 : vector<16xf32>
      %mul3A_1627 = arith.mulf %gather3A_1573, %mul3A_548 : vector<16xf32>
      %add3A_1628 = arith.addf %mul3A_1627, %add3A_1626 : vector<16xf32>
      %sub3A_1629 = arith.subf %gather3A_1574, %mul3A_555 : vector<16xf32>
      %abs3A_1630 = math.absf %sub3A_1629 : vector<16xf32>
      %sub3A_1631 = arith.subf %add3A_1628, %abs3A_1630 : vector<16xf32>
      %swap3A_1632 = arith.index_cast %scan3A_1569 : i32 to index
      %swap3A_1633 = arith.constant 80 : index
      %swap3A_1634 = tpu.vector_load %arg11[%swap3A_1632, %swap3A_1633] {strides = array<i32>} : memref<16x224xf32, #tpu.memory_space<vmem>>, vector<16xf32>,
      tpu.vector_store %arg11[%swap3A_1632, %swap3A_1633], %sub3A_1631 {strides = array<i32>} : memref<16x224xf32, #tpu.memory_space<vmem>>, vector<16xf32>,
      %mul3A_1635 = arith.mulf %gather3A_1572, %min3A_572 : vector<16xf32>
      %add3A_1636 = arith.addf %mul3A_1635, %gather3A_171 : vector<16xf32>
      %mul3A_1637 = arith.mulf %gather3A_1573, %mul3A_612 : vector<16xf32>
      %add3A_1638 = arith.addf %mul3A_1637, %add3A_1636 : vector<16xf32>
      %sub3A_1639 = arith.subf %gather3A_1574, %mul3A_619 : vector<16xf32>
      %abs3A_1640 = math.absf %sub3A_1639 : vector<16xf32>
      %sub3A_1641 = arith.subf %add3A_1638, %abs3A_1640 : vector<16xf32>
      %swap3A_1642 = arith.index_cast %scan3A_1569 : i32 to index
      %swap3A_1643 = arith.constant 96 : index
      %swap3A_1644 = tpu.vector_load %arg11[%swap3A_1642, %swap3A_1643] {strides = array<i32>} : memref<16x224xf32, #tpu.memory_space<vmem>>, vector<16xf32>,
      tpu.vector_store %arg11[%swap3A_1642, %swap3A_1643], %sub3A_1641 {strides = array<i32>} : memref<16x224xf32, #tpu.memory_space<vmem>>, vector<16xf32>,
      %mul3A_1645 = arith.mulf %gather3A_1572, %min3A_636 : vector<16xf32>
      %add3A_1646 = arith.addf %mul3A_1645, %gather3A_171 : vector<16xf32>
      %mul3A_1647 = arith.mulf %gather3A_1573, %mul3A_676 : vector<16xf32>
      %add3A_1648 = arith.addf %mul3A_1647, %add3A_1646 : vector<16xf32>
      %sub3A_1649 = arith.subf %gather3A_1574, %mul3A_683 : vector<16xf32>
      %abs3A_1650 = math.absf %sub3A_1649 : vector<16xf32>
      %sub3A_1651 = arith.subf %add3A_1648, %abs3A_1650 : vector<16xf32>
      %swap3A_1652 = arith.index_cast %scan3A_1569 : i32 to index
      %swap3A_1653 = arith.constant 112 : index
      %swap3A_1654 = tpu.vector_load %arg11[%swap3A_1652, %swap3A_1653] {strides = array<i32>} : memref<16x224xf32, #tpu.memory_space<vmem>>, vector<16xf32>,
      tpu.vector_store %arg11[%swap3A_1652, %swap3A_1653], %sub3A_1651 {strides = array<i32>} : memref<16x224xf32, #tpu.memory_space<vmem>>, vector<16xf32>,
      %mul3A_1655 = arith.mulf %gather3A_1572, %min3A_700 : vector<16xf32>
      %add3A_1656 = arith.addf %mul3A_1655, %gather3A_171 : vector<16xf32>
      %mul3A_1657 = arith.mulf %gather3A_1573, %mul3A_740 : vector<16xf32>
      %add3A_1658 = arith.addf %mul3A_1657, %add3A_1656 : vector<16xf32>
      %sub3A_1659 = arith.subf %gather3A_1574, %mul3A_747 : vector<16xf32>
      %abs3A_1660 = math.absf %sub3A_1659 : vector<16xf32>
      %sub3A_1661 = arith.subf %add3A_1658, %abs3A_1660 : vector<16xf32>
      %swap3A_1662 = arith.index_cast %scan3A_1569 : i32 to index
      %swap3A_1663 = arith.constant 128 : index
      %swap3A_1664 = tpu.vector_load %arg11[%swap3A_1662, %swap3A_1663] {strides = array<i32>} : memref<16x224xf32, #tpu.memory_space<vmem>>, vector<16xf32>,
      tpu.vector_store %arg11[%swap3A_1662, %swap3A_1663], %sub3A_1661 {strides = array<i32>} : memref<16x224xf32, #tpu.memory_space<vmem>>, vector<16xf32>,
      %mul3A_1665 = arith.mulf %gather3A_1572, %min3A_764 : vector<16xf32>
      %add3A_1666 = arith.addf %mul3A_1665, %gather3A_171 : vector<16xf32>
      %mul3A_1667 = arith.mulf %gather3A_1573, %mul3A_804 : vector<16xf32>
      %add3A_1668 = arith.addf %mul3A_1667, %add3A_1666 : vector<16xf32>
      %sub3A_1669 = arith.subf %gather3A_1574, %mul3A_811 : vector<16xf32>
      %abs3A_1670 = math.absf %sub3A_1669 : vector<16xf32>
      %sub3A_1671 = arith.subf %add3A_1668, %abs3A_1670 : vector<16xf32>
      %swap3A_1672 = arith.index_cast %scan3A_1569 : i32 to index
      %swap3A_1673 = arith.constant 144 : index
      %swap3A_1674 = tpu.vector_load %arg11[%swap3A_1672, %swap3A_1673] {strides = array<i32>} : memref<16x224xf32, #tpu.memory_space<vmem>>, vector<16xf32>,
      tpu.vector_store %arg11[%swap3A_1672, %swap3A_1673], %sub3A_1671 {strides = array<i32>} : memref<16x224xf32, #tpu.memory_space<vmem>>, vector<16xf32>,
      %mul3A_1675 = arith.mulf %gather3A_1572, %min3A_828 : vector<16xf32>
      %add3A_1676 = arith.addf %mul3A_1675, %gather3A_171 : vector<16xf32>
      %mul3A_1677 = arith.mulf %gather3A_1573, %mul3A_868 : vector<16xf32>
      %add3A_1678 = arith.addf %mul3A_1677, %add3A_1676 : vector<16xf32>
      %sub3A_1679 = arith.subf %gather3A_1574, %mul3A_875 : vector<16xf32>
      %abs3A_1680 = math.absf %sub3A_1679 : vector<16xf32>
      %sub3A_1681 = arith.subf %add3A_1678, %abs3A_1680 : vector<16xf32>
      %swap3A_1682 = arith.index_cast %scan3A_1569 : i32 to index
      %swap3A_1683 = arith.constant 160 : index
      %swap3A_1684 = tpu.vector_load %arg11[%swap3A_1682, %swap3A_1683] {strides = array<i32>} : memref<16x224xf32, #tpu.memory_space<vmem>>, vector<16xf32>,
      tpu.vector_store %arg11[%swap3A_1682, %swap3A_1683], %sub3A_1681 {strides = array<i32>} : memref<16x224xf32, #tpu.memory_space<vmem>>, vector<16xf32>,
      %mul3A_1685 = arith.mulf %gather3A_1572, %min3A_892 : vector<16xf32>
      %add3A_1686 = arith.addf %mul3A_1685, %gather3A_171 : vector<16xf32>
      %mul3A_1687 = arith.mulf %gather3A_1573, %mul3A_932 : vector<16xf32>
      %add3A_1688 = arith.addf %mul3A_1687, %add3A_1686 : vector<16xf32>
      %sub3A_1689 = arith.subf %gather3A_1574, %mul3A_939 : vector<16xf32>
      %abs3A_1690 = math.absf %sub3A_1689 : vector<16xf32>
      %sub3A_1691 = arith.subf %add3A_1688, %abs3A_1690 : vector<16xf32>
      %swap3A_1692 = arith.index_cast %scan3A_1569 : i32 to index
      %swap3A_1693 = arith.constant 176 : index
      %swap3A_1694 = tpu.vector_load %arg11[%swap3A_1692, %swap3A_1693] {strides = array<i32>} : memref<16x224xf32, #tpu.memory_space<vmem>>, vector<16xf32>,
      tpu.vector_store %arg11[%swap3A_1692, %swap3A_1693], %sub3A_1691 {strides = array<i32>} : memref<16x224xf32, #tpu.memory_space<vmem>>, vector<16xf32>,
      %mul3A_1695 = arith.mulf %gather3A_1572, %min3A_956 : vector<16xf32>
      %add3A_1696 = arith.addf %mul3A_1695, %gather3A_171 : vector<16xf32>
      %mul3A_1697 = arith.mulf %gather3A_1573, %mul3A_996 : vector<16xf32>
      %add3A_1698 = arith.addf %mul3A_1697, %add3A_1696 : vector<16xf32>
      %sub3A_1699 = arith.subf %gather3A_1574, %mul3A_1003 : vector<16xf32>
      %abs3A_1700 = math.absf %sub3A_1699 : vector<16xf32>
      %sub3A_1701 = arith.subf %add3A_1698, %abs3A_1700 : vector<16xf32>
      %swap3A_1702 = arith.index_cast %scan3A_1569 : i32 to index
      %swap3A_1703 = arith.constant 192 : index
      %swap3A_1704 = tpu.vector_load %arg11[%swap3A_1702, %swap3A_1703] {strides = array<i32>} : memref<16x224xf32, #tpu.memory_space<vmem>>, vector<16xf32>,
      tpu.vector_store %arg11[%swap3A_1702, %swap3A_1703], %sub3A_1701 {strides = array<i32>} : memref<16x224xf32, #tpu.memory_space<vmem>>, vector<16xf32>,
      %mul3A_1705 = arith.mulf %gather3A_1572, %min3A_1020 : vector<16xf32>
      %add3A_1706 = arith.addf %mul3A_1705, %gather3A_171 : vector<16xf32>
      %mul3A_1707 = arith.mulf %gather3A_1573, %mul3A_1060 : vector<16xf32>
      %add3A_1708 = arith.addf %mul3A_1707, %add3A_1706 : vector<16xf32>
      %sub3A_1709 = arith.subf %gather3A_1574, %mul3A_1067 : vector<16xf32>
      %abs3A_1710 = math.absf %sub3A_1709 : vector<16xf32>
      %sub3A_1711 = arith.subf %add3A_1708, %abs3A_1710 : vector<16xf32>
      %swap3A_1712 = arith.index_cast %scan3A_1569 : i32 to index
      %swap3A_1713 = arith.constant 208 : index
      %swap3A_1714 = tpu.vector_load %arg11[%swap3A_1712, %swap3A_1713] {strides = array<i32>} : memref<16x224xf32, #tpu.memory_space<vmem>>, vector<16xf32>,
      tpu.vector_store %arg11[%swap3A_1712, %swap3A_1713], %sub3A_1711 {strides = array<i32>} : memref<16x224xf32, #tpu.memory_space<vmem>>, vector<16xf32>,
    }
    %scan3A_1110 = arith.constant 16 : i32
    %dma_start3A_1111 = arith.constant 0 : i32
    %dma_start3A_1112 = arith.constant 0 : i32
    %dma_start3A_1113 = tpu.memref_slice %arg4[%select_n3A, %select_n3A_32, %dma_start3A_1111, %add3A_1104, %dma_start3A_1112] : memref<4x4x3x224x224xf32, #tpu.memory_space<hbm>> -> memref<1x1x1x16x224xf32, #tpu.memory_space<hbm>>
    %dma_start3A_1114 = tpu.memref_squeeze %dma_start3A_1113 : memref<1x1x1x16x224xf32, #tpu.memory_space<hbm>> -> memref<16x224xf32, #tpu.memory_space<hbm>>
    %dma_start3A_1115 = arith.constant 0 : i32
    %dma_start3A_1116 = tpu.memref_slice %arg4[%select_n3A, %select_n3A_32, %dma_start3A_1111, %add3A_1104, %dma_start3A_1115] : memref<4x4x3x224x224xf32, #tpu.memory_space<hbm>> -> memref<1x1x1x16x224xf32, #tpu.memory_space<hbm>>
    %dma_start3A_1117 = tpu.memref_squeeze %dma_start3A_1116 : memref<1x1x1x16x224xf32, #tpu.memory_space<hbm>> -> memref<16x224xf32, #tpu.memory_space<hbm>>
    tpu.enqueue_dma source(%arg11 : memref<16x224xf32, #tpu.memory_space<vmem>>) target(%dma_start3A_1117 : memref<16x224xf32, #tpu.memory_space<hbm>>) target_semaphore(%arg13 : memref<!tpu.dma_semaphore, #tpu.memory_space<semaphore_mem>>)
    %dma_start3A_1118 = arith.constant 1 : i32
    %dma_start3A_1119 = arith.constant 0 : i32
    %dma_start3A_1120 = tpu.memref_slice %arg4[%select_n3A, %select_n3A_32, %dma_start3A_1118, %add3A_1104, %dma_start3A_1119] : memref<4x4x3x224x224xf32, #tpu.memory_space<hbm>> -> memref<1x1x1x16x224xf32, #tpu.memory_space<hbm>>
    %dma_start3A_1121 = tpu.memref_squeeze %dma_start3A_1120 : memref<1x1x1x16x224xf32, #tpu.memory_space<hbm>> -> memref<16x224xf32, #tpu.memory_space<hbm>>
    %dma_start3A_1122 = arith.constant 0 : i32
    %dma_start3A_1123 = tpu.memref_slice %arg4[%select_n3A, %select_n3A_32, %dma_start3A_1118, %add3A_1104, %dma_start3A_1122] : memref<4x4x3x224x224xf32, #tpu.memory_space<hbm>> -> memref<1x1x1x16x224xf32, #tpu.memory_space<hbm>>
    %dma_start3A_1124 = tpu.memref_squeeze %dma_start3A_1123 : memref<1x1x1x16x224xf32, #tpu.memory_space<hbm>> -> memref<16x224xf32, #tpu.memory_space<hbm>>
    tpu.enqueue_dma source(%arg11 : memref<16x224xf32, #tpu.memory_space<vmem>>) target(%dma_start3A_1124 : memref<16x224xf32, #tpu.memory_space<hbm>>) target_semaphore(%arg13 : memref<!tpu.dma_semaphore, #tpu.memory_space<semaphore_mem>>)
    %dma_start3A_1125 = arith.constant 2 : i32
    %dma_start3A_1126 = arith.constant 0 : i32
    %dma_start3A_1127 = tpu.memref_slice %arg4[%select_n3A, %select_n3A_32, %dma_start3A_1125, %add3A_1104, %dma_start3A_1126] : memref<4x4x3x224x224xf32, #tpu.memory_space<hbm>> -> memref<1x1x1x16x224xf32, #tpu.memory_space<hbm>>
    %dma_start3A_1128 = tpu.memref_squeeze %dma_start3A_1127 : memref<1x1x1x16x224xf32, #tpu.memory_space<hbm>> -> memref<16x224xf32, #tpu.memory_space<hbm>>
    %dma_start3A_1129 = arith.constant 0 : i32
    %dma_start3A_1130 = tpu.memref_slice %arg4[%select_n3A, %select_n3A_32, %dma_start3A_1125, %add3A_1104, %dma_start3A_1129] : memref<4x4x3x224x224xf32, #tpu.memory_space<hbm>> -> memref<1x1x1x16x224xf32, #tpu.memory_space<hbm>>
    %dma_start3A_1131 = tpu.memref_squeeze %dma_start3A_1130 : memref<1x1x1x16x224xf32, #tpu.memory_space<hbm>> -> memref<16x224xf32, #tpu.memory_space<hbm>>
    tpu.enqueue_dma source(%arg11 : memref<16x224xf32, #tpu.memory_space<vmem>>) target(%dma_start3A_1131 : memref<16x224xf32, #tpu.memory_space<hbm>>) target_semaphore(%arg13 : memref<!tpu.dma_semaphore, #tpu.memory_space<semaphore_mem>>)
    %dma_wait3A = arith.constant 0 : i32
    %dma_wait3A_1132 = arith.constant 0 : i32
    %dma_wait3A_1133 = tpu.memref_slice %arg4[%select_n3A, %select_n3A_32, %dma_wait3A, %add3A_1077, %dma_wait3A_1132] : memref<4x4x3x224x224xf32, #tpu.memory_space<hbm>> -> memref<1x1x1x16x224xf32, #tpu.memory_space<hbm>>
    %dma_wait3A_1134 = tpu.memref_squeeze %dma_wait3A_1133 : memref<1x1x1x16x224xf32, #tpu.memory_space<hbm>> -> memref<16x224xf32, #tpu.memory_space<hbm>>
    %dma_wait3A_1135 = arith.constant 0 : i32
    %dma_wait3A_1136 = tpu.memref_slice %arg4[%select_n3A, %select_n3A_32, %dma_wait3A, %add3A_1077, %dma_wait3A_1135] : memref<4x4x3x224x224xf32, #tpu.memory_space<hbm>> -> memref<1x1x1x16x224xf32, #tpu.memory_space<hbm>>
    %dma_wait3A_1137 = tpu.memref_squeeze %dma_wait3A_1136 : memref<1x1x1x16x224xf32, #tpu.memory_space<hbm>> -> memref<16x224xf32, #tpu.memory_space<hbm>>
    tpu.wait_dma2 semaphore(%arg12 : memref<!tpu.dma_semaphore, #tpu.memory_space<semaphore_mem>>) src(%arg10 : memref<16x224xf32, #tpu.memory_space<vmem>>) dst(%dma_wait3A_1137 : memref<16x224xf32, #tpu.memory_space<hbm>>)
    %dma_wait3A_1138 = arith.constant 1 : i32
    %dma_wait3A_1139 = arith.constant 0 : i32
    %dma_wait3A_1140 = tpu.memref_slice %arg4[%select_n3A, %select_n3A_32, %dma_wait3A_1138, %add3A_1077, %dma_wait3A_1139] : memref<4x4x3x224x224xf32, #tpu.memory_space<hbm>> -> memref<1x1x1x16x224xf32, #tpu.memory_space<hbm>>
    %dma_wait3A_1141 = tpu.memref_squeeze %dma_wait3A_1140 : memref<1x1x1x16x224xf32, #tpu.memory_space<hbm>> -> memref<16x224xf32, #tpu.memory_space<hbm>>
    %dma_wait3A_1142 = arith.constant 0 : i32
    %dma_wait3A_1143 = tpu.memref_slice %arg4[%select_n3A, %select_n3A_32, %dma_wait3A_1138, %add3A_1077, %dma_wait3A_1142] : memref<4x4x3x224x224xf32, #tpu.memory_space<hbm>> -> memref<1x1x1x16x224xf32, #tpu.memory_space<hbm>>
    %dma_wait3A_1144 = tpu.memref_squeeze %dma_wait3A_1143 : memref<1x1x1x16x224xf32, #tpu.memory_space<hbm>> -> memref<16x224xf32, #tpu.memory_space<hbm>>
    tpu.wait_dma2 semaphore(%arg12 : memref<!tpu.dma_semaphore, #tpu.memory_space<semaphore_mem>>) src(%arg10 : memref<16x224xf32, #tpu.memory_space<vmem>>) dst(%dma_wait3A_1144 : memref<16x224xf32, #tpu.memory_space<hbm>>)
    %dma_wait3A_1145 = arith.constant 2 : i32
    %dma_wait3A_1146 = arith.constant 0 : i32
    %dma_wait3A_1147 = tpu.memref_slice %arg4[%select_n3A, %select_n3A_32, %dma_wait3A_1145, %add3A_1077, %dma_wait3A_1146] : memref<4x4x3x224x224xf32, #tpu.memory_space<hbm>> -> memref<1x1x1x16x224xf32, #tpu.memory_space<hbm>>
    %dma_wait3A_1148 = tpu.memref_squeeze %dma_wait3A_1147 : memref<1x1x1x16x224xf32, #tpu.memory_space<hbm>> -> memref<16x224xf32, #tpu.memory_space<hbm>>
    %dma_wait3A_1149 = arith.constant 0 : i32
    %dma_wait3A_1150 = tpu.memref_slice %arg4[%select_n3A, %select_n3A_32, %dma_wait3A_1145, %add3A_1077, %dma_wait3A_1149] : memref<4x4x3x224x224xf32, #tpu.memory_space<hbm>> -> memref<1x1x1x16x224xf32, #tpu.memory_space<hbm>>
    %dma_wait3A_1151 = tpu.memref_squeeze %dma_wait3A_1150 : memref<1x1x1x16x224xf32, #tpu.memory_space<hbm>> -> memref<16x224xf32, #tpu.memory_space<hbm>>
    tpu.wait_dma2 semaphore(%arg12 : memref<!tpu.dma_semaphore, #tpu.memory_space<semaphore_mem>>) src(%arg10 : memref<16x224xf32, #tpu.memory_space<vmem>>) dst(%dma_wait3A_1151 : memref<16x224xf32, #tpu.memory_space<hbm>>)
    %add3A_1152 = arith.constant 32 : i32
    %add3A_1153 = arith.addi %mul3A_1075, %add3A_1152 : i32
    %scan3A_1154 = arith.constant 0 : i32
    %scan3A_1155 = arith.constant 0 : i32
    %scan3A_1156 = arith.constant 16 : i32
    %scan3A_1157 = arith.addi %scan3A_1155, %scan3A_1156 : i32
    %scan3A_1158 = arith.constant 2 : i32
    scf.for %scan3A_1423 = %scan3A_1155 to %scan3A_1157 step %scan3A_1158  : i32 {
      %add3A_1424 = arith.addi %add3A_1153, %scan3A_1423 : i32
      %broadcast_in_dim3A_1425 = vector.broadcast %add3A_1424 : i32 to vector<16xi32>
      %gather3A_1426 = tpu.vector_load_idx %arg6[%broadcast_in_dim3A_1425] : memref<224xf32, #tpu.memory_space<vmem>>[vector<16xi32>], vector<16xf32>,
      %gather3A_1427 = tpu.vector_load_idx %arg7[%broadcast_in_dim3A_1425] : memref<224xf32, #tpu.memory_space<vmem>>[vector<16xi32>], vector<16xf32>,
      %gather3A_1428 = tpu.vector_load_idx %arg8[%broadcast_in_dim3A_1425] : memref<224xf32, #tpu.memory_space<vmem>>[vector<16xi32>], vector<16xf32>,
      %mul3A_1429 = arith.mulf %gather3A_1426, %min3A_191 : vector<16xf32>
      %add3A_1430 = arith.addf %mul3A_1429, %gather3A_171 : vector<16xf32>
      %mul3A_1431 = arith.mulf %gather3A_1427, %mul3A_229 : vector<16xf32>
      %add3A_1432 = arith.addf %mul3A_1431, %add3A_1430 : vector<16xf32>
      %sub3A_1433 = arith.subf %gather3A_1428, %mul3A_236 : vector<16xf32>
      %abs3A = math.absf %sub3A_1433 : vector<16xf32>
      %sub3A_1434 = arith.subf %add3A_1432, %abs3A : vector<16xf32>
      %swap3A_1435 = arith.index_cast %scan3A_1423 : i32 to index
      %swap3A_1436 = arith.constant 0 : index
      %swap3A_1437 = tpu.vector_load %arg10[%swap3A_1435, %swap3A_1436] {strides = array<i32>} : memref<16x224xf32, #tpu.memory_space<vmem>>, vector<16xf32>,
      tpu.vector_store %arg10[%swap3A_1435, %swap3A_1436], %sub3A_1434 {strides = array<i32>} : memref<16x224xf32, #tpu.memory_space<vmem>>, vector<16xf32>,
      %mul3A_1438 = arith.mulf %gather3A_1426, %min3A_252 : vector<16xf32>
      %add3A_1439 = arith.addf %mul3A_1438, %gather3A_171 : vector<16xf32>
      %mul3A_1440 = arith.mulf %gather3A_1427, %mul3A_292 : vector<16xf32>
      %add3A_1441 = arith.addf %mul3A_1440, %add3A_1439 : vector<16xf32>
      %sub3A_1442 = arith.subf %gather3A_1428, %mul3A_299 : vector<16xf32>
      %abs3A_1443 = math.absf %sub3A_1442 : vector<16xf32>
      %sub3A_1444 = arith.subf %add3A_1441, %abs3A_1443 : vector<16xf32>
      %swap3A_1445 = arith.index_cast %scan3A_1423 : i32 to index
      %swap3A_1446 = arith.constant 16 : index
      %swap3A_1447 = tpu.vector_load %arg10[%swap3A_1445, %swap3A_1446] {strides = array<i32>} : memref<16x224xf32, #tpu.memory_space<vmem>>, vector<16xf32>,
      tpu.vector_store %arg10[%swap3A_1445, %swap3A_1446], %sub3A_1444 {strides = array<i32>} : memref<16x224xf32, #tpu.memory_space<vmem>>, vector<16xf32>,
      %mul3A_1448 = arith.mulf %gather3A_1426, %min3A_316 : vector<16xf32>
      %add3A_1449 = arith.addf %mul3A_1448, %gather3A_171 : vector<16xf32>
      %mul3A_1450 = arith.mulf %gather3A_1427, %mul3A_356 : vector<16xf32>
      %add3A_1451 = arith.addf %mul3A_1450, %add3A_1449 : vector<16xf32>
      %sub3A_1452 = arith.subf %gather3A_1428, %mul3A_363 : vector<16xf32>
      %abs3A_1453 = math.absf %sub3A_1452 : vector<16xf32>
      %sub3A_1454 = arith.subf %add3A_1451, %abs3A_1453 : vector<16xf32>
      %swap3A_1455 = arith.index_cast %scan3A_1423 : i32 to index
      %swap3A_1456 = arith.constant 32 : index
      %swap3A_1457 = tpu.vector_load %arg10[%swap3A_1455, %swap3A_1456] {strides = array<i32>} : memref<16x224xf32, #tpu.memory_space<vmem>>, vector<16xf32>,
      tpu.vector_store %arg10[%swap3A_1455, %swap3A_1456], %sub3A_1454 {strides = array<i32>} : memref<16x224xf32, #tpu.memory_space<vmem>>, vector<16xf32>,
      %mul3A_1458 = arith.mulf %gather3A_1426, %min3A_380 : vector<16xf32>
      %add3A_1459 = arith.addf %mul3A_1458, %gather3A_171 : vector<16xf32>
      %mul3A_1460 = arith.mulf %gather3A_1427, %mul3A_420 : vector<16xf32>
      %add3A_1461 = arith.addf %mul3A_1460, %add3A_1459 : vector<16xf32>
      %sub3A_1462 = arith.subf %gather3A_1428, %mul3A_427 : vector<16xf32>
      %abs3A_1463 = math.absf %sub3A_1462 : vector<16xf32>
      %sub3A_1464 = arith.subf %add3A_1461, %abs3A_1463 : vector<16xf32>
      %swap3A_1465 = arith.index_cast %scan3A_1423 : i32 to index
      %swap3A_1466 = arith.constant 48 : index
      %swap3A_1467 = tpu.vector_load %arg10[%swap3A_1465, %swap3A_1466] {strides = array<i32>} : memref<16x224xf32, #tpu.memory_space<vmem>>, vector<16xf32>,
      tpu.vector_store %arg10[%swap3A_1465, %swap3A_1466], %sub3A_1464 {strides = array<i32>} : memref<16x224xf32, #tpu.memory_space<vmem>>, vector<16xf32>,
      %mul3A_1468 = arith.mulf %gather3A_1426, %min3A_444 : vector<16xf32>
      %add3A_1469 = arith.addf %mul3A_1468, %gather3A_171 : vector<16xf32>
      %mul3A_1470 = arith.mulf %gather3A_1427, %mul3A_484 : vector<16xf32>
      %add3A_1471 = arith.addf %mul3A_1470, %add3A_1469 : vector<16xf32>
      %sub3A_1472 = arith.subf %gather3A_1428, %mul3A_491 : vector<16xf32>
      %abs3A_1473 = math.absf %sub3A_1472 : vector<16xf32>
      %sub3A_1474 = arith.subf %add3A_1471, %abs3A_1473 : vector<16xf32>
      %swap3A_1475 = arith.index_cast %scan3A_1423 : i32 to index
      %swap3A_1476 = arith.constant 64 : index
      %swap3A_1477 = tpu.vector_load %arg10[%swap3A_1475, %swap3A_1476] {strides = array<i32>} : memref<16x224xf32, #tpu.memory_space<vmem>>, vector<16xf32>,
      tpu.vector_store %arg10[%swap3A_1475, %swap3A_1476], %sub3A_1474 {strides = array<i32>} : memref<16x224xf32, #tpu.memory_space<vmem>>, vector<16xf32>,
      %mul3A_1478 = arith.mulf %gather3A_1426, %min3A_508 : vector<16xf32>
      %add3A_1479 = arith.addf %mul3A_1478, %gather3A_171 : vector<16xf32>
      %mul3A_1480 = arith.mulf %gather3A_1427, %mul3A_548 : vector<16xf32>
      %add3A_1481 = arith.addf %mul3A_1480, %add3A_1479 : vector<16xf32>
      %sub3A_1482 = arith.subf %gather3A_1428, %mul3A_555 : vector<16xf32>
      %abs3A_1483 = math.absf %sub3A_1482 : vector<16xf32>
      %sub3A_1484 = arith.subf %add3A_1481, %abs3A_1483 : vector<16xf32>
      %swap3A_1485 = arith.index_cast %scan3A_1423 : i32 to index
      %swap3A_1486 = arith.constant 80 : index
      %swap3A_1487 = tpu.vector_load %arg10[%swap3A_1485, %swap3A_1486] {strides = array<i32>} : memref<16x224xf32, #tpu.memory_space<vmem>>, vector<16xf32>,
      tpu.vector_store %arg10[%swap3A_1485, %swap3A_1486], %sub3A_1484 {strides = array<i32>} : memref<16x224xf32, #tpu.memory_space<vmem>>, vector<16xf32>,
      %mul3A_1488 = arith.mulf %gather3A_1426, %min3A_572 : vector<16xf32>
      %add3A_1489 = arith.addf %mul3A_1488, %gather3A_171 : vector<16xf32>
      %mul3A_1490 = arith.mulf %gather3A_1427, %mul3A_612 : vector<16xf32>
      %add3A_1491 = arith.addf %mul3A_1490, %add3A_1489 : vector<16xf32>
      %sub3A_1492 = arith.subf %gather3A_1428, %mul3A_619 : vector<16xf32>
      %abs3A_1493 = math.absf %sub3A_1492 : vector<16xf32>
      %sub3A_1494 = arith.subf %add3A_1491, %abs3A_1493 : vector<16xf32>
      %swap3A_1495 = arith.index_cast %scan3A_1423 : i32 to index
      %swap3A_1496 = arith.constant 96 : index
      %swap3A_1497 = tpu.vector_load %arg10[%swap3A_1495, %swap3A_1496] {strides = array<i32>} : memref<16x224xf32, #tpu.memory_space<vmem>>, vector<16xf32>,
      tpu.vector_store %arg10[%swap3A_1495, %swap3A_1496], %sub3A_1494 {strides = array<i32>} : memref<16x224xf32, #tpu.memory_space<vmem>>, vector<16xf32>,
      %mul3A_1498 = arith.mulf %gather3A_1426, %min3A_636 : vector<16xf32>
      %add3A_1499 = arith.addf %mul3A_1498, %gather3A_171 : vector<16xf32>
      %mul3A_1500 = arith.mulf %gather3A_1427, %mul3A_676 : vector<16xf32>
      %add3A_1501 = arith.addf %mul3A_1500, %add3A_1499 : vector<16xf32>
      %sub3A_1502 = arith.subf %gather3A_1428, %mul3A_683 : vector<16xf32>
      %abs3A_1503 = math.absf %sub3A_1502 : vector<16xf32>
      %sub3A_1504 = arith.subf %add3A_1501, %abs3A_1503 : vector<16xf32>
      %swap3A_1505 = arith.index_cast %scan3A_1423 : i32 to index
      %swap3A_1506 = arith.constant 112 : index
      %swap3A_1507 = tpu.vector_load %arg10[%swap3A_1505, %swap3A_1506] {strides = array<i32>} : memref<16x224xf32, #tpu.memory_space<vmem>>, vector<16xf32>,
      tpu.vector_store %arg10[%swap3A_1505, %swap3A_1506], %sub3A_1504 {strides = array<i32>} : memref<16x224xf32, #tpu.memory_space<vmem>>, vector<16xf32>,
      %mul3A_1508 = arith.mulf %gather3A_1426, %min3A_700 : vector<16xf32>
      %add3A_1509 = arith.addf %mul3A_1508, %gather3A_171 : vector<16xf32>
      %mul3A_1510 = arith.mulf %gather3A_1427, %mul3A_740 : vector<16xf32>
      %add3A_1511 = arith.addf %mul3A_1510, %add3A_1509 : vector<16xf32>
      %sub3A_1512 = arith.subf %gather3A_1428, %mul3A_747 : vector<16xf32>
      %abs3A_1513 = math.absf %sub3A_1512 : vector<16xf32>
      %sub3A_1514 = arith.subf %add3A_1511, %abs3A_1513 : vector<16xf32>
      %swap3A_1515 = arith.index_cast %scan3A_1423 : i32 to index
      %swap3A_1516 = arith.constant 128 : index
      %swap3A_1517 = tpu.vector_load %arg10[%swap3A_1515, %swap3A_1516] {strides = array<i32>} : memref<16x224xf32, #tpu.memory_space<vmem>>, vector<16xf32>,
      tpu.vector_store %arg10[%swap3A_1515, %swap3A_1516], %sub3A_1514 {strides = array<i32>} : memref<16x224xf32, #tpu.memory_space<vmem>>, vector<16xf32>,
      %mul3A_1518 = arith.mulf %gather3A_1426, %min3A_764 : vector<16xf32>
      %add3A_1519 = arith.addf %mul3A_1518, %gather3A_171 : vector<16xf32>
      %mul3A_1520 = arith.mulf %gather3A_1427, %mul3A_804 : vector<16xf32>
      %add3A_1521 = arith.addf %mul3A_1520, %add3A_1519 : vector<16xf32>
      %sub3A_1522 = arith.subf %gather3A_1428, %mul3A_811 : vector<16xf32>
      %abs3A_1523 = math.absf %sub3A_1522 : vector<16xf32>
      %sub3A_1524 = arith.subf %add3A_1521, %abs3A_1523 : vector<16xf32>
      %swap3A_1525 = arith.index_cast %scan3A_1423 : i32 to index
      %swap3A_1526 = arith.constant 144 : index
      %swap3A_1527 = tpu.vector_load %arg10[%swap3A_1525, %swap3A_1526] {strides = array<i32>} : memref<16x224xf32, #tpu.memory_space<vmem>>, vector<16xf32>,
      tpu.vector_store %arg10[%swap3A_1525, %swap3A_1526], %sub3A_1524 {strides = array<i32>} : memref<16x224xf32, #tpu.memory_space<vmem>>, vector<16xf32>,
      %mul3A_1528 = arith.mulf %gather3A_1426, %min3A_828 : vector<16xf32>
      %add3A_1529 = arith.addf %mul3A_1528, %gather3A_171 : vector<16xf32>
      %mul3A_1530 = arith.mulf %gather3A_1427, %mul3A_868 : vector<16xf32>
      %add3A_1531 = arith.addf %mul3A_1530, %add3A_1529 : vector<16xf32>
      %sub3A_1532 = arith.subf %gather3A_1428, %mul3A_875 : vector<16xf32>
      %abs3A_1533 = math.absf %sub3A_1532 : vector<16xf32>
      %sub3A_1534 = arith.subf %add3A_1531, %abs3A_1533 : vector<16xf32>
      %swap3A_1535 = arith.index_cast %scan3A_1423 : i32 to index
      %swap3A_1536 = arith.constant 160 : index
      %swap3A_1537 = tpu.vector_load %arg10[%swap3A_1535, %swap3A_1536] {strides = array<i32>} : memref<16x224xf32, #tpu.memory_space<vmem>>, vector<16xf32>,
      tpu.vector_store %arg10[%swap3A_1535, %swap3A_1536], %sub3A_1534 {strides = array<i32>} : memref<16x224xf32, #tpu.memory_space<vmem>>, vector<16xf32>,
      %mul3A_1538 = arith.mulf %gather3A_1426, %min3A_892 : vector<16xf32>
      %add3A_1539 = arith.addf %mul3A_1538, %gather3A_171 : vector<16xf32>
      %mul3A_1540 = arith.mulf %gather3A_1427, %mul3A_932 : vector<16xf32>
      %add3A_1541 = arith.addf %mul3A_1540, %add3A_1539 : vector<16xf32>
      %sub3A_1542 = arith.subf %gather3A_1428, %mul3A_939 : vector<16xf32>
      %abs3A_1543 = math.absf %sub3A_1542 : vector<16xf32>
      %sub3A_1544 = arith.subf %add3A_1541, %abs3A_1543 : vector<16xf32>
      %swap3A_1545 = arith.index_cast %scan3A_1423 : i32 to index
      %swap3A_1546 = arith.constant 176 : index
      %swap3A_1547 = tpu.vector_load %arg10[%swap3A_1545, %swap3A_1546] {strides = array<i32>} : memref<16x224xf32, #tpu.memory_space<vmem>>, vector<16xf32>,
      tpu.vector_store %arg10[%swap3A_1545, %swap3A_1546], %sub3A_1544 {strides = array<i32>} : memref<16x224xf32, #tpu.memory_space<vmem>>, vector<16xf32>,
      %mul3A_1548 = arith.mulf %gather3A_1426, %min3A_956 : vector<16xf32>
      %add3A_1549 = arith.addf %mul3A_1548, %gather3A_171 : vector<16xf32>
      %mul3A_1550 = arith.mulf %gather3A_1427, %mul3A_996 : vector<16xf32>
      %add3A_1551 = arith.addf %mul3A_1550, %add3A_1549 : vector<16xf32>
      %sub3A_1552 = arith.subf %gather3A_1428, %mul3A_1003 : vector<16xf32>
      %abs3A_1553 = math.absf %sub3A_1552 : vector<16xf32>
      %sub3A_1554 = arith.subf %add3A_1551, %abs3A_1553 : vector<16xf32>
      %swap3A_1555 = arith.index_cast %scan3A_1423 : i32 to index
      %swap3A_1556 = arith.constant 192 : index
      %swap3A_1557 = tpu.vector_load %arg10[%swap3A_1555, %swap3A_1556] {strides = array<i32>} : memref<16x224xf32, #tpu.memory_space<vmem>>, vector<16xf32>,
      tpu.vector_store %arg10[%swap3A_1555, %swap3A_1556], %sub3A_1554 {strides = array<i32>} : memref<16x224xf32, #tpu.memory_space<vmem>>, vector<16xf32>,
      %mul3A_1558 = arith.mulf %gather3A_1426, %min3A_1020 : vector<16xf32>
      %add3A_1559 = arith.addf %mul3A_1558, %gather3A_171 : vector<16xf32>
      %mul3A_1560 = arith.mulf %gather3A_1427, %mul3A_1060 : vector<16xf32>
      %add3A_1561 = arith.addf %mul3A_1560, %add3A_1559 : vector<16xf32>
      %sub3A_1562 = arith.subf %gather3A_1428, %mul3A_1067 : vector<16xf32>
      %abs3A_1563 = math.absf %sub3A_1562 : vector<16xf32>
      %sub3A_1564 = arith.subf %add3A_1561, %abs3A_1563 : vector<16xf32>
      %swap3A_1565 = arith.index_cast %scan3A_1423 : i32 to index
      %swap3A_1566 = arith.constant 208 : index
      %swap3A_1567 = tpu.vector_load %arg10[%swap3A_1565, %swap3A_1566] {strides = array<i32>} : memref<16x224xf32, #tpu.memory_space<vmem>>, vector<16xf32>,
      tpu.vector_store %arg10[%swap3A_1565, %swap3A_1566], %sub3A_1564 {strides = array<i32>} : memref<16x224xf32, #tpu.memory_space<vmem>>, vector<16xf32>,
      %scan3A_1568 = arith.constant 1 : i32
      %scan3A_1569 = arith.addi %scan3A_1423, %scan3A_1568 : i32
      %add3A_1570 = arith.addi %add3A_1153, %scan3A_1569 : i32
      %broadcast_in_dim3A_1571 = vector.broadcast %add3A_1570 : i32 to vector<16xi32>
      %gather3A_1572 = tpu.vector_load_idx %arg6[%broadcast_in_dim3A_1571] : memref<224xf32, #tpu.memory_space<vmem>>[vector<16xi32>], vector<16xf32>,
      %gather3A_1573 = tpu.vector_load_idx %arg7[%broadcast_in_dim3A_1571] : memref<224xf32, #tpu.memory_space<vmem>>[vector<16xi32>], vector<16xf32>,
      %gather3A_1574 = tpu.vector_load_idx %arg8[%broadcast_in_dim3A_1571] : memref<224xf32, #tpu.memory_space<vmem>>[vector<16xi32>], vector<16xf32>,
      %mul3A_1575 = arith.mulf %gather3A_1572, %min3A_191 : vector<16xf32>
      %add3A_1576 = arith.addf %mul3A_1575, %gather3A_171 : vector<16xf32>
      %mul3A_1577 = arith.mulf %gather3A_1573, %mul3A_229 : vector<16xf32>
      %add3A_1578 = arith.addf %mul3A_1577, %add3A_1576 : vector<16xf32>
      %sub3A_1579 = arith.subf %gather3A_1574, %mul3A_236 : vector<16xf32>
      %abs3A_1580 = math.absf %sub3A_1579 : vector<16xf32>
      %sub3A_1581 = arith.subf %add3A_1578, %abs3A_1580 : vector<16xf32>
      %swap3A_1582 = arith.index_cast %scan3A_1569 : i32 to index
      %swap3A_1583 = arith.constant 0 : index
      %swap3A_1584 = tpu.vector_load %arg10[%swap3A_1582, %swap3A_1583] {strides = array<i32>} : memref<16x224xf32, #tpu.memory_space<vmem>>, vector<16xf32>,
      tpu.vector_store %arg10[%swap3A_1582, %swap3A_1583], %sub3A_1581 {strides = array<i32>} : memref<16x224xf32, #tpu.memory_space<vmem>>, vector<16xf32>,
      %mul3A_1585 = arith.mulf %gather3A_1572, %min3A_252 : vector<16xf32>
      %add3A_1586 = arith.addf %mul3A_1585, %gather3A_171 : vector<16xf32>
      %mul3A_1587 = arith.mulf %gather3A_1573, %mul3A_292 : vector<16xf32>
      %add3A_1588 = arith.addf %mul3A_1587, %add3A_1586 : vector<16xf32>
      %sub3A_1589 = arith.subf %gather3A_1574, %mul3A_299 : vector<16xf32>
      %abs3A_1590 = math.absf %sub3A_1589 : vector<16xf32>
      %sub3A_1591 = arith.subf %add3A_1588, %abs3A_1590 : vector<16xf32>
      %swap3A_1592 = arith.index_cast %scan3A_1569 : i32 to index
      %swap3A_1593 = arith.constant 16 : index
      %swap3A_1594 = tpu.vector_load %arg10[%swap3A_1592, %swap3A_1593] {strides = array<i32>} : memref<16x224xf32, #tpu.memory_space<vmem>>, vector<16xf32>,
      tpu.vector_store %arg10[%swap3A_1592, %swap3A_1593], %sub3A_1591 {strides = array<i32>} : memref<16x224xf32, #tpu.memory_space<vmem>>, vector<16xf32>,
      %mul3A_1595 = arith.mulf %gather3A_1572, %min3A_316 : vector<16xf32>
      %add3A_1596 = arith.addf %mul3A_1595, %gather3A_171 : vector<16xf32>
      %mul3A_1597 = arith.mulf %gather3A_1573, %mul3A_356 : vector<16xf32>
      %add3A_1598 = arith.addf %mul3A_1597, %add3A_1596 : vector<16xf32>
      %sub3A_1599 = arith.subf %gather3A_1574, %mul3A_363 : vector<16xf32>
      %abs3A_1600 = math.absf %sub3A_1599 : vector<16xf32>
      %sub3A_1601 = arith.subf %add3A_1598, %abs3A_1600 : vector<16xf32>
      %swap3A_1602 = arith.index_cast %scan3A_1569 : i32 to index
      %swap3A_1603 = arith.constant 32 : index
      %swap3A_1604 = tpu.vector_load %arg10[%swap3A_1602, %swap3A_1603] {strides = array<i32>} : memref<16x224xf32, #tpu.memory_space<vmem>>, vector<16xf32>,
      tpu.vector_store %arg10[%swap3A_1602, %swap3A_1603], %sub3A_1601 {strides = array<i32>} : memref<16x224xf32, #tpu.memory_space<vmem>>, vector<16xf32>,
      %mul3A_1605 = arith.mulf %gather3A_1572, %min3A_380 : vector<16xf32>
      %add3A_1606 = arith.addf %mul3A_1605, %gather3A_171 : vector<16xf32>
      %mul3A_1607 = arith.mulf %gather3A_1573, %mul3A_420 : vector<16xf32>
      %add3A_1608 = arith.addf %mul3A_1607, %add3A_1606 : vector<16xf32>
      %sub3A_1609 = arith.subf %gather3A_1574, %mul3A_427 : vector<16xf32>
      %abs3A_1610 = math.absf %sub3A_1609 : vector<16xf32>
      %sub3A_1611 = arith.subf %add3A_1608, %abs3A_1610 : vector<16xf32>
      %swap3A_1612 = arith.index_cast %scan3A_1569 : i32 to index
      %swap3A_1613 = arith.constant 48 : index
      %swap3A_1614 = tpu.vector_load %arg10[%swap3A_1612, %swap3A_1613] {strides = array<i32>} : memref<16x224xf32, #tpu.memory_space<vmem>>, vector<16xf32>,
      tpu.vector_store %arg10[%swap3A_1612, %swap3A_1613], %sub3A_1611 {strides = array<i32>} : memref<16x224xf32, #tpu.memory_space<vmem>>, vector<16xf32>,
      %mul3A_1615 = arith.mulf %gather3A_1572, %min3A_444 : vector<16xf32>
      %add3A_1616 = arith.addf %mul3A_1615, %gather3A_171 : vector<16xf32>
      %mul3A_1617 = arith.mulf %gather3A_1573, %mul3A_484 : vector<16xf32>
      %add3A_1618 = arith.addf %mul3A_1617, %add3A_1616 : vector<16xf32>
      %sub3A_1619 = arith.subf %gather3A_1574, %mul3A_491 : vector<16xf32>
      %abs3A_1620 = math.absf %sub3A_1619 : vector<16xf32>
      %sub3A_1621 = arith.subf %add3A_1618, %abs3A_1620 : vector<16xf32>
      %swap3A_1622 = arith.index_cast %scan3A_1569 : i32 to index
      %swap3A_1623 = arith.constant 64 : index
      %swap3A_1624 = tpu.vector_load %arg10[%swap3A_1622, %swap3A_1623] {strides = array<i32>} : memref<16x224xf32, #tpu.memory_space<vmem>>, vector<16xf32>,
      tpu.vector_store %arg10[%swap3A_1622, %swap3A_1623], %sub3A_1621 {strides = array<i32>} : memref<16x224xf32, #tpu.memory_space<vmem>>, vector<16xf32>,
      %mul3A_1625 = arith.mulf %gather3A_1572, %min3A_508 : vector<16xf32>
      %add3A_1626 = arith.addf %mul3A_1625, %gather3A_171 : vector<16xf32>
      %mul3A_1627 = arith.mulf %gather3A_1573, %mul3A_548 : vector<16xf32>
      %add3A_1628 = arith.addf %mul3A_1627, %add3A_1626 : vector<16xf32>
      %sub3A_1629 = arith.subf %gather3A_1574, %mul3A_555 : vector<16xf32>
      %abs3A_1630 = math.absf %sub3A_1629 : vector<16xf32>
      %sub3A_1631 = arith.subf %add3A_1628, %abs3A_1630 : vector<16xf32>
      %swap3A_1632 = arith.index_cast %scan3A_1569 : i32 to index
      %swap3A_1633 = arith.constant 80 : index
      %swap3A_1634 = tpu.vector_load %arg10[%swap3A_1632, %swap3A_1633] {strides = array<i32>} : memref<16x224xf32, #tpu.memory_space<vmem>>, vector<16xf32>,
      tpu.vector_store %arg10[%swap3A_1632, %swap3A_1633], %sub3A_1631 {strides = array<i32>} : memref<16x224xf32, #tpu.memory_space<vmem>>, vector<16xf32>,
      %mul3A_1635 = arith.mulf %gather3A_1572, %min3A_572 : vector<16xf32>
      %add3A_1636 = arith.addf %mul3A_1635, %gather3A_171 : vector<16xf32>
      %mul3A_1637 = arith.mulf %gather3A_1573, %mul3A_612 : vector<16xf32>
      %add3A_1638 = arith.addf %mul3A_1637, %add3A_1636 : vector<16xf32>
      %sub3A_1639 = arith.subf %gather3A_1574, %mul3A_619 : vector<16xf32>
      %abs3A_1640 = math.absf %sub3A_1639 : vector<16xf32>
      %sub3A_1641 = arith.subf %add3A_1638, %abs3A_1640 : vector<16xf32>
      %swap3A_1642 = arith.index_cast %scan3A_1569 : i32 to index
      %swap3A_1643 = arith.constant 96 : index
      %swap3A_1644 = tpu.vector_load %arg10[%swap3A_1642, %swap3A_1643] {strides = array<i32>} : memref<16x224xf32, #tpu.memory_space<vmem>>, vector<16xf32>,
      tpu.vector_store %arg10[%swap3A_1642, %swap3A_1643], %sub3A_1641 {strides = array<i32>} : memref<16x224xf32, #tpu.memory_space<vmem>>, vector<16xf32>,
      %mul3A_1645 = arith.mulf %gather3A_1572, %min3A_636 : vector<16xf32>
      %add3A_1646 = arith.addf %mul3A_1645, %gather3A_171 : vector<16xf32>
      %mul3A_1647 = arith.mulf %gather3A_1573, %mul3A_676 : vector<16xf32>
      %add3A_1648 = arith.addf %mul3A_1647, %add3A_1646 : vector<16xf32>
      %sub3A_1649 = arith.subf %gather3A_1574, %mul3A_683 : vector<16xf32>
      %abs3A_1650 = math.absf %sub3A_1649 : vector<16xf32>
      %sub3A_1651 = arith.subf %add3A_1648, %abs3A_1650 : vector<16xf32>
      %swap3A_1652 = arith.index_cast %scan3A_1569 : i32 to index
      %swap3A_1653 = arith.constant 112 : index
      %swap3A_1654 = tpu.vector_load %arg10[%swap3A_1652, %swap3A_1653] {strides = array<i32>} : memref<16x224xf32, #tpu.memory_space<vmem>>, vector<16xf32>,
      tpu.vector_store %arg10[%swap3A_1652, %swap3A_1653], %sub3A_1651 {strides = array<i32>} : memref<16x224xf32, #tpu.memory_space<vmem>>, vector<16xf32>,
      %mul3A_1655 = arith.mulf %gather3A_1572, %min3A_700 : vector<16xf32>
      %add3A_1656 = arith.addf %mul3A_1655, %gather3A_171 : vector<16xf32>
      %mul3A_1657 = arith.mulf %gather3A_1573, %mul3A_740 : vector<16xf32>
      %add3A_1658 = arith.addf %mul3A_1657, %add3A_1656 : vector<16xf32>
      %sub3A_1659 = arith.subf %gather3A_1574, %mul3A_747 : vector<16xf32>
      %abs3A_1660 = math.absf %sub3A_1659 : vector<16xf32>
      %sub3A_1661 = arith.subf %add3A_1658, %abs3A_1660 : vector<16xf32>
      %swap3A_1662 = arith.index_cast %scan3A_1569 : i32 to index
      %swap3A_1663 = arith.constant 128 : index
      %swap3A_1664 = tpu.vector_load %arg10[%swap3A_1662, %swap3A_1663] {strides = array<i32>} : memref<16x224xf32, #tpu.memory_space<vmem>>, vector<16xf32>,
      tpu.vector_store %arg10[%swap3A_1662, %swap3A_1663], %sub3A_1661 {strides = array<i32>} : memref<16x224xf32, #tpu.memory_space<vmem>>, vector<16xf32>,
      %mul3A_1665 = arith.mulf %gather3A_1572, %min3A_764 : vector<16xf32>
      %add3A_1666 = arith.addf %mul3A_1665, %gather3A_171 : vector<16xf32>
      %mul3A_1667 = arith.mulf %gather3A_1573, %mul3A_804 : vector<16xf32>
      %add3A_1668 = arith.addf %mul3A_1667, %add3A_1666 : vector<16xf32>
      %sub3A_1669 = arith.subf %gather3A_1574, %mul3A_811 : vector<16xf32>
      %abs3A_1670 = math.absf %sub3A_1669 : vector<16xf32>
      %sub3A_1671 = arith.subf %add3A_1668, %abs3A_1670 : vector<16xf32>
      %swap3A_1672 = arith.index_cast %scan3A_1569 : i32 to index
      %swap3A_1673 = arith.constant 144 : index
      %swap3A_1674 = tpu.vector_load %arg10[%swap3A_1672, %swap3A_1673] {strides = array<i32>} : memref<16x224xf32, #tpu.memory_space<vmem>>, vector<16xf32>,
      tpu.vector_store %arg10[%swap3A_1672, %swap3A_1673], %sub3A_1671 {strides = array<i32>} : memref<16x224xf32, #tpu.memory_space<vmem>>, vector<16xf32>,
      %mul3A_1675 = arith.mulf %gather3A_1572, %min3A_828 : vector<16xf32>
      %add3A_1676 = arith.addf %mul3A_1675, %gather3A_171 : vector<16xf32>
      %mul3A_1677 = arith.mulf %gather3A_1573, %mul3A_868 : vector<16xf32>
      %add3A_1678 = arith.addf %mul3A_1677, %add3A_1676 : vector<16xf32>
      %sub3A_1679 = arith.subf %gather3A_1574, %mul3A_875 : vector<16xf32>
      %abs3A_1680 = math.absf %sub3A_1679 : vector<16xf32>
      %sub3A_1681 = arith.subf %add3A_1678, %abs3A_1680 : vector<16xf32>
      %swap3A_1682 = arith.index_cast %scan3A_1569 : i32 to index
      %swap3A_1683 = arith.constant 160 : index
      %swap3A_1684 = tpu.vector_load %arg10[%swap3A_1682, %swap3A_1683] {strides = array<i32>} : memref<16x224xf32, #tpu.memory_space<vmem>>, vector<16xf32>,
      tpu.vector_store %arg10[%swap3A_1682, %swap3A_1683], %sub3A_1681 {strides = array<i32>} : memref<16x224xf32, #tpu.memory_space<vmem>>, vector<16xf32>,
      %mul3A_1685 = arith.mulf %gather3A_1572, %min3A_892 : vector<16xf32>
      %add3A_1686 = arith.addf %mul3A_1685, %gather3A_171 : vector<16xf32>
      %mul3A_1687 = arith.mulf %gather3A_1573, %mul3A_932 : vector<16xf32>
      %add3A_1688 = arith.addf %mul3A_1687, %add3A_1686 : vector<16xf32>
      %sub3A_1689 = arith.subf %gather3A_1574, %mul3A_939 : vector<16xf32>
      %abs3A_1690 = math.absf %sub3A_1689 : vector<16xf32>
      %sub3A_1691 = arith.subf %add3A_1688, %abs3A_1690 : vector<16xf32>
      %swap3A_1692 = arith.index_cast %scan3A_1569 : i32 to index
      %swap3A_1693 = arith.constant 176 : index
      %swap3A_1694 = tpu.vector_load %arg10[%swap3A_1692, %swap3A_1693] {strides = array<i32>} : memref<16x224xf32, #tpu.memory_space<vmem>>, vector<16xf32>,
      tpu.vector_store %arg10[%swap3A_1692, %swap3A_1693], %sub3A_1691 {strides = array<i32>} : memref<16x224xf32, #tpu.memory_space<vmem>>, vector<16xf32>,
      %mul3A_1695 = arith.mulf %gather3A_1572, %min3A_956 : vector<16xf32>
      %add3A_1696 = arith.addf %mul3A_1695, %gather3A_171 : vector<16xf32>
      %mul3A_1697 = arith.mulf %gather3A_1573, %mul3A_996 : vector<16xf32>
      %add3A_1698 = arith.addf %mul3A_1697, %add3A_1696 : vector<16xf32>
      %sub3A_1699 = arith.subf %gather3A_1574, %mul3A_1003 : vector<16xf32>
      %abs3A_1700 = math.absf %sub3A_1699 : vector<16xf32>
      %sub3A_1701 = arith.subf %add3A_1698, %abs3A_1700 : vector<16xf32>
      %swap3A_1702 = arith.index_cast %scan3A_1569 : i32 to index
      %swap3A_1703 = arith.constant 192 : index
      %swap3A_1704 = tpu.vector_load %arg10[%swap3A_1702, %swap3A_1703] {strides = array<i32>} : memref<16x224xf32, #tpu.memory_space<vmem>>, vector<16xf32>,
      tpu.vector_store %arg10[%swap3A_1702, %swap3A_1703], %sub3A_1701 {strides = array<i32>} : memref<16x224xf32, #tpu.memory_space<vmem>>, vector<16xf32>,
      %mul3A_1705 = arith.mulf %gather3A_1572, %min3A_1020 : vector<16xf32>
      %add3A_1706 = arith.addf %mul3A_1705, %gather3A_171 : vector<16xf32>
      %mul3A_1707 = arith.mulf %gather3A_1573, %mul3A_1060 : vector<16xf32>
      %add3A_1708 = arith.addf %mul3A_1707, %add3A_1706 : vector<16xf32>
      %sub3A_1709 = arith.subf %gather3A_1574, %mul3A_1067 : vector<16xf32>
      %abs3A_1710 = math.absf %sub3A_1709 : vector<16xf32>
      %sub3A_1711 = arith.subf %add3A_1708, %abs3A_1710 : vector<16xf32>
      %swap3A_1712 = arith.index_cast %scan3A_1569 : i32 to index
      %swap3A_1713 = arith.constant 208 : index
      %swap3A_1714 = tpu.vector_load %arg10[%swap3A_1712, %swap3A_1713] {strides = array<i32>} : memref<16x224xf32, #tpu.memory_space<vmem>>, vector<16xf32>,
      tpu.vector_store %arg10[%swap3A_1712, %swap3A_1713], %sub3A_1711 {strides = array<i32>} : memref<16x224xf32, #tpu.memory_space<vmem>>, vector<16xf32>,
    }
    %scan3A_1159 = arith.constant 16 : i32
    %dma_start3A_1160 = arith.constant 0 : i32
    %dma_start3A_1161 = arith.constant 0 : i32
    %dma_start3A_1162 = tpu.memref_slice %arg4[%select_n3A, %select_n3A_32, %dma_start3A_1160, %add3A_1153, %dma_start3A_1161] : memref<4x4x3x224x224xf32, #tpu.memory_space<hbm>> -> memref<1x1x1x16x224xf32, #tpu.memory_space<hbm>>
    %dma_start3A_1163 = tpu.memref_squeeze %dma_start3A_1162 : memref<1x1x1x16x224xf32, #tpu.memory_space<hbm>> -> memref<16x224xf32, #tpu.memory_space<hbm>>
    %dma_start3A_1164 = arith.constant 0 : i32
    %dma_start3A_1165 = tpu.memref_slice %arg4[%select_n3A, %select_n3A_32, %dma_start3A_1160, %add3A_1153, %dma_start3A_1164] : memref<4x4x3x224x224xf32, #tpu.memory_space<hbm>> -> memref<1x1x1x16x224xf32, #tpu.memory_space<hbm>>
    %dma_start3A_1166 = tpu.memref_squeeze %dma_start3A_1165 : memref<1x1x1x16x224xf32, #tpu.memory_space<hbm>> -> memref<16x224xf32, #tpu.memory_space<hbm>>
    tpu.enqueue_dma source(%arg10 : memref<16x224xf32, #tpu.memory_space<vmem>>) target(%dma_start3A_1166 : memref<16x224xf32, #tpu.memory_space<hbm>>) target_semaphore(%arg12 : memref<!tpu.dma_semaphore, #tpu.memory_space<semaphore_mem>>)
    %dma_start3A_1167 = arith.constant 1 : i32
    %dma_start3A_1168 = arith.constant 0 : i32
    %dma_start3A_1169 = tpu.memref_slice %arg4[%select_n3A, %select_n3A_32, %dma_start3A_1167, %add3A_1153, %dma_start3A_1168] : memref<4x4x3x224x224xf32, #tpu.memory_space<hbm>> -> memref<1x1x1x16x224xf32, #tpu.memory_space<hbm>>
    %dma_start3A_1170 = tpu.memref_squeeze %dma_start3A_1169 : memref<1x1x1x16x224xf32, #tpu.memory_space<hbm>> -> memref<16x224xf32, #tpu.memory_space<hbm>>
    %dma_start3A_1171 = arith.constant 0 : i32
    %dma_start3A_1172 = tpu.memref_slice %arg4[%select_n3A, %select_n3A_32, %dma_start3A_1167, %add3A_1153, %dma_start3A_1171] : memref<4x4x3x224x224xf32, #tpu.memory_space<hbm>> -> memref<1x1x1x16x224xf32, #tpu.memory_space<hbm>>
    %dma_start3A_1173 = tpu.memref_squeeze %dma_start3A_1172 : memref<1x1x1x16x224xf32, #tpu.memory_space<hbm>> -> memref<16x224xf32, #tpu.memory_space<hbm>>
    tpu.enqueue_dma source(%arg10 : memref<16x224xf32, #tpu.memory_space<vmem>>) target(%dma_start3A_1173 : memref<16x224xf32, #tpu.memory_space<hbm>>) target_semaphore(%arg12 : memref<!tpu.dma_semaphore, #tpu.memory_space<semaphore_mem>>)
    %dma_start3A_1174 = arith.constant 2 : i32
    %dma_start3A_1175 = arith.constant 0 : i32
    %dma_start3A_1176 = tpu.memref_slice %arg4[%select_n3A, %select_n3A_32, %dma_start3A_1174, %add3A_1153, %dma_start3A_1175] : memref<4x4x3x224x224xf32, #tpu.memory_space<hbm>> -> memref<1x1x1x16x224xf32, #tpu.memory_space<hbm>>
    %dma_start3A_1177 = tpu.memref_squeeze %dma_start3A_1176 : memref<1x1x1x16x224xf32, #tpu.memory_space<hbm>> -> memref<16x224xf32, #tpu.memory_space<hbm>>
    %dma_start3A_1178 = arith.constant 0 : i32
    %dma_start3A_1179 = tpu.memref_slice %arg4[%select_n3A, %select_n3A_32, %dma_start3A_1174, %add3A_1153, %dma_start3A_1178] : memref<4x4x3x224x224xf32, #tpu.memory_space<hbm>> -> memref<1x1x1x16x224xf32, #tpu.memory_space<hbm>>
    %dma_start3A_1180 = tpu.memref_squeeze %dma_start3A_1179 : memref<1x1x1x16x224xf32, #tpu.memory_space<hbm>> -> memref<16x224xf32, #tpu.memory_space<hbm>>
    tpu.enqueue_dma source(%arg10 : memref<16x224xf32, #tpu.memory_space<vmem>>) target(%dma_start3A_1180 : memref<16x224xf32, #tpu.memory_space<hbm>>) target_semaphore(%arg12 : memref<!tpu.dma_semaphore, #tpu.memory_space<semaphore_mem>>)
    %dma_wait3A_1181 = arith.constant 0 : i32
    %dma_wait3A_1182 = arith.constant 0 : i32
    %dma_wait3A_1183 = tpu.memref_slice %arg4[%select_n3A, %select_n3A_32, %dma_wait3A_1181, %add3A_1104, %dma_wait3A_1182] : memref<4x4x3x224x224xf32, #tpu.memory_space<hbm>> -> memref<1x1x1x16x224xf32, #tpu.memory_space<hbm>>
    %dma_wait3A_1184 = tpu.memref_squeeze %dma_wait3A_1183 : memref<1x1x1x16x224xf32, #tpu.memory_space<hbm>> -> memref<16x224xf32, #tpu.memory_space<hbm>>
    %dma_wait3A_1185 = arith.constant 0 : i32
    %dma_wait3A_1186 = tpu.memref_slice %arg4[%select_n3A, %select_n3A_32, %dma_wait3A_1181, %add3A_1104, %dma_wait3A_1185] : memref<4x4x3x224x224xf32, #tpu.memory_space<hbm>> -> memref<1x1x1x16x224xf32, #tpu.memory_space<hbm>>
    %dma_wait3A_1187 = tpu.memref_squeeze %dma_wait3A_1186 : memref<1x1x1x16x224xf32, #tpu.memory_space<hbm>> -> memref<16x224xf32, #tpu.memory_space<hbm>>
    tpu.wait_dma2 semaphore(%arg13 : memref<!tpu.dma_semaphore, #tpu.memory_space<semaphore_mem>>) src(%arg11 : memref<16x224xf32, #tpu.memory_space<vmem>>) dst(%dma_wait3A_1187 : memref<16x224xf32, #tpu.memory_space<hbm>>)
    %dma_wait3A_1188 = arith.constant 1 : i32
    %dma_wait3A_1189 = arith.constant 0 : i32
    %dma_wait3A_1190 = tpu.memref_slice %arg4[%select_n3A, %select_n3A_32, %dma_wait3A_1188, %add3A_1104, %dma_wait3A_1189] : memref<4x4x3x224x224xf32, #tpu.memory_space<hbm>> -> memref<1x1x1x16x224xf32, #tpu.memory_space<hbm>>
    %dma_wait3A_1191 = tpu.memref_squeeze %dma_wait3A_1190 : memref<1x1x1x16x224xf32, #tpu.memory_space<hbm>> -> memref<16x224xf32, #tpu.memory_space<hbm>>
    %dma_wait3A_1192 = arith.constant 0 : i32
    %dma_wait3A_1193 = tpu.memref_slice %arg4[%select_n3A, %select_n3A_32, %dma_wait3A_1188, %add3A_1104, %dma_wait3A_1192] : memref<4x4x3x224x224xf32, #tpu.memory_space<hbm>> -> memref<1x1x1x16x224xf32, #tpu.memory_space<hbm>>
    %dma_wait3A_1194 = tpu.memref_squeeze %dma_wait3A_1193 : memref<1x1x1x16x224xf32, #tpu.memory_space<hbm>> -> memref<16x224xf32, #tpu.memory_space<hbm>>
    tpu.wait_dma2 semaphore(%arg13 : memref<!tpu.dma_semaphore, #tpu.memory_space<semaphore_mem>>) src(%arg11 : memref<16x224xf32, #tpu.memory_space<vmem>>) dst(%dma_wait3A_1194 : memref<16x224xf32, #tpu.memory_space<hbm>>)
    %dma_wait3A_1195 = arith.constant 2 : i32
    %dma_wait3A_1196 = arith.constant 0 : i32
    %dma_wait3A_1197 = tpu.memref_slice %arg4[%select_n3A, %select_n3A_32, %dma_wait3A_1195, %add3A_1104, %dma_wait3A_1196] : memref<4x4x3x224x224xf32, #tpu.memory_space<hbm>> -> memref<1x1x1x16x224xf32, #tpu.memory_space<hbm>>
    %dma_wait3A_1198 = tpu.memref_squeeze %dma_wait3A_1197 : memref<1x1x1x16x224xf32, #tpu.memory_space<hbm>> -> memref<16x224xf32, #tpu.memory_space<hbm>>
    %dma_wait3A_1199 = arith.constant 0 : i32
    %dma_wait3A_1200 = tpu.memref_slice %arg4[%select_n3A, %select_n3A_32, %dma_wait3A_1195, %add3A_1104, %dma_wait3A_1199] : memref<4x4x3x224x224xf32, #tpu.memory_space<hbm>> -> memref<1x1x1x16x224xf32, #tpu.memory_space<hbm>>
    %dma_wait3A_1201 = tpu.memref_squeeze %dma_wait3A_1200 : memref<1x1x1x16x224xf32, #tpu.memory_space<hbm>> -> memref<16x224xf32, #tpu.memory_space<hbm>>
    tpu.wait_dma2 semaphore(%arg13 : memref<!tpu.dma_semaphore, #tpu.memory_space<semaphore_mem>>) src(%arg11 : memref<16x224xf32, #tpu.memory_space<vmem>>) dst(%dma_wait3A_1201 : memref<16x224xf32, #tpu.memory_space<hbm>>)
    %add3A_1202 = arith.constant 48 : i32
    %add3A_1203 = arith.addi %mul3A_1075, %add3A_1202 : i32
    %scan3A_1204 = arith.constant 0 : i32
    %scan3A_1205 = arith.constant 0 : i32
    %scan3A_1206 = arith.constant 16 : i32
    %scan3A_1207 = arith.addi %scan3A_1205, %scan3A_1206 : i32
    %scan3A_1208 = arith.constant 2 : i32
    scf.for %scan3A_1423 = %scan3A_1205 to %scan3A_1207 step %scan3A_1208  : i32 {
      %add3A_1424 = arith.addi %add3A_1203, %scan3A_1423 : i32
      %broadcast_in_dim3A_1425 = vector.broadcast %add3A_1424 : i32 to vector<16xi32>
      %gather3A_1426 = tpu.vector_load_idx %arg6[%broadcast_in_dim3A_1425] : memref<224xf32, #tpu.memory_space<vmem>>[vector<16xi32>], vector<16xf32>,
      %gather3A_1427 = tpu.vector_load_idx %arg7[%broadcast_in_dim3A_1425] : memref<224xf32, #tpu.memory_space<vmem>>[vector<16xi32>], vector<16xf32>,
      %gather3A_1428 = tpu.vector_load_idx %arg8[%broadcast_in_dim3A_1425] : memref<224xf32, #tpu.memory_space<vmem>>[vector<16xi32>], vector<16xf32>,
      %mul3A_1429 = arith.mulf %gather3A_1426, %min3A_191 : vector<16xf32>
      %add3A_1430 = arith.addf %mul3A_1429, %gather3A_171 : vector<16xf32>
      %mul3A_1431 = arith.mulf %gather3A_1427, %mul3A_229 : vector<16xf32>
      %add3A_1432 = arith.addf %mul3A_1431, %add3A_1430 : vector<16xf32>
      %sub3A_1433 = arith.subf %gather3A_1428, %mul3A_236 : vector<16xf32>
      %abs3A = math.absf %sub3A_1433 : vector<16xf32>
      %sub3A_1434 = arith.subf %add3A_1432, %abs3A : vector<16xf32>
      %swap3A_1435 = arith.index_cast %scan3A_1423 : i32 to index
      %swap3A_1436 = arith.constant 0 : index
      %swap3A_1437 = tpu.vector_load %arg11[%swap3A_1435, %swap3A_1436] {strides = array<i32>} : memref<16x224xf32, #tpu.memory_space<vmem>>, vector<16xf32>,
      tpu.vector_store %arg11[%swap3A_1435, %swap3A_1436], %sub3A_1434 {strides = array<i32>} : memref<16x224xf32, #tpu.memory_space<vmem>>, vector<16xf32>,
      %mul3A_1438 = arith.mulf %gather3A_1426, %min3A_252 : vector<16xf32>
      %add3A_1439 = arith.addf %mul3A_1438, %gather3A_171 : vector<16xf32>
      %mul3A_1440 = arith.mulf %gather3A_1427, %mul3A_292 : vector<16xf32>
      %add3A_1441 = arith.addf %mul3A_1440, %add3A_1439 : vector<16xf32>
      %sub3A_1442 = arith.subf %gather3A_1428, %mul3A_299 : vector<16xf32>
      %abs3A_1443 = math.absf %sub3A_1442 : vector<16xf32>
      %sub3A_1444 = arith.subf %add3A_1441, %abs3A_1443 : vector<16xf32>
      %swap3A_1445 = arith.index_cast %scan3A_1423 : i32 to index
      %swap3A_1446 = arith.constant 16 : index
      %swap3A_1447 = tpu.vector_load %arg11[%swap3A_1445, %swap3A_1446] {strides = array<i32>} : memref<16x224xf32, #tpu.memory_space<vmem>>, vector<16xf32>,
      tpu.vector_store %arg11[%swap3A_1445, %swap3A_1446], %sub3A_1444 {strides = array<i32>} : memref<16x224xf32, #tpu.memory_space<vmem>>, vector<16xf32>,
      %mul3A_1448 = arith.mulf %gather3A_1426, %min3A_316 : vector<16xf32>
      %add3A_1449 = arith.addf %mul3A_1448, %gather3A_171 : vector<16xf32>
      %mul3A_1450 = arith.mulf %gather3A_1427, %mul3A_356 : vector<16xf32>
      %add3A_1451 = arith.addf %mul3A_1450, %add3A_1449 : vector<16xf32>
      %sub3A_1452 = arith.subf %gather3A_1428, %mul3A_363 : vector<16xf32>
      %abs3A_1453 = math.absf %sub3A_1452 : vector<16xf32>
      %sub3A_1454 = arith.subf %add3A_1451, %abs3A_1453 : vector<16xf32>
      %swap3A_1455 = arith.index_cast %scan3A_1423 : i32 to index
      %swap3A_1456 = arith.constant 32 : index
      %swap3A_1457 = tpu.vector_load %arg11[%swap3A_1455, %swap3A_1456] {strides = array<i32>} : memref<16x224xf32, #tpu.memory_space<vmem>>, vector<16xf32>,
      tpu.vector_store %arg11[%swap3A_1455, %swap3A_1456], %sub3A_1454 {strides = array<i32>} : memref<16x224xf32, #tpu.memory_space<vmem>>, vector<16xf32>,
      %mul3A_1458 = arith.mulf %gather3A_1426, %min3A_380 : vector<16xf32>
      %add3A_1459 = arith.addf %mul3A_1458, %gather3A_171 : vector<16xf32>
      %mul3A_1460 = arith.mulf %gather3A_1427, %mul3A_420 : vector<16xf32>
      %add3A_1461 = arith.addf %mul3A_1460, %add3A_1459 : vector<16xf32>
      %sub3A_1462 = arith.subf %gather3A_1428, %mul3A_427 : vector<16xf32>
      %abs3A_1463 = math.absf %sub3A_1462 : vector<16xf32>
      %sub3A_1464 = arith.subf %add3A_1461, %abs3A_1463 : vector<16xf32>
      %swap3A_1465 = arith.index_cast %scan3A_1423 : i32 to index
      %swap3A_1466 = arith.constant 48 : index
      %swap3A_1467 = tpu.vector_load %arg11[%swap3A_1465, %swap3A_1466] {strides = array<i32>} : memref<16x224xf32, #tpu.memory_space<vmem>>, vector<16xf32>,
      tpu.vector_store %arg11[%swap3A_1465, %swap3A_1466], %sub3A_1464 {strides = array<i32>} : memref<16x224xf32, #tpu.memory_space<vmem>>, vector<16xf32>,
      %mul3A_1468 = arith.mulf %gather3A_1426, %min3A_444 : vector<16xf32>
      %add3A_1469 = arith.addf %mul3A_1468, %gather3A_171 : vector<16xf32>
      %mul3A_1470 = arith.mulf %gather3A_1427, %mul3A_484 : vector<16xf32>
      %add3A_1471 = arith.addf %mul3A_1470, %add3A_1469 : vector<16xf32>
      %sub3A_1472 = arith.subf %gather3A_1428, %mul3A_491 : vector<16xf32>
      %abs3A_1473 = math.absf %sub3A_1472 : vector<16xf32>
      %sub3A_1474 = arith.subf %add3A_1471, %abs3A_1473 : vector<16xf32>
      %swap3A_1475 = arith.index_cast %scan3A_1423 : i32 to index
      %swap3A_1476 = arith.constant 64 : index
      %swap3A_1477 = tpu.vector_load %arg11[%swap3A_1475, %swap3A_1476] {strides = array<i32>} : memref<16x224xf32, #tpu.memory_space<vmem>>, vector<16xf32>,
      tpu.vector_store %arg11[%swap3A_1475, %swap3A_1476], %sub3A_1474 {strides = array<i32>} : memref<16x224xf32, #tpu.memory_space<vmem>>, vector<16xf32>,
      %mul3A_1478 = arith.mulf %gather3A_1426, %min3A_508 : vector<16xf32>
      %add3A_1479 = arith.addf %mul3A_1478, %gather3A_171 : vector<16xf32>
      %mul3A_1480 = arith.mulf %gather3A_1427, %mul3A_548 : vector<16xf32>
      %add3A_1481 = arith.addf %mul3A_1480, %add3A_1479 : vector<16xf32>
      %sub3A_1482 = arith.subf %gather3A_1428, %mul3A_555 : vector<16xf32>
      %abs3A_1483 = math.absf %sub3A_1482 : vector<16xf32>
      %sub3A_1484 = arith.subf %add3A_1481, %abs3A_1483 : vector<16xf32>
      %swap3A_1485 = arith.index_cast %scan3A_1423 : i32 to index
      %swap3A_1486 = arith.constant 80 : index
      %swap3A_1487 = tpu.vector_load %arg11[%swap3A_1485, %swap3A_1486] {strides = array<i32>} : memref<16x224xf32, #tpu.memory_space<vmem>>, vector<16xf32>,
      tpu.vector_store %arg11[%swap3A_1485, %swap3A_1486], %sub3A_1484 {strides = array<i32>} : memref<16x224xf32, #tpu.memory_space<vmem>>, vector<16xf32>,
      %mul3A_1488 = arith.mulf %gather3A_1426, %min3A_572 : vector<16xf32>
      %add3A_1489 = arith.addf %mul3A_1488, %gather3A_171 : vector<16xf32>
      %mul3A_1490 = arith.mulf %gather3A_1427, %mul3A_612 : vector<16xf32>
      %add3A_1491 = arith.addf %mul3A_1490, %add3A_1489 : vector<16xf32>
      %sub3A_1492 = arith.subf %gather3A_1428, %mul3A_619 : vector<16xf32>
      %abs3A_1493 = math.absf %sub3A_1492 : vector<16xf32>
      %sub3A_1494 = arith.subf %add3A_1491, %abs3A_1493 : vector<16xf32>
      %swap3A_1495 = arith.index_cast %scan3A_1423 : i32 to index
      %swap3A_1496 = arith.constant 96 : index
      %swap3A_1497 = tpu.vector_load %arg11[%swap3A_1495, %swap3A_1496] {strides = array<i32>} : memref<16x224xf32, #tpu.memory_space<vmem>>, vector<16xf32>,
      tpu.vector_store %arg11[%swap3A_1495, %swap3A_1496], %sub3A_1494 {strides = array<i32>} : memref<16x224xf32, #tpu.memory_space<vmem>>, vector<16xf32>,
      %mul3A_1498 = arith.mulf %gather3A_1426, %min3A_636 : vector<16xf32>
      %add3A_1499 = arith.addf %mul3A_1498, %gather3A_171 : vector<16xf32>
      %mul3A_1500 = arith.mulf %gather3A_1427, %mul3A_676 : vector<16xf32>
      %add3A_1501 = arith.addf %mul3A_1500, %add3A_1499 : vector<16xf32>
      %sub3A_1502 = arith.subf %gather3A_1428, %mul3A_683 : vector<16xf32>
      %abs3A_1503 = math.absf %sub3A_1502 : vector<16xf32>
      %sub3A_1504 = arith.subf %add3A_1501, %abs3A_1503 : vector<16xf32>
      %swap3A_1505 = arith.index_cast %scan3A_1423 : i32 to index
      %swap3A_1506 = arith.constant 112 : index
      %swap3A_1507 = tpu.vector_load %arg11[%swap3A_1505, %swap3A_1506] {strides = array<i32>} : memref<16x224xf32, #tpu.memory_space<vmem>>, vector<16xf32>,
      tpu.vector_store %arg11[%swap3A_1505, %swap3A_1506], %sub3A_1504 {strides = array<i32>} : memref<16x224xf32, #tpu.memory_space<vmem>>, vector<16xf32>,
      %mul3A_1508 = arith.mulf %gather3A_1426, %min3A_700 : vector<16xf32>
      %add3A_1509 = arith.addf %mul3A_1508, %gather3A_171 : vector<16xf32>
      %mul3A_1510 = arith.mulf %gather3A_1427, %mul3A_740 : vector<16xf32>
      %add3A_1511 = arith.addf %mul3A_1510, %add3A_1509 : vector<16xf32>
      %sub3A_1512 = arith.subf %gather3A_1428, %mul3A_747 : vector<16xf32>
      %abs3A_1513 = math.absf %sub3A_1512 : vector<16xf32>
      %sub3A_1514 = arith.subf %add3A_1511, %abs3A_1513 : vector<16xf32>
      %swap3A_1515 = arith.index_cast %scan3A_1423 : i32 to index
      %swap3A_1516 = arith.constant 128 : index
      %swap3A_1517 = tpu.vector_load %arg11[%swap3A_1515, %swap3A_1516] {strides = array<i32>} : memref<16x224xf32, #tpu.memory_space<vmem>>, vector<16xf32>,
      tpu.vector_store %arg11[%swap3A_1515, %swap3A_1516], %sub3A_1514 {strides = array<i32>} : memref<16x224xf32, #tpu.memory_space<vmem>>, vector<16xf32>,
      %mul3A_1518 = arith.mulf %gather3A_1426, %min3A_764 : vector<16xf32>
      %add3A_1519 = arith.addf %mul3A_1518, %gather3A_171 : vector<16xf32>
      %mul3A_1520 = arith.mulf %gather3A_1427, %mul3A_804 : vector<16xf32>
      %add3A_1521 = arith.addf %mul3A_1520, %add3A_1519 : vector<16xf32>
      %sub3A_1522 = arith.subf %gather3A_1428, %mul3A_811 : vector<16xf32>
      %abs3A_1523 = math.absf %sub3A_1522 : vector<16xf32>
      %sub3A_1524 = arith.subf %add3A_1521, %abs3A_1523 : vector<16xf32>
      %swap3A_1525 = arith.index_cast %scan3A_1423 : i32 to index
      %swap3A_1526 = arith.constant 144 : index
      %swap3A_1527 = tpu.vector_load %arg11[%swap3A_1525, %swap3A_1526] {strides = array<i32>} : memref<16x224xf32, #tpu.memory_space<vmem>>, vector<16xf32>,
      tpu.vector_store %arg11[%swap3A_1525, %swap3A_1526], %sub3A_1524 {strides = array<i32>} : memref<16x224xf32, #tpu.memory_space<vmem>>, vector<16xf32>,
      %mul3A_1528 = arith.mulf %gather3A_1426, %min3A_828 : vector<16xf32>
      %add3A_1529 = arith.addf %mul3A_1528, %gather3A_171 : vector<16xf32>
      %mul3A_1530 = arith.mulf %gather3A_1427, %mul3A_868 : vector<16xf32>
      %add3A_1531 = arith.addf %mul3A_1530, %add3A_1529 : vector<16xf32>
      %sub3A_1532 = arith.subf %gather3A_1428, %mul3A_875 : vector<16xf32>
      %abs3A_1533 = math.absf %sub3A_1532 : vector<16xf32>
      %sub3A_1534 = arith.subf %add3A_1531, %abs3A_1533 : vector<16xf32>
      %swap3A_1535 = arith.index_cast %scan3A_1423 : i32 to index
      %swap3A_1536 = arith.constant 160 : index
      %swap3A_1537 = tpu.vector_load %arg11[%swap3A_1535, %swap3A_1536] {strides = array<i32>} : memref<16x224xf32, #tpu.memory_space<vmem>>, vector<16xf32>,
      tpu.vector_store %arg11[%swap3A_1535, %swap3A_1536], %sub3A_1534 {strides = array<i32>} : memref<16x224xf32, #tpu.memory_space<vmem>>, vector<16xf32>,
      %mul3A_1538 = arith.mulf %gather3A_1426, %min3A_892 : vector<16xf32>
      %add3A_1539 = arith.addf %mul3A_1538, %gather3A_171 : vector<16xf32>
      %mul3A_1540 = arith.mulf %gather3A_1427, %mul3A_932 : vector<16xf32>
      %add3A_1541 = arith.addf %mul3A_1540, %add3A_1539 : vector<16xf32>
      %sub3A_1542 = arith.subf %gather3A_1428, %mul3A_939 : vector<16xf32>
      %abs3A_1543 = math.absf %sub3A_1542 : vector<16xf32>
      %sub3A_1544 = arith.subf %add3A_1541, %abs3A_1543 : vector<16xf32>
      %swap3A_1545 = arith.index_cast %scan3A_1423 : i32 to index
      %swap3A_1546 = arith.constant 176 : index
      %swap3A_1547 = tpu.vector_load %arg11[%swap3A_1545, %swap3A_1546] {strides = array<i32>} : memref<16x224xf32, #tpu.memory_space<vmem>>, vector<16xf32>,
      tpu.vector_store %arg11[%swap3A_1545, %swap3A_1546], %sub3A_1544 {strides = array<i32>} : memref<16x224xf32, #tpu.memory_space<vmem>>, vector<16xf32>,
      %mul3A_1548 = arith.mulf %gather3A_1426, %min3A_956 : vector<16xf32>
      %add3A_1549 = arith.addf %mul3A_1548, %gather3A_171 : vector<16xf32>
      %mul3A_1550 = arith.mulf %gather3A_1427, %mul3A_996 : vector<16xf32>
      %add3A_1551 = arith.addf %mul3A_1550, %add3A_1549 : vector<16xf32>
      %sub3A_1552 = arith.subf %gather3A_1428, %mul3A_1003 : vector<16xf32>
      %abs3A_1553 = math.absf %sub3A_1552 : vector<16xf32>
      %sub3A_1554 = arith.subf %add3A_1551, %abs3A_1553 : vector<16xf32>
      %swap3A_1555 = arith.index_cast %scan3A_1423 : i32 to index
      %swap3A_1556 = arith.constant 192 : index
      %swap3A_1557 = tpu.vector_load %arg11[%swap3A_1555, %swap3A_1556] {strides = array<i32>} : memref<16x224xf32, #tpu.memory_space<vmem>>, vector<16xf32>,
      tpu.vector_store %arg11[%swap3A_1555, %swap3A_1556], %sub3A_1554 {strides = array<i32>} : memref<16x224xf32, #tpu.memory_space<vmem>>, vector<16xf32>,
      %mul3A_1558 = arith.mulf %gather3A_1426, %min3A_1020 : vector<16xf32>
      %add3A_1559 = arith.addf %mul3A_1558, %gather3A_171 : vector<16xf32>
      %mul3A_1560 = arith.mulf %gather3A_1427, %mul3A_1060 : vector<16xf32>
      %add3A_1561 = arith.addf %mul3A_1560, %add3A_1559 : vector<16xf32>
      %sub3A_1562 = arith.subf %gather3A_1428, %mul3A_1067 : vector<16xf32>
      %abs3A_1563 = math.absf %sub3A_1562 : vector<16xf32>
      %sub3A_1564 = arith.subf %add3A_1561, %abs3A_1563 : vector<16xf32>
      %swap3A_1565 = arith.index_cast %scan3A_1423 : i32 to index
      %swap3A_1566 = arith.constant 208 : index
      %swap3A_1567 = tpu.vector_load %arg11[%swap3A_1565, %swap3A_1566] {strides = array<i32>} : memref<16x224xf32, #tpu.memory_space<vmem>>, vector<16xf32>,
      tpu.vector_store %arg11[%swap3A_1565, %swap3A_1566], %sub3A_1564 {strides = array<i32>} : memref<16x224xf32, #tpu.memory_space<vmem>>, vector<16xf32>,
      %scan3A_1568 = arith.constant 1 : i32
      %scan3A_1569 = arith.addi %scan3A_1423, %scan3A_1568 : i32
      %add3A_1570 = arith.addi %add3A_1203, %scan3A_1569 : i32
      %broadcast_in_dim3A_1571 = vector.broadcast %add3A_1570 : i32 to vector<16xi32>
      %gather3A_1572 = tpu.vector_load_idx %arg6[%broadcast_in_dim3A_1571] : memref<224xf32, #tpu.memory_space<vmem>>[vector<16xi32>], vector<16xf32>,
      %gather3A_1573 = tpu.vector_load_idx %arg7[%broadcast_in_dim3A_1571] : memref<224xf32, #tpu.memory_space<vmem>>[vector<16xi32>], vector<16xf32>,
      %gather3A_1574 = tpu.vector_load_idx %arg8[%broadcast_in_dim3A_1571] : memref<224xf32, #tpu.memory_space<vmem>>[vector<16xi32>], vector<16xf32>,
      %mul3A_1575 = arith.mulf %gather3A_1572, %min3A_191 : vector<16xf32>
      %add3A_1576 = arith.addf %mul3A_1575, %gather3A_171 : vector<16xf32>
      %mul3A_1577 = arith.mulf %gather3A_1573, %mul3A_229 : vector<16xf32>
      %add3A_1578 = arith.addf %mul3A_1577, %add3A_1576 : vector<16xf32>
      %sub3A_1579 = arith.subf %gather3A_1574, %mul3A_236 : vector<16xf32>
      %abs3A_1580 = math.absf %sub3A_1579 : vector<16xf32>
      %sub3A_1581 = arith.subf %add3A_1578, %abs3A_1580 : vector<16xf32>
      %swap3A_1582 = arith.index_cast %scan3A_1569 : i32 to index
      %swap3A_1583 = arith.constant 0 : index
      %swap3A_1584 = tpu.vector_load %arg11[%swap3A_1582, %swap3A_1583] {strides = array<i32>} : memref<16x224xf32, #tpu.memory_space<vmem>>, vector<16xf32>,
      tpu.vector_store %arg11[%swap3A_1582, %swap3A_1583], %sub3A_1581 {strides = array<i32>} : memref<16x224xf32, #tpu.memory_space<vmem>>, vector<16xf32>,
      %mul3A_1585 = arith.mulf %gather3A_1572, %min3A_252 : vector<16xf32>
      %add3A_1586 = arith.addf %mul3A_1585, %gather3A_171 : vector<16xf32>
      %mul3A_1587 = arith.mulf %gather3A_1573, %mul3A_292 : vector<16xf32>
      %add3A_1588 = arith.addf %mul3A_1587, %add3A_1586 : vector<16xf32>
      %sub3A_1589 = arith.subf %gather3A_1574, %mul3A_299 : vector<16xf32>
      %abs3A_1590 = math.absf %sub3A_1589 : vector<16xf32>
      %sub3A_1591 = arith.subf %add3A_1588, %abs3A_1590 : vector<16xf32>
      %swap3A_1592 = arith.index_cast %scan3A_1569 : i32 to index
      %swap3A_1593 = arith.constant 16 : index
      %swap3A_1594 = tpu.vector_load %arg11[%swap3A_1592, %swap3A_1593] {strides = array<i32>} : memref<16x224xf32, #tpu.memory_space<vmem>>, vector<16xf32>,
      tpu.vector_store %arg11[%swap3A_1592, %swap3A_1593], %sub3A_1591 {strides = array<i32>} : memref<16x224xf32, #tpu.memory_space<vmem>>, vector<16xf32>,
      %mul3A_1595 = arith.mulf %gather3A_1572, %min3A_316 : vector<16xf32>
      %add3A_1596 = arith.addf %mul3A_1595, %gather3A_171 : vector<16xf32>
      %mul3A_1597 = arith.mulf %gather3A_1573, %mul3A_356 : vector<16xf32>
      %add3A_1598 = arith.addf %mul3A_1597, %add3A_1596 : vector<16xf32>
      %sub3A_1599 = arith.subf %gather3A_1574, %mul3A_363 : vector<16xf32>
      %abs3A_1600 = math.absf %sub3A_1599 : vector<16xf32>
      %sub3A_1601 = arith.subf %add3A_1598, %abs3A_1600 : vector<16xf32>
      %swap3A_1602 = arith.index_cast %scan3A_1569 : i32 to index
      %swap3A_1603 = arith.constant 32 : index
      %swap3A_1604 = tpu.vector_load %arg11[%swap3A_1602, %swap3A_1603] {strides = array<i32>} : memref<16x224xf32, #tpu.memory_space<vmem>>, vector<16xf32>,
      tpu.vector_store %arg11[%swap3A_1602, %swap3A_1603], %sub3A_1601 {strides = array<i32>} : memref<16x224xf32, #tpu.memory_space<vmem>>, vector<16xf32>,
      %mul3A_1605 = arith.mulf %gather3A_1572, %min3A_380 : vector<16xf32>
      %add3A_1606 = arith.addf %mul3A_1605, %gather3A_171 : vector<16xf32>
      %mul3A_1607 = arith.mulf %gather3A_1573, %mul3A_420 : vector<16xf32>
      %add3A_1608 = arith.addf %mul3A_1607, %add3A_1606 : vector<16xf32>
      %sub3A_1609 = arith.subf %gather3A_1574, %mul3A_427 : vector<16xf32>
      %abs3A_1610 = math.absf %sub3A_1609 : vector<16xf32>
      %sub3A_1611 = arith.subf %add3A_1608, %abs3A_1610 : vector<16xf32>
      %swap3A_1612 = arith.index_cast %scan3A_1569 : i32 to index
      %swap3A_1613 = arith.constant 48 : index
      %swap3A_1614 = tpu.vector_load %arg11[%swap3A_1612, %swap3A_1613] {strides = array<i32>} : memref<16x224xf32, #tpu.memory_space<vmem>>, vector<16xf32>,
      tpu.vector_store %arg11[%swap3A_1612, %swap3A_1613], %sub3A_1611 {strides = array<i32>} : memref<16x224xf32, #tpu.memory_space<vmem>>, vector<16xf32>,
      %mul3A_1615 = arith.mulf %gather3A_1572, %min3A_444 : vector<16xf32>
      %add3A_1616 = arith.addf %mul3A_1615, %gather3A_171 : vector<16xf32>
      %mul3A_1617 = arith.mulf %gather3A_1573, %mul3A_484 : vector<16xf32>
      %add3A_1618 = arith.addf %mul3A_1617, %add3A_1616 : vector<16xf32>
      %sub3A_1619 = arith.subf %gather3A_1574, %mul3A_491 : vector<16xf32>
      %abs3A_1620 = math.absf %sub3A_1619 : vector<16xf32>
      %sub3A_1621 = arith.subf %add3A_1618, %abs3A_1620 : vector<16xf32>
      %swap3A_1622 = arith.index_cast %scan3A_1569 : i32 to index
      %swap3A_1623 = arith.constant 64 : index
      %swap3A_1624 = tpu.vector_load %arg11[%swap3A_1622, %swap3A_1623] {strides = array<i32>} : memref<16x224xf32, #tpu.memory_space<vmem>>, vector<16xf32>,
      tpu.vector_store %arg11[%swap3A_1622, %swap3A_1623], %sub3A_1621 {strides = array<i32>} : memref<16x224xf32, #tpu.memory_space<vmem>>, vector<16xf32>,
      %mul3A_1625 = arith.mulf %gather3A_1572, %min3A_508 : vector<16xf32>
      %add3A_1626 = arith.addf %mul3A_1625, %gather3A_171 : vector<16xf32>
      %mul3A_1627 = arith.mulf %gather3A_1573, %mul3A_548 : vector<16xf32>
      %add3A_1628 = arith.addf %mul3A_1627, %add3A_1626 : vector<16xf32>
      %sub3A_1629 = arith.subf %gather3A_1574, %mul3A_555 : vector<16xf32>
      %abs3A_1630 = math.absf %sub3A_1629 : vector<16xf32>
      %sub3A_1631 = arith.subf %add3A_1628, %abs3A_1630 : vector<16xf32>
      %swap3A_1632 = arith.index_cast %scan3A_1569 : i32 to index
      %swap3A_1633 = arith.constant 80 : index
      %swap3A_1634 = tpu.vector_load %arg11[%swap3A_1632, %swap3A_1633] {strides = array<i32>} : memref<16x224xf32, #tpu.memory_space<vmem>>, vector<16xf32>,
      tpu.vector_store %arg11[%swap3A_1632, %swap3A_1633], %sub3A_1631 {strides = array<i32>} : memref<16x224xf32, #tpu.memory_space<vmem>>, vector<16xf32>,
      %mul3A_1635 = arith.mulf %gather3A_1572, %min3A_572 : vector<16xf32>
      %add3A_1636 = arith.addf %mul3A_1635, %gather3A_171 : vector<16xf32>
      %mul3A_1637 = arith.mulf %gather3A_1573, %mul3A_612 : vector<16xf32>
      %add3A_1638 = arith.addf %mul3A_1637, %add3A_1636 : vector<16xf32>
      %sub3A_1639 = arith.subf %gather3A_1574, %mul3A_619 : vector<16xf32>
      %abs3A_1640 = math.absf %sub3A_1639 : vector<16xf32>
      %sub3A_1641 = arith.subf %add3A_1638, %abs3A_1640 : vector<16xf32>
      %swap3A_1642 = arith.index_cast %scan3A_1569 : i32 to index
      %swap3A_1643 = arith.constant 96 : index
      %swap3A_1644 = tpu.vector_load %arg11[%swap3A_1642, %swap3A_1643] {strides = array<i32>} : memref<16x224xf32, #tpu.memory_space<vmem>>, vector<16xf32>,
      tpu.vector_store %arg11[%swap3A_1642, %swap3A_1643], %sub3A_1641 {strides = array<i32>} : memref<16x224xf32, #tpu.memory_space<vmem>>, vector<16xf32>,
      %mul3A_1645 = arith.mulf %gather3A_1572, %min3A_636 : vector<16xf32>
      %add3A_1646 = arith.addf %mul3A_1645, %gather3A_171 : vector<16xf32>
      %mul3A_1647 = arith.mulf %gather3A_1573, %mul3A_676 : vector<16xf32>
      %add3A_1648 = arith.addf %mul3A_1647, %add3A_1646 : vector<16xf32>
      %sub3A_1649 = arith.subf %gather3A_1574, %mul3A_683 : vector<16xf32>
      %abs3A_1650 = math.absf %sub3A_1649 : vector<16xf32>
      %sub3A_1651 = arith.subf %add3A_1648, %abs3A_1650 : vector<16xf32>
      %swap3A_1652 = arith.index_cast %scan3A_1569 : i32 to index
      %swap3A_1653 = arith.constant 112 : index
      %swap3A_1654 = tpu.vector_load %arg11[%swap3A_1652, %swap3A_1653] {strides = array<i32>} : memref<16x224xf32, #tpu.memory_space<vmem>>, vector<16xf32>,
      tpu.vector_store %arg11[%swap3A_1652, %swap3A_1653], %sub3A_1651 {strides = array<i32>} : memref<16x224xf32, #tpu.memory_space<vmem>>, vector<16xf32>,
      %mul3A_1655 = arith.mulf %gather3A_1572, %min3A_700 : vector<16xf32>
      %add3A_1656 = arith.addf %mul3A_1655, %gather3A_171 : vector<16xf32>
      %mul3A_1657 = arith.mulf %gather3A_1573, %mul3A_740 : vector<16xf32>
      %add3A_1658 = arith.addf %mul3A_1657, %add3A_1656 : vector<16xf32>
      %sub3A_1659 = arith.subf %gather3A_1574, %mul3A_747 : vector<16xf32>
      %abs3A_1660 = math.absf %sub3A_1659 : vector<16xf32>
      %sub3A_1661 = arith.subf %add3A_1658, %abs3A_1660 : vector<16xf32>
      %swap3A_1662 = arith.index_cast %scan3A_1569 : i32 to index
      %swap3A_1663 = arith.constant 128 : index
      %swap3A_1664 = tpu.vector_load %arg11[%swap3A_1662, %swap3A_1663] {strides = array<i32>} : memref<16x224xf32, #tpu.memory_space<vmem>>, vector<16xf32>,
      tpu.vector_store %arg11[%swap3A_1662, %swap3A_1663], %sub3A_1661 {strides = array<i32>} : memref<16x224xf32, #tpu.memory_space<vmem>>, vector<16xf32>,
      %mul3A_1665 = arith.mulf %gather3A_1572, %min3A_764 : vector<16xf32>
      %add3A_1666 = arith.addf %mul3A_1665, %gather3A_171 : vector<16xf32>
      %mul3A_1667 = arith.mulf %gather3A_1573, %mul3A_804 : vector<16xf32>
      %add3A_1668 = arith.addf %mul3A_1667, %add3A_1666 : vector<16xf32>
      %sub3A_1669 = arith.subf %gather3A_1574, %mul3A_811 : vector<16xf32>
      %abs3A_1670 = math.absf %sub3A_1669 : vector<16xf32>
      %sub3A_1671 = arith.subf %add3A_1668, %abs3A_1670 : vector<16xf32>
      %swap3A_1672 = arith.index_cast %scan3A_1569 : i32 to index
      %swap3A_1673 = arith.constant 144 : index
      %swap3A_1674 = tpu.vector_load %arg11[%swap3A_1672, %swap3A_1673] {strides = array<i32>} : memref<16x224xf32, #tpu.memory_space<vmem>>, vector<16xf32>,
      tpu.vector_store %arg11[%swap3A_1672, %swap3A_1673], %sub3A_1671 {strides = array<i32>} : memref<16x224xf32, #tpu.memory_space<vmem>>, vector<16xf32>,
      %mul3A_1675 = arith.mulf %gather3A_1572, %min3A_828 : vector<16xf32>
      %add3A_1676 = arith.addf %mul3A_1675, %gather3A_171 : vector<16xf32>
      %mul3A_1677 = arith.mulf %gather3A_1573, %mul3A_868 : vector<16xf32>
      %add3A_1678 = arith.addf %mul3A_1677, %add3A_1676 : vector<16xf32>
      %sub3A_1679 = arith.subf %gather3A_1574, %mul3A_875 : vector<16xf32>
      %abs3A_1680 = math.absf %sub3A_1679 : vector<16xf32>
      %sub3A_1681 = arith.subf %add3A_1678, %abs3A_1680 : vector<16xf32>
      %swap3A_1682 = arith.index_cast %scan3A_1569 : i32 to index
      %swap3A_1683 = arith.constant 160 : index
      %swap3A_1684 = tpu.vector_load %arg11[%swap3A_1682, %swap3A_1683] {strides = array<i32>} : memref<16x224xf32, #tpu.memory_space<vmem>>, vector<16xf32>,
      tpu.vector_store %arg11[%swap3A_1682, %swap3A_1683], %sub3A_1681 {strides = array<i32>} : memref<16x224xf32, #tpu.memory_space<vmem>>, vector<16xf32>,
      %mul3A_1685 = arith.mulf %gather3A_1572, %min3A_892 : vector<16xf32>
      %add3A_1686 = arith.addf %mul3A_1685, %gather3A_171 : vector<16xf32>
      %mul3A_1687 = arith.mulf %gather3A_1573, %mul3A_932 : vector<16xf32>
      %add3A_1688 = arith.addf %mul3A_1687, %add3A_1686 : vector<16xf32>
      %sub3A_1689 = arith.subf %gather3A_1574, %mul3A_939 : vector<16xf32>
      %abs3A_1690 = math.absf %sub3A_1689 : vector<16xf32>
      %sub3A_1691 = arith.subf %add3A_1688, %abs3A_1690 : vector<16xf32>
      %swap3A_1692 = arith.index_cast %scan3A_1569 : i32 to index
      %swap3A_1693 = arith.constant 176 : index
      %swap3A_1694 = tpu.vector_load %arg11[%swap3A_1692, %swap3A_1693] {strides = array<i32>} : memref<16x224xf32, #tpu.memory_space<vmem>>, vector<16xf32>,
      tpu.vector_store %arg11[%swap3A_1692, %swap3A_1693], %sub3A_1691 {strides = array<i32>} : memref<16x224xf32, #tpu.memory_space<vmem>>, vector<16xf32>,
      %mul3A_1695 = arith.mulf %gather3A_1572, %min3A_956 : vector<16xf32>
      %add3A_1696 = arith.addf %mul3A_1695, %gather3A_171 : vector<16xf32>
      %mul3A_1697 = arith.mulf %gather3A_1573, %mul3A_996 : vector<16xf32>
      %add3A_1698 = arith.addf %mul3A_1697, %add3A_1696 : vector<16xf32>
      %sub3A_1699 = arith.subf %gather3A_1574, %mul3A_1003 : vector<16xf32>
      %abs3A_1700 = math.absf %sub3A_1699 : vector<16xf32>
      %sub3A_1701 = arith.subf %add3A_1698, %abs3A_1700 : vector<16xf32>
      %swap3A_1702 = arith.index_cast %scan3A_1569 : i32 to index
      %swap3A_1703 = arith.constant 192 : index
      %swap3A_1704 = tpu.vector_load %arg11[%swap3A_1702, %swap3A_1703] {strides = array<i32>} : memref<16x224xf32, #tpu.memory_space<vmem>>, vector<16xf32>,
      tpu.vector_store %arg11[%swap3A_1702, %swap3A_1703], %sub3A_1701 {strides = array<i32>} : memref<16x224xf32, #tpu.memory_space<vmem>>, vector<16xf32>,
      %mul3A_1705 = arith.mulf %gather3A_1572, %min3A_1020 : vector<16xf32>
      %add3A_1706 = arith.addf %mul3A_1705, %gather3A_171 : vector<16xf32>
      %mul3A_1707 = arith.mulf %gather3A_1573, %mul3A_1060 : vector<16xf32>
      %add3A_1708 = arith.addf %mul3A_1707, %add3A_1706 : vector<16xf32>
      %sub3A_1709 = arith.subf %gather3A_1574, %mul3A_1067 : vector<16xf32>
      %abs3A_1710 = math.absf %sub3A_1709 : vector<16xf32>
      %sub3A_1711 = arith.subf %add3A_1708, %abs3A_1710 : vector<16xf32>
      %swap3A_1712 = arith.index_cast %scan3A_1569 : i32 to index
      %swap3A_1713 = arith.constant 208 : index
      %swap3A_1714 = tpu.vector_load %arg11[%swap3A_1712, %swap3A_1713] {strides = array<i32>} : memref<16x224xf32, #tpu.memory_space<vmem>>, vector<16xf32>,
      tpu.vector_store %arg11[%swap3A_1712, %swap3A_1713], %sub3A_1711 {strides = array<i32>} : memref<16x224xf32, #tpu.memory_space<vmem>>, vector<16xf32>,
    }
    %scan3A_1209 = arith.constant 16 : i32
    %dma_start3A_1210 = arith.constant 0 : i32
    %dma_start3A_1211 = arith.constant 0 : i32
    %dma_start3A_1212 = tpu.memref_slice %arg4[%select_n3A, %select_n3A_32, %dma_start3A_1210, %add3A_1203, %dma_start3A_1211] : memref<4x4x3x224x224xf32, #tpu.memory_space<hbm>> -> memref<1x1x1x16x224xf32, #tpu.memory_space<hbm>>
    %dma_start3A_1213 = tpu.memref_squeeze %dma_start3A_1212 : memref<1x1x1x16x224xf32, #tpu.memory_space<hbm>> -> memref<16x224xf32, #tpu.memory_space<hbm>>
    %dma_start3A_1214 = arith.constant 0 : i32
    %dma_start3A_1215 = tpu.memref_slice %arg4[%select_n3A, %select_n3A_32, %dma_start3A_1210, %add3A_1203, %dma_start3A_1214] : memref<4x4x3x224x224xf32, #tpu.memory_space<hbm>> -> memref<1x1x1x16x224xf32, #tpu.memory_space<hbm>>
    %dma_start3A_1216 = tpu.memref_squeeze %dma_start3A_1215 : memref<1x1x1x16x224xf32, #tpu.memory_space<hbm>> -> memref<16x224xf32, #tpu.memory_space<hbm>>
    tpu.enqueue_dma source(%arg11 : memref<16x224xf32, #tpu.memory_space<vmem>>) target(%dma_start3A_1216 : memref<16x224xf32, #tpu.memory_space<hbm>>) target_semaphore(%arg13 : memref<!tpu.dma_semaphore, #tpu.memory_space<semaphore_mem>>)
    %dma_start3A_1217 = arith.constant 1 : i32
    %dma_start3A_1218 = arith.constant 0 : i32
    %dma_start3A_1219 = tpu.memref_slice %arg4[%select_n3A, %select_n3A_32, %dma_start3A_1217, %add3A_1203, %dma_start3A_1218] : memref<4x4x3x224x224xf32, #tpu.memory_space<hbm>> -> memref<1x1x1x16x224xf32, #tpu.memory_space<hbm>>
    %dma_start3A_1220 = tpu.memref_squeeze %dma_start3A_1219 : memref<1x1x1x16x224xf32, #tpu.memory_space<hbm>> -> memref<16x224xf32, #tpu.memory_space<hbm>>
    %dma_start3A_1221 = arith.constant 0 : i32
    %dma_start3A_1222 = tpu.memref_slice %arg4[%select_n3A, %select_n3A_32, %dma_start3A_1217, %add3A_1203, %dma_start3A_1221] : memref<4x4x3x224x224xf32, #tpu.memory_space<hbm>> -> memref<1x1x1x16x224xf32, #tpu.memory_space<hbm>>
    %dma_start3A_1223 = tpu.memref_squeeze %dma_start3A_1222 : memref<1x1x1x16x224xf32, #tpu.memory_space<hbm>> -> memref<16x224xf32, #tpu.memory_space<hbm>>
    tpu.enqueue_dma source(%arg11 : memref<16x224xf32, #tpu.memory_space<vmem>>) target(%dma_start3A_1223 : memref<16x224xf32, #tpu.memory_space<hbm>>) target_semaphore(%arg13 : memref<!tpu.dma_semaphore, #tpu.memory_space<semaphore_mem>>)
    %dma_start3A_1224 = arith.constant 2 : i32
    %dma_start3A_1225 = arith.constant 0 : i32
    %dma_start3A_1226 = tpu.memref_slice %arg4[%select_n3A, %select_n3A_32, %dma_start3A_1224, %add3A_1203, %dma_start3A_1225] : memref<4x4x3x224x224xf32, #tpu.memory_space<hbm>> -> memref<1x1x1x16x224xf32, #tpu.memory_space<hbm>>
    %dma_start3A_1227 = tpu.memref_squeeze %dma_start3A_1226 : memref<1x1x1x16x224xf32, #tpu.memory_space<hbm>> -> memref<16x224xf32, #tpu.memory_space<hbm>>
    %dma_start3A_1228 = arith.constant 0 : i32
    %dma_start3A_1229 = tpu.memref_slice %arg4[%select_n3A, %select_n3A_32, %dma_start3A_1224, %add3A_1203, %dma_start3A_1228] : memref<4x4x3x224x224xf32, #tpu.memory_space<hbm>> -> memref<1x1x1x16x224xf32, #tpu.memory_space<hbm>>
    %dma_start3A_1230 = tpu.memref_squeeze %dma_start3A_1229 : memref<1x1x1x16x224xf32, #tpu.memory_space<hbm>> -> memref<16x224xf32, #tpu.memory_space<hbm>>
    tpu.enqueue_dma source(%arg11 : memref<16x224xf32, #tpu.memory_space<vmem>>) target(%dma_start3A_1230 : memref<16x224xf32, #tpu.memory_space<hbm>>) target_semaphore(%arg13 : memref<!tpu.dma_semaphore, #tpu.memory_space<semaphore_mem>>)
    %dma_wait3A_1231 = arith.constant 0 : i32
    %dma_wait3A_1232 = arith.constant 0 : i32
    %dma_wait3A_1233 = tpu.memref_slice %arg4[%select_n3A, %select_n3A_32, %dma_wait3A_1231, %add3A_1153, %dma_wait3A_1232] : memref<4x4x3x224x224xf32, #tpu.memory_space<hbm>> -> memref<1x1x1x16x224xf32, #tpu.memory_space<hbm>>
    %dma_wait3A_1234 = tpu.memref_squeeze %dma_wait3A_1233 : memref<1x1x1x16x224xf32, #tpu.memory_space<hbm>> -> memref<16x224xf32, #tpu.memory_space<hbm>>
    %dma_wait3A_1235 = arith.constant 0 : i32
    %dma_wait3A_1236 = tpu.memref_slice %arg4[%select_n3A, %select_n3A_32, %dma_wait3A_1231, %add3A_1153, %dma_wait3A_1235] : memref<4x4x3x224x224xf32, #tpu.memory_space<hbm>> -> memref<1x1x1x16x224xf32, #tpu.memory_space<hbm>>
    %dma_wait3A_1237 = tpu.memref_squeeze %dma_wait3A_1236 : memref<1x1x1x16x224xf32, #tpu.memory_space<hbm>> -> memref<16x224xf32, #tpu.memory_space<hbm>>
    tpu.wait_dma2 semaphore(%arg12 : memref<!tpu.dma_semaphore, #tpu.memory_space<semaphore_mem>>) src(%arg10 : memref<16x224xf32, #tpu.memory_space<vmem>>) dst(%dma_wait3A_1237 : memref<16x224xf32, #tpu.memory_space<hbm>>)
    %dma_wait3A_1238 = arith.constant 1 : i32
    %dma_wait3A_1239 = arith.constant 0 : i32
    %dma_wait3A_1240 = tpu.memref_slice %arg4[%select_n3A, %select_n3A_32, %dma_wait3A_1238, %add3A_1153, %dma_wait3A_1239] : memref<4x4x3x224x224xf32, #tpu.memory_space<hbm>> -> memref<1x1x1x16x224xf32, #tpu.memory_space<hbm>>
    %dma_wait3A_1241 = tpu.memref_squeeze %dma_wait3A_1240 : memref<1x1x1x16x224xf32, #tpu.memory_space<hbm>> -> memref<16x224xf32, #tpu.memory_space<hbm>>
    %dma_wait3A_1242 = arith.constant 0 : i32
    %dma_wait3A_1243 = tpu.memref_slice %arg4[%select_n3A, %select_n3A_32, %dma_wait3A_1238, %add3A_1153, %dma_wait3A_1242] : memref<4x4x3x224x224xf32, #tpu.memory_space<hbm>> -> memref<1x1x1x16x224xf32, #tpu.memory_space<hbm>>
    %dma_wait3A_1244 = tpu.memref_squeeze %dma_wait3A_1243 : memref<1x1x1x16x224xf32, #tpu.memory_space<hbm>> -> memref<16x224xf32, #tpu.memory_space<hbm>>
    tpu.wait_dma2 semaphore(%arg12 : memref<!tpu.dma_semaphore, #tpu.memory_space<semaphore_mem>>) src(%arg10 : memref<16x224xf32, #tpu.memory_space<vmem>>) dst(%dma_wait3A_1244 : memref<16x224xf32, #tpu.memory_space<hbm>>)
    %dma_wait3A_1245 = arith.constant 2 : i32
    %dma_wait3A_1246 = arith.constant 0 : i32
    %dma_wait3A_1247 = tpu.memref_slice %arg4[%select_n3A, %select_n3A_32, %dma_wait3A_1245, %add3A_1153, %dma_wait3A_1246] : memref<4x4x3x224x224xf32, #tpu.memory_space<hbm>> -> memref<1x1x1x16x224xf32, #tpu.memory_space<hbm>>
    %dma_wait3A_1248 = tpu.memref_squeeze %dma_wait3A_1247 : memref<1x1x1x16x224xf32, #tpu.memory_space<hbm>> -> memref<16x224xf32, #tpu.memory_space<hbm>>
    %dma_wait3A_1249 = arith.constant 0 : i32
    %dma_wait3A_1250 = tpu.memref_slice %arg4[%select_n3A, %select_n3A_32, %dma_wait3A_1245, %add3A_1153, %dma_wait3A_1249] : memref<4x4x3x224x224xf32, #tpu.memory_space<hbm>> -> memref<1x1x1x16x224xf32, #tpu.memory_space<hbm>>
    %dma_wait3A_1251 = tpu.memref_squeeze %dma_wait3A_1250 : memref<1x1x1x16x224xf32, #tpu.memory_space<hbm>> -> memref<16x224xf32, #tpu.memory_space<hbm>>
    tpu.wait_dma2 semaphore(%arg12 : memref<!tpu.dma_semaphore, #tpu.memory_space<semaphore_mem>>) src(%arg10 : memref<16x224xf32, #tpu.memory_space<vmem>>) dst(%dma_wait3A_1251 : memref<16x224xf32, #tpu.memory_space<hbm>>)
    %add3A_1252 = arith.constant 64 : i32
    %add3A_1253 = arith.addi %mul3A_1075, %add3A_1252 : i32
    %scan3A_1254 = arith.constant 0 : i32
    %scan3A_1255 = arith.constant 0 : i32
    %scan3A_1256 = arith.constant 16 : i32
    %scan3A_1257 = arith.addi %scan3A_1255, %scan3A_1256 : i32
    %scan3A_1258 = arith.constant 2 : i32
    scf.for %scan3A_1423 = %scan3A_1255 to %scan3A_1257 step %scan3A_1258  : i32 {
      %add3A_1424 = arith.addi %add3A_1253, %scan3A_1423 : i32
      %broadcast_in_dim3A_1425 = vector.broadcast %add3A_1424 : i32 to vector<16xi32>
      %gather3A_1426 = tpu.vector_load_idx %arg6[%broadcast_in_dim3A_1425] : memref<224xf32, #tpu.memory_space<vmem>>[vector<16xi32>], vector<16xf32>,
      %gather3A_1427 = tpu.vector_load_idx %arg7[%broadcast_in_dim3A_1425] : memref<224xf32, #tpu.memory_space<vmem>>[vector<16xi32>], vector<16xf32>,
      %gather3A_1428 = tpu.vector_load_idx %arg8[%broadcast_in_dim3A_1425] : memref<224xf32, #tpu.memory_space<vmem>>[vector<16xi32>], vector<16xf32>,
      %mul3A_1429 = arith.mulf %gather3A_1426, %min3A_191 : vector<16xf32>
      %add3A_1430 = arith.addf %mul3A_1429, %gather3A_171 : vector<16xf32>
      %mul3A_1431 = arith.mulf %gather3A_1427, %mul3A_229 : vector<16xf32>
      %add3A_1432 = arith.addf %mul3A_1431, %add3A_1430 : vector<16xf32>
      %sub3A_1433 = arith.subf %gather3A_1428, %mul3A_236 : vector<16xf32>
      %abs3A = math.absf %sub3A_1433 : vector<16xf32>
      %sub3A_1434 = arith.subf %add3A_1432, %abs3A : vector<16xf32>
      %swap3A_1435 = arith.index_cast %scan3A_1423 : i32 to index
      %swap3A_1436 = arith.constant 0 : index
      %swap3A_1437 = tpu.vector_load %arg10[%swap3A_1435, %swap3A_1436] {strides = array<i32>} : memref<16x224xf32, #tpu.memory_space<vmem>>, vector<16xf32>,
      tpu.vector_store %arg10[%swap3A_1435, %swap3A_1436], %sub3A_1434 {strides = array<i32>} : memref<16x224xf32, #tpu.memory_space<vmem>>, vector<16xf32>,
      %mul3A_1438 = arith.mulf %gather3A_1426, %min3A_252 : vector<16xf32>
      %add3A_1439 = arith.addf %mul3A_1438, %gather3A_171 : vector<16xf32>
      %mul3A_1440 = arith.mulf %gather3A_1427, %mul3A_292 : vector<16xf32>
      %add3A_1441 = arith.addf %mul3A_1440, %add3A_1439 : vector<16xf32>
      %sub3A_1442 = arith.subf %gather3A_1428, %mul3A_299 : vector<16xf32>
      %abs3A_1443 = math.absf %sub3A_1442 : vector<16xf32>
      %sub3A_1444 = arith.subf %add3A_1441, %abs3A_1443 : vector<16xf32>
      %swap3A_1445 = arith.index_cast %scan3A_1423 : i32 to index
      %swap3A_1446 = arith.constant 16 : index
      %swap3A_1447 = tpu.vector_load %arg10[%swap3A_1445, %swap3A_1446] {strides = array<i32>} : memref<16x224xf32, #tpu.memory_space<vmem>>, vector<16xf32>,
      tpu.vector_store %arg10[%swap3A_1445, %swap3A_1446], %sub3A_1444 {strides = array<i32>} : memref<16x224xf32, #tpu.memory_space<vmem>>, vector<16xf32>,
      %mul3A_1448 = arith.mulf %gather3A_1426, %min3A_316 : vector<16xf32>
      %add3A_1449 = arith.addf %mul3A_1448, %gather3A_171 : vector<16xf32>
      %mul3A_1450 = arith.mulf %gather3A_1427, %mul3A_356 : vector<16xf32>
      %add3A_1451 = arith.addf %mul3A_1450, %add3A_1449 : vector<16xf32>
      %sub3A_1452 = arith.subf %gather3A_1428, %mul3A_363 : vector<16xf32>
      %abs3A_1453 = math.absf %sub3A_1452 : vector<16xf32>
      %sub3A_1454 = arith.subf %add3A_1451, %abs3A_1453 : vector<16xf32>
      %swap3A_1455 = arith.index_cast %scan3A_1423 : i32 to index
      %swap3A_1456 = arith.constant 32 : index
      %swap3A_1457 = tpu.vector_load %arg10[%swap3A_1455, %swap3A_1456] {strides = array<i32>} : memref<16x224xf32, #tpu.memory_space<vmem>>, vector<16xf32>,
      tpu.vector_store %arg10[%swap3A_1455, %swap3A_1456], %sub3A_1454 {strides = array<i32>} : memref<16x224xf32, #tpu.memory_space<vmem>>, vector<16xf32>,
      %mul3A_1458 = arith.mulf %gather3A_1426, %min3A_380 : vector<16xf32>
      %add3A_1459 = arith.addf %mul3A_1458, %gather3A_171 : vector<16xf32>
      %mul3A_1460 = arith.mulf %gather3A_1427, %mul3A_420 : vector<16xf32>
      %add3A_1461 = arith.addf %mul3A_1460, %add3A_1459 : vector<16xf32>
      %sub3A_1462 = arith.subf %gather3A_1428, %mul3A_427 : vector<16xf32>
      %abs3A_1463 = math.absf %sub3A_1462 : vector<16xf32>
      %sub3A_1464 = arith.subf %add3A_1461, %abs3A_1463 : vector<16xf32>
      %swap3A_1465 = arith.index_cast %scan3A_1423 : i32 to index
      %swap3A_1466 = arith.constant 48 : index
      %swap3A_1467 = tpu.vector_load %arg10[%swap3A_1465, %swap3A_1466] {strides = array<i32>} : memref<16x224xf32, #tpu.memory_space<vmem>>, vector<16xf32>,
      tpu.vector_store %arg10[%swap3A_1465, %swap3A_1466], %sub3A_1464 {strides = array<i32>} : memref<16x224xf32, #tpu.memory_space<vmem>>, vector<16xf32>,
      %mul3A_1468 = arith.mulf %gather3A_1426, %min3A_444 : vector<16xf32>
      %add3A_1469 = arith.addf %mul3A_1468, %gather3A_171 : vector<16xf32>
      %mul3A_1470 = arith.mulf %gather3A_1427, %mul3A_484 : vector<16xf32>
      %add3A_1471 = arith.addf %mul3A_1470, %add3A_1469 : vector<16xf32>
      %sub3A_1472 = arith.subf %gather3A_1428, %mul3A_491 : vector<16xf32>
      %abs3A_1473 = math.absf %sub3A_1472 : vector<16xf32>
      %sub3A_1474 = arith.subf %add3A_1471, %abs3A_1473 : vector<16xf32>
      %swap3A_1475 = arith.index_cast %scan3A_1423 : i32 to index
      %swap3A_1476 = arith.constant 64 : index
      %swap3A_1477 = tpu.vector_load %arg10[%swap3A_1475, %swap3A_1476] {strides = array<i32>} : memref<16x224xf32, #tpu.memory_space<vmem>>, vector<16xf32>,
      tpu.vector_store %arg10[%swap3A_1475, %swap3A_1476], %sub3A_1474 {strides = array<i32>} : memref<16x224xf32, #tpu.memory_space<vmem>>, vector<16xf32>,
      %mul3A_1478 = arith.mulf %gather3A_1426, %min3A_508 : vector<16xf32>
      %add3A_1479 = arith.addf %mul3A_1478, %gather3A_171 : vector<16xf32>
      %mul3A_1480 = arith.mulf %gather3A_1427, %mul3A_548 : vector<16xf32>
      %add3A_1481 = arith.addf %mul3A_1480, %add3A_1479 : vector<16xf32>
      %sub3A_1482 = arith.subf %gather3A_1428, %mul3A_555 : vector<16xf32>
      %abs3A_1483 = math.absf %sub3A_1482 : vector<16xf32>
      %sub3A_1484 = arith.subf %add3A_1481, %abs3A_1483 : vector<16xf32>
      %swap3A_1485 = arith.index_cast %scan3A_1423 : i32 to index
      %swap3A_1486 = arith.constant 80 : index
      %swap3A_1487 = tpu.vector_load %arg10[%swap3A_1485, %swap3A_1486] {strides = array<i32>} : memref<16x224xf32, #tpu.memory_space<vmem>>, vector<16xf32>,
      tpu.vector_store %arg10[%swap3A_1485, %swap3A_1486], %sub3A_1484 {strides = array<i32>} : memref<16x224xf32, #tpu.memory_space<vmem>>, vector<16xf32>,
      %mul3A_1488 = arith.mulf %gather3A_1426, %min3A_572 : vector<16xf32>
      %add3A_1489 = arith.addf %mul3A_1488, %gather3A_171 : vector<16xf32>
      %mul3A_1490 = arith.mulf %gather3A_1427, %mul3A_612 : vector<16xf32>
      %add3A_1491 = arith.addf %mul3A_1490, %add3A_1489 : vector<16xf32>
      %sub3A_1492 = arith.subf %gather3A_1428, %mul3A_619 : vector<16xf32>
      %abs3A_1493 = math.absf %sub3A_1492 : vector<16xf32>
      %sub3A_1494 = arith.subf %add3A_1491, %abs3A_1493 : vector<16xf32>
      %swap3A_1495 = arith.index_cast %scan3A_1423 : i32 to index
      %swap3A_1496 = arith.constant 96 : index
      %swap3A_1497 = tpu.vector_load %arg10[%swap3A_1495, %swap3A_1496] {strides = array<i32>} : memref<16x224xf32, #tpu.memory_space<vmem>>, vector<16xf32>,
      tpu.vector_store %arg10[%swap3A_1495, %swap3A_1496], %sub3A_1494 {strides = array<i32>} : memref<16x224xf32, #tpu.memory_space<vmem>>, vector<16xf32>,
      %mul3A_1498 = arith.mulf %gather3A_1426, %min3A_636 : vector<16xf32>
      %add3A_1499 = arith.addf %mul3A_1498, %gather3A_171 : vector<16xf32>
      %mul3A_1500 = arith.mulf %gather3A_1427, %mul3A_676 : vector<16xf32>
      %add3A_1501 = arith.addf %mul3A_1500, %add3A_1499 : vector<16xf32>
      %sub3A_1502 = arith.subf %gather3A_1428, %mul3A_683 : vector<16xf32>
      %abs3A_1503 = math.absf %sub3A_1502 : vector<16xf32>
      %sub3A_1504 = arith.subf %add3A_1501, %abs3A_1503 : vector<16xf32>
      %swap3A_1505 = arith.index_cast %scan3A_1423 : i32 to index
      %swap3A_1506 = arith.constant 112 : index
      %swap3A_1507 = tpu.vector_load %arg10[%swap3A_1505, %swap3A_1506] {strides = array<i32>} : memref<16x224xf32, #tpu.memory_space<vmem>>, vector<16xf32>,
      tpu.vector_store %arg10[%swap3A_1505, %swap3A_1506], %sub3A_1504 {strides = array<i32>} : memref<16x224xf32, #tpu.memory_space<vmem>>, vector<16xf32>,
      %mul3A_1508 = arith.mulf %gather3A_1426, %min3A_700 : vector<16xf32>
      %add3A_1509 = arith.addf %mul3A_1508, %gather3A_171 : vector<16xf32>
      %mul3A_1510 = arith.mulf %gather3A_1427, %mul3A_740 : vector<16xf32>
      %add3A_1511 = arith.addf %mul3A_1510, %add3A_1509 : vector<16xf32>
      %sub3A_1512 = arith.subf %gather3A_1428, %mul3A_747 : vector<16xf32>
      %abs3A_1513 = math.absf %sub3A_1512 : vector<16xf32>
      %sub3A_1514 = arith.subf %add3A_1511, %abs3A_1513 : vector<16xf32>
      %swap3A_1515 = arith.index_cast %scan3A_1423 : i32 to index
      %swap3A_1516 = arith.constant 128 : index
      %swap3A_1517 = tpu.vector_load %arg10[%swap3A_1515, %swap3A_1516] {strides = array<i32>} : memref<16x224xf32, #tpu.memory_space<vmem>>, vector<16xf32>,
      tpu.vector_store %arg10[%swap3A_1515, %swap3A_1516], %sub3A_1514 {strides = array<i32>} : memref<16x224xf32, #tpu.memory_space<vmem>>, vector<16xf32>,
      %mul3A_1518 = arith.mulf %gather3A_1426, %min3A_764 : vector<16xf32>
      %add3A_1519 = arith.addf %mul3A_1518, %gather3A_171 : vector<16xf32>
      %mul3A_1520 = arith.mulf %gather3A_1427, %mul3A_804 : vector<16xf32>
      %add3A_1521 = arith.addf %mul3A_1520, %add3A_1519 : vector<16xf32>
      %sub3A_1522 = arith.subf %gather3A_1428, %mul3A_811 : vector<16xf32>
      %abs3A_1523 = math.absf %sub3A_1522 : vector<16xf32>
      %sub3A_1524 = arith.subf %add3A_1521, %abs3A_1523 : vector<16xf32>
      %swap3A_1525 = arith.index_cast %scan3A_1423 : i32 to index
      %swap3A_1526 = arith.constant 144 : index
      %swap3A_1527 = tpu.vector_load %arg10[%swap3A_1525, %swap3A_1526] {strides = array<i32>} : memref<16x224xf32, #tpu.memory_space<vmem>>, vector<16xf32>,
      tpu.vector_store %arg10[%swap3A_1525, %swap3A_1526], %sub3A_1524 {strides = array<i32>} : memref<16x224xf32, #tpu.memory_space<vmem>>, vector<16xf32>,
      %mul3A_1528 = arith.mulf %gather3A_1426, %min3A_828 : vector<16xf32>
      %add3A_1529 = arith.addf %mul3A_1528, %gather3A_171 : vector<16xf32>
      %mul3A_1530 = arith.mulf %gather3A_1427, %mul3A_868 : vector<16xf32>
      %add3A_1531 = arith.addf %mul3A_1530, %add3A_1529 : vector<16xf32>
      %sub3A_1532 = arith.subf %gather3A_1428, %mul3A_875 : vector<16xf32>
      %abs3A_1533 = math.absf %sub3A_1532 : vector<16xf32>
      %sub3A_1534 = arith.subf %add3A_1531, %abs3A_1533 : vector<16xf32>
      %swap3A_1535 = arith.index_cast %scan3A_1423 : i32 to index
      %swap3A_1536 = arith.constant 160 : index
      %swap3A_1537 = tpu.vector_load %arg10[%swap3A_1535, %swap3A_1536] {strides = array<i32>} : memref<16x224xf32, #tpu.memory_space<vmem>>, vector<16xf32>,
      tpu.vector_store %arg10[%swap3A_1535, %swap3A_1536], %sub3A_1534 {strides = array<i32>} : memref<16x224xf32, #tpu.memory_space<vmem>>, vector<16xf32>,
      %mul3A_1538 = arith.mulf %gather3A_1426, %min3A_892 : vector<16xf32>
      %add3A_1539 = arith.addf %mul3A_1538, %gather3A_171 : vector<16xf32>
      %mul3A_1540 = arith.mulf %gather3A_1427, %mul3A_932 : vector<16xf32>
      %add3A_1541 = arith.addf %mul3A_1540, %add3A_1539 : vector<16xf32>
      %sub3A_1542 = arith.subf %gather3A_1428, %mul3A_939 : vector<16xf32>
      %abs3A_1543 = math.absf %sub3A_1542 : vector<16xf32>
      %sub3A_1544 = arith.subf %add3A_1541, %abs3A_1543 : vector<16xf32>
      %swap3A_1545 = arith.index_cast %scan3A_1423 : i32 to index
      %swap3A_1546 = arith.constant 176 : index
      %swap3A_1547 = tpu.vector_load %arg10[%swap3A_1545, %swap3A_1546] {strides = array<i32>} : memref<16x224xf32, #tpu.memory_space<vmem>>, vector<16xf32>,
      tpu.vector_store %arg10[%swap3A_1545, %swap3A_1546], %sub3A_1544 {strides = array<i32>} : memref<16x224xf32, #tpu.memory_space<vmem>>, vector<16xf32>,
      %mul3A_1548 = arith.mulf %gather3A_1426, %min3A_956 : vector<16xf32>
      %add3A_1549 = arith.addf %mul3A_1548, %gather3A_171 : vector<16xf32>
      %mul3A_1550 = arith.mulf %gather3A_1427, %mul3A_996 : vector<16xf32>
      %add3A_1551 = arith.addf %mul3A_1550, %add3A_1549 : vector<16xf32>
      %sub3A_1552 = arith.subf %gather3A_1428, %mul3A_1003 : vector<16xf32>
      %abs3A_1553 = math.absf %sub3A_1552 : vector<16xf32>
      %sub3A_1554 = arith.subf %add3A_1551, %abs3A_1553 : vector<16xf32>
      %swap3A_1555 = arith.index_cast %scan3A_1423 : i32 to index
      %swap3A_1556 = arith.constant 192 : index
      %swap3A_1557 = tpu.vector_load %arg10[%swap3A_1555, %swap3A_1556] {strides = array<i32>} : memref<16x224xf32, #tpu.memory_space<vmem>>, vector<16xf32>,
      tpu.vector_store %arg10[%swap3A_1555, %swap3A_1556], %sub3A_1554 {strides = array<i32>} : memref<16x224xf32, #tpu.memory_space<vmem>>, vector<16xf32>,
      %mul3A_1558 = arith.mulf %gather3A_1426, %min3A_1020 : vector<16xf32>
      %add3A_1559 = arith.addf %mul3A_1558, %gather3A_171 : vector<16xf32>
      %mul3A_1560 = arith.mulf %gather3A_1427, %mul3A_1060 : vector<16xf32>
      %add3A_1561 = arith.addf %mul3A_1560, %add3A_1559 : vector<16xf32>
      %sub3A_1562 = arith.subf %gather3A_1428, %mul3A_1067 : vector<16xf32>
      %abs3A_1563 = math.absf %sub3A_1562 : vector<16xf32>
      %sub3A_1564 = arith.subf %add3A_1561, %abs3A_1563 : vector<16xf32>
      %swap3A_1565 = arith.index_cast %scan3A_1423 : i32 to index
      %swap3A_1566 = arith.constant 208 : index
      %swap3A_1567 = tpu.vector_load %arg10[%swap3A_1565, %swap3A_1566] {strides = array<i32>} : memref<16x224xf32, #tpu.memory_space<vmem>>, vector<16xf32>,
      tpu.vector_store %arg10[%swap3A_1565, %swap3A_1566], %sub3A_1564 {strides = array<i32>} : memref<16x224xf32, #tpu.memory_space<vmem>>, vector<16xf32>,
      %scan3A_1568 = arith.constant 1 : i32
      %scan3A_1569 = arith.addi %scan3A_1423, %scan3A_1568 : i32
      %add3A_1570 = arith.addi %add3A_1253, %scan3A_1569 : i32
      %broadcast_in_dim3A_1571 = vector.broadcast %add3A_1570 : i32 to vector<16xi32>
      %gather3A_1572 = tpu.vector_load_idx %arg6[%broadcast_in_dim3A_1571] : memref<224xf32, #tpu.memory_space<vmem>>[vector<16xi32>], vector<16xf32>,
      %gather3A_1573 = tpu.vector_load_idx %arg7[%broadcast_in_dim3A_1571] : memref<224xf32, #tpu.memory_space<vmem>>[vector<16xi32>], vector<16xf32>,
      %gather3A_1574 = tpu.vector_load_idx %arg8[%broadcast_in_dim3A_1571] : memref<224xf32, #tpu.memory_space<vmem>>[vector<16xi32>], vector<16xf32>,
      %mul3A_1575 = arith.mulf %gather3A_1572, %min3A_191 : vector<16xf32>
      %add3A_1576 = arith.addf %mul3A_1575, %gather3A_171 : vector<16xf32>
      %mul3A_1577 = arith.mulf %gather3A_1573, %mul3A_229 : vector<16xf32>
      %add3A_1578 = arith.addf %mul3A_1577, %add3A_1576 : vector<16xf32>
      %sub3A_1579 = arith.subf %gather3A_1574, %mul3A_236 : vector<16xf32>
      %abs3A_1580 = math.absf %sub3A_1579 : vector<16xf32>
      %sub3A_1581 = arith.subf %add3A_1578, %abs3A_1580 : vector<16xf32>
      %swap3A_1582 = arith.index_cast %scan3A_1569 : i32 to index
      %swap3A_1583 = arith.constant 0 : index
      %swap3A_1584 = tpu.vector_load %arg10[%swap3A_1582, %swap3A_1583] {strides = array<i32>} : memref<16x224xf32, #tpu.memory_space<vmem>>, vector<16xf32>,
      tpu.vector_store %arg10[%swap3A_1582, %swap3A_1583], %sub3A_1581 {strides = array<i32>} : memref<16x224xf32, #tpu.memory_space<vmem>>, vector<16xf32>,
      %mul3A_1585 = arith.mulf %gather3A_1572, %min3A_252 : vector<16xf32>
      %add3A_1586 = arith.addf %mul3A_1585, %gather3A_171 : vector<16xf32>
      %mul3A_1587 = arith.mulf %gather3A_1573, %mul3A_292 : vector<16xf32>
      %add3A_1588 = arith.addf %mul3A_1587, %add3A_1586 : vector<16xf32>
      %sub3A_1589 = arith.subf %gather3A_1574, %mul3A_299 : vector<16xf32>
      %abs3A_1590 = math.absf %sub3A_1589 : vector<16xf32>
      %sub3A_1591 = arith.subf %add3A_1588, %abs3A_1590 : vector<16xf32>
      %swap3A_1592 = arith.index_cast %scan3A_1569 : i32 to index
      %swap3A_1593 = arith.constant 16 : index
      %swap3A_1594 = tpu.vector_load %arg10[%swap3A_1592, %swap3A_1593] {strides = array<i32>} : memref<16x224xf32, #tpu.memory_space<vmem>>, vector<16xf32>,
      tpu.vector_store %arg10[%swap3A_1592, %swap3A_1593], %sub3A_1591 {strides = array<i32>} : memref<16x224xf32, #tpu.memory_space<vmem>>, vector<16xf32>,
      %mul3A_1595 = arith.mulf %gather3A_1572, %min3A_316 : vector<16xf32>
      %add3A_1596 = arith.addf %mul3A_1595, %gather3A_171 : vector<16xf32>
      %mul3A_1597 = arith.mulf %gather3A_1573, %mul3A_356 : vector<16xf32>
      %add3A_1598 = arith.addf %mul3A_1597, %add3A_1596 : vector<16xf32>
      %sub3A_1599 = arith.subf %gather3A_1574, %mul3A_363 : vector<16xf32>
      %abs3A_1600 = math.absf %sub3A_1599 : vector<16xf32>
      %sub3A_1601 = arith.subf %add3A_1598, %abs3A_1600 : vector<16xf32>
      %swap3A_1602 = arith.index_cast %scan3A_1569 : i32 to index
      %swap3A_1603 = arith.constant 32 : index
      %swap3A_1604 = tpu.vector_load %arg10[%swap3A_1602, %swap3A_1603] {strides = array<i32>} : memref<16x224xf32, #tpu.memory_space<vmem>>, vector<16xf32>,
      tpu.vector_store %arg10[%swap3A_1602, %swap3A_1603], %sub3A_1601 {strides = array<i32>} : memref<16x224xf32, #tpu.memory_space<vmem>>, vector<16xf32>,
      %mul3A_1605 = arith.mulf %gather3A_1572, %min3A_380 : vector<16xf32>
      %add3A_1606 = arith.addf %mul3A_1605, %gather3A_171 : vector<16xf32>
      %mul3A_1607 = arith.mulf %gather3A_1573, %mul3A_420 : vector<16xf32>
      %add3A_1608 = arith.addf %mul3A_1607, %add3A_1606 : vector<16xf32>
      %sub3A_1609 = arith.subf %gather3A_1574, %mul3A_427 : vector<16xf32>
      %abs3A_1610 = math.absf %sub3A_1609 : vector<16xf32>
      %sub3A_1611 = arith.subf %add3A_1608, %abs3A_1610 : vector<16xf32>
      %swap3A_1612 = arith.index_cast %scan3A_1569 : i32 to index
      %swap3A_1613 = arith.constant 48 : index
      %swap3A_1614 = tpu.vector_load %arg10[%swap3A_1612, %swap3A_1613] {strides = array<i32>} : memref<16x224xf32, #tpu.memory_space<vmem>>, vector<16xf32>,
      tpu.vector_store %arg10[%swap3A_1612, %swap3A_1613], %sub3A_1611 {strides = array<i32>} : memref<16x224xf32, #tpu.memory_space<vmem>>, vector<16xf32>,
      %mul3A_1615 = arith.mulf %gather3A_1572, %min3A_444 : vector<16xf32>
      %add3A_1616 = arith.addf %mul3A_1615, %gather3A_171 : vector<16xf32>
      %mul3A_1617 = arith.mulf %gather3A_1573, %mul3A_484 : vector<16xf32>
      %add3A_1618 = arith.addf %mul3A_1617, %add3A_1616 : vector<16xf32>
      %sub3A_1619 = arith.subf %gather3A_1574, %mul3A_491 : vector<16xf32>
      %abs3A_1620 = math.absf %sub3A_1619 : vector<16xf32>
      %sub3A_1621 = arith.subf %add3A_1618, %abs3A_1620 : vector<16xf32>
      %swap3A_1622 = arith.index_cast %scan3A_1569 : i32 to index
      %swap3A_1623 = arith.constant 64 : index
      %swap3A_1624 = tpu.vector_load %arg10[%swap3A_1622, %swap3A_1623] {strides = array<i32>} : memref<16x224xf32, #tpu.memory_space<vmem>>, vector<16xf32>,
      tpu.vector_store %arg10[%swap3A_1622, %swap3A_1623], %sub3A_1621 {strides = array<i32>} : memref<16x224xf32, #tpu.memory_space<vmem>>, vector<16xf32>,
      %mul3A_1625 = arith.mulf %gather3A_1572, %min3A_508 : vector<16xf32>
      %add3A_1626 = arith.addf %mul3A_1625, %gather3A_171 : vector<16xf32>
      %mul3A_1627 = arith.mulf %gather3A_1573, %mul3A_548 : vector<16xf32>
      %add3A_1628 = arith.addf %mul3A_1627, %add3A_1626 : vector<16xf32>
      %sub3A_1629 = arith.subf %gather3A_1574, %mul3A_555 : vector<16xf32>
      %abs3A_1630 = math.absf %sub3A_1629 : vector<16xf32>
      %sub3A_1631 = arith.subf %add3A_1628, %abs3A_1630 : vector<16xf32>
      %swap3A_1632 = arith.index_cast %scan3A_1569 : i32 to index
      %swap3A_1633 = arith.constant 80 : index
      %swap3A_1634 = tpu.vector_load %arg10[%swap3A_1632, %swap3A_1633] {strides = array<i32>} : memref<16x224xf32, #tpu.memory_space<vmem>>, vector<16xf32>,
      tpu.vector_store %arg10[%swap3A_1632, %swap3A_1633], %sub3A_1631 {strides = array<i32>} : memref<16x224xf32, #tpu.memory_space<vmem>>, vector<16xf32>,
      %mul3A_1635 = arith.mulf %gather3A_1572, %min3A_572 : vector<16xf32>
      %add3A_1636 = arith.addf %mul3A_1635, %gather3A_171 : vector<16xf32>
      %mul3A_1637 = arith.mulf %gather3A_1573, %mul3A_612 : vector<16xf32>
      %add3A_1638 = arith.addf %mul3A_1637, %add3A_1636 : vector<16xf32>
      %sub3A_1639 = arith.subf %gather3A_1574, %mul3A_619 : vector<16xf32>
      %abs3A_1640 = math.absf %sub3A_1639 : vector<16xf32>
      %sub3A_1641 = arith.subf %add3A_1638, %abs3A_1640 : vector<16xf32>
      %swap3A_1642 = arith.index_cast %scan3A_1569 : i32 to index
      %swap3A_1643 = arith.constant 96 : index
      %swap3A_1644 = tpu.vector_load %arg10[%swap3A_1642, %swap3A_1643] {strides = array<i32>} : memref<16x224xf32, #tpu.memory_space<vmem>>, vector<16xf32>,
      tpu.vector_store %arg10[%swap3A_1642, %swap3A_1643], %sub3A_1641 {strides = array<i32>} : memref<16x224xf32, #tpu.memory_space<vmem>>, vector<16xf32>,
      %mul3A_1645 = arith.mulf %gather3A_1572, %min3A_636 : vector<16xf32>
      %add3A_1646 = arith.addf %mul3A_1645, %gather3A_171 : vector<16xf32>
      %mul3A_1647 = arith.mulf %gather3A_1573, %mul3A_676 : vector<16xf32>
      %add3A_1648 = arith.addf %mul3A_1647, %add3A_1646 : vector<16xf32>
      %sub3A_1649 = arith.subf %gather3A_1574, %mul3A_683 : vector<16xf32>
      %abs3A_1650 = math.absf %sub3A_1649 : vector<16xf32>
      %sub3A_1651 = arith.subf %add3A_1648, %abs3A_1650 : vector<16xf32>
      %swap3A_1652 = arith.index_cast %scan3A_1569 : i32 to index
      %swap3A_1653 = arith.constant 112 : index
      %swap3A_1654 = tpu.vector_load %arg10[%swap3A_1652, %swap3A_1653] {strides = array<i32>} : memref<16x224xf32, #tpu.memory_space<vmem>>, vector<16xf32>,
      tpu.vector_store %arg10[%swap3A_1652, %swap3A_1653], %sub3A_1651 {strides = array<i32>} : memref<16x224xf32, #tpu.memory_space<vmem>>, vector<16xf32>,
      %mul3A_1655 = arith.mulf %gather3A_1572, %min3A_700 : vector<16xf32>
      %add3A_1656 = arith.addf %mul3A_1655, %gather3A_171 : vector<16xf32>
      %mul3A_1657 = arith.mulf %gather3A_1573, %mul3A_740 : vector<16xf32>
      %add3A_1658 = arith.addf %mul3A_1657, %add3A_1656 : vector<16xf32>
      %sub3A_1659 = arith.subf %gather3A_1574, %mul3A_747 : vector<16xf32>
      %abs3A_1660 = math.absf %sub3A_1659 : vector<16xf32>
      %sub3A_1661 = arith.subf %add3A_1658, %abs3A_1660 : vector<16xf32>
      %swap3A_1662 = arith.index_cast %scan3A_1569 : i32 to index
      %swap3A_1663 = arith.constant 128 : index
      %swap3A_1664 = tpu.vector_load %arg10[%swap3A_1662, %swap3A_1663] {strides = array<i32>} : memref<16x224xf32, #tpu.memory_space<vmem>>, vector<16xf32>,
      tpu.vector_store %arg10[%swap3A_1662, %swap3A_1663], %sub3A_1661 {strides = array<i32>} : memref<16x224xf32, #tpu.memory_space<vmem>>, vector<16xf32>,
      %mul3A_1665 = arith.mulf %gather3A_1572, %min3A_764 : vector<16xf32>
      %add3A_1666 = arith.addf %mul3A_1665, %gather3A_171 : vector<16xf32>
      %mul3A_1667 = arith.mulf %gather3A_1573, %mul3A_804 : vector<16xf32>
      %add3A_1668 = arith.addf %mul3A_1667, %add3A_1666 : vector<16xf32>
      %sub3A_1669 = arith.subf %gather3A_1574, %mul3A_811 : vector<16xf32>
      %abs3A_1670 = math.absf %sub3A_1669 : vector<16xf32>
      %sub3A_1671 = arith.subf %add3A_1668, %abs3A_1670 : vector<16xf32>
      %swap3A_1672 = arith.index_cast %scan3A_1569 : i32 to index
      %swap3A_1673 = arith.constant 144 : index
      %swap3A_1674 = tpu.vector_load %arg10[%swap3A_1672, %swap3A_1673] {strides = array<i32>} : memref<16x224xf32, #tpu.memory_space<vmem>>, vector<16xf32>,
      tpu.vector_store %arg10[%swap3A_1672, %swap3A_1673], %sub3A_1671 {strides = array<i32>} : memref<16x224xf32, #tpu.memory_space<vmem>>, vector<16xf32>,
      %mul3A_1675 = arith.mulf %gather3A_1572, %min3A_828 : vector<16xf32>
      %add3A_1676 = arith.addf %mul3A_1675, %gather3A_171 : vector<16xf32>
      %mul3A_1677 = arith.mulf %gather3A_1573, %mul3A_868 : vector<16xf32>
      %add3A_1678 = arith.addf %mul3A_1677, %add3A_1676 : vector<16xf32>
      %sub3A_1679 = arith.subf %gather3A_1574, %mul3A_875 : vector<16xf32>
      %abs3A_1680 = math.absf %sub3A_1679 : vector<16xf32>
      %sub3A_1681 = arith.subf %add3A_1678, %abs3A_1680 : vector<16xf32>
      %swap3A_1682 = arith.index_cast %scan3A_1569 : i32 to index
      %swap3A_1683 = arith.constant 160 : index
      %swap3A_1684 = tpu.vector_load %arg10[%swap3A_1682, %swap3A_1683] {strides = array<i32>} : memref<16x224xf32, #tpu.memory_space<vmem>>, vector<16xf32>,
      tpu.vector_store %arg10[%swap3A_1682, %swap3A_1683], %sub3A_1681 {strides = array<i32>} : memref<16x224xf32, #tpu.memory_space<vmem>>, vector<16xf32>,
      %mul3A_1685 = arith.mulf %gather3A_1572, %min3A_892 : vector<16xf32>
      %add3A_1686 = arith.addf %mul3A_1685, %gather3A_171 : vector<16xf32>
      %mul3A_1687 = arith.mulf %gather3A_1573, %mul3A_932 : vector<16xf32>
      %add3A_1688 = arith.addf %mul3A_1687, %add3A_1686 : vector<16xf32>
      %sub3A_1689 = arith.subf %gather3A_1574, %mul3A_939 : vector<16xf32>
      %abs3A_1690 = math.absf %sub3A_1689 : vector<16xf32>
      %sub3A_1691 = arith.subf %add3A_1688, %abs3A_1690 : vector<16xf32>
      %swap3A_1692 = arith.index_cast %scan3A_1569 : i32 to index
      %swap3A_1693 = arith.constant 176 : index
      %swap3A_1694 = tpu.vector_load %arg10[%swap3A_1692, %swap3A_1693] {strides = array<i32>} : memref<16x224xf32, #tpu.memory_space<vmem>>, vector<16xf32>,
      tpu.vector_store %arg10[%swap3A_1692, %swap3A_1693], %sub3A_1691 {strides = array<i32>} : memref<16x224xf32, #tpu.memory_space<vmem>>, vector<16xf32>,
      %mul3A_1695 = arith.mulf %gather3A_1572, %min3A_956 : vector<16xf32>
      %add3A_1696 = arith.addf %mul3A_1695, %gather3A_171 : vector<16xf32>
      %mul3A_1697 = arith.mulf %gather3A_1573, %mul3A_996 : vector<16xf32>
      %add3A_1698 = arith.addf %mul3A_1697, %add3A_1696 : vector<16xf32>
      %sub3A_1699 = arith.subf %gather3A_1574, %mul3A_1003 : vector<16xf32>
      %abs3A_1700 = math.absf %sub3A_1699 : vector<16xf32>
      %sub3A_1701 = arith.subf %add3A_1698, %abs3A_1700 : vector<16xf32>
      %swap3A_1702 = arith.index_cast %scan3A_1569 : i32 to index
      %swap3A_1703 = arith.constant 192 : index
      %swap3A_1704 = tpu.vector_load %arg10[%swap3A_1702, %swap3A_1703] {strides = array<i32>} : memref<16x224xf32, #tpu.memory_space<vmem>>, vector<16xf32>,
      tpu.vector_store %arg10[%swap3A_1702, %swap3A_1703], %sub3A_1701 {strides = array<i32>} : memref<16x224xf32, #tpu.memory_space<vmem>>, vector<16xf32>,
      %mul3A_1705 = arith.mulf %gather3A_1572, %min3A_1020 : vector<16xf32>
      %add3A_1706 = arith.addf %mul3A_1705, %gather3A_171 : vector<16xf32>
      %mul3A_1707 = arith.mulf %gather3A_1573, %mul3A_1060 : vector<16xf32>
      %add3A_1708 = arith.addf %mul3A_1707, %add3A_1706 : vector<16xf32>
      %sub3A_1709 = arith.subf %gather3A_1574, %mul3A_1067 : vector<16xf32>
      %abs3A_1710 = math.absf %sub3A_1709 : vector<16xf32>
      %sub3A_1711 = arith.subf %add3A_1708, %abs3A_1710 : vector<16xf32>
      %swap3A_1712 = arith.index_cast %scan3A_1569 : i32 to index
      %swap3A_1713 = arith.constant 208 : index
      %swap3A_1714 = tpu.vector_load %arg10[%swap3A_1712, %swap3A_1713] {strides = array<i32>} : memref<16x224xf32, #tpu.memory_space<vmem>>, vector<16xf32>,
      tpu.vector_store %arg10[%swap3A_1712, %swap3A_1713], %sub3A_1711 {strides = array<i32>} : memref<16x224xf32, #tpu.memory_space<vmem>>, vector<16xf32>,
    }
    %scan3A_1259 = arith.constant 16 : i32
    %dma_start3A_1260 = arith.constant 0 : i32
    %dma_start3A_1261 = arith.constant 0 : i32
    %dma_start3A_1262 = tpu.memref_slice %arg4[%select_n3A, %select_n3A_32, %dma_start3A_1260, %add3A_1253, %dma_start3A_1261] : memref<4x4x3x224x224xf32, #tpu.memory_space<hbm>> -> memref<1x1x1x16x224xf32, #tpu.memory_space<hbm>>
    %dma_start3A_1263 = tpu.memref_squeeze %dma_start3A_1262 : memref<1x1x1x16x224xf32, #tpu.memory_space<hbm>> -> memref<16x224xf32, #tpu.memory_space<hbm>>
    %dma_start3A_1264 = arith.constant 0 : i32
    %dma_start3A_1265 = tpu.memref_slice %arg4[%select_n3A, %select_n3A_32, %dma_start3A_1260, %add3A_1253, %dma_start3A_1264] : memref<4x4x3x224x224xf32, #tpu.memory_space<hbm>> -> memref<1x1x1x16x224xf32, #tpu.memory_space<hbm>>
    %dma_start3A_1266 = tpu.memref_squeeze %dma_start3A_1265 : memref<1x1x1x16x224xf32, #tpu.memory_space<hbm>> -> memref<16x224xf32, #tpu.memory_space<hbm>>
    tpu.enqueue_dma source(%arg10 : memref<16x224xf32, #tpu.memory_space<vmem>>) target(%dma_start3A_1266 : memref<16x224xf32, #tpu.memory_space<hbm>>) target_semaphore(%arg12 : memref<!tpu.dma_semaphore, #tpu.memory_space<semaphore_mem>>)
    %dma_start3A_1267 = arith.constant 1 : i32
    %dma_start3A_1268 = arith.constant 0 : i32
    %dma_start3A_1269 = tpu.memref_slice %arg4[%select_n3A, %select_n3A_32, %dma_start3A_1267, %add3A_1253, %dma_start3A_1268] : memref<4x4x3x224x224xf32, #tpu.memory_space<hbm>> -> memref<1x1x1x16x224xf32, #tpu.memory_space<hbm>>
    %dma_start3A_1270 = tpu.memref_squeeze %dma_start3A_1269 : memref<1x1x1x16x224xf32, #tpu.memory_space<hbm>> -> memref<16x224xf32, #tpu.memory_space<hbm>>
    %dma_start3A_1271 = arith.constant 0 : i32
    %dma_start3A_1272 = tpu.memref_slice %arg4[%select_n3A, %select_n3A_32, %dma_start3A_1267, %add3A_1253, %dma_start3A_1271] : memref<4x4x3x224x224xf32, #tpu.memory_space<hbm>> -> memref<1x1x1x16x224xf32, #tpu.memory_space<hbm>>
    %dma_start3A_1273 = tpu.memref_squeeze %dma_start3A_1272 : memref<1x1x1x16x224xf32, #tpu.memory_space<hbm>> -> memref<16x224xf32, #tpu.memory_space<hbm>>
    tpu.enqueue_dma source(%arg10 : memref<16x224xf32, #tpu.memory_space<vmem>>) target(%dma_start3A_1273 : memref<16x224xf32, #tpu.memory_space<hbm>>) target_semaphore(%arg12 : memref<!tpu.dma_semaphore, #tpu.memory_space<semaphore_mem>>)
    %dma_start3A_1274 = arith.constant 2 : i32
    %dma_start3A_1275 = arith.constant 0 : i32
    %dma_start3A_1276 = tpu.memref_slice %arg4[%select_n3A, %select_n3A_32, %dma_start3A_1274, %add3A_1253, %dma_start3A_1275] : memref<4x4x3x224x224xf32, #tpu.memory_space<hbm>> -> memref<1x1x1x16x224xf32, #tpu.memory_space<hbm>>
    %dma_start3A_1277 = tpu.memref_squeeze %dma_start3A_1276 : memref<1x1x1x16x224xf32, #tpu.memory_space<hbm>> -> memref<16x224xf32, #tpu.memory_space<hbm>>
    %dma_start3A_1278 = arith.constant 0 : i32
    %dma_start3A_1279 = tpu.memref_slice %arg4[%select_n3A, %select_n3A_32, %dma_start3A_1274, %add3A_1253, %dma_start3A_1278] : memref<4x4x3x224x224xf32, #tpu.memory_space<hbm>> -> memref<1x1x1x16x224xf32, #tpu.memory_space<hbm>>
    %dma_start3A_1280 = tpu.memref_squeeze %dma_start3A_1279 : memref<1x1x1x16x224xf32, #tpu.memory_space<hbm>> -> memref<16x224xf32, #tpu.memory_space<hbm>>
    tpu.enqueue_dma source(%arg10 : memref<16x224xf32, #tpu.memory_space<vmem>>) target(%dma_start3A_1280 : memref<16x224xf32, #tpu.memory_space<hbm>>) target_semaphore(%arg12 : memref<!tpu.dma_semaphore, #tpu.memory_space<semaphore_mem>>)
    %dma_wait3A_1281 = arith.constant 0 : i32
    %dma_wait3A_1282 = arith.constant 0 : i32
    %dma_wait3A_1283 = tpu.memref_slice %arg4[%select_n3A, %select_n3A_32, %dma_wait3A_1281, %add3A_1203, %dma_wait3A_1282] : memref<4x4x3x224x224xf32, #tpu.memory_space<hbm>> -> memref<1x1x1x16x224xf32, #tpu.memory_space<hbm>>
    %dma_wait3A_1284 = tpu.memref_squeeze %dma_wait3A_1283 : memref<1x1x1x16x224xf32, #tpu.memory_space<hbm>> -> memref<16x224xf32, #tpu.memory_space<hbm>>
    %dma_wait3A_1285 = arith.constant 0 : i32
    %dma_wait3A_1286 = tpu.memref_slice %arg4[%select_n3A, %select_n3A_32, %dma_wait3A_1281, %add3A_1203, %dma_wait3A_1285] : memref<4x4x3x224x224xf32, #tpu.memory_space<hbm>> -> memref<1x1x1x16x224xf32, #tpu.memory_space<hbm>>
    %dma_wait3A_1287 = tpu.memref_squeeze %dma_wait3A_1286 : memref<1x1x1x16x224xf32, #tpu.memory_space<hbm>> -> memref<16x224xf32, #tpu.memory_space<hbm>>
    tpu.wait_dma2 semaphore(%arg13 : memref<!tpu.dma_semaphore, #tpu.memory_space<semaphore_mem>>) src(%arg11 : memref<16x224xf32, #tpu.memory_space<vmem>>) dst(%dma_wait3A_1287 : memref<16x224xf32, #tpu.memory_space<hbm>>)
    %dma_wait3A_1288 = arith.constant 1 : i32
    %dma_wait3A_1289 = arith.constant 0 : i32
    %dma_wait3A_1290 = tpu.memref_slice %arg4[%select_n3A, %select_n3A_32, %dma_wait3A_1288, %add3A_1203, %dma_wait3A_1289] : memref<4x4x3x224x224xf32, #tpu.memory_space<hbm>> -> memref<1x1x1x16x224xf32, #tpu.memory_space<hbm>>
    %dma_wait3A_1291 = tpu.memref_squeeze %dma_wait3A_1290 : memref<1x1x1x16x224xf32, #tpu.memory_space<hbm>> -> memref<16x224xf32, #tpu.memory_space<hbm>>
    %dma_wait3A_1292 = arith.constant 0 : i32
    %dma_wait3A_1293 = tpu.memref_slice %arg4[%select_n3A, %select_n3A_32, %dma_wait3A_1288, %add3A_1203, %dma_wait3A_1292] : memref<4x4x3x224x224xf32, #tpu.memory_space<hbm>> -> memref<1x1x1x16x224xf32, #tpu.memory_space<hbm>>
    %dma_wait3A_1294 = tpu.memref_squeeze %dma_wait3A_1293 : memref<1x1x1x16x224xf32, #tpu.memory_space<hbm>> -> memref<16x224xf32, #tpu.memory_space<hbm>>
    tpu.wait_dma2 semaphore(%arg13 : memref<!tpu.dma_semaphore, #tpu.memory_space<semaphore_mem>>) src(%arg11 : memref<16x224xf32, #tpu.memory_space<vmem>>) dst(%dma_wait3A_1294 : memref<16x224xf32, #tpu.memory_space<hbm>>)
    %dma_wait3A_1295 = arith.constant 2 : i32
    %dma_wait3A_1296 = arith.constant 0 : i32
    %dma_wait3A_1297 = tpu.memref_slice %arg4[%select_n3A, %select_n3A_32, %dma_wait3A_1295, %add3A_1203, %dma_wait3A_1296] : memref<4x4x3x224x224xf32, #tpu.memory_space<hbm>> -> memref<1x1x1x16x224xf32, #tpu.memory_space<hbm>>
    %dma_wait3A_1298 = tpu.memref_squeeze %dma_wait3A_1297 : memref<1x1x1x16x224xf32, #tpu.memory_space<hbm>> -> memref<16x224xf32, #tpu.memory_space<hbm>>
    %dma_wait3A_1299 = arith.constant 0 : i32
    %dma_wait3A_1300 = tpu.memref_slice %arg4[%select_n3A, %select_n3A_32, %dma_wait3A_1295, %add3A_1203, %dma_wait3A_1299] : memref<4x4x3x224x224xf32, #tpu.memory_space<hbm>> -> memref<1x1x1x16x224xf32, #tpu.memory_space<hbm>>
    %dma_wait3A_1301 = tpu.memref_squeeze %dma_wait3A_1300 : memref<1x1x1x16x224xf32, #tpu.memory_space<hbm>> -> memref<16x224xf32, #tpu.memory_space<hbm>>
    tpu.wait_dma2 semaphore(%arg13 : memref<!tpu.dma_semaphore, #tpu.memory_space<semaphore_mem>>) src(%arg11 : memref<16x224xf32, #tpu.memory_space<vmem>>) dst(%dma_wait3A_1301 : memref<16x224xf32, #tpu.memory_space<hbm>>)
    %add3A_1302 = arith.constant 80 : i32
    %add3A_1303 = arith.addi %mul3A_1075, %add3A_1302 : i32
    %scan3A_1304 = arith.constant 0 : i32
    %scan3A_1305 = arith.constant 0 : i32
    %scan3A_1306 = arith.constant 16 : i32
    %scan3A_1307 = arith.addi %scan3A_1305, %scan3A_1306 : i32
    %scan3A_1308 = arith.constant 2 : i32
    scf.for %scan3A_1423 = %scan3A_1305 to %scan3A_1307 step %scan3A_1308  : i32 {
      %add3A_1424 = arith.addi %add3A_1303, %scan3A_1423 : i32
      %broadcast_in_dim3A_1425 = vector.broadcast %add3A_1424 : i32 to vector<16xi32>
      %gather3A_1426 = tpu.vector_load_idx %arg6[%broadcast_in_dim3A_1425] : memref<224xf32, #tpu.memory_space<vmem>>[vector<16xi32>], vector<16xf32>,
      %gather3A_1427 = tpu.vector_load_idx %arg7[%broadcast_in_dim3A_1425] : memref<224xf32, #tpu.memory_space<vmem>>[vector<16xi32>], vector<16xf32>,
      %gather3A_1428 = tpu.vector_load_idx %arg8[%broadcast_in_dim3A_1425] : memref<224xf32, #tpu.memory_space<vmem>>[vector<16xi32>], vector<16xf32>,
      %mul3A_1429 = arith.mulf %gather3A_1426, %min3A_191 : vector<16xf32>
      %add3A_1430 = arith.addf %mul3A_1429, %gather3A_171 : vector<16xf32>
      %mul3A_1431 = arith.mulf %gather3A_1427, %mul3A_229 : vector<16xf32>
      %add3A_1432 = arith.addf %mul3A_1431, %add3A_1430 : vector<16xf32>
      %sub3A_1433 = arith.subf %gather3A_1428, %mul3A_236 : vector<16xf32>
      %abs3A = math.absf %sub3A_1433 : vector<16xf32>
      %sub3A_1434 = arith.subf %add3A_1432, %abs3A : vector<16xf32>
      %swap3A_1435 = arith.index_cast %scan3A_1423 : i32 to index
      %swap3A_1436 = arith.constant 0 : index
      %swap3A_1437 = tpu.vector_load %arg11[%swap3A_1435, %swap3A_1436] {strides = array<i32>} : memref<16x224xf32, #tpu.memory_space<vmem>>, vector<16xf32>,
      tpu.vector_store %arg11[%swap3A_1435, %swap3A_1436], %sub3A_1434 {strides = array<i32>} : memref<16x224xf32, #tpu.memory_space<vmem>>, vector<16xf32>,
      %mul3A_1438 = arith.mulf %gather3A_1426, %min3A_252 : vector<16xf32>
      %add3A_1439 = arith.addf %mul3A_1438, %gather3A_171 : vector<16xf32>
      %mul3A_1440 = arith.mulf %gather3A_1427, %mul3A_292 : vector<16xf32>
      %add3A_1441 = arith.addf %mul3A_1440, %add3A_1439 : vector<16xf32>
      %sub3A_1442 = arith.subf %gather3A_1428, %mul3A_299 : vector<16xf32>
      %abs3A_1443 = math.absf %sub3A_1442 : vector<16xf32>
      %sub3A_1444 = arith.subf %add3A_1441, %abs3A_1443 : vector<16xf32>
      %swap3A_1445 = arith.index_cast %scan3A_1423 : i32 to index
      %swap3A_1446 = arith.constant 16 : index
      %swap3A_1447 = tpu.vector_load %arg11[%swap3A_1445, %swap3A_1446] {strides = array<i32>} : memref<16x224xf32, #tpu.memory_space<vmem>>, vector<16xf32>,
      tpu.vector_store %arg11[%swap3A_1445, %swap3A_1446], %sub3A_1444 {strides = array<i32>} : memref<16x224xf32, #tpu.memory_space<vmem>>, vector<16xf32>,
      %mul3A_1448 = arith.mulf %gather3A_1426, %min3A_316 : vector<16xf32>
      %add3A_1449 = arith.addf %mul3A_1448, %gather3A_171 : vector<16xf32>
      %mul3A_1450 = arith.mulf %gather3A_1427, %mul3A_356 : vector<16xf32>
      %add3A_1451 = arith.addf %mul3A_1450, %add3A_1449 : vector<16xf32>
      %sub3A_1452 = arith.subf %gather3A_1428, %mul3A_363 : vector<16xf32>
      %abs3A_1453 = math.absf %sub3A_1452 : vector<16xf32>
      %sub3A_1454 = arith.subf %add3A_1451, %abs3A_1453 : vector<16xf32>
      %swap3A_1455 = arith.index_cast %scan3A_1423 : i32 to index
      %swap3A_1456 = arith.constant 32 : index
      %swap3A_1457 = tpu.vector_load %arg11[%swap3A_1455, %swap3A_1456] {strides = array<i32>} : memref<16x224xf32, #tpu.memory_space<vmem>>, vector<16xf32>,
      tpu.vector_store %arg11[%swap3A_1455, %swap3A_1456], %sub3A_1454 {strides = array<i32>} : memref<16x224xf32, #tpu.memory_space<vmem>>, vector<16xf32>,
      %mul3A_1458 = arith.mulf %gather3A_1426, %min3A_380 : vector<16xf32>
      %add3A_1459 = arith.addf %mul3A_1458, %gather3A_171 : vector<16xf32>
      %mul3A_1460 = arith.mulf %gather3A_1427, %mul3A_420 : vector<16xf32>
      %add3A_1461 = arith.addf %mul3A_1460, %add3A_1459 : vector<16xf32>
      %sub3A_1462 = arith.subf %gather3A_1428, %mul3A_427 : vector<16xf32>
      %abs3A_1463 = math.absf %sub3A_1462 : vector<16xf32>
      %sub3A_1464 = arith.subf %add3A_1461, %abs3A_1463 : vector<16xf32>
      %swap3A_1465 = arith.index_cast %scan3A_1423 : i32 to index
      %swap3A_1466 = arith.constant 48 : index
      %swap3A_1467 = tpu.vector_load %arg11[%swap3A_1465, %swap3A_1466] {strides = array<i32>} : memref<16x224xf32, #tpu.memory_space<vmem>>, vector<16xf32>,
      tpu.vector_store %arg11[%swap3A_1465, %swap3A_1466], %sub3A_1464 {strides = array<i32>} : memref<16x224xf32, #tpu.memory_space<vmem>>, vector<16xf32>,
      %mul3A_1468 = arith.mulf %gather3A_1426, %min3A_444 : vector<16xf32>
      %add3A_1469 = arith.addf %mul3A_1468, %gather3A_171 : vector<16xf32>
      %mul3A_1470 = arith.mulf %gather3A_1427, %mul3A_484 : vector<16xf32>
      %add3A_1471 = arith.addf %mul3A_1470, %add3A_1469 : vector<16xf32>
      %sub3A_1472 = arith.subf %gather3A_1428, %mul3A_491 : vector<16xf32>
      %abs3A_1473 = math.absf %sub3A_1472 : vector<16xf32>
      %sub3A_1474 = arith.subf %add3A_1471, %abs3A_1473 : vector<16xf32>
      %swap3A_1475 = arith.index_cast %scan3A_1423 : i32 to index
      %swap3A_1476 = arith.constant 64 : index
      %swap3A_1477 = tpu.vector_load %arg11[%swap3A_1475, %swap3A_1476] {strides = array<i32>} : memref<16x224xf32, #tpu.memory_space<vmem>>, vector<16xf32>,
      tpu.vector_store %arg11[%swap3A_1475, %swap3A_1476], %sub3A_1474 {strides = array<i32>} : memref<16x224xf32, #tpu.memory_space<vmem>>, vector<16xf32>,
      %mul3A_1478 = arith.mulf %gather3A_1426, %min3A_508 : vector<16xf32>
      %add3A_1479 = arith.addf %mul3A_1478, %gather3A_171 : vector<16xf32>
      %mul3A_1480 = arith.mulf %gather3A_1427, %mul3A_548 : vector<16xf32>
      %add3A_1481 = arith.addf %mul3A_1480, %add3A_1479 : vector<16xf32>
      %sub3A_1482 = arith.subf %gather3A_1428, %mul3A_555 : vector<16xf32>
      %abs3A_1483 = math.absf %sub3A_1482 : vector<16xf32>
      %sub3A_1484 = arith.subf %add3A_1481, %abs3A_1483 : vector<16xf32>
      %swap3A_1485 = arith.index_cast %scan3A_1423 : i32 to index
      %swap3A_1486 = arith.constant 80 : index
      %swap3A_1487 = tpu.vector_load %arg11[%swap3A_1485, %swap3A_1486] {strides = array<i32>} : memref<16x224xf32, #tpu.memory_space<vmem>>, vector<16xf32>,
      tpu.vector_store %arg11[%swap3A_1485, %swap3A_1486], %sub3A_1484 {strides = array<i32>} : memref<16x224xf32, #tpu.memory_space<vmem>>, vector<16xf32>,
      %mul3A_1488 = arith.mulf %gather3A_1426, %min3A_572 : vector<16xf32>
      %add3A_1489 = arith.addf %mul3A_1488, %gather3A_171 : vector<16xf32>
      %mul3A_1490 = arith.mulf %gather3A_1427, %mul3A_612 : vector<16xf32>
      %add3A_1491 = arith.addf %mul3A_1490, %add3A_1489 : vector<16xf32>
      %sub3A_1492 = arith.subf %gather3A_1428, %mul3A_619 : vector<16xf32>
      %abs3A_1493 = math.absf %sub3A_1492 : vector<16xf32>
      %sub3A_1494 = arith.subf %add3A_1491, %abs3A_1493 : vector<16xf32>
      %swap3A_1495 = arith.index_cast %scan3A_1423 : i32 to index
      %swap3A_1496 = arith.constant 96 : index
      %swap3A_1497 = tpu.vector_load %arg11[%swap3A_1495, %swap3A_1496] {strides = array<i32>} : memref<16x224xf32, #tpu.memory_space<vmem>>, vector<16xf32>,
      tpu.vector_store %arg11[%swap3A_1495, %swap3A_1496], %sub3A_1494 {strides = array<i32>} : memref<16x224xf32, #tpu.memory_space<vmem>>, vector<16xf32>,
      %mul3A_1498 = arith.mulf %gather3A_1426, %min3A_636 : vector<16xf32>
      %add3A_1499 = arith.addf %mul3A_1498, %gather3A_171 : vector<16xf32>
      %mul3A_1500 = arith.mulf %gather3A_1427, %mul3A_676 : vector<16xf32>
      %add3A_1501 = arith.addf %mul3A_1500, %add3A_1499 : vector<16xf32>
      %sub3A_1502 = arith.subf %gather3A_1428, %mul3A_683 : vector<16xf32>
      %abs3A_1503 = math.absf %sub3A_1502 : vector<16xf32>
      %sub3A_1504 = arith.subf %add3A_1501, %abs3A_1503 : vector<16xf32>
      %swap3A_1505 = arith.index_cast %scan3A_1423 : i32 to index
      %swap3A_1506 = arith.constant 112 : index
      %swap3A_1507 = tpu.vector_load %arg11[%swap3A_1505, %swap3A_1506] {strides = array<i32>} : memref<16x224xf32, #tpu.memory_space<vmem>>, vector<16xf32>,
      tpu.vector_store %arg11[%swap3A_1505, %swap3A_1506], %sub3A_1504 {strides = array<i32>} : memref<16x224xf32, #tpu.memory_space<vmem>>, vector<16xf32>,
      %mul3A_1508 = arith.mulf %gather3A_1426, %min3A_700 : vector<16xf32>
      %add3A_1509 = arith.addf %mul3A_1508, %gather3A_171 : vector<16xf32>
      %mul3A_1510 = arith.mulf %gather3A_1427, %mul3A_740 : vector<16xf32>
      %add3A_1511 = arith.addf %mul3A_1510, %add3A_1509 : vector<16xf32>
      %sub3A_1512 = arith.subf %gather3A_1428, %mul3A_747 : vector<16xf32>
      %abs3A_1513 = math.absf %sub3A_1512 : vector<16xf32>
      %sub3A_1514 = arith.subf %add3A_1511, %abs3A_1513 : vector<16xf32>
      %swap3A_1515 = arith.index_cast %scan3A_1423 : i32 to index
      %swap3A_1516 = arith.constant 128 : index
      %swap3A_1517 = tpu.vector_load %arg11[%swap3A_1515, %swap3A_1516] {strides = array<i32>} : memref<16x224xf32, #tpu.memory_space<vmem>>, vector<16xf32>,
      tpu.vector_store %arg11[%swap3A_1515, %swap3A_1516], %sub3A_1514 {strides = array<i32>} : memref<16x224xf32, #tpu.memory_space<vmem>>, vector<16xf32>,
      %mul3A_1518 = arith.mulf %gather3A_1426, %min3A_764 : vector<16xf32>
      %add3A_1519 = arith.addf %mul3A_1518, %gather3A_171 : vector<16xf32>
      %mul3A_1520 = arith.mulf %gather3A_1427, %mul3A_804 : vector<16xf32>
      %add3A_1521 = arith.addf %mul3A_1520, %add3A_1519 : vector<16xf32>
      %sub3A_1522 = arith.subf %gather3A_1428, %mul3A_811 : vector<16xf32>
      %abs3A_1523 = math.absf %sub3A_1522 : vector<16xf32>
      %sub3A_1524 = arith.subf %add3A_1521, %abs3A_1523 : vector<16xf32>
      %swap3A_1525 = arith.index_cast %scan3A_1423 : i32 to index
      %swap3A_1526 = arith.constant 144 : index
      %swap3A_1527 = tpu.vector_load %arg11[%swap3A_1525, %swap3A_1526] {strides = array<i32>} : memref<16x224xf32, #tpu.memory_space<vmem>>, vector<16xf32>,
      tpu.vector_store %arg11[%swap3A_1525, %swap3A_1526], %sub3A_1524 {strides = array<i32>} : memref<16x224xf32, #tpu.memory_space<vmem>>, vector<16xf32>,
      %mul3A_1528 = arith.mulf %gather3A_1426, %min3A_828 : vector<16xf32>
      %add3A_1529 = arith.addf %mul3A_1528, %gather3A_171 : vector<16xf32>
      %mul3A_1530 = arith.mulf %gather3A_1427, %mul3A_868 : vector<16xf32>
      %add3A_1531 = arith.addf %mul3A_1530, %add3A_1529 : vector<16xf32>
      %sub3A_1532 = arith.subf %gather3A_1428, %mul3A_875 : vector<16xf32>
      %abs3A_1533 = math.absf %sub3A_1532 : vector<16xf32>
      %sub3A_1534 = arith.subf %add3A_1531, %abs3A_1533 : vector<16xf32>
      %swap3A_1535 = arith.index_cast %scan3A_1423 : i32 to index
      %swap3A_1536 = arith.constant 160 : index
      %swap3A_1537 = tpu.vector_load %arg11[%swap3A_1535, %swap3A_1536] {strides = array<i32>} : memref<16x224xf32, #tpu.memory_space<vmem>>, vector<16xf32>,
      tpu.vector_store %arg11[%swap3A_1535, %swap3A_1536], %sub3A_1534 {strides = array<i32>} : memref<16x224xf32, #tpu.memory_space<vmem>>, vector<16xf32>,
      %mul3A_1538 = arith.mulf %gather3A_1426, %min3A_892 : vector<16xf32>
      %add3A_1539 = arith.addf %mul3A_1538, %gather3A_171 : vector<16xf32>
      %mul3A_1540 = arith.mulf %gather3A_1427, %mul3A_932 : vector<16xf32>
      %add3A_1541 = arith.addf %mul3A_1540, %add3A_1539 : vector<16xf32>
      %sub3A_1542 = arith.subf %gather3A_1428, %mul3A_939 : vector<16xf32>
      %abs3A_1543 = math.absf %sub3A_1542 : vector<16xf32>
      %sub3A_1544 = arith.subf %add3A_1541, %abs3A_1543 : vector<16xf32>
      %swap3A_1545 = arith.index_cast %scan3A_1423 : i32 to index
      %swap3A_1546 = arith.constant 176 : index
      %swap3A_1547 = tpu.vector_load %arg11[%swap3A_1545, %swap3A_1546] {strides = array<i32>} : memref<16x224xf32, #tpu.memory_space<vmem>>, vector<16xf32>,
      tpu.vector_store %arg11[%swap3A_1545, %swap3A_1546], %sub3A_1544 {strides = array<i32>} : memref<16x224xf32, #tpu.memory_space<vmem>>, vector<16xf32>,
      %mul3A_1548 = arith.mulf %gather3A_1426, %min3A_956 : vector<16xf32>
      %add3A_1549 = arith.addf %mul3A_1548, %gather3A_171 : vector<16xf32>
      %mul3A_1550 = arith.mulf %gather3A_1427, %mul3A_996 : vector<16xf32>
      %add3A_1551 = arith.addf %mul3A_1550, %add3A_1549 : vector<16xf32>
      %sub3A_1552 = arith.subf %gather3A_1428, %mul3A_1003 : vector<16xf32>
      %abs3A_1553 = math.absf %sub3A_1552 : vector<16xf32>
      %sub3A_1554 = arith.subf %add3A_1551, %abs3A_1553 : vector<16xf32>
      %swap3A_1555 = arith.index_cast %scan3A_1423 : i32 to index
      %swap3A_1556 = arith.constant 192 : index
      %swap3A_1557 = tpu.vector_load %arg11[%swap3A_1555, %swap3A_1556] {strides = array<i32>} : memref<16x224xf32, #tpu.memory_space<vmem>>, vector<16xf32>,
      tpu.vector_store %arg11[%swap3A_1555, %swap3A_1556], %sub3A_1554 {strides = array<i32>} : memref<16x224xf32, #tpu.memory_space<vmem>>, vector<16xf32>,
      %mul3A_1558 = arith.mulf %gather3A_1426, %min3A_1020 : vector<16xf32>
      %add3A_1559 = arith.addf %mul3A_1558, %gather3A_171 : vector<16xf32>
      %mul3A_1560 = arith.mulf %gather3A_1427, %mul3A_1060 : vector<16xf32>
      %add3A_1561 = arith.addf %mul3A_1560, %add3A_1559 : vector<16xf32>
      %sub3A_1562 = arith.subf %gather3A_1428, %mul3A_1067 : vector<16xf32>
      %abs3A_1563 = math.absf %sub3A_1562 : vector<16xf32>
      %sub3A_1564 = arith.subf %add3A_1561, %abs3A_1563 : vector<16xf32>
      %swap3A_1565 = arith.index_cast %scan3A_1423 : i32 to index
      %swap3A_1566 = arith.constant 208 : index
      %swap3A_1567 = tpu.vector_load %arg11[%swap3A_1565, %swap3A_1566] {strides = array<i32>} : memref<16x224xf32, #tpu.memory_space<vmem>>, vector<16xf32>,
      tpu.vector_store %arg11[%swap3A_1565, %swap3A_1566], %sub3A_1564 {strides = array<i32>} : memref<16x224xf32, #tpu.memory_space<vmem>>, vector<16xf32>,
      %scan3A_1568 = arith.constant 1 : i32
      %scan3A_1569 = arith.addi %scan3A_1423, %scan3A_1568 : i32
      %add3A_1570 = arith.addi %add3A_1303, %scan3A_1569 : i32
      %broadcast_in_dim3A_1571 = vector.broadcast %add3A_1570 : i32 to vector<16xi32>
      %gather3A_1572 = tpu.vector_load_idx %arg6[%broadcast_in_dim3A_1571] : memref<224xf32, #tpu.memory_space<vmem>>[vector<16xi32>], vector<16xf32>,
      %gather3A_1573 = tpu.vector_load_idx %arg7[%broadcast_in_dim3A_1571] : memref<224xf32, #tpu.memory_space<vmem>>[vector<16xi32>], vector<16xf32>,
      %gather3A_1574 = tpu.vector_load_idx %arg8[%broadcast_in_dim3A_1571] : memref<224xf32, #tpu.memory_space<vmem>>[vector<16xi32>], vector<16xf32>,
      %mul3A_1575 = arith.mulf %gather3A_1572, %min3A_191 : vector<16xf32>
      %add3A_1576 = arith.addf %mul3A_1575, %gather3A_171 : vector<16xf32>
      %mul3A_1577 = arith.mulf %gather3A_1573, %mul3A_229 : vector<16xf32>
      %add3A_1578 = arith.addf %mul3A_1577, %add3A_1576 : vector<16xf32>
      %sub3A_1579 = arith.subf %gather3A_1574, %mul3A_236 : vector<16xf32>
      %abs3A_1580 = math.absf %sub3A_1579 : vector<16xf32>
      %sub3A_1581 = arith.subf %add3A_1578, %abs3A_1580 : vector<16xf32>
      %swap3A_1582 = arith.index_cast %scan3A_1569 : i32 to index
      %swap3A_1583 = arith.constant 0 : index
      %swap3A_1584 = tpu.vector_load %arg11[%swap3A_1582, %swap3A_1583] {strides = array<i32>} : memref<16x224xf32, #tpu.memory_space<vmem>>, vector<16xf32>,
      tpu.vector_store %arg11[%swap3A_1582, %swap3A_1583], %sub3A_1581 {strides = array<i32>} : memref<16x224xf32, #tpu.memory_space<vmem>>, vector<16xf32>,
      %mul3A_1585 = arith.mulf %gather3A_1572, %min3A_252 : vector<16xf32>
      %add3A_1586 = arith.addf %mul3A_1585, %gather3A_171 : vector<16xf32>
      %mul3A_1587 = arith.mulf %gather3A_1573, %mul3A_292 : vector<16xf32>
      %add3A_1588 = arith.addf %mul3A_1587, %add3A_1586 : vector<16xf32>
      %sub3A_1589 = arith.subf %gather3A_1574, %mul3A_299 : vector<16xf32>
      %abs3A_1590 = math.absf %sub3A_1589 : vector<16xf32>
      %sub3A_1591 = arith.subf %add3A_1588, %abs3A_1590 : vector<16xf32>
      %swap3A_1592 = arith.index_cast %scan3A_1569 : i32 to index
      %swap3A_1593 = arith.constant 16 : index
      %swap3A_1594 = tpu.vector_load %arg11[%swap3A_1592, %swap3A_1593] {strides = array<i32>} : memref<16x224xf32, #tpu.memory_space<vmem>>, vector<16xf32>,
      tpu.vector_store %arg11[%swap3A_1592, %swap3A_1593], %sub3A_1591 {strides = array<i32>} : memref<16x224xf32, #tpu.memory_space<vmem>>, vector<16xf32>,
      %mul3A_1595 = arith.mulf %gather3A_1572, %min3A_316 : vector<16xf32>
      %add3A_1596 = arith.addf %mul3A_1595, %gather3A_171 : vector<16xf32>
      %mul3A_1597 = arith.mulf %gather3A_1573, %mul3A_356 : vector<16xf32>
      %add3A_1598 = arith.addf %mul3A_1597, %add3A_1596 : vector<16xf32>
      %sub3A_1599 = arith.subf %gather3A_1574, %mul3A_363 : vector<16xf32>
      %abs3A_1600 = math.absf %sub3A_1599 : vector<16xf32>
      %sub3A_1601 = arith.subf %add3A_1598, %abs3A_1600 : vector<16xf32>
      %swap3A_1602 = arith.index_cast %scan3A_1569 : i32 to index
      %swap3A_1603 = arith.constant 32 : index
      %swap3A_1604 = tpu.vector_load %arg11[%swap3A_1602, %swap3A_1603] {strides = array<i32>} : memref<16x224xf32, #tpu.memory_space<vmem>>, vector<16xf32>,
      tpu.vector_store %arg11[%swap3A_1602, %swap3A_1603], %sub3A_1601 {strides = array<i32>} : memref<16x224xf32, #tpu.memory_space<vmem>>, vector<16xf32>,
      %mul3A_1605 = arith.mulf %gather3A_1572, %min3A_380 : vector<16xf32>
      %add3A_1606 = arith.addf %mul3A_1605, %gather3A_171 : vector<16xf32>
      %mul3A_1607 = arith.mulf %gather3A_1573, %mul3A_420 : vector<16xf32>
      %add3A_1608 = arith.addf %mul3A_1607, %add3A_1606 : vector<16xf32>
      %sub3A_1609 = arith.subf %gather3A_1574, %mul3A_427 : vector<16xf32>
      %abs3A_1610 = math.absf %sub3A_1609 : vector<16xf32>
      %sub3A_1611 = arith.subf %add3A_1608, %abs3A_1610 : vector<16xf32>
      %swap3A_1612 = arith.index_cast %scan3A_1569 : i32 to index
      %swap3A_1613 = arith.constant 48 : index
      %swap3A_1614 = tpu.vector_load %arg11[%swap3A_1612, %swap3A_1613] {strides = array<i32>} : memref<16x224xf32, #tpu.memory_space<vmem>>, vector<16xf32>,
      tpu.vector_store %arg11[%swap3A_1612, %swap3A_1613], %sub3A_1611 {strides = array<i32>} : memref<16x224xf32, #tpu.memory_space<vmem>>, vector<16xf32>,
      %mul3A_1615 = arith.mulf %gather3A_1572, %min3A_444 : vector<16xf32>
      %add3A_1616 = arith.addf %mul3A_1615, %gather3A_171 : vector<16xf32>
      %mul3A_1617 = arith.mulf %gather3A_1573, %mul3A_484 : vector<16xf32>
      %add3A_1618 = arith.addf %mul3A_1617, %add3A_1616 : vector<16xf32>
      %sub3A_1619 = arith.subf %gather3A_1574, %mul3A_491 : vector<16xf32>
      %abs3A_1620 = math.absf %sub3A_1619 : vector<16xf32>
      %sub3A_1621 = arith.subf %add3A_1618, %abs3A_1620 : vector<16xf32>
      %swap3A_1622 = arith.index_cast %scan3A_1569 : i32 to index
      %swap3A_1623 = arith.constant 64 : index
      %swap3A_1624 = tpu.vector_load %arg11[%swap3A_1622, %swap3A_1623] {strides = array<i32>} : memref<16x224xf32, #tpu.memory_space<vmem>>, vector<16xf32>,
      tpu.vector_store %arg11[%swap3A_1622, %swap3A_1623], %sub3A_1621 {strides = array<i32>} : memref<16x224xf32, #tpu.memory_space<vmem>>, vector<16xf32>,
      %mul3A_1625 = arith.mulf %gather3A_1572, %min3A_508 : vector<16xf32>
      %add3A_1626 = arith.addf %mul3A_1625, %gather3A_171 : vector<16xf32>
      %mul3A_1627 = arith.mulf %gather3A_1573, %mul3A_548 : vector<16xf32>
      %add3A_1628 = arith.addf %mul3A_1627, %add3A_1626 : vector<16xf32>
      %sub3A_1629 = arith.subf %gather3A_1574, %mul3A_555 : vector<16xf32>
      %abs3A_1630 = math.absf %sub3A_1629 : vector<16xf32>
      %sub3A_1631 = arith.subf %add3A_1628, %abs3A_1630 : vector<16xf32>
      %swap3A_1632 = arith.index_cast %scan3A_1569 : i32 to index
      %swap3A_1633 = arith.constant 80 : index
      %swap3A_1634 = tpu.vector_load %arg11[%swap3A_1632, %swap3A_1633] {strides = array<i32>} : memref<16x224xf32, #tpu.memory_space<vmem>>, vector<16xf32>,
      tpu.vector_store %arg11[%swap3A_1632, %swap3A_1633], %sub3A_1631 {strides = array<i32>} : memref<16x224xf32, #tpu.memory_space<vmem>>, vector<16xf32>,
      %mul3A_1635 = arith.mulf %gather3A_1572, %min3A_572 : vector<16xf32>
      %add3A_1636 = arith.addf %mul3A_1635, %gather3A_171 : vector<16xf32>
      %mul3A_1637 = arith.mulf %gather3A_1573, %mul3A_612 : vector<16xf32>
      %add3A_1638 = arith.addf %mul3A_1637, %add3A_1636 : vector<16xf32>
      %sub3A_1639 = arith.subf %gather3A_1574, %mul3A_619 : vector<16xf32>
      %abs3A_1640 = math.absf %sub3A_1639 : vector<16xf32>
      %sub3A_1641 = arith.subf %add3A_1638, %abs3A_1640 : vector<16xf32>
      %swap3A_1642 = arith.index_cast %scan3A_1569 : i32 to index
      %swap3A_1643 = arith.constant 96 : index
      %swap3A_1644 = tpu.vector_load %arg11[%swap3A_1642, %swap3A_1643] {strides = array<i32>} : memref<16x224xf32, #tpu.memory_space<vmem>>, vector<16xf32>,
      tpu.vector_store %arg11[%swap3A_1642, %swap3A_1643], %sub3A_1641 {strides = array<i32>} : memref<16x224xf32, #tpu.memory_space<vmem>>, vector<16xf32>,
      %mul3A_1645 = arith.mulf %gather3A_1572, %min3A_636 : vector<16xf32>
      %add3A_1646 = arith.addf %mul3A_1645, %gather3A_171 : vector<16xf32>
      %mul3A_1647 = arith.mulf %gather3A_1573, %mul3A_676 : vector<16xf32>
      %add3A_1648 = arith.addf %mul3A_1647, %add3A_1646 : vector<16xf32>
      %sub3A_1649 = arith.subf %gather3A_1574, %mul3A_683 : vector<16xf32>
      %abs3A_1650 = math.absf %sub3A_1649 : vector<16xf32>
      %sub3A_1651 = arith.subf %add3A_1648, %abs3A_1650 : vector<16xf32>
      %swap3A_1652 = arith.index_cast %scan3A_1569 : i32 to index
      %swap3A_1653 = arith.constant 112 : index
      %swap3A_1654 = tpu.vector_load %arg11[%swap3A_1652, %swap3A_1653] {strides = array<i32>} : memref<16x224xf32, #tpu.memory_space<vmem>>, vector<16xf32>,
      tpu.vector_store %arg11[%swap3A_1652, %swap3A_1653], %sub3A_1651 {strides = array<i32>} : memref<16x224xf32, #tpu.memory_space<vmem>>, vector<16xf32>,
      %mul3A_1655 = arith.mulf %gather3A_1572, %min3A_700 : vector<16xf32>
      %add3A_1656 = arith.addf %mul3A_1655, %gather3A_171 : vector<16xf32>
      %mul3A_1657 = arith.mulf %gather3A_1573, %mul3A_740 : vector<16xf32>
      %add3A_1658 = arith.addf %mul3A_1657, %add3A_1656 : vector<16xf32>
      %sub3A_1659 = arith.subf %gather3A_1574, %mul3A_747 : vector<16xf32>
      %abs3A_1660 = math.absf %sub3A_1659 : vector<16xf32>
      %sub3A_1661 = arith.subf %add3A_1658, %abs3A_1660 : vector<16xf32>
      %swap3A_1662 = arith.index_cast %scan3A_1569 : i32 to index
      %swap3A_1663 = arith.constant 128 : index
      %swap3A_1664 = tpu.vector_load %arg11[%swap3A_1662, %swap3A_1663] {strides = array<i32>} : memref<16x224xf32, #tpu.memory_space<vmem>>, vector<16xf32>,
      tpu.vector_store %arg11[%swap3A_1662, %swap3A_1663], %sub3A_1661 {strides = array<i32>} : memref<16x224xf32, #tpu.memory_space<vmem>>, vector<16xf32>,
      %mul3A_1665 = arith.mulf %gather3A_1572, %min3A_764 : vector<16xf32>
      %add3A_1666 = arith.addf %mul3A_1665, %gather3A_171 : vector<16xf32>
      %mul3A_1667 = arith.mulf %gather3A_1573, %mul3A_804 : vector<16xf32>
      %add3A_1668 = arith.addf %mul3A_1667, %add3A_1666 : vector<16xf32>
      %sub3A_1669 = arith.subf %gather3A_1574, %mul3A_811 : vector<16xf32>
      %abs3A_1670 = math.absf %sub3A_1669 : vector<16xf32>
      %sub3A_1671 = arith.subf %add3A_1668, %abs3A_1670 : vector<16xf32>
      %swap3A_1672 = arith.index_cast %scan3A_1569 : i32 to index
      %swap3A_1673 = arith.constant 144 : index
      %swap3A_1674 = tpu.vector_load %arg11[%swap3A_1672, %swap3A_1673] {strides = array<i32>} : memref<16x224xf32, #tpu.memory_space<vmem>>, vector<16xf32>,
      tpu.vector_store %arg11[%swap3A_1672, %swap3A_1673], %sub3A_1671 {strides = array<i32>} : memref<16x224xf32, #tpu.memory_space<vmem>>, vector<16xf32>,
      %mul3A_1675 = arith.mulf %gather3A_1572, %min3A_828 : vector<16xf32>
      %add3A_1676 = arith.addf %mul3A_1675, %gather3A_171 : vector<16xf32>
      %mul3A_1677 = arith.mulf %gather3A_1573, %mul3A_868 : vector<16xf32>
      %add3A_1678 = arith.addf %mul3A_1677, %add3A_1676 : vector<16xf32>
      %sub3A_1679 = arith.subf %gather3A_1574, %mul3A_875 : vector<16xf32>
      %abs3A_1680 = math.absf %sub3A_1679 : vector<16xf32>
      %sub3A_1681 = arith.subf %add3A_1678, %abs3A_1680 : vector<16xf32>
      %swap3A_1682 = arith.index_cast %scan3A_1569 : i32 to index
      %swap3A_1683 = arith.constant 160 : index
      %swap3A_1684 = tpu.vector_load %arg11[%swap3A_1682, %swap3A_1683] {strides = array<i32>} : memref<16x224xf32, #tpu.memory_space<vmem>>, vector<16xf32>,
      tpu.vector_store %arg11[%swap3A_1682, %swap3A_1683], %sub3A_1681 {strides = array<i32>} : memref<16x224xf32, #tpu.memory_space<vmem>>, vector<16xf32>,
      %mul3A_1685 = arith.mulf %gather3A_1572, %min3A_892 : vector<16xf32>
      %add3A_1686 = arith.addf %mul3A_1685, %gather3A_171 : vector<16xf32>
      %mul3A_1687 = arith.mulf %gather3A_1573, %mul3A_932 : vector<16xf32>
      %add3A_1688 = arith.addf %mul3A_1687, %add3A_1686 : vector<16xf32>
      %sub3A_1689 = arith.subf %gather3A_1574, %mul3A_939 : vector<16xf32>
      %abs3A_1690 = math.absf %sub3A_1689 : vector<16xf32>
      %sub3A_1691 = arith.subf %add3A_1688, %abs3A_1690 : vector<16xf32>
      %swap3A_1692 = arith.index_cast %scan3A_1569 : i32 to index
      %swap3A_1693 = arith.constant 176 : index
      %swap3A_1694 = tpu.vector_load %arg11[%swap3A_1692, %swap3A_1693] {strides = array<i32>} : memref<16x224xf32, #tpu.memory_space<vmem>>, vector<16xf32>,
      tpu.vector_store %arg11[%swap3A_1692, %swap3A_1693], %sub3A_1691 {strides = array<i32>} : memref<16x224xf32, #tpu.memory_space<vmem>>, vector<16xf32>,
      %mul3A_1695 = arith.mulf %gather3A_1572, %min3A_956 : vector<16xf32>
      %add3A_1696 = arith.addf %mul3A_1695, %gather3A_171 : vector<16xf32>
      %mul3A_1697 = arith.mulf %gather3A_1573, %mul3A_996 : vector<16xf32>
      %add3A_1698 = arith.addf %mul3A_1697, %add3A_1696 : vector<16xf32>
      %sub3A_1699 = arith.subf %gather3A_1574, %mul3A_1003 : vector<16xf32>
      %abs3A_1700 = math.absf %sub3A_1699 : vector<16xf32>
      %sub3A_1701 = arith.subf %add3A_1698, %abs3A_1700 : vector<16xf32>
      %swap3A_1702 = arith.index_cast %scan3A_1569 : i32 to index
      %swap3A_1703 = arith.constant 192 : index
      %swap3A_1704 = tpu.vector_load %arg11[%swap3A_1702, %swap3A_1703] {strides = array<i32>} : memref<16x224xf32, #tpu.memory_space<vmem>>, vector<16xf32>,
      tpu.vector_store %arg11[%swap3A_1702, %swap3A_1703], %sub3A_1701 {strides = array<i32>} : memref<16x224xf32, #tpu.memory_space<vmem>>, vector<16xf32>,
      %mul3A_1705 = arith.mulf %gather3A_1572, %min3A_1020 : vector<16xf32>
      %add3A_1706 = arith.addf %mul3A_1705, %gather3A_171 : vector<16xf32>
      %mul3A_1707 = arith.mulf %gather3A_1573, %mul3A_1060 : vector<16xf32>
      %add3A_1708 = arith.addf %mul3A_1707, %add3A_1706 : vector<16xf32>
      %sub3A_1709 = arith.subf %gather3A_1574, %mul3A_1067 : vector<16xf32>
      %abs3A_1710 = math.absf %sub3A_1709 : vector<16xf32>
      %sub3A_1711 = arith.subf %add3A_1708, %abs3A_1710 : vector<16xf32>
      %swap3A_1712 = arith.index_cast %scan3A_1569 : i32 to index
      %swap3A_1713 = arith.constant 208 : index
      %swap3A_1714 = tpu.vector_load %arg11[%swap3A_1712, %swap3A_1713] {strides = array<i32>} : memref<16x224xf32, #tpu.memory_space<vmem>>, vector<16xf32>,
      tpu.vector_store %arg11[%swap3A_1712, %swap3A_1713], %sub3A_1711 {strides = array<i32>} : memref<16x224xf32, #tpu.memory_space<vmem>>, vector<16xf32>,
    }
    %scan3A_1309 = arith.constant 16 : i32
    %dma_start3A_1310 = arith.constant 0 : i32
    %dma_start3A_1311 = arith.constant 0 : i32
    %dma_start3A_1312 = tpu.memref_slice %arg4[%select_n3A, %select_n3A_32, %dma_start3A_1310, %add3A_1303, %dma_start3A_1311] : memref<4x4x3x224x224xf32, #tpu.memory_space<hbm>> -> memref<1x1x1x16x224xf32, #tpu.memory_space<hbm>>
    %dma_start3A_1313 = tpu.memref_squeeze %dma_start3A_1312 : memref<1x1x1x16x224xf32, #tpu.memory_space<hbm>> -> memref<16x224xf32, #tpu.memory_space<hbm>>
    %dma_start3A_1314 = arith.constant 0 : i32
    %dma_start3A_1315 = tpu.memref_slice %arg4[%select_n3A, %select_n3A_32, %dma_start3A_1310, %add3A_1303, %dma_start3A_1314] : memref<4x4x3x224x224xf32, #tpu.memory_space<hbm>> -> memref<1x1x1x16x224xf32, #tpu.memory_space<hbm>>
    %dma_start3A_1316 = tpu.memref_squeeze %dma_start3A_1315 : memref<1x1x1x16x224xf32, #tpu.memory_space<hbm>> -> memref<16x224xf32, #tpu.memory_space<hbm>>
    tpu.enqueue_dma source(%arg11 : memref<16x224xf32, #tpu.memory_space<vmem>>) target(%dma_start3A_1316 : memref<16x224xf32, #tpu.memory_space<hbm>>) target_semaphore(%arg13 : memref<!tpu.dma_semaphore, #tpu.memory_space<semaphore_mem>>)
    %dma_start3A_1317 = arith.constant 1 : i32
    %dma_start3A_1318 = arith.constant 0 : i32
    %dma_start3A_1319 = tpu.memref_slice %arg4[%select_n3A, %select_n3A_32, %dma_start3A_1317, %add3A_1303, %dma_start3A_1318] : memref<4x4x3x224x224xf32, #tpu.memory_space<hbm>> -> memref<1x1x1x16x224xf32, #tpu.memory_space<hbm>>
    %dma_start3A_1320 = tpu.memref_squeeze %dma_start3A_1319 : memref<1x1x1x16x224xf32, #tpu.memory_space<hbm>> -> memref<16x224xf32, #tpu.memory_space<hbm>>
    %dma_start3A_1321 = arith.constant 0 : i32
    %dma_start3A_1322 = tpu.memref_slice %arg4[%select_n3A, %select_n3A_32, %dma_start3A_1317, %add3A_1303, %dma_start3A_1321] : memref<4x4x3x224x224xf32, #tpu.memory_space<hbm>> -> memref<1x1x1x16x224xf32, #tpu.memory_space<hbm>>
    %dma_start3A_1323 = tpu.memref_squeeze %dma_start3A_1322 : memref<1x1x1x16x224xf32, #tpu.memory_space<hbm>> -> memref<16x224xf32, #tpu.memory_space<hbm>>
    tpu.enqueue_dma source(%arg11 : memref<16x224xf32, #tpu.memory_space<vmem>>) target(%dma_start3A_1323 : memref<16x224xf32, #tpu.memory_space<hbm>>) target_semaphore(%arg13 : memref<!tpu.dma_semaphore, #tpu.memory_space<semaphore_mem>>)
    %dma_start3A_1324 = arith.constant 2 : i32
    %dma_start3A_1325 = arith.constant 0 : i32
    %dma_start3A_1326 = tpu.memref_slice %arg4[%select_n3A, %select_n3A_32, %dma_start3A_1324, %add3A_1303, %dma_start3A_1325] : memref<4x4x3x224x224xf32, #tpu.memory_space<hbm>> -> memref<1x1x1x16x224xf32, #tpu.memory_space<hbm>>
    %dma_start3A_1327 = tpu.memref_squeeze %dma_start3A_1326 : memref<1x1x1x16x224xf32, #tpu.memory_space<hbm>> -> memref<16x224xf32, #tpu.memory_space<hbm>>
    %dma_start3A_1328 = arith.constant 0 : i32
    %dma_start3A_1329 = tpu.memref_slice %arg4[%select_n3A, %select_n3A_32, %dma_start3A_1324, %add3A_1303, %dma_start3A_1328] : memref<4x4x3x224x224xf32, #tpu.memory_space<hbm>> -> memref<1x1x1x16x224xf32, #tpu.memory_space<hbm>>
    %dma_start3A_1330 = tpu.memref_squeeze %dma_start3A_1329 : memref<1x1x1x16x224xf32, #tpu.memory_space<hbm>> -> memref<16x224xf32, #tpu.memory_space<hbm>>
    tpu.enqueue_dma source(%arg11 : memref<16x224xf32, #tpu.memory_space<vmem>>) target(%dma_start3A_1330 : memref<16x224xf32, #tpu.memory_space<hbm>>) target_semaphore(%arg13 : memref<!tpu.dma_semaphore, #tpu.memory_space<semaphore_mem>>)
    %dma_wait3A_1331 = arith.constant 0 : i32
    %dma_wait3A_1332 = arith.constant 0 : i32
    %dma_wait3A_1333 = tpu.memref_slice %arg4[%select_n3A, %select_n3A_32, %dma_wait3A_1331, %add3A_1253, %dma_wait3A_1332] : memref<4x4x3x224x224xf32, #tpu.memory_space<hbm>> -> memref<1x1x1x16x224xf32, #tpu.memory_space<hbm>>
    %dma_wait3A_1334 = tpu.memref_squeeze %dma_wait3A_1333 : memref<1x1x1x16x224xf32, #tpu.memory_space<hbm>> -> memref<16x224xf32, #tpu.memory_space<hbm>>
    %dma_wait3A_1335 = arith.constant 0 : i32
    %dma_wait3A_1336 = tpu.memref_slice %arg4[%select_n3A, %select_n3A_32, %dma_wait3A_1331, %add3A_1253, %dma_wait3A_1335] : memref<4x4x3x224x224xf32, #tpu.memory_space<hbm>> -> memref<1x1x1x16x224xf32, #tpu.memory_space<hbm>>
    %dma_wait3A_1337 = tpu.memref_squeeze %dma_wait3A_1336 : memref<1x1x1x16x224xf32, #tpu.memory_space<hbm>> -> memref<16x224xf32, #tpu.memory_space<hbm>>
    tpu.wait_dma2 semaphore(%arg12 : memref<!tpu.dma_semaphore, #tpu.memory_space<semaphore_mem>>) src(%arg10 : memref<16x224xf32, #tpu.memory_space<vmem>>) dst(%dma_wait3A_1337 : memref<16x224xf32, #tpu.memory_space<hbm>>)
    %dma_wait3A_1338 = arith.constant 1 : i32
    %dma_wait3A_1339 = arith.constant 0 : i32
    %dma_wait3A_1340 = tpu.memref_slice %arg4[%select_n3A, %select_n3A_32, %dma_wait3A_1338, %add3A_1253, %dma_wait3A_1339] : memref<4x4x3x224x224xf32, #tpu.memory_space<hbm>> -> memref<1x1x1x16x224xf32, #tpu.memory_space<hbm>>
    %dma_wait3A_1341 = tpu.memref_squeeze %dma_wait3A_1340 : memref<1x1x1x16x224xf32, #tpu.memory_space<hbm>> -> memref<16x224xf32, #tpu.memory_space<hbm>>
    %dma_wait3A_1342 = arith.constant 0 : i32
    %dma_wait3A_1343 = tpu.memref_slice %arg4[%select_n3A, %select_n3A_32, %dma_wait3A_1338, %add3A_1253, %dma_wait3A_1342] : memref<4x4x3x224x224xf32, #tpu.memory_space<hbm>> -> memref<1x1x1x16x224xf32, #tpu.memory_space<hbm>>
    %dma_wait3A_1344 = tpu.memref_squeeze %dma_wait3A_1343 : memref<1x1x1x16x224xf32, #tpu.memory_space<hbm>> -> memref<16x224xf32, #tpu.memory_space<hbm>>
    tpu.wait_dma2 semaphore(%arg12 : memref<!tpu.dma_semaphore, #tpu.memory_space<semaphore_mem>>) src(%arg10 : memref<16x224xf32, #tpu.memory_space<vmem>>) dst(%dma_wait3A_1344 : memref<16x224xf32, #tpu.memory_space<hbm>>)
    %dma_wait3A_1345 = arith.constant 2 : i32
    %dma_wait3A_1346 = arith.constant 0 : i32
    %dma_wait3A_1347 = tpu.memref_slice %arg4[%select_n3A, %select_n3A_32, %dma_wait3A_1345, %add3A_1253, %dma_wait3A_1346] : memref<4x4x3x224x224xf32, #tpu.memory_space<hbm>> -> memref<1x1x1x16x224xf32, #tpu.memory_space<hbm>>
    %dma_wait3A_1348 = tpu.memref_squeeze %dma_wait3A_1347 : memref<1x1x1x16x224xf32, #tpu.memory_space<hbm>> -> memref<16x224xf32, #tpu.memory_space<hbm>>
    %dma_wait3A_1349 = arith.constant 0 : i32
    %dma_wait3A_1350 = tpu.memref_slice %arg4[%select_n3A, %select_n3A_32, %dma_wait3A_1345, %add3A_1253, %dma_wait3A_1349] : memref<4x4x3x224x224xf32, #tpu.memory_space<hbm>> -> memref<1x1x1x16x224xf32, #tpu.memory_space<hbm>>
    %dma_wait3A_1351 = tpu.memref_squeeze %dma_wait3A_1350 : memref<1x1x1x16x224xf32, #tpu.memory_space<hbm>> -> memref<16x224xf32, #tpu.memory_space<hbm>>
    tpu.wait_dma2 semaphore(%arg12 : memref<!tpu.dma_semaphore, #tpu.memory_space<semaphore_mem>>) src(%arg10 : memref<16x224xf32, #tpu.memory_space<vmem>>) dst(%dma_wait3A_1351 : memref<16x224xf32, #tpu.memory_space<hbm>>)
    %add3A_1352 = arith.constant 96 : i32
    %add3A_1353 = arith.addi %mul3A_1075, %add3A_1352 : i32
    %scan3A_1354 = arith.constant 0 : i32
    %scan3A_1355 = arith.constant 0 : i32
    %scan3A_1356 = arith.constant 16 : i32
    %scan3A_1357 = arith.addi %scan3A_1355, %scan3A_1356 : i32
    %scan3A_1358 = arith.constant 2 : i32
    scf.for %scan3A_1423 = %scan3A_1355 to %scan3A_1357 step %scan3A_1358  : i32 {
      %add3A_1424 = arith.addi %add3A_1353, %scan3A_1423 : i32
      %broadcast_in_dim3A_1425 = vector.broadcast %add3A_1424 : i32 to vector<16xi32>
      %gather3A_1426 = tpu.vector_load_idx %arg6[%broadcast_in_dim3A_1425] : memref<224xf32, #tpu.memory_space<vmem>>[vector<16xi32>], vector<16xf32>,
      %gather3A_1427 = tpu.vector_load_idx %arg7[%broadcast_in_dim3A_1425] : memref<224xf32, #tpu.memory_space<vmem>>[vector<16xi32>], vector<16xf32>,
      %gather3A_1428 = tpu.vector_load_idx %arg8[%broadcast_in_dim3A_1425] : memref<224xf32, #tpu.memory_space<vmem>>[vector<16xi32>], vector<16xf32>,
      %mul3A_1429 = arith.mulf %gather3A_1426, %min3A_191 : vector<16xf32>
      %add3A_1430 = arith.addf %mul3A_1429, %gather3A_171 : vector<16xf32>
      %mul3A_1431 = arith.mulf %gather3A_1427, %mul3A_229 : vector<16xf32>
      %add3A_1432 = arith.addf %mul3A_1431, %add3A_1430 : vector<16xf32>
      %sub3A_1433 = arith.subf %gather3A_1428, %mul3A_236 : vector<16xf32>
      %abs3A = math.absf %sub3A_1433 : vector<16xf32>
      %sub3A_1434 = arith.subf %add3A_1432, %abs3A : vector<16xf32>
      %swap3A_1435 = arith.index_cast %scan3A_1423 : i32 to index
      %swap3A_1436 = arith.constant 0 : index
      %swap3A_1437 = tpu.vector_load %arg10[%swap3A_1435, %swap3A_1436] {strides = array<i32>} : memref<16x224xf32, #tpu.memory_space<vmem>>, vector<16xf32>,
      tpu.vector_store %arg10[%swap3A_1435, %swap3A_1436], %sub3A_1434 {strides = array<i32>} : memref<16x224xf32, #tpu.memory_space<vmem>>, vector<16xf32>,
      %mul3A_1438 = arith.mulf %gather3A_1426, %min3A_252 : vector<16xf32>
      %add3A_1439 = arith.addf %mul3A_1438, %gather3A_171 : vector<16xf32>
      %mul3A_1440 = arith.mulf %gather3A_1427, %mul3A_292 : vector<16xf32>
      %add3A_1441 = arith.addf %mul3A_1440, %add3A_1439 : vector<16xf32>
      %sub3A_1442 = arith.subf %gather3A_1428, %mul3A_299 : vector<16xf32>
      %abs3A_1443 = math.absf %sub3A_1442 : vector<16xf32>
      %sub3A_1444 = arith.subf %add3A_1441, %abs3A_1443 : vector<16xf32>
      %swap3A_1445 = arith.index_cast %scan3A_1423 : i32 to index
      %swap3A_1446 = arith.constant 16 : index
      %swap3A_1447 = tpu.vector_load %arg10[%swap3A_1445, %swap3A_1446] {strides = array<i32>} : memref<16x224xf32, #tpu.memory_space<vmem>>, vector<16xf32>,
      tpu.vector_store %arg10[%swap3A_1445, %swap3A_1446], %sub3A_1444 {strides = array<i32>} : memref<16x224xf32, #tpu.memory_space<vmem>>, vector<16xf32>,
      %mul3A_1448 = arith.mulf %gather3A_1426, %min3A_316 : vector<16xf32>
      %add3A_1449 = arith.addf %mul3A_1448, %gather3A_171 : vector<16xf32>
      %mul3A_1450 = arith.mulf %gather3A_1427, %mul3A_356 : vector<16xf32>
      %add3A_1451 = arith.addf %mul3A_1450, %add3A_1449 : vector<16xf32>
      %sub3A_1452 = arith.subf %gather3A_1428, %mul3A_363 : vector<16xf32>
      %abs3A_1453 = math.absf %sub3A_1452 : vector<16xf32>
      %sub3A_1454 = arith.subf %add3A_1451, %abs3A_1453 : vector<16xf32>
      %swap3A_1455 = arith.index_cast %scan3A_1423 : i32 to index
      %swap3A_1456 = arith.constant 32 : index
      %swap3A_1457 = tpu.vector_load %arg10[%swap3A_1455, %swap3A_1456] {strides = array<i32>} : memref<16x224xf32, #tpu.memory_space<vmem>>, vector<16xf32>,
      tpu.vector_store %arg10[%swap3A_1455, %swap3A_1456], %sub3A_1454 {strides = array<i32>} : memref<16x224xf32, #tpu.memory_space<vmem>>, vector<16xf32>,
      %mul3A_1458 = arith.mulf %gather3A_1426, %min3A_380 : vector<16xf32>
      %add3A_1459 = arith.addf %mul3A_1458, %gather3A_171 : vector<16xf32>
      %mul3A_1460 = arith.mulf %gather3A_1427, %mul3A_420 : vector<16xf32>
      %add3A_1461 = arith.addf %mul3A_1460, %add3A_1459 : vector<16xf32>
      %sub3A_1462 = arith.subf %gather3A_1428, %mul3A_427 : vector<16xf32>
      %abs3A_1463 = math.absf %sub3A_1462 : vector<16xf32>
      %sub3A_1464 = arith.subf %add3A_1461, %abs3A_1463 : vector<16xf32>
      %swap3A_1465 = arith.index_cast %scan3A_1423 : i32 to index
      %swap3A_1466 = arith.constant 48 : index
      %swap3A_1467 = tpu.vector_load %arg10[%swap3A_1465, %swap3A_1466] {strides = array<i32>} : memref<16x224xf32, #tpu.memory_space<vmem>>, vector<16xf32>,
      tpu.vector_store %arg10[%swap3A_1465, %swap3A_1466], %sub3A_1464 {strides = array<i32>} : memref<16x224xf32, #tpu.memory_space<vmem>>, vector<16xf32>,
      %mul3A_1468 = arith.mulf %gather3A_1426, %min3A_444 : vector<16xf32>
      %add3A_1469 = arith.addf %mul3A_1468, %gather3A_171 : vector<16xf32>
      %mul3A_1470 = arith.mulf %gather3A_1427, %mul3A_484 : vector<16xf32>
      %add3A_1471 = arith.addf %mul3A_1470, %add3A_1469 : vector<16xf32>
      %sub3A_1472 = arith.subf %gather3A_1428, %mul3A_491 : vector<16xf32>
      %abs3A_1473 = math.absf %sub3A_1472 : vector<16xf32>
      %sub3A_1474 = arith.subf %add3A_1471, %abs3A_1473 : vector<16xf32>
      %swap3A_1475 = arith.index_cast %scan3A_1423 : i32 to index
      %swap3A_1476 = arith.constant 64 : index
      %swap3A_1477 = tpu.vector_load %arg10[%swap3A_1475, %swap3A_1476] {strides = array<i32>} : memref<16x224xf32, #tpu.memory_space<vmem>>, vector<16xf32>,
      tpu.vector_store %arg10[%swap3A_1475, %swap3A_1476], %sub3A_1474 {strides = array<i32>} : memref<16x224xf32, #tpu.memory_space<vmem>>, vector<16xf32>,
      %mul3A_1478 = arith.mulf %gather3A_1426, %min3A_508 : vector<16xf32>
      %add3A_1479 = arith.addf %mul3A_1478, %gather3A_171 : vector<16xf32>
      %mul3A_1480 = arith.mulf %gather3A_1427, %mul3A_548 : vector<16xf32>
      %add3A_1481 = arith.addf %mul3A_1480, %add3A_1479 : vector<16xf32>
      %sub3A_1482 = arith.subf %gather3A_1428, %mul3A_555 : vector<16xf32>
      %abs3A_1483 = math.absf %sub3A_1482 : vector<16xf32>
      %sub3A_1484 = arith.subf %add3A_1481, %abs3A_1483 : vector<16xf32>
      %swap3A_1485 = arith.index_cast %scan3A_1423 : i32 to index
      %swap3A_1486 = arith.constant 80 : index
      %swap3A_1487 = tpu.vector_load %arg10[%swap3A_1485, %swap3A_1486] {strides = array<i32>} : memref<16x224xf32, #tpu.memory_space<vmem>>, vector<16xf32>,
      tpu.vector_store %arg10[%swap3A_1485, %swap3A_1486], %sub3A_1484 {strides = array<i32>} : memref<16x224xf32, #tpu.memory_space<vmem>>, vector<16xf32>,
      %mul3A_1488 = arith.mulf %gather3A_1426, %min3A_572 : vector<16xf32>
      %add3A_1489 = arith.addf %mul3A_1488, %gather3A_171 : vector<16xf32>
      %mul3A_1490 = arith.mulf %gather3A_1427, %mul3A_612 : vector<16xf32>
      %add3A_1491 = arith.addf %mul3A_1490, %add3A_1489 : vector<16xf32>
      %sub3A_1492 = arith.subf %gather3A_1428, %mul3A_619 : vector<16xf32>
      %abs3A_1493 = math.absf %sub3A_1492 : vector<16xf32>
      %sub3A_1494 = arith.subf %add3A_1491, %abs3A_1493 : vector<16xf32>
      %swap3A_1495 = arith.index_cast %scan3A_1423 : i32 to index
      %swap3A_1496 = arith.constant 96 : index
      %swap3A_1497 = tpu.vector_load %arg10[%swap3A_1495, %swap3A_1496] {strides = array<i32>} : memref<16x224xf32, #tpu.memory_space<vmem>>, vector<16xf32>,
      tpu.vector_store %arg10[%swap3A_1495, %swap3A_1496], %sub3A_1494 {strides = array<i32>} : memref<16x224xf32, #tpu.memory_space<vmem>>, vector<16xf32>,
      %mul3A_1498 = arith.mulf %gather3A_1426, %min3A_636 : vector<16xf32>
      %add3A_1499 = arith.addf %mul3A_1498, %gather3A_171 : vector<16xf32>
      %mul3A_1500 = arith.mulf %gather3A_1427, %mul3A_676 : vector<16xf32>
      %add3A_1501 = arith.addf %mul3A_1500, %add3A_1499 : vector<16xf32>
      %sub3A_1502 = arith.subf %gather3A_1428, %mul3A_683 : vector<16xf32>
      %abs3A_1503 = math.absf %sub3A_1502 : vector<16xf32>
      %sub3A_1504 = arith.subf %add3A_1501, %abs3A_1503 : vector<16xf32>
      %swap3A_1505 = arith.index_cast %scan3A_1423 : i32 to index
      %swap3A_1506 = arith.constant 112 : index
      %swap3A_1507 = tpu.vector_load %arg10[%swap3A_1505, %swap3A_1506] {strides = array<i32>} : memref<16x224xf32, #tpu.memory_space<vmem>>, vector<16xf32>,
      tpu.vector_store %arg10[%swap3A_1505, %swap3A_1506], %sub3A_1504 {strides = array<i32>} : memref<16x224xf32, #tpu.memory_space<vmem>>, vector<16xf32>,
      %mul3A_1508 = arith.mulf %gather3A_1426, %min3A_700 : vector<16xf32>
      %add3A_1509 = arith.addf %mul3A_1508, %gather3A_171 : vector<16xf32>
      %mul3A_1510 = arith.mulf %gather3A_1427, %mul3A_740 : vector<16xf32>
      %add3A_1511 = arith.addf %mul3A_1510, %add3A_1509 : vector<16xf32>
      %sub3A_1512 = arith.subf %gather3A_1428, %mul3A_747 : vector<16xf32>
      %abs3A_1513 = math.absf %sub3A_1512 : vector<16xf32>
      %sub3A_1514 = arith.subf %add3A_1511, %abs3A_1513 : vector<16xf32>
      %swap3A_1515 = arith.index_cast %scan3A_1423 : i32 to index
      %swap3A_1516 = arith.constant 128 : index
      %swap3A_1517 = tpu.vector_load %arg10[%swap3A_1515, %swap3A_1516] {strides = array<i32>} : memref<16x224xf32, #tpu.memory_space<vmem>>, vector<16xf32>,
      tpu.vector_store %arg10[%swap3A_1515, %swap3A_1516], %sub3A_1514 {strides = array<i32>} : memref<16x224xf32, #tpu.memory_space<vmem>>, vector<16xf32>,
      %mul3A_1518 = arith.mulf %gather3A_1426, %min3A_764 : vector<16xf32>
      %add3A_1519 = arith.addf %mul3A_1518, %gather3A_171 : vector<16xf32>
      %mul3A_1520 = arith.mulf %gather3A_1427, %mul3A_804 : vector<16xf32>
      %add3A_1521 = arith.addf %mul3A_1520, %add3A_1519 : vector<16xf32>
      %sub3A_1522 = arith.subf %gather3A_1428, %mul3A_811 : vector<16xf32>
      %abs3A_1523 = math.absf %sub3A_1522 : vector<16xf32>
      %sub3A_1524 = arith.subf %add3A_1521, %abs3A_1523 : vector<16xf32>
      %swap3A_1525 = arith.index_cast %scan3A_1423 : i32 to index
      %swap3A_1526 = arith.constant 144 : index
      %swap3A_1527 = tpu.vector_load %arg10[%swap3A_1525, %swap3A_1526] {strides = array<i32>} : memref<16x224xf32, #tpu.memory_space<vmem>>, vector<16xf32>,
      tpu.vector_store %arg10[%swap3A_1525, %swap3A_1526], %sub3A_1524 {strides = array<i32>} : memref<16x224xf32, #tpu.memory_space<vmem>>, vector<16xf32>,
      %mul3A_1528 = arith.mulf %gather3A_1426, %min3A_828 : vector<16xf32>
      %add3A_1529 = arith.addf %mul3A_1528, %gather3A_171 : vector<16xf32>
      %mul3A_1530 = arith.mulf %gather3A_1427, %mul3A_868 : vector<16xf32>
      %add3A_1531 = arith.addf %mul3A_1530, %add3A_1529 : vector<16xf32>
      %sub3A_1532 = arith.subf %gather3A_1428, %mul3A_875 : vector<16xf32>
      %abs3A_1533 = math.absf %sub3A_1532 : vector<16xf32>
      %sub3A_1534 = arith.subf %add3A_1531, %abs3A_1533 : vector<16xf32>
      %swap3A_1535 = arith.index_cast %scan3A_1423 : i32 to index
      %swap3A_1536 = arith.constant 160 : index
      %swap3A_1537 = tpu.vector_load %arg10[%swap3A_1535, %swap3A_1536] {strides = array<i32>} : memref<16x224xf32, #tpu.memory_space<vmem>>, vector<16xf32>,
      tpu.vector_store %arg10[%swap3A_1535, %swap3A_1536], %sub3A_1534 {strides = array<i32>} : memref<16x224xf32, #tpu.memory_space<vmem>>, vector<16xf32>,
      %mul3A_1538 = arith.mulf %gather3A_1426, %min3A_892 : vector<16xf32>
      %add3A_1539 = arith.addf %mul3A_1538, %gather3A_171 : vector<16xf32>
      %mul3A_1540 = arith.mulf %gather3A_1427, %mul3A_932 : vector<16xf32>
      %add3A_1541 = arith.addf %mul3A_1540, %add3A_1539 : vector<16xf32>
      %sub3A_1542 = arith.subf %gather3A_1428, %mul3A_939 : vector<16xf32>
      %abs3A_1543 = math.absf %sub3A_1542 : vector<16xf32>
      %sub3A_1544 = arith.subf %add3A_1541, %abs3A_1543 : vector<16xf32>
      %swap3A_1545 = arith.index_cast %scan3A_1423 : i32 to index
      %swap3A_1546 = arith.constant 176 : index
      %swap3A_1547 = tpu.vector_load %arg10[%swap3A_1545, %swap3A_1546] {strides = array<i32>} : memref<16x224xf32, #tpu.memory_space<vmem>>, vector<16xf32>,
      tpu.vector_store %arg10[%swap3A_1545, %swap3A_1546], %sub3A_1544 {strides = array<i32>} : memref<16x224xf32, #tpu.memory_space<vmem>>, vector<16xf32>,
      %mul3A_1548 = arith.mulf %gather3A_1426, %min3A_956 : vector<16xf32>
      %add3A_1549 = arith.addf %mul3A_1548, %gather3A_171 : vector<16xf32>
      %mul3A_1550 = arith.mulf %gather3A_1427, %mul3A_996 : vector<16xf32>
      %add3A_1551 = arith.addf %mul3A_1550, %add3A_1549 : vector<16xf32>
      %sub3A_1552 = arith.subf %gather3A_1428, %mul3A_1003 : vector<16xf32>
      %abs3A_1553 = math.absf %sub3A_1552 : vector<16xf32>
      %sub3A_1554 = arith.subf %add3A_1551, %abs3A_1553 : vector<16xf32>
      %swap3A_1555 = arith.index_cast %scan3A_1423 : i32 to index
      %swap3A_1556 = arith.constant 192 : index
      %swap3A_1557 = tpu.vector_load %arg10[%swap3A_1555, %swap3A_1556] {strides = array<i32>} : memref<16x224xf32, #tpu.memory_space<vmem>>, vector<16xf32>,
      tpu.vector_store %arg10[%swap3A_1555, %swap3A_1556], %sub3A_1554 {strides = array<i32>} : memref<16x224xf32, #tpu.memory_space<vmem>>, vector<16xf32>,
      %mul3A_1558 = arith.mulf %gather3A_1426, %min3A_1020 : vector<16xf32>
      %add3A_1559 = arith.addf %mul3A_1558, %gather3A_171 : vector<16xf32>
      %mul3A_1560 = arith.mulf %gather3A_1427, %mul3A_1060 : vector<16xf32>
      %add3A_1561 = arith.addf %mul3A_1560, %add3A_1559 : vector<16xf32>
      %sub3A_1562 = arith.subf %gather3A_1428, %mul3A_1067 : vector<16xf32>
      %abs3A_1563 = math.absf %sub3A_1562 : vector<16xf32>
      %sub3A_1564 = arith.subf %add3A_1561, %abs3A_1563 : vector<16xf32>
      %swap3A_1565 = arith.index_cast %scan3A_1423 : i32 to index
      %swap3A_1566 = arith.constant 208 : index
      %swap3A_1567 = tpu.vector_load %arg10[%swap3A_1565, %swap3A_1566] {strides = array<i32>} : memref<16x224xf32, #tpu.memory_space<vmem>>, vector<16xf32>,
      tpu.vector_store %arg10[%swap3A_1565, %swap3A_1566], %sub3A_1564 {strides = array<i32>} : memref<16x224xf32, #tpu.memory_space<vmem>>, vector<16xf32>,
      %scan3A_1568 = arith.constant 1 : i32
      %scan3A_1569 = arith.addi %scan3A_1423, %scan3A_1568 : i32
      %add3A_1570 = arith.addi %add3A_1353, %scan3A_1569 : i32
      %broadcast_in_dim3A_1571 = vector.broadcast %add3A_1570 : i32 to vector<16xi32>
      %gather3A_1572 = tpu.vector_load_idx %arg6[%broadcast_in_dim3A_1571] : memref<224xf32, #tpu.memory_space<vmem>>[vector<16xi32>], vector<16xf32>,
      %gather3A_1573 = tpu.vector_load_idx %arg7[%broadcast_in_dim3A_1571] : memref<224xf32, #tpu.memory_space<vmem>>[vector<16xi32>], vector<16xf32>,
      %gather3A_1574 = tpu.vector_load_idx %arg8[%broadcast_in_dim3A_1571] : memref<224xf32, #tpu.memory_space<vmem>>[vector<16xi32>], vector<16xf32>,
      %mul3A_1575 = arith.mulf %gather3A_1572, %min3A_191 : vector<16xf32>
      %add3A_1576 = arith.addf %mul3A_1575, %gather3A_171 : vector<16xf32>
      %mul3A_1577 = arith.mulf %gather3A_1573, %mul3A_229 : vector<16xf32>
      %add3A_1578 = arith.addf %mul3A_1577, %add3A_1576 : vector<16xf32>
      %sub3A_1579 = arith.subf %gather3A_1574, %mul3A_236 : vector<16xf32>
      %abs3A_1580 = math.absf %sub3A_1579 : vector<16xf32>
      %sub3A_1581 = arith.subf %add3A_1578, %abs3A_1580 : vector<16xf32>
      %swap3A_1582 = arith.index_cast %scan3A_1569 : i32 to index
      %swap3A_1583 = arith.constant 0 : index
      %swap3A_1584 = tpu.vector_load %arg10[%swap3A_1582, %swap3A_1583] {strides = array<i32>} : memref<16x224xf32, #tpu.memory_space<vmem>>, vector<16xf32>,
      tpu.vector_store %arg10[%swap3A_1582, %swap3A_1583], %sub3A_1581 {strides = array<i32>} : memref<16x224xf32, #tpu.memory_space<vmem>>, vector<16xf32>,
      %mul3A_1585 = arith.mulf %gather3A_1572, %min3A_252 : vector<16xf32>
      %add3A_1586 = arith.addf %mul3A_1585, %gather3A_171 : vector<16xf32>
      %mul3A_1587 = arith.mulf %gather3A_1573, %mul3A_292 : vector<16xf32>
      %add3A_1588 = arith.addf %mul3A_1587, %add3A_1586 : vector<16xf32>
      %sub3A_1589 = arith.subf %gather3A_1574, %mul3A_299 : vector<16xf32>
      %abs3A_1590 = math.absf %sub3A_1589 : vector<16xf32>
      %sub3A_1591 = arith.subf %add3A_1588, %abs3A_1590 : vector<16xf32>
      %swap3A_1592 = arith.index_cast %scan3A_1569 : i32 to index
      %swap3A_1593 = arith.constant 16 : index
      %swap3A_1594 = tpu.vector_load %arg10[%swap3A_1592, %swap3A_1593] {strides = array<i32>} : memref<16x224xf32, #tpu.memory_space<vmem>>, vector<16xf32>,
      tpu.vector_store %arg10[%swap3A_1592, %swap3A_1593], %sub3A_1591 {strides = array<i32>} : memref<16x224xf32, #tpu.memory_space<vmem>>, vector<16xf32>,
      %mul3A_1595 = arith.mulf %gather3A_1572, %min3A_316 : vector<16xf32>
      %add3A_1596 = arith.addf %mul3A_1595, %gather3A_171 : vector<16xf32>
      %mul3A_1597 = arith.mulf %gather3A_1573, %mul3A_356 : vector<16xf32>
      %add3A_1598 = arith.addf %mul3A_1597, %add3A_1596 : vector<16xf32>
      %sub3A_1599 = arith.subf %gather3A_1574, %mul3A_363 : vector<16xf32>
      %abs3A_1600 = math.absf %sub3A_1599 : vector<16xf32>
      %sub3A_1601 = arith.subf %add3A_1598, %abs3A_1600 : vector<16xf32>
      %swap3A_1602 = arith.index_cast %scan3A_1569 : i32 to index
      %swap3A_1603 = arith.constant 32 : index
      %swap3A_1604 = tpu.vector_load %arg10[%swap3A_1602, %swap3A_1603] {strides = array<i32>} : memref<16x224xf32, #tpu.memory_space<vmem>>, vector<16xf32>,
      tpu.vector_store %arg10[%swap3A_1602, %swap3A_1603], %sub3A_1601 {strides = array<i32>} : memref<16x224xf32, #tpu.memory_space<vmem>>, vector<16xf32>,
      %mul3A_1605 = arith.mulf %gather3A_1572, %min3A_380 : vector<16xf32>
      %add3A_1606 = arith.addf %mul3A_1605, %gather3A_171 : vector<16xf32>
      %mul3A_1607 = arith.mulf %gather3A_1573, %mul3A_420 : vector<16xf32>
      %add3A_1608 = arith.addf %mul3A_1607, %add3A_1606 : vector<16xf32>
      %sub3A_1609 = arith.subf %gather3A_1574, %mul3A_427 : vector<16xf32>
      %abs3A_1610 = math.absf %sub3A_1609 : vector<16xf32>
      %sub3A_1611 = arith.subf %add3A_1608, %abs3A_1610 : vector<16xf32>
      %swap3A_1612 = arith.index_cast %scan3A_1569 : i32 to index
      %swap3A_1613 = arith.constant 48 : index
      %swap3A_1614 = tpu.vector_load %arg10[%swap3A_1612, %swap3A_1613] {strides = array<i32>} : memref<16x224xf32, #tpu.memory_space<vmem>>, vector<16xf32>,
      tpu.vector_store %arg10[%swap3A_1612, %swap3A_1613], %sub3A_1611 {strides = array<i32>} : memref<16x224xf32, #tpu.memory_space<vmem>>, vector<16xf32>,
      %mul3A_1615 = arith.mulf %gather3A_1572, %min3A_444 : vector<16xf32>
      %add3A_1616 = arith.addf %mul3A_1615, %gather3A_171 : vector<16xf32>
      %mul3A_1617 = arith.mulf %gather3A_1573, %mul3A_484 : vector<16xf32>
      %add3A_1618 = arith.addf %mul3A_1617, %add3A_1616 : vector<16xf32>
      %sub3A_1619 = arith.subf %gather3A_1574, %mul3A_491 : vector<16xf32>
      %abs3A_1620 = math.absf %sub3A_1619 : vector<16xf32>
      %sub3A_1621 = arith.subf %add3A_1618, %abs3A_1620 : vector<16xf32>
      %swap3A_1622 = arith.index_cast %scan3A_1569 : i32 to index
      %swap3A_1623 = arith.constant 64 : index
      %swap3A_1624 = tpu.vector_load %arg10[%swap3A_1622, %swap3A_1623] {strides = array<i32>} : memref<16x224xf32, #tpu.memory_space<vmem>>, vector<16xf32>,
      tpu.vector_store %arg10[%swap3A_1622, %swap3A_1623], %sub3A_1621 {strides = array<i32>} : memref<16x224xf32, #tpu.memory_space<vmem>>, vector<16xf32>,
      %mul3A_1625 = arith.mulf %gather3A_1572, %min3A_508 : vector<16xf32>
      %add3A_1626 = arith.addf %mul3A_1625, %gather3A_171 : vector<16xf32>
      %mul3A_1627 = arith.mulf %gather3A_1573, %mul3A_548 : vector<16xf32>
      %add3A_1628 = arith.addf %mul3A_1627, %add3A_1626 : vector<16xf32>
      %sub3A_1629 = arith.subf %gather3A_1574, %mul3A_555 : vector<16xf32>
      %abs3A_1630 = math.absf %sub3A_1629 : vector<16xf32>
      %sub3A_1631 = arith.subf %add3A_1628, %abs3A_1630 : vector<16xf32>
      %swap3A_1632 = arith.index_cast %scan3A_1569 : i32 to index
      %swap3A_1633 = arith.constant 80 : index
      %swap3A_1634 = tpu.vector_load %arg10[%swap3A_1632, %swap3A_1633] {strides = array<i32>} : memref<16x224xf32, #tpu.memory_space<vmem>>, vector<16xf32>,
      tpu.vector_store %arg10[%swap3A_1632, %swap3A_1633], %sub3A_1631 {strides = array<i32>} : memref<16x224xf32, #tpu.memory_space<vmem>>, vector<16xf32>,
      %mul3A_1635 = arith.mulf %gather3A_1572, %min3A_572 : vector<16xf32>
      %add3A_1636 = arith.addf %mul3A_1635, %gather3A_171 : vector<16xf32>
      %mul3A_1637 = arith.mulf %gather3A_1573, %mul3A_612 : vector<16xf32>
      %add3A_1638 = arith.addf %mul3A_1637, %add3A_1636 : vector<16xf32>
      %sub3A_1639 = arith.subf %gather3A_1574, %mul3A_619 : vector<16xf32>
      %abs3A_1640 = math.absf %sub3A_1639 : vector<16xf32>
      %sub3A_1641 = arith.subf %add3A_1638, %abs3A_1640 : vector<16xf32>
      %swap3A_1642 = arith.index_cast %scan3A_1569 : i32 to index
      %swap3A_1643 = arith.constant 96 : index
      %swap3A_1644 = tpu.vector_load %arg10[%swap3A_1642, %swap3A_1643] {strides = array<i32>} : memref<16x224xf32, #tpu.memory_space<vmem>>, vector<16xf32>,
      tpu.vector_store %arg10[%swap3A_1642, %swap3A_1643], %sub3A_1641 {strides = array<i32>} : memref<16x224xf32, #tpu.memory_space<vmem>>, vector<16xf32>,
      %mul3A_1645 = arith.mulf %gather3A_1572, %min3A_636 : vector<16xf32>
      %add3A_1646 = arith.addf %mul3A_1645, %gather3A_171 : vector<16xf32>
      %mul3A_1647 = arith.mulf %gather3A_1573, %mul3A_676 : vector<16xf32>
      %add3A_1648 = arith.addf %mul3A_1647, %add3A_1646 : vector<16xf32>
      %sub3A_1649 = arith.subf %gather3A_1574, %mul3A_683 : vector<16xf32>
      %abs3A_1650 = math.absf %sub3A_1649 : vector<16xf32>
      %sub3A_1651 = arith.subf %add3A_1648, %abs3A_1650 : vector<16xf32>
      %swap3A_1652 = arith.index_cast %scan3A_1569 : i32 to index
      %swap3A_1653 = arith.constant 112 : index
      %swap3A_1654 = tpu.vector_load %arg10[%swap3A_1652, %swap3A_1653] {strides = array<i32>} : memref<16x224xf32, #tpu.memory_space<vmem>>, vector<16xf32>,
      tpu.vector_store %arg10[%swap3A_1652, %swap3A_1653], %sub3A_1651 {strides = array<i32>} : memref<16x224xf32, #tpu.memory_space<vmem>>, vector<16xf32>,
      %mul3A_1655 = arith.mulf %gather3A_1572, %min3A_700 : vector<16xf32>
      %add3A_1656 = arith.addf %mul3A_1655, %gather3A_171 : vector<16xf32>
      %mul3A_1657 = arith.mulf %gather3A_1573, %mul3A_740 : vector<16xf32>
      %add3A_1658 = arith.addf %mul3A_1657, %add3A_1656 : vector<16xf32>
      %sub3A_1659 = arith.subf %gather3A_1574, %mul3A_747 : vector<16xf32>
      %abs3A_1660 = math.absf %sub3A_1659 : vector<16xf32>
      %sub3A_1661 = arith.subf %add3A_1658, %abs3A_1660 : vector<16xf32>
      %swap3A_1662 = arith.index_cast %scan3A_1569 : i32 to index
      %swap3A_1663 = arith.constant 128 : index
      %swap3A_1664 = tpu.vector_load %arg10[%swap3A_1662, %swap3A_1663] {strides = array<i32>} : memref<16x224xf32, #tpu.memory_space<vmem>>, vector<16xf32>,
      tpu.vector_store %arg10[%swap3A_1662, %swap3A_1663], %sub3A_1661 {strides = array<i32>} : memref<16x224xf32, #tpu.memory_space<vmem>>, vector<16xf32>,
      %mul3A_1665 = arith.mulf %gather3A_1572, %min3A_764 : vector<16xf32>
      %add3A_1666 = arith.addf %mul3A_1665, %gather3A_171 : vector<16xf32>
      %mul3A_1667 = arith.mulf %gather3A_1573, %mul3A_804 : vector<16xf32>
      %add3A_1668 = arith.addf %mul3A_1667, %add3A_1666 : vector<16xf32>
      %sub3A_1669 = arith.subf %gather3A_1574, %mul3A_811 : vector<16xf32>
      %abs3A_1670 = math.absf %sub3A_1669 : vector<16xf32>
      %sub3A_1671 = arith.subf %add3A_1668, %abs3A_1670 : vector<16xf32>
      %swap3A_1672 = arith.index_cast %scan3A_1569 : i32 to index
      %swap3A_1673 = arith.constant 144 : index
      %swap3A_1674 = tpu.vector_load %arg10[%swap3A_1672, %swap3A_1673] {strides = array<i32>} : memref<16x224xf32, #tpu.memory_space<vmem>>, vector<16xf32>,
      tpu.vector_store %arg10[%swap3A_1672, %swap3A_1673], %sub3A_1671 {strides = array<i32>} : memref<16x224xf32, #tpu.memory_space<vmem>>, vector<16xf32>,
      %mul3A_1675 = arith.mulf %gather3A_1572, %min3A_828 : vector<16xf32>
      %add3A_1676 = arith.addf %mul3A_1675, %gather3A_171 : vector<16xf32>
      %mul3A_1677 = arith.mulf %gather3A_1573, %mul3A_868 : vector<16xf32>
      %add3A_1678 = arith.addf %mul3A_1677, %add3A_1676 : vector<16xf32>
      %sub3A_1679 = arith.subf %gather3A_1574, %mul3A_875 : vector<16xf32>
      %abs3A_1680 = math.absf %sub3A_1679 : vector<16xf32>
      %sub3A_1681 = arith.subf %add3A_1678, %abs3A_1680 : vector<16xf32>
      %swap3A_1682 = arith.index_cast %scan3A_1569 : i32 to index
      %swap3A_1683 = arith.constant 160 : index
      %swap3A_1684 = tpu.vector_load %arg10[%swap3A_1682, %swap3A_1683] {strides = array<i32>} : memref<16x224xf32, #tpu.memory_space<vmem>>, vector<16xf32>,
      tpu.vector_store %arg10[%swap3A_1682, %swap3A_1683], %sub3A_1681 {strides = array<i32>} : memref<16x224xf32, #tpu.memory_space<vmem>>, vector<16xf32>,
      %mul3A_1685 = arith.mulf %gather3A_1572, %min3A_892 : vector<16xf32>
      %add3A_1686 = arith.addf %mul3A_1685, %gather3A_171 : vector<16xf32>
      %mul3A_1687 = arith.mulf %gather3A_1573, %mul3A_932 : vector<16xf32>
      %add3A_1688 = arith.addf %mul3A_1687, %add3A_1686 : vector<16xf32>
      %sub3A_1689 = arith.subf %gather3A_1574, %mul3A_939 : vector<16xf32>
      %abs3A_1690 = math.absf %sub3A_1689 : vector<16xf32>
      %sub3A_1691 = arith.subf %add3A_1688, %abs3A_1690 : vector<16xf32>
      %swap3A_1692 = arith.index_cast %scan3A_1569 : i32 to index
      %swap3A_1693 = arith.constant 176 : index
      %swap3A_1694 = tpu.vector_load %arg10[%swap3A_1692, %swap3A_1693] {strides = array<i32>} : memref<16x224xf32, #tpu.memory_space<vmem>>, vector<16xf32>,
      tpu.vector_store %arg10[%swap3A_1692, %swap3A_1693], %sub3A_1691 {strides = array<i32>} : memref<16x224xf32, #tpu.memory_space<vmem>>, vector<16xf32>,
      %mul3A_1695 = arith.mulf %gather3A_1572, %min3A_956 : vector<16xf32>
      %add3A_1696 = arith.addf %mul3A_1695, %gather3A_171 : vector<16xf32>
      %mul3A_1697 = arith.mulf %gather3A_1573, %mul3A_996 : vector<16xf32>
      %add3A_1698 = arith.addf %mul3A_1697, %add3A_1696 : vector<16xf32>
      %sub3A_1699 = arith.subf %gather3A_1574, %mul3A_1003 : vector<16xf32>
      %abs3A_1700 = math.absf %sub3A_1699 : vector<16xf32>
      %sub3A_1701 = arith.subf %add3A_1698, %abs3A_1700 : vector<16xf32>
      %swap3A_1702 = arith.index_cast %scan3A_1569 : i32 to index
      %swap3A_1703 = arith.constant 192 : index
      %swap3A_1704 = tpu.vector_load %arg10[%swap3A_1702, %swap3A_1703] {strides = array<i32>} : memref<16x224xf32, #tpu.memory_space<vmem>>, vector<16xf32>,
      tpu.vector_store %arg10[%swap3A_1702, %swap3A_1703], %sub3A_1701 {strides = array<i32>} : memref<16x224xf32, #tpu.memory_space<vmem>>, vector<16xf32>,
      %mul3A_1705 = arith.mulf %gather3A_1572, %min3A_1020 : vector<16xf32>
      %add3A_1706 = arith.addf %mul3A_1705, %gather3A_171 : vector<16xf32>
      %mul3A_1707 = arith.mulf %gather3A_1573, %mul3A_1060 : vector<16xf32>
      %add3A_1708 = arith.addf %mul3A_1707, %add3A_1706 : vector<16xf32>
      %sub3A_1709 = arith.subf %gather3A_1574, %mul3A_1067 : vector<16xf32>
      %abs3A_1710 = math.absf %sub3A_1709 : vector<16xf32>
      %sub3A_1711 = arith.subf %add3A_1708, %abs3A_1710 : vector<16xf32>
      %swap3A_1712 = arith.index_cast %scan3A_1569 : i32 to index
      %swap3A_1713 = arith.constant 208 : index
      %swap3A_1714 = tpu.vector_load %arg10[%swap3A_1712, %swap3A_1713] {strides = array<i32>} : memref<16x224xf32, #tpu.memory_space<vmem>>, vector<16xf32>,
      tpu.vector_store %arg10[%swap3A_1712, %swap3A_1713], %sub3A_1711 {strides = array<i32>} : memref<16x224xf32, #tpu.memory_space<vmem>>, vector<16xf32>,
    }
    %scan3A_1359 = arith.constant 16 : i32
    %dma_start3A_1360 = arith.constant 0 : i32
    %dma_start3A_1361 = arith.constant 0 : i32
    %dma_start3A_1362 = tpu.memref_slice %arg4[%select_n3A, %select_n3A_32, %dma_start3A_1360, %add3A_1353, %dma_start3A_1361] : memref<4x4x3x224x224xf32, #tpu.memory_space<hbm>> -> memref<1x1x1x16x224xf32, #tpu.memory_space<hbm>>
    %dma_start3A_1363 = tpu.memref_squeeze %dma_start3A_1362 : memref<1x1x1x16x224xf32, #tpu.memory_space<hbm>> -> memref<16x224xf32, #tpu.memory_space<hbm>>
    %dma_start3A_1364 = arith.constant 0 : i32
    %dma_start3A_1365 = tpu.memref_slice %arg4[%select_n3A, %select_n3A_32, %dma_start3A_1360, %add3A_1353, %dma_start3A_1364] : memref<4x4x3x224x224xf32, #tpu.memory_space<hbm>> -> memref<1x1x1x16x224xf32, #tpu.memory_space<hbm>>
    %dma_start3A_1366 = tpu.memref_squeeze %dma_start3A_1365 : memref<1x1x1x16x224xf32, #tpu.memory_space<hbm>> -> memref<16x224xf32, #tpu.memory_space<hbm>>
    tpu.enqueue_dma source(%arg10 : memref<16x224xf32, #tpu.memory_space<vmem>>) target(%dma_start3A_1366 : memref<16x224xf32, #tpu.memory_space<hbm>>) target_semaphore(%arg12 : memref<!tpu.dma_semaphore, #tpu.memory_space<semaphore_mem>>)
    %dma_start3A_1367 = arith.constant 1 : i32
    %dma_start3A_1368 = arith.constant 0 : i32
    %dma_start3A_1369 = tpu.memref_slice %arg4[%select_n3A, %select_n3A_32, %dma_start3A_1367, %add3A_1353, %dma_start3A_1368] : memref<4x4x3x224x224xf32, #tpu.memory_space<hbm>> -> memref<1x1x1x16x224xf32, #tpu.memory_space<hbm>>
    %dma_start3A_1370 = tpu.memref_squeeze %dma_start3A_1369 : memref<1x1x1x16x224xf32, #tpu.memory_space<hbm>> -> memref<16x224xf32, #tpu.memory_space<hbm>>
    %dma_start3A_1371 = arith.constant 0 : i32
    %dma_start3A_1372 = tpu.memref_slice %arg4[%select_n3A, %select_n3A_32, %dma_start3A_1367, %add3A_1353, %dma_start3A_1371] : memref<4x4x3x224x224xf32, #tpu.memory_space<hbm>> -> memref<1x1x1x16x224xf32, #tpu.memory_space<hbm>>
    %dma_start3A_1373 = tpu.memref_squeeze %dma_start3A_1372 : memref<1x1x1x16x224xf32, #tpu.memory_space<hbm>> -> memref<16x224xf32, #tpu.memory_space<hbm>>
    tpu.enqueue_dma source(%arg10 : memref<16x224xf32, #tpu.memory_space<vmem>>) target(%dma_start3A_1373 : memref<16x224xf32, #tpu.memory_space<hbm>>) target_semaphore(%arg12 : memref<!tpu.dma_semaphore, #tpu.memory_space<semaphore_mem>>)
    %dma_start3A_1374 = arith.constant 2 : i32
    %dma_start3A_1375 = arith.constant 0 : i32
    %dma_start3A_1376 = tpu.memref_slice %arg4[%select_n3A, %select_n3A_32, %dma_start3A_1374, %add3A_1353, %dma_start3A_1375] : memref<4x4x3x224x224xf32, #tpu.memory_space<hbm>> -> memref<1x1x1x16x224xf32, #tpu.memory_space<hbm>>
    %dma_start3A_1377 = tpu.memref_squeeze %dma_start3A_1376 : memref<1x1x1x16x224xf32, #tpu.memory_space<hbm>> -> memref<16x224xf32, #tpu.memory_space<hbm>>
    %dma_start3A_1378 = arith.constant 0 : i32
    %dma_start3A_1379 = tpu.memref_slice %arg4[%select_n3A, %select_n3A_32, %dma_start3A_1374, %add3A_1353, %dma_start3A_1378] : memref<4x4x3x224x224xf32, #tpu.memory_space<hbm>> -> memref<1x1x1x16x224xf32, #tpu.memory_space<hbm>>
    %dma_start3A_1380 = tpu.memref_squeeze %dma_start3A_1379 : memref<1x1x1x16x224xf32, #tpu.memory_space<hbm>> -> memref<16x224xf32, #tpu.memory_space<hbm>>
    tpu.enqueue_dma source(%arg10 : memref<16x224xf32, #tpu.memory_space<vmem>>) target(%dma_start3A_1380 : memref<16x224xf32, #tpu.memory_space<hbm>>) target_semaphore(%arg12 : memref<!tpu.dma_semaphore, #tpu.memory_space<semaphore_mem>>)
    %dma_wait3A_1381 = arith.constant 0 : i32
    %dma_wait3A_1382 = arith.constant 0 : i32
    %dma_wait3A_1383 = tpu.memref_slice %arg4[%select_n3A, %select_n3A_32, %dma_wait3A_1381, %add3A_1303, %dma_wait3A_1382] : memref<4x4x3x224x224xf32, #tpu.memory_space<hbm>> -> memref<1x1x1x16x224xf32, #tpu.memory_space<hbm>>
    %dma_wait3A_1384 = tpu.memref_squeeze %dma_wait3A_1383 : memref<1x1x1x16x224xf32, #tpu.memory_space<hbm>> -> memref<16x224xf32, #tpu.memory_space<hbm>>
    %dma_wait3A_1385 = arith.constant 0 : i32
    %dma_wait3A_1386 = tpu.memref_slice %arg4[%select_n3A, %select_n3A_32, %dma_wait3A_1381, %add3A_1303, %dma_wait3A_1385] : memref<4x4x3x224x224xf32, #tpu.memory_space<hbm>> -> memref<1x1x1x16x224xf32, #tpu.memory_space<hbm>>
    %dma_wait3A_1387 = tpu.memref_squeeze %dma_wait3A_1386 : memref<1x1x1x16x224xf32, #tpu.memory_space<hbm>> -> memref<16x224xf32, #tpu.memory_space<hbm>>
    tpu.wait_dma2 semaphore(%arg13 : memref<!tpu.dma_semaphore, #tpu.memory_space<semaphore_mem>>) src(%arg11 : memref<16x224xf32, #tpu.memory_space<vmem>>) dst(%dma_wait3A_1387 : memref<16x224xf32, #tpu.memory_space<hbm>>)
    %dma_wait3A_1388 = arith.constant 1 : i32
    %dma_wait3A_1389 = arith.constant 0 : i32
    %dma_wait3A_1390 = tpu.memref_slice %arg4[%select_n3A, %select_n3A_32, %dma_wait3A_1388, %add3A_1303, %dma_wait3A_1389] : memref<4x4x3x224x224xf32, #tpu.memory_space<hbm>> -> memref<1x1x1x16x224xf32, #tpu.memory_space<hbm>>
    %dma_wait3A_1391 = tpu.memref_squeeze %dma_wait3A_1390 : memref<1x1x1x16x224xf32, #tpu.memory_space<hbm>> -> memref<16x224xf32, #tpu.memory_space<hbm>>
    %dma_wait3A_1392 = arith.constant 0 : i32
    %dma_wait3A_1393 = tpu.memref_slice %arg4[%select_n3A, %select_n3A_32, %dma_wait3A_1388, %add3A_1303, %dma_wait3A_1392] : memref<4x4x3x224x224xf32, #tpu.memory_space<hbm>> -> memref<1x1x1x16x224xf32, #tpu.memory_space<hbm>>
    %dma_wait3A_1394 = tpu.memref_squeeze %dma_wait3A_1393 : memref<1x1x1x16x224xf32, #tpu.memory_space<hbm>> -> memref<16x224xf32, #tpu.memory_space<hbm>>
    tpu.wait_dma2 semaphore(%arg13 : memref<!tpu.dma_semaphore, #tpu.memory_space<semaphore_mem>>) src(%arg11 : memref<16x224xf32, #tpu.memory_space<vmem>>) dst(%dma_wait3A_1394 : memref<16x224xf32, #tpu.memory_space<hbm>>)
    %dma_wait3A_1395 = arith.constant 2 : i32
    %dma_wait3A_1396 = arith.constant 0 : i32
    %dma_wait3A_1397 = tpu.memref_slice %arg4[%select_n3A, %select_n3A_32, %dma_wait3A_1395, %add3A_1303, %dma_wait3A_1396] : memref<4x4x3x224x224xf32, #tpu.memory_space<hbm>> -> memref<1x1x1x16x224xf32, #tpu.memory_space<hbm>>
    %dma_wait3A_1398 = tpu.memref_squeeze %dma_wait3A_1397 : memref<1x1x1x16x224xf32, #tpu.memory_space<hbm>> -> memref<16x224xf32, #tpu.memory_space<hbm>>
    %dma_wait3A_1399 = arith.constant 0 : i32
    %dma_wait3A_1400 = tpu.memref_slice %arg4[%select_n3A, %select_n3A_32, %dma_wait3A_1395, %add3A_1303, %dma_wait3A_1399] : memref<4x4x3x224x224xf32, #tpu.memory_space<hbm>> -> memref<1x1x1x16x224xf32, #tpu.memory_space<hbm>>
    %dma_wait3A_1401 = tpu.memref_squeeze %dma_wait3A_1400 : memref<1x1x1x16x224xf32, #tpu.memory_space<hbm>> -> memref<16x224xf32, #tpu.memory_space<hbm>>
    tpu.wait_dma2 semaphore(%arg13 : memref<!tpu.dma_semaphore, #tpu.memory_space<semaphore_mem>>) src(%arg11 : memref<16x224xf32, #tpu.memory_space<vmem>>) dst(%dma_wait3A_1401 : memref<16x224xf32, #tpu.memory_space<hbm>>)
    %dma_wait3A_1402 = arith.constant 0 : i32
    %dma_wait3A_1403 = arith.constant 0 : i32
    %dma_wait3A_1404 = tpu.memref_slice %arg4[%select_n3A, %select_n3A_32, %dma_wait3A_1402, %add3A_1353, %dma_wait3A_1403] : memref<4x4x3x224x224xf32, #tpu.memory_space<hbm>> -> memref<1x1x1x16x224xf32, #tpu.memory_space<hbm>>
    %dma_wait3A_1405 = tpu.memref_squeeze %dma_wait3A_1404 : memref<1x1x1x16x224xf32, #tpu.memory_space<hbm>> -> memref<16x224xf32, #tpu.memory_space<hbm>>
    %dma_wait3A_1406 = arith.constant 0 : i32
    %dma_wait3A_1407 = tpu.memref_slice %arg4[%select_n3A, %select_n3A_32, %dma_wait3A_1402, %add3A_1353, %dma_wait3A_1406] : memref<4x4x3x224x224xf32, #tpu.memory_space<hbm>> -> memref<1x1x1x16x224xf32, #tpu.memory_space<hbm>>
    %dma_wait3A_1408 = tpu.memref_squeeze %dma_wait3A_1407 : memref<1x1x1x16x224xf32, #tpu.memory_space<hbm>> -> memref<16x224xf32, #tpu.memory_space<hbm>>
    tpu.wait_dma2 semaphore(%arg12 : memref<!tpu.dma_semaphore, #tpu.memory_space<semaphore_mem>>) src(%arg10 : memref<16x224xf32, #tpu.memory_space<vmem>>) dst(%dma_wait3A_1408 : memref<16x224xf32, #tpu.memory_space<hbm>>)
    %dma_wait3A_1409 = arith.constant 1 : i32
    %dma_wait3A_1410 = arith.constant 0 : i32
    %dma_wait3A_1411 = tpu.memref_slice %arg4[%select_n3A, %select_n3A_32, %dma_wait3A_1409, %add3A_1353, %dma_wait3A_1410] : memref<4x4x3x224x224xf32, #tpu.memory_space<hbm>> -> memref<1x1x1x16x224xf32, #tpu.memory_space<hbm>>
    %dma_wait3A_1412 = tpu.memref_squeeze %dma_wait3A_1411 : memref<1x1x1x16x224xf32, #tpu.memory_space<hbm>> -> memref<16x224xf32, #tpu.memory_space<hbm>>
    %dma_wait3A_1413 = arith.constant 0 : i32
    %dma_wait3A_1414 = tpu.memref_slice %arg4[%select_n3A, %select_n3A_32, %dma_wait3A_1409, %add3A_1353, %dma_wait3A_1413] : memref<4x4x3x224x224xf32, #tpu.memory_space<hbm>> -> memref<1x1x1x16x224xf32, #tpu.memory_space<hbm>>
    %dma_wait3A_1415 = tpu.memref_squeeze %dma_wait3A_1414 : memref<1x1x1x16x224xf32, #tpu.memory_space<hbm>> -> memref<16x224xf32, #tpu.memory_space<hbm>>
    tpu.wait_dma2 semaphore(%arg12 : memref<!tpu.dma_semaphore, #tpu.memory_space<semaphore_mem>>) src(%arg10 : memref<16x224xf32, #tpu.memory_space<vmem>>) dst(%dma_wait3A_1415 : memref<16x224xf32, #tpu.memory_space<hbm>>)
    %dma_wait3A_1416 = arith.constant 2 : i32
    %dma_wait3A_1417 = arith.constant 0 : i32
    %dma_wait3A_1418 = tpu.memref_slice %arg4[%select_n3A, %select_n3A_32, %dma_wait3A_1416, %add3A_1353, %dma_wait3A_1417] : memref<4x4x3x224x224xf32, #tpu.memory_space<hbm>> -> memref<1x1x1x16x224xf32, #tpu.memory_space<hbm>>
    %dma_wait3A_1419 = tpu.memref_squeeze %dma_wait3A_1418 : memref<1x1x1x16x224xf32, #tpu.memory_space<hbm>> -> memref<16x224xf32, #tpu.memory_space<hbm>>
    %dma_wait3A_1420 = arith.constant 0 : i32
    %dma_wait3A_1421 = tpu.memref_slice %arg4[%select_n3A, %select_n3A_32, %dma_wait3A_1416, %add3A_1353, %dma_wait3A_1420] : memref<4x4x3x224x224xf32, #tpu.memory_space<hbm>> -> memref<1x1x1x16x224xf32, #tpu.memory_space<hbm>>
    %dma_wait3A_1422 = tpu.memref_squeeze %dma_wait3A_1421 : memref<1x1x1x16x224xf32, #tpu.memory_space<hbm>> -> memref<16x224xf32, #tpu.memory_space<hbm>>
    tpu.wait_dma2 semaphore(%arg12 : memref<!tpu.dma_semaphore, #tpu.memory_space<semaphore_mem>>) src(%arg10 : memref<16x224xf32, #tpu.memory_space<vmem>>) dst(%dma_wait3A_1422 : memref<16x224xf32, #tpu.memory_space<hbm>>)
    return
  }
}

</mosaic_0001>

<sc_bundles>
// kernel: _fused_images.3.cloned.1.call-start
scs
__scs_entry_jumppad:
0x0: {  	(pc) =	sbr.rel $0x88, $3  }
0x1: {  	(tag) =	ssettag $0x0;
	lr =	simm.s32 $0x1  }
0x2: {  	[smem:$0x3F9F] =	sst lr;
	_ =	strace $0xD0000000  }
0x3: {  	_ = 	snop  }
0x4: {  	_ = 	snop  }
0x5: {  	_ = 	snop  }
0x6: {  	_ = 	snop  }
0x7: {  	_ = 	snop  }
__scs_overlays_trampoline_lowered:
0x8: {  	[smem:$0x3FAE] =	sst s0  }
0x9: {  	[smem:$0x3FAF] =	sst s1  }
0xa: {  	[smem:$0x3FB0] =	sst s2  }
0xb: {  	[smem:$0x3FB1] =	sst s3  }
0xc: {  	[smem:$0x3FB2] =	sst s4  }
0xd: {  	[smem:$0x3FB3] =	sst s5  }
0xe: {  	[smem:$0x3FB4] =	sst s6  }
0xf: {  	[smem:$0x3FB5] =	sst s7  }
0x10: {  	[smem:$0x3FB6] =	sst s8  }
0x11: {  	[smem:$0x3FB7] =	sst s9;
	s0 =	simm.s32 @!p0 $0x0  }
0x12: {  	s1 =	sld [smem:$0x3F9D];
	s0 =	simm.s32 @p0 $0x1  }
0x13: {  	[smem:$0x3FB8] =	sst s0;
	s0 =	simm.s32 @!p1 $0x0  }
0x14: {  	s2 =	sld [smem:$0x3F9C];
	s0 =	simm.s32 @p1 $0x1  }
0x15: {  	[smem:$0x3FB9] =	sst s0;
	s0 =	simm.s32 @!p2 $0x0  }
0x16: {  	s3 =	sld [smem:$0x3FDB];
	s0 =	simm.s32 @p2 $0x1  }
0x17: {  	s4 =	simm.s32 $0x1BF5;
	[smem:$0x3FBB] =	sst s0  }
0x18: {  	s0 =	sld [smem:$0x3F9E];
	_ =	swait.ge [sflag:s4], $0x0  }
0x19: {  	s7 =	sld [smem:$0x3F9F]  }
0x1a: {  	s8 =	sadd.s32 $0xFFFFE003, lr  }
0x1b: {  	s9 =	sadd.s32 $0xFFFFFEF7, lr;
	s5 =	simm.s32 $0xFFFFFFFF;
	p2 =	slt.u32 s8, $0xFFFFF086  }
0x1c: {  	p1 =	slt.u32 s9, $0xF7A;
	s5 =	simm.s32 @!p2 $0x0  }
0x1d: {  	s5 =	simm.s32 @p1 $0x1;
	p0 =	seq.s32 s7, s2  }
0x1e: {  	s7 =	smul.u32 @!p0 $0xF7A, s2;
	p2 =	seq.s32 @!p0 s5, $0x0  }
0x1f: {  	s9 =	smul.u32 $0xF7A, s1;
	s8 =	simm.s32 @!p0 $0x1BF5;
	p2 =	por !p2, p0  }
0x20: {  	[sflag:s8] =	ssyncset.s32 @!p0 $0xFFFFF086;
	s6 =	sadd.s32 @!p0 s3, s7;
	s7 =	simm.s32 @!p0 $0x108  }
0x21: {  	s3 =	sadd.s32 s3, s9;
	s6 =	sadd.s32 @!p0 $0x88, s6;
	s7 =	simm.s32 @p2 $0x1082  }
0x22: {  	[simem:s7], [sflag:s8] =	dma.local @!p0 [hbm:s6], $0xF7A  }
0x23: {  	s9 =	sor.u32 $0xD0000000, s2;
	s6 =	simm.s32 $0x108;
	_ =	swait.ge @!p0 [sflag:s8], $0x0  }
0x24: {  	s3 =	sadd.s32 $0x88, s3;
	s6 =	simm.s32 @!p1 $0x1082;
	[sflag:s4] =	ssyncset.s32 $0xFFFFF086  }
0x25: {  	[simem:s6], [sflag:s4] =	dma.local [hbm:s3], $0xF7A  }
0x26: {  	[smem:$0x3F9F] =	sst s1;
	(tag) =	ssettag s2;
	_ =	strace s9  }
0x27: {  	s1 =	sld [smem:$0x3FAF]  }
0x28: {  	s2 =	sld [smem:$0x3FB0]  }
0x29: {  	s4 =	sld [smem:$0x3FB2]  }
0x2a: {  	p0 =	seq.s32 s5, $0x0;
	s5 =	sld [smem:$0x3FB3]  }
0x2b: {  	s6 =	sld [smem:$0x3FB4]  }
0x2c: {  	s7 =	sld [smem:$0x3FB5]  }
0x2d: {  	s3 =	simm.s32 $0x108;
	s8 =	sld [smem:$0x3FB6]  }
0x2e: {  	s3 =	simm.s32 @!p0 $0x1082;
	s9 =	sld [smem:$0x3FB7]  }
0x2f: {  	lr =	sadd.s32 s0, s3;
	s0 =	sld [smem:$0x3FAE]  }
0x30: {  	s3 =	sld [smem:$0x3FB1]  }
0x31: {  	[smem:$0x3FBA] =	sst s10  }
0x32: {  	s10 =	sld [smem:$0x3FB8];
	_ =	sdelay $0x3  }
0x33: {  	p0 =	seq.s32 s10, $0x1;
	s10 =	sld [smem:$0x3FBA];
	_ =	sdelay $0x3  }
0x34: {  	[smem:$0x3FBA] =	sst s10  }
0x35: {  	s10 =	sld [smem:$0x3FB9];
	_ =	sdelay $0x3  }
0x36: {  	p1 =	seq.s32 s10, $0x1;
	s10 =	sld [smem:$0x3FBA];
	_ =	sdelay $0x3  }
0x37: {  	[smem:$0x3FBA] =	sst s10  }
0x38: {  	s10 =	sld [smem:$0x3FBB]  }
0x39: {  	_ = 	snop;
	(pc) =	sbr.ind lr, $3  }
0x3a: {  	_ = 	snop  }
0x3b: {  	_ = 	snop  }
0x3c: {  	p2 =	seq.s32 s10, $0x1;
	s10 =	sld [smem:$0x3FBA]  }
0x3d: {  	_ =	shalt  }
0x3e: {  	_ =	shalt  }
0x3f: {  	_ =	shalt  }
0x40: {  	_ =	shalt  }
0x41: {  	_ =	shalt  }
0x42: {  	_ =	shalt  }
0x43: {  	_ =	shalt  }
0x44: {  	_ =	shalt  }
0x45: {  	_ =	shalt  }
0x46: {  	_ =	shalt  }
0x47: {  	_ =	shalt  }
0x48: {  	_ =	shalt  }
0x49: {  	_ =	shalt  }
0x4a: {  	_ =	shalt  }
0x4b: {  	_ =	shalt  }
0x4c: {  	_ =	shalt  }
0x4d: {  	_ =	shalt  }
0x4e: {  	_ =	shalt  }
0x4f: {  	_ =	shalt  }
0x50: {  	_ =	shalt  }
0x51: {  	_ =	shalt  }
0x52: {  	_ =	shalt  }
0x53: {  	_ =	shalt  }
0x54: {  	_ =	shalt  }
0x55: {  	_ =	shalt  }
0x56: {  	_ =	shalt  }
0x57: {  	_ =	shalt  }
0x58: {  	_ =	shalt  }
0x59: {  	_ =	shalt  }
0x5a: {  	_ =	shalt  }
0x5b: {  	_ =	shalt  }
0x5c: {  	_ =	shalt  }
0x5d: {  	_ =	shalt  }
0x5e: {  	_ =	shalt  }
0x5f: {  	_ =	shalt  }
0x60: {  	_ =	shalt  }
0x61: {  	_ =	shalt  }
0x62: {  	_ =	shalt  }
0x63: {  	_ =	shalt  }
0x64: {  	_ =	shalt  }
0x65: {  	_ =	shalt  }
0x66: {  	_ =	shalt  }
0x67: {  	_ =	shalt  }
0x68: {  	_ =	shalt  }
0x69: {  	_ =	shalt  }
0x6a: {  	_ =	shalt  }
0x6b: {  	_ =	shalt  }
0x6c: {  	_ =	shalt  }
0x6d: {  	_ =	shalt  }
0x6e: {  	_ =	shalt  }
0x6f: {  	_ =	shalt  }
0x70: {  	_ =	shalt  }
0x71: {  	_ =	shalt  }
0x72: {  	_ =	shalt  }
0x73: {  	_ =	shalt  }
0x74: {  	_ =	shalt  }
0x75: {  	_ =	shalt  }
0x76: {  	_ =	shalt  }
0x77: {  	_ =	shalt  }
0x78: {  	_ =	shalt  }
0x79: {  	_ =	shalt  }
0x7a: {  	_ =	shalt  }
0x7b: {  	_ =	shalt  }
0x7c: {  	_ =	shalt  }
0x7d: {  	_ =	shalt  }
0x7e: {  	_ =	shalt  }
0x7f: {  	_ =	shalt  }
0x80: {  	_ =	shalt  }
0x81: {  	_ =	shalt  }
0x82: {  	_ =	shalt  }
0x83: {  	_ =	shalt  }
0x84: {  	_ =	shalt  }
0x85: {  	_ =	shalt  }
0x86: {  	_ =	shalt  }
0x87: {  	_ =	shalt  }
.Lfunc_end0:
.L_simem_size_0:
called_computation_lowered:
.L_overlay_start_0:
0x88: {  	s2 =	sld [smem:$0x3FD9]  }
0x89: {  	s3 =	sld [smem:$0x3FFE];
	_ =	sdelay $0x1  }
0x8a: {  	s1 =	srdreg.scid  }
0x8b: {  	s0 =	sand.u32 $0x1, s1  }
0x8c: {  	s18 =	sshll.u32 s0, $0xA;
	s2 =	sadd.s32 s3, s2  }
0x8d: {  	s2 =	sadd.s32 s2, s18  }
0x8e: {  	[smem:$0x3FC6] =	sst s2  }
0x8f: {  	_ = 	snop  }
0x90: {  	s2 =	sld [smem:$0x3FC9]  }
0x91: {  	s19 =	sld [smem:$0x3FC8]  }
0x92: {  	s4 =	sld [smem:$0x3FD0];
	(tm) =	ssettm $0x1  }
0x93: {  	s5 =	sld [smem:$0x3FFB];
	_ =	sdelay $0x3  }
0x94: {  	_ =	strace s5  }
0x95: {  	s5 =	sld [smem:$0x3FFC];
	_ =	sdelay $0x3  }
0x96: {  	_ =	strace s5  }
0x97: {  	s5 =	sld [smem:$0x3FFD];
	_ =	sdelay $0x3  }
0x98: {  	_ =	strace s5  }
0x99: {  	_ =	strace $0x8FFFFFFF  }
0x9a: {  	s20 =	sld [smem:$0x3FDB];
	_ =	sdelay $0x1  }
0x9b: {  	s6 =	simm.s32 $_scs_section_size  }
0x9c: {  	s7 =	simm.s32 $_size__tile_overlayer_lowered;
	s8 =	simm.s32 $_tile_overlayer_lowered  }
0x9d: {  	s23 =	simm.s32 $0x1BFF;
	s22 =	sshll.u32 s8, $0x1;
	s5 =	sadd.s32 s6, s20  }
0x9e: {  	s9 =	simm.s32 $0x0;
	s21 =	sshll.u32 s7, $0x1;
	s7 =	sadd.s32 s22, s5  }
0x9f: {  	[timem:s9], [sflag:s23] =	dma.local [hbm:s7], s21  }
0xa0: {  	_ =	swait.ge [sflag:s23], s21  }
0xa1: {  	s6 =	ssub.s32 $0x0, s21;
	[sflag:s23] =	ssyncset.done $0x0  }
0xa2: {  	[sflag:s23] =	ssyncadd.s32 s6;
	_ =	sdelay $0x1  }
0xa3: {  	s24 =	simm.s32 $0x1B8B  }
0xa4: {  	_ =	swait.ge [sflag:s24], $0x1  }
0xa5: {  	[sflag:s24] =	ssyncset.done $0x0  }
0xa6: {  	s25 =	simm.s32 $0x1B8E;
	[sflag:s24] =	ssyncadd.s32 $0xFFFFFFFF  }
0xa7: {  	s26 =	simm.s32 $execute0_lowered;
	[smem:$0x3FD2] =	sst s25  }
0xa8: {  	s6 =	sshll.u32 s26, $0x1;
	_ =	strace $0x80000046;
	[dreg:$0x1] =	wrdreg $0xFFFFFFFF  }
0xa9: {  	s28 =	simm.s32 $_size_execute0_lowered;
	s5 =	sadd.s32 s5, s6;
	[dreg:$0x0] =	wrdreg $0x0  }
0xaa: {  	s6 =	sshll.u32 s28, $0x1;
	[dreg:$0x2] =	wrdreg s5  }
0xab: {  	[dreg:$0x3] =	wrdreg s6  }
0xac: {  	[dreg:$0x4] =	wrdreg $0xC0  }
0xad: {  	_ =	task [dreg:s9], $0x5FFFF  }
0xae: {  	[dreg:$0x1] =	wrdreg $0xFFFFFFFF  }
0xaf: {  	[dreg:$0x0] =	wrdreg $0x60  }
0xb0: {  	[dreg:$0x2] =	wrdreg s2  }
0xb1: {  	[dreg:$0x3] =	wrdreg s19  }
0xb2: {  	[dreg:$0x4] =	wrdreg s4  }
0xb3: {  	[dreg:$0x5] =	wrdreg $0x9  }
0xb4: {  	_ =	task.clear_ibuf [dreg:s9], $0x6FFFF;
	_ =	strace $0x90000046  }
0xb5: {  	s29 =	simm.s32 $0x9;
	_ =	strace $0x80000048  }
0xb6: {  	_ =	swait.ge [sflag:s29], $0x1  }
0xb7: {  	[sflag:s29] =	ssyncadd.s32 $0xFFFFFFFF  }
0xb8: {  	_ =	strace $0x90000048  }
0xb9: {  	_ =	sfence  }
0xba: {  	s30 =	sld [smem:$0x0];
	_ =	sdelay $0x2  }
0xbb: {  	s31 =	sshll.u32 s1, $0xD;
	s1 =	sshrl.u32 s1, $0x2  }
0xbc: {  	s3 =	sand.u32 $0x4000, s31;
	s1 =	sadd.s32 s1, s30  }
0xbd: {  	s0 =	sor.u32 s3, s0;
	s1 =	sshll.u32 s1, $0x11  }
0xbe: {  	s0 =	sor.u32 s1, s0  }
0xbf: {  	s0 =	sadd.s32 $0x8F2B, s0  }
0xc0: {  	[sflag:s0] =	ssyncadd.remote.s32 $0x1  }
0xc1: {  	_ =	sfence.sel $0xFFFF  }
0xc2: {  	[dreg:$0x0] =	wrdreg $0xFFFFFFFF;
	(pc) =	sbr.abs _section_cstart, $3  }
0xc3: {  	[dreg:$0x1] =	wrdreg $0xFFFFFFFF  }
0xc4: {  	_ =	task.clear_ibuf [dreg:s9], $0x2FFFF;
	_ =	strace $0x9FFFFFFF  }
0xc5: {  	(tm) =	ssettm $0x7FFFFFFF  }
tec
execute0_lowered:
.L_overlay_start_1:
0x0: {  	(tag) =	ssettag $0x1  }
0x1: {  	s0 =	srdreg.scid  }
0x2: {  	s2 =	stileid.u32;
	s6 =	rddreg [dreg:$0x0]  }
0x3: {  	s29 =	simm.s32 $0x1;
	s30 =	simm.s32 $0x400;
	s3 =	sand.u32 $0x1, s0  }
0x4: {  	s31 =	simm.s32 $0x3;
	s5 =	sand.u32 $0x3, s2;
	s0 =	sshll.u32 s3, $0x3  }
0x5: {  	p1 =	sne.s32 s5, $0x0;
	s10 =	smul.u32 $0x2A000, s5;
	s4 =	sadd.s32 s2, s0  }
0x6: {  	s8 =	ssub.s32 $0x2, s3;
	s11 =	smul.u32 $0x7000, s3;
	s1 =	sand.u32 $0xF, s4  }
0x7: {  	s3 =	smul.u32 $0x70, s3;
	s5 =	sshll.u32 s5, $0x7;
	p0 =	seq.s32 s1, $0x0  }
0x8: {  	s2 =	simm.s32 $0x1;
	s0 =	rddreg [dreg:$0x2];
	p0 =	por !p1, !p0  }
0x9: {  	s23 =	sshrl.u32 s8, $0x1;
	s24 =	sshll.u32 s4, $0x4;
	p0 =	por !p0, !p0  }
0xa: {  	s4 =	sshll.u32 s4, $0x5;
	s7 =	sshrl.u32 s1, $0x2;
	s2 =	simm.s32 @!p0 $0x0  }
0xb: {  	s1 =	simm.s32 $0x0;
	s4 =	sand.u32 $0x100, s4;
	s7 =	ssub.s32 s7, s2  }
0xc: {  	s2 =	ssub.s32 s8, s23;
	s8 =	sand.u32 $0x70, s24;
	s9 =	smul.u32 $0xA8000, s7  }
0xd: {  	[smem:$0x7FF] =	sst s1;
	s6 =	sadd.s32 s6, s8;
	s7 =	sshll.u32 s7, $0x9  }
0xe: {  	s28 =	smax.u32 s2, $0x1;
	s2 =	simm.s32 $0xC00;
	s25 =	sadd.s32 s10, s9  }
0xf: {  	s4 =	sadd.s32 s4, s6;
	s5 =	sor.u32 s5, s7;
	s26 =	sadd.s32 s11, s25  }
0x10: {  	[dreg:$0x4] =	wrdreg s4;
	s11 =	sshll.u32 s3, $0x8;
	s9 =	sshrl.u32 s26, $0x3  }
0x11: {  	s12 =	sadd.s32 $0xE000, s26;
	s13 =	sadd.s32 $0x1C000, s26;
	s4 =	sadd.s32 s25, s11  }
0x12: {  	s10 =	sadd.s32 s0, s9;
	s14 =	sshrl.u32 s12, $0x3;
	s15 =	sshrl.u32 s13, $0x3  }
0x13: {  	s8 =	sadd.s32 $0x1000, s4;
	s18 =	sadd.s32 $0xF000, s4;
	s19 =	sadd.s32 $0x1D000, s4  }
0x14: {  	s20 =	sadd.s32 $0x2000, s4;
	s23 =	sadd.s32 $0x10000, s4;
	s24 =	sadd.s32 $0x1E000, s4  }
0x15: {  	s25 =	sadd.s32 $0x3000, s4;
	s9 =	sadd.s32 $0x1F000, s4;
	s12 =	sadd.s32 $0x12000, s4  }
0x16: {  	[dreg:$0x5] =	wrdreg s10;
	s6 =	sadd.s32 s0, s14;
	s16 =	sadd.s32 s0, s15  }
0x17: {  	s17 =	sshrl.u32 s8, $0x3;
	s7 =	sshrl.u32 s19, $0x3;
	s22 =	sshrl.u32 s20, $0x3  }
0x18: {  	s8 =	sadd.s32 $0x11000, s4;
	s10 =	sadd.s32 $0x4000, s4;
	[dreg:$0x6] =	wrdreg s6  }
0x19: {  	s20 =	sadd.s32 $0x13000, s4;
	[dreg:$0x7] =	wrdreg s16;
	s6 =	sadd.s32 s0, s17  }
0x1a: {  	s21 =	sadd.s32 s0, s7;
	s7 =	sshrl.u32 s24, $0x3;
	s11 =	sshrl.u32 s10, $0x3  }
0x1b: {  	v0 =	vimm.s32 $0xFEDCBA98;
	v2 =	vimm.s32 $0x76543210;
	s17 =	sadd.s32 $0x20000, s4;
	s24 =	sadd.s32 $0x6000, s4;
	[dreg:$0x8] =	wrdreg s6  }
0x1c: {  	v56 =	vimm.s32 $0x3210FEDC;
	v4 =	vimm.s32 $0xBA987654;
	v5 =	vimm.s32 $0x10FEDCBA;
	s6 =	sshrl.u32 s18, $0x3;
	[dreg:$0xa] =	wrdreg s21;
	s26 =	sadd.s32 s0, s7  }
0x1d: {  	v6 =	vimm.s32 $0x98765432;
	v7 =	vimm.s32 $0xFEDCBA9;
	s7 =	sshrl.u32 s25, $0x3;
	s16 =	sadd.s32 s0, s11;
	s18 =	sadd.s32 $0x5000, s4  }
0x1e: {  	v8 =	vimm.s32 $0x87654321;
	v1 =	vunpack.c.l.s4.s8 v0;
	v2 =	vunpack.c.l.s4.s8 v2;
	s21 =	sadd.s32 $0x21000, s4;
	s6 =	sadd.s32 s0, s6;
	[dreg:$0xd] =	wrdreg s26  }
0x1f: {  	v4 =	vunpack.c.l.s4.s8 v4;
	v5 =	vunpack.c.l.s4.s8 v5;
	v6 =	vunpack.c.l.s4.s8 v6;
	s25 =	sshrl.u32 s24, $0x3;
	[dreg:$0x9] =	wrdreg s6;
	s6 =	sadd.s32 s0, s22  }
0x20: {  	v7 =	vunpack.c.l.s4.s8 v7;
	v8 =	vunpack.c.l.s4.s8 v8;
	v3 =	vunpack.c.0.s8.s32 v1;
	s24 =	simm.s32 $0x300;
	[dreg:$0xb] =	wrdreg s6;
	s6 =	sshrl.u32 s23, $0x3  }
0x21: {  	v1 =	vunpack.c.l.s4.s8 v56;
	v4 =	vunpack.c.0.s8.s32 v4;
	v55 =	vmov s5;
	s13 =	sadd.s32 s0, s7;
	s7 =	sshrl.u32 s9, $0x3;
	s6 =	sadd.s32 s0, s6  }
0x22: {  	v5 =	vunpack.c.0.s8.s32 v5;
	v6 =	vunpack.c.0.s8.s32 v6;
	v57 =	vor.u32 $0x1, v55;
	s19 =	sshrl.u32 s18, $0x3;
	s26 =	sadd.s32 $0x14000, s4;
	[dreg:$0xc] =	wrdreg s6  }
0x23: {  	v58 =	vunpack.c.0.s8.s32 v2;
	v1 =	vunpack.c.0.s8.s32 v1;
	v59 =	vor.u32 $0x2, v55;
	s4 =	sadd.s32 $0x22000, s4;
	s15 =	sadd.s32 s0, s7;
	_ =	strace $0x80000047;
	[tilespmem:$0x1FF80] =	vst v57  }
0x24: {  	v7 =	vunpack.c.0.s8.s32 v7;
	v8 =	vunpack.c.0.s8.s32 v8;
	v10 =	vand.u32 $0xF, v3;
	s7 =	sshrl.u32 s17, $0x3;
	s19 =	sadd.s32 s0, s19;
	s22 =	sshrl.u32 s20, $0x3;
	[tilespmem:$0x1FF90] =	vst v59  }
0x25: {  	v60 =	vcombine.low v10, v58;
	v9 =	vcombine.low v4, v1;
	v0 =	vor.u32 $0x3, v55;
	s5 =	sshrl.u32 s26, $0x3;
	s4 =	sshrl.u32 s4, $0x3;
	s18 =	sadd.s32 s0, s7;
	[tilespmem:$0x1FFA0] =	vst v55  }
0x26: {  	v6 =	vcombine.low v6, v5;
	s23 =	sshrl.u32 s21, $0x3;
	s20 =	sadd.s32 s0, s22;
	s22 =	sadd.s32 s0, s25;
	[tilespmem:$0x1FFB0] =	vst v0  }
0x27: {  	v7 =	vcombine.low v8, v7;
	v61 =	vand.u32 $0xF, v9;
	s25 =	sadd.s32 s0, s5;
	s26 =	sadd.s32 s0, s4;
	s4 =	simm.s32 $0x1C00;
	[tilespmem:$0x1FFC0] =	vst v60  }
0x28: {  	v62 =	vand.u32 $0xF, v6;
	s5 =	simm.s32 $0x2;
	s21 =	sadd.s32 s0, s23;
	s6 =	sshrl.u32 s8, $0x3;
	[tilespmem:$0x1FFD0] =	vst v61  }
0x29: {  	v63 =	vand.u32 $0xF, v7;
	s23 =	simm.s32 $0x100;
	s14 =	sadd.s32 s0, s6;
	s6 =	sshrl.u32 s12, $0x3;
	[tilespmem:$0x1FFE0] =	vst v62  }
0x2a: {  	[tilespmem:$0x1FFF0] =	vst v63;
	s17 =	sadd.s32 s0, s6;
	s0 =	simm.s32 $0x200;
	s6 =	simm.s32 $0x0  }
.LBB2_1:
0x2b: {  	s7 =	simm.s32 $0x80;
	s8 =	rddreg [dreg:$0x4]  }
0x2c: {  	[tilespmem:s1], [sflag:$0x3] =	stream.strided.gather [hbm4b:s8+s7], $0x100, s30, s7, $0x38;
	[tilespmem:$0x2C00] =	vst v63  }
0x2d: {  	_ =	swait.ge [sflag:s31], $0x100  }
0x2e: {  	[sflag:s31] =	ssyncset.done $0x0  }
0x2f: {  	[sflag:s31] =	ssyncadd.s32 $0xFFFFFF00  }
0x30: {  	s12 =	rddreg [dreg:$0x1]  }
0x31: {  	[tilespmem:s30], [sflag:$0x3] =	stream.linear.gather [hbm4b:s12+s1], $0x800, $0x38;
	[tilespmem:$0x2C00] =	vst v63  }
0x32: {  	_ =	swait.ge [sflag:s31], $0x800  }
0x33: {  	[sflag:s31] =	ssyncset.done $0x0  }
0x34: {  	[sflag:s31] =	ssyncadd.s32 $0xFFFFF800  }
0x35: {  	v8 =	vld [tilespmem:$0x0]  }
0x36: {  	v9 =	vld [tilespmem:$0x10]  }
0x37: {  	v10 =	vld [tilespmem:$0x20]  }
0x38: {  	v11 =	vld [tilespmem:$0x30]  }
0x39: {  	v13 =	vld [tilespmem:$0x40]  }
0x3a: {  	v17 =	vld [tilespmem:$0x50]  }
0x3b: {  	v20 =	vld [tilespmem:$0x60];
	v12 =	vmin.f32 v8, v9;
	v14 =	vmax.f32 v8, v9  }
0x3c: {  	v23 =	vld [tilespmem:$0x70];
	v12 =	vmin.f32 v12, v10;
	v14 =	vmax.f32 v14, v10  }
0x3d: {  	v26 =	vld [tilespmem:$0x80];
	v12 =	vmin.f32 v12, v11;
	v14 =	vmax.f32 v14, v11  }
0x3e: {  	v27 =	vld [tilespmem:$0x90];
	v12 =	vmin.f32 v12, v13;
	v14 =	vmax.f32 v14, v13  }
0x3f: {  	v30 =	vld [tilespmem:$0xA0];
	v12 =	vmin.f32 v12, v17;
	v14 =	vmax.f32 v14, v17  }
0x40: {  	v35 =	vld [tilespmem:$0xB0];
	v12 =	vmin.f32 v12, v20;
	v14 =	vmax.f32 v14, v20  }
0x41: {  	v1 =	vld [tilespmem:$0xC0];
	v12 =	vmin.f32 v12, v23;
	v14 =	vmax.f32 v14, v23  }
0x42: {  	v0 =	vld [tilespmem:$0xD0];
	v12 =	vmin.f32 v12, v26;
	v14 =	vmax.f32 v14, v26  }
0x43: {  	v56 =	vld [tilespmem:$0x1FFC0];
	v12 =	vmin.f32 v12, v27;
	v14 =	vmax.f32 v14, v27  }
0x44: {  	v12 =	vmin.f32 v12, v30;
	v14 =	vmax.f32 v14, v30  }
0x45: {  	v12 =	vmin.f32 v12, v35;
	v14 =	vmax.f32 v14, v35  }
0x46: {  	v57 =	vld [tilespmem:$0x1FFD0];
	v12 =	vmin.f32 v12, v1;
	v14 =	vmax.f32 v14, v1  }
0x47: {  	v12 =	vmin.f32 v12, v0;
	v14 =	vmax.f32 v14, v0  }
0x48: {  	v15 =	vperm.xlane v12, v56;
	v16 =	vperm.xlane v14, v56  }
0x49: {  	v58 =	vld [tilespmem:$0x1FFE0]  }
0x4a: {  	v12 =	vmin.f32 v12, v15;
	v14 =	vmax.f32 v14, v16  }
0x4b: {  	v15 =	vperm.xlane v12, v57;
	v16 =	vperm.xlane v14, v57  }
0x4c: {  	v59 =	vld [tilespmem:$0x1FFF0]  }
0x4d: {  	v12 =	vmin.f32 v12, v15;
	v14 =	vmax.f32 v14, v16  }
0x4e: {  	v15 =	vperm.xlane v12, v58;
	v16 =	vperm.xlane v14, v58;
	_ =	sdelay $0x1  }
0x4f: {  	v12 =	vmin.f32 v12, v15;
	v14 =	vmax.f32 v14, v16  }
0x50: {  	v15 =	vperm.xlane v12, v59;
	v16 =	vperm.xlane v14, v59;
	_ =	sdelay $0x1  }
0x51: {  	v39 =	vmin.f32 v12, v15;
	v12 =	vmax.f32 v14, v16  }
0x52: {  	v12 =	vsub.f32 v12, v39;
	_ =	sdelay $0x1  }
0x53: {  	v12 =	vadd.f32 $9.999999930e-09, v12;
	_ =	sdelay $0x1  }
0x54: {  	(erf) = vrcp.f32 v12;
	_ =	sdelay $0x8  }
0x55: {  	v12 =	vpop (erf)  }
0x56: {  	v8 =	vsub.f32 v8, v39;
	v38 =	vadd.f32 v12, v12;
	_ =	sdelay $0x1  }
0x57: {  	v8 =	vmul.f32 v38, v8;
	_ =	sdelay $0x1  }
0x58: {  	v8 =	vadd.f32 $-1.000000000e+00, v8;
	_ =	sdelay $0x1  }
0x59: {  	v8 =	vmax.f32 v8, $-9.999989860e-01  }
0x5a: {  	v8 =	vmin.f32 v8, $9.999989860e-01  }
0x5b: {  	v12 =	vmul.f32 v8, v8;
	_ =	sdelay $0x1  }
0x5c: {  	v12 =	vsub.f32 $1.000000000e+00, v12  }
0x5d: {  	v9 =	vsub.f32 v9, v39  }
0x5e: {  	v14 =	vshra.s32 v12, $0x1;
	v15 =	vmul.f32 $5.000000000e-01, v12  }
0x5f: {  	v9 =	vmul.f32 v38, v9;
	v14 =	vsub.s32 $0x5F3759DF, v14  }
0x60: {  	v16 =	vmul.f32 v14, v15  }
0x61: {  	v9 =	vadd.f32 $-1.000000000e+00, v9  }
0x62: {  	v16 =	vmul.f32 v14, v16  }
0x63: {  	v9 =	vmax.f32 v9, $-9.999989860e-01  }
0x64: {  	v9 =	vmin.f32 v9, $9.999989860e-01;
	v16 =	vsub.f32 $1.500000000e+00, v16  }
0x65: {  	v18 =	vmul.f32 v9, v9  }
0x66: {  	v10 =	vsub.f32 v10, v39;
	v14 =	vmul.f32 v14, v16  }
0x67: {  	v16 =	vsub.f32 $1.000000000e+00, v18  }
0x68: {  	v10 =	vmul.f32 v38, v10;
	v18 =	vmul.f32 v14, v15  }
0x69: {  	v19 =	vshra.s32 v16, $0x1;
	v21 =	vmul.f32 $5.000000000e-01, v16  }
0x6a: {  	v60 =	vld [tilespmem:$0x1FFA0];
	v10 =	vadd.f32 $-1.000000000e+00, v10;
	v19 =	vsub.s32 $0x5F3759DF, v19;
	v18 =	vmul.f32 v18, v14  }
0x6b: {  	v61 =	vld [tilespmem:$0x1FFB0];
	v22 =	vmul.f32 v19, v21  }
0x6c: {  	v10 =	vmax.f32 v10, $-9.999989860e-01;
	v18 =	vsub.f32 $1.500000000e+00, v18  }
0x6d: {  	v10 =	vmin.f32 v10, $9.999989860e-01;
	v22 =	vmul.f32 v19, v22  }
0x6e: {  	v11 =	vsub.f32 v11, v39;
	v14 =	vmul.f32 v18, v14;
	v18 =	vmul.f32 v10, v10  }
0x6f: {  	v22 =	vsub.f32 $1.500000000e+00, v22  }
0x70: {  	v11 =	vmul.f32 v38, v11;
	v18 =	vsub.f32 $1.000000000e+00, v18  }
0x71: {  	v15 =	vmul.f32 v14, v15;
	v19 =	vmul.f32 v19, v22  }
0x72: {  	v50 =	vld.idx.msk [tilespmem:v60+s30+$0x0], $0xffff;
	v11 =	vadd.f32 $-1.000000000e+00, v11;
	v22 =	vshra.s32 v18, $0x1;
	v24 =	vmul.f32 $5.000000000e-01, v18  }
0x73: {  	v25 =	vld.idx.msk [tilespmem:v61+s30+$0x0], $0xffff;
	v15 =	vmul.f32 v15, v14;
	v28 =	vmul.f32 v19, v21;
	v22 =	vsub.s32 $0x5F3759DF, v22  }
0x74: {  	v29 =	vmul.f32 v22, v24  }
0x75: {  	v11 =	vmax.f32 v11, $-9.999989860e-01;
	v15 =	vsub.f32 $1.500000000e+00, v15;
	v28 =	vmul.f32 v28, v19  }
0x76: {  	v11 =	vmin.f32 v11, $9.999989860e-01;
	v29 =	vmul.f32 v22, v29  }
0x77: {  	v14 =	vmul.f32 v15, v14;
	v15 =	vsub.f32 $1.500000000e+00, v28;
	v28 =	vmul.f32 v11, v11  }
0x78: {  	v52 =	vadd.f32 v25, v50;
	v25 =	vsub.f32 $1.500000000e+00, v29  }
0x79: {  	v12 =	vmul.f32 v14, v12;
	v14 =	vmul.f32 v15, v19;
	v28 =	vsub.f32 $1.000000000e+00, v28  }
0x7a: {  	v13 =	vsub.f32 v13, v39;
	v15 =	vmul.f32 v22, v25  }
0x7b: {  	v19 =	vmul.f32 v14, v21;
	v21 =	vshra.s32 v28, $0x1;
	v22 =	vmul.f32 $5.000000000e-01, v28  }
0x7c: {  	v29 =	vmul.f32 v38, v13;
	v21 =	vsub.s32 $0x5F3759DF, v21;
	v25 =	vmul.f32 v15, v24  }
0x7d: {  	v19 =	vmul.f32 v19, v14;
	v31 =	vmul.f32 v21, v22  }
0x7e: {  	v34 =	vadd.f32 $-1.000000000e+00, v29;
	v25 =	vmul.f32 v25, v15  }
0x7f: {  	v19 =	vsub.f32 $1.500000000e+00, v19;
	v31 =	vmul.f32 v21, v31  }
0x80: {  	v34 =	vmax.f32 v34, $-9.999989860e-01;
	v25 =	vsub.f32 $1.500000000e+00, v25  }
0x81: {  	v19 =	vmul.f32 v19, v14;
	v31 =	vsub.f32 $1.500000000e+00, v31;
	v14 =	vmin.f32 v34, $9.999989860e-01  }
0x82: {  	v34 =	vmul.f32 v14, v14;
	v25 =	vmul.f32 v25, v15  }
0x83: {  	v21 =	vmul.f32 v21, v31  }
0x84: {  	v16 =	vmul.f32 v19, v16;
	v45 =	vsub.f32 $1.000000000e+00, v34;
	v19 =	vmul.f32 v25, v24  }
0x85: {  	v24 =	vmul.f32 v21, v22  }
0x86: {  	v34 =	vshra.s32 v45, $0x1;
	v46 =	vmul.f32 $5.000000000e-01, v45;
	v19 =	vmul.f32 v19, v25  }
0x87: {  	v17 =	vsub.f32 v17, v39;
	v24 =	vmul.f32 v24, v21;
	v40 =	vsub.s32 $0x5F3759DF, v34  }
0x88: {  	v42 =	vmul.f32 v40, v46;
	v19 =	vsub.f32 $1.500000000e+00, v19  }
0x89: {  	v17 =	vmul.f32 v38, v17;
	v24 =	vsub.f32 $1.500000000e+00, v24  }
0x8a: {  	v19 =	vmul.f32 v19, v25;
	v25 =	vmul.f32 v40, v42  }
0x8b: {  	v21 =	vmul.f32 v24, v21;
	v24 =	vadd.f32 $-1.000000000e+00, v17  }
0x8c: {  	v18 =	vmul.f32 v19, v18;
	v19 =	vsub.f32 $1.500000000e+00, v25  }
0x8d: {  	v62 =	vld [tilespmem:$0x1FF80];
	v22 =	vmul.f32 v21, v22;
	v24 =	vmax.f32 v24, $-9.999989860e-01  }
0x8e: {  	v25 =	vmul.f32 v40, v19;
	v19 =	vmin.f32 v24, $9.999989860e-01  }
0x8f: {  	v22 =	vmul.f32 v22, v21;
	v24 =	vmul.f32 v19, v19  }
0x90: {  	v20 =	vsub.f32 v20, v39;
	v49 =	vmul.f32 v25, v46  }
0x91: {  	v22 =	vsub.f32 $1.500000000e+00, v22;
	v53 =	vsub.f32 $1.000000000e+00, v24  }
0x92: {  	v23 =	vsub.f32 v23, v39;
	v20 =	vmul.f32 v38, v20;
	v24 =	vmul.f32 v49, v25  }
0x93: {  	v21 =	vmul.f32 v22, v21;
	v22 =	vshra.s32 v53, $0x1;
	v2 =	vmul.f32 $5.000000000e-01, v53  }
0x94: {  	v24 =	vsub.f32 $1.500000000e+00, v24;
	v54 =	vsub.s32 $0x5F3759DF, v22;
	v22 =	vadd.f32 $-1.000000000e+00, v20  }
0x95: {  	v51 =	vld.idx.msk [tilespmem:v62+s30+$0x0], $0xffff;
	v26 =	vsub.f32 v26, v39;
	v55 =	vmul.f32 v54, v2  }
0x96: {  	v63 =	vld [tilespmem:$0x1FF90];
	v23 =	vmul.f32 v38, v23;
	v24 =	vmul.f32 v24, v25;
	v22 =	vmax.f32 v22, $-9.999989860e-01  }
0x97: {  	v21 =	vmul.f32 v21, v28;
	v25 =	vmul.f32 v54, v55;
	v22 =	vmin.f32 v22, $9.999989860e-01  }
0x98: {  	v28 =	vmul.f32 v24, v46;
	v3 =	vmul.f32 v22, v22  }
0x99: {  	v26 =	vmul.f32 v38, v26;
	v41 =	vmul.f32 v8, v52;
	v25 =	vsub.f32 $1.500000000e+00, v25  }
0x9a: {  	v36 =	vmul.f32 v9, v51;
	v28 =	vmul.f32 v28, v24;
	v46 =	vsub.f32 $1.000000000e+00, v3  }
0x9b: {  	v47 =	vmul.f32 v10, v52;
	v54 =	vmul.f32 v54, v25  }
0x9c: {  	v25 =	vsub.f32 $1.500000000e+00, v28;
	v28 =	vshra.s32 v46, $0x1;
	v58 =	vmul.f32 $5.000000000e-01, v46  }
0x9d: {  	v33 =	vmul.f32 v10, v51;
	v56 =	vmul.f32 v11, v52;
	v28 =	vsub.s32 $0x5F3759DF, v28  }
0x9e: {  	v27 =	vsub.f32 v27, v39;
	v57 =	vmul.f32 v11, v51;
	v13 =	vld.idx.msk [tilespmem:v63+s30+$0x0], $0xffff;
	v61 =	vmul.f32 v28, v58  }
0x9f: {  	v26 =	vadd.f32 $-1.000000000e+00, v26;
	v44 =	vmul.f32 v12, v51;
	v29 =	vmul.f32 v8, v51  }
0xa0: {  	v23 =	vadd.f32 $-1.000000000e+00, v23;
	v59 =	vmul.f32 v54, v2;
	v61 =	vmul.f32 v28, v61  }
0xa1: {  	v26 =	vmax.f32 v26, $-9.999989860e-01;
	v32 =	vmul.f32 v12, v50;
	v25 =	vmul.f32 v25, v24  }
0xa2: {  	v24 =	vmax.f32 v23, $-9.999989860e-01;
	v59 =	vmul.f32 v59, v54;
	v61 =	vsub.f32 $1.500000000e+00, v61  }
0xa3: {  	v62 =	vmul.f32 v14, v52;
	v15 =	vmul.f32 v8, v13;
	v24 =	vmin.f32 v24, $9.999989860e-01  }
0xa4: {  	v5 =	vmul.f32 v24, v24;
	v4 =	vsub.f32 $1.500000000e+00, v59;
	v28 =	vmul.f32 v28, v61  }
0xa5: {  	v26 =	vmin.f32 v26, $9.999989860e-01;
	v31 =	vmul.f32 v9, v52;
	v25 =	vmul.f32 v25, v45  }
0xa6: {  	v45 =	vmul.f32 v4, v54;
	v54 =	vsub.f32 $1.000000000e+00, v5;
	v37 =	vmul.f32 v28, v58  }
0xa7: {  	v43 =	vmul.f32 v16, v50;
	v34 =	vmul.f32 v16, v51;
	v40 =	vsub.f32 v41, v44  }
0xa8: {  	[tilespmem:$0x1FF30] =	vst v1;
	v59 =	vshra.s32 v54, $0x1;
	v61 =	vmul.f32 $5.000000000e-01, v54;
	v1 =	vmul.f32 v37, v28  }
0xa9: {  	v41 =	vmul.f32 v26, v26;
	v49 =	vmul.f32 v45, v2;
	v59 =	vsub.s32 $0x5F3759DF, v59  }
0xaa: {  	v4 =	vmul.f32 v38, v27;
	v2 =	vmul.f32 v59, v61;
	v1 =	vsub.f32 $1.500000000e+00, v1  }
0xab: {  	v17 =	vmul.f32 v9, v13;
	v3 =	vsub.f32 $1.000000000e+00, v41;
	v49 =	vmul.f32 v49, v45  }
0xac: {  	v4 =	vadd.f32 $-1.000000000e+00, v4;
	v2 =	vmul.f32 v59, v2;
	v1 =	vmul.f32 v1, v28  }
0xad: {  	v48 =	vmul.f32 v18, v51;
	v5 =	vshra.s32 v3, $0x1;
	v49 =	vsub.f32 $1.500000000e+00, v49  }
0xae: {  	v4 =	vmax.f32 v4, $-9.999989860e-01;
	v2 =	vsub.f32 $1.500000000e+00, v2;
	v28 =	vmul.f32 v1, v58  }
0xaf: {  	v45 =	vmul.f32 v49, v45;
	v49 =	vsub.s32 $0x5F3759DF, v5;
	v58 =	vmul.f32 $5.000000000e-01, v3  }
0xb0: {  	v2 =	vmul.f32 v59, v2;
	v5 =	vmul.f32 v28, v1;
	v28 =	vmin.f32 v4, $9.999989860e-01  }
0xb1: {  	[tilespmem:$0x1FF40] =	vst v0;
	v6 =	vmul.f32 v49, v58;
	v0 =	vmul.f32 v28, v28  }
0xb2: {  	v42 =	vmul.f32 v18, v50;
	[tilespmem:$0x1FF50] =	vst v40;
	v40 =	vsub.f32 v29, v32;
	v59 =	vmul.f32 v2, v61  }
0xb3: {  	v29 =	vmul.f32 v45, v53;
	v6 =	vmul.f32 v49, v6;
	v53 =	vsub.f32 $1.000000000e+00, v0  }
0xb4: {  	v44 =	vmul.f32 v14, v51;
	v41 =	vmul.f32 v59, v2  }
0xb5: {  	[tilespmem:$0x1FF60] =	vst v40;
	v40 =	vsub.f32 $1.500000000e+00, v6;
	v6 =	vshra.s32 v53, $0x1;
	v7 =	vmul.f32 $5.000000000e-01, v53  }
0xb6: {  	v5 =	vsub.f32 $1.500000000e+00, v5;
	v32 =	vsub.f32 $1.500000000e+00, v41;
	v6 =	vsub.s32 $0x5F3759DF, v6  }
0xb7: {  	v20 =	vmul.f32 v10, v13;
	v4 =	vmul.f32 v6, v7  }
0xb8: {  	v1 =	vmul.f32 v5, v1;
	v2 =	vmul.f32 v32, v2;
	v32 =	vsub.f32 v30, v39  }
0xb9: {  	v47 =	vsub.f32 v47, v48;
	v5 =	vmul.f32 v49, v40;
	v0 =	vmul.f32 v6, v4  }
0xba: {  	v40 =	vsub.f32 v31, v34;
	v31 =	vmul.f32 v2, v61;
	v32 =	vmul.f32 v38, v32  }
0xbb: {  	v60 =	vmul.f32 v21, v50;
	v61 =	vmul.f32 v5, v58;
	v0 =	vsub.f32 $1.500000000e+00, v0  }
0xbc: {  	v63 =	vmul.f32 v25, v51;
	v48 =	vmul.f32 v31, v2;
	v4 =	vadd.f32 $-1.000000000e+00, v32  }
0xbd: {  	v61 =	vmul.f32 v61, v5;
	v0 =	vmul.f32 v6, v0  }
0xbe: {  	v31 =	vmul.f32 v1, v46;
	v48 =	vsub.f32 $1.500000000e+00, v48;
	v1 =	vmax.f32 v4, $-9.999989860e-01  }
0xbf: {  	v34 =	vsub.f32 $1.500000000e+00, v61;
	v32 =	vmin.f32 v1, $9.999989860e-01;
	v1 =	vmul.f32 v0, v7  }
0xc0: {  	v55 =	vmul.f32 v21, v51;
	v57 =	vsub.f32 v57, v60;
	v2 =	vmul.f32 v48, v2  }
0xc1: {  	v60 =	vsub.f32 v62, v63;
	v63 =	vld [tilespmem:$0x1FF30];
	v5 =	vmul.f32 v34, v5;
	v61 =	vmul.f32 v1, v0  }
0xc2: {  	v23 =	vmul.f32 v11, v13;
	v27 =	vmul.f32 v14, v13;
	v6 =	vsub.f32 v33, v42  }
0xc3: {  	v33 =	vmul.f32 v2, v54;
	v4 =	vmul.f32 v5, v58;
	v2 =	vsub.f32 $1.500000000e+00, v61  }
0xc4: {  	v37 =	vmul.f32 v25, v50;
	v42 =	vmul.f32 v32, v32;
	v34 =	vsub.f32 v35, v39  }
0xc5: {  	v43 =	vsub.f32 v36, v43;
	v35 =	vmul.f32 v4, v5;
	v0 =	vmul.f32 v2, v0  }
0xc6: {  	v62 =	vsub.f32 v63, v39;
	v42 =	vsub.f32 $1.000000000e+00, v42;
	v34 =	vmul.f32 v38, v34  }
0xc7: {  	v63 =	vld [tilespmem:$0x1FF40];
	v54 =	vsub.f32 v56, v55;
	v35 =	vsub.f32 $1.500000000e+00, v35;
	v7 =	vmul.f32 v0, v7  }
0xc8: {  	v58 =	vshra.s32 v42, $0x1;
	v55 =	vmul.f32 $5.000000000e-01, v42;
	v34 =	vadd.f32 $-1.000000000e+00, v34  }
0xc9: {  	v56 =	vsub.s32 $0x5F3759DF, v58;
	v5 =	vmul.f32 v35, v5;
	v7 =	vmul.f32 v7, v0  }
0xca: {  	v45 =	vmul.f32 v19, v52;
	v61 =	vmul.f32 v56, v55;
	v34 =	vmax.f32 v34, $-9.999989860e-01  }
0xcb: {  	v36 =	vmul.f32 v5, v3;
	v5 =	vsub.f32 $1.500000000e+00, v7;
	v7 =	vmul.f32 v38, v62  }
0xcc: {  	v59 =	vmul.f32 v29, v51;
	v39 =	vsub.f32 v63, v39;
	v34 =	vmin.f32 v34, $9.999989860e-01  }
0xcd: {  	v2 =	vmul.f32 v56, v61;
	v61 =	vmul.f32 v34, v34;
	v7 =	vadd.f32 $-1.000000000e+00, v7  }
0xce: {  	v44 =	vsub.f32 v44, v37;
	v41 =	vmul.f32 v19, v51;
	v38 =	vmul.f32 v38, v39  }
0xcf: {  	v2 =	vsub.f32 $1.500000000e+00, v2;
	v3 =	vsub.f32 $1.000000000e+00, v61;
	v7 =	vmax.f32 v7, $-9.999989860e-01  }
0xd0: {  	v37 =	vmin.f32 v7, $9.999989860e-01;
	v7 =	vsub.f32 v45, v59;
	v59 =	vadd.f32 $-1.000000000e+00, v38;
	v38 =	vld [tilespmem:$0x1FF50]  }
0xd1: {  	v30 =	vmul.f32 v19, v13;
	v4 =	vshra.s32 v3, $0x1;
	v61 =	vmul.f32 $5.000000000e-01, v3  }
0xd2: {  	[tilespmem:$0x1FF70] =	vst v41;
	v2 =	vmul.f32 v56, v2;
	v56 =	vsub.s32 $0x5F3759DF, v4;
	v0 =	vmul.f32 v5, v0  }
0xd3: {  	[tilespmem:$0x120] =	vst v47;
	v47 =	vld [tilespmem:$0x1FF70];
	v5 =	vmul.f32 v56, v61;
	v45 =	vmul.f32 v37, v37  }
0xd4: {  	v49 =	vmul.f32 v29, v50;
	[tilespmem:$0x110] =	vst v40;
	v40 =	vmul.f32 v24, v13  }
0xd5: {  	v5 =	vmul.f32 v56, v5;
	[tilespmem:$0x100] =	vst v38;
	v38 =	vmul.f32 v0, v53;
	v53 =	vsub.f32 $1.000000000e+00, v45;
	v45 =	vld [tilespmem:$0x1FF60]  }
0xd6: {  	v46 =	vmul.f32 v22, v52;
	v1 =	vmul.f32 v2, v55  }
0xd7: {  	v48 =	vmul.f32 v22, v51;
	v58 =	vmul.f32 v31, v50;
	v5 =	vsub.f32 $1.500000000e+00, v5  }
0xd8: {  	v41 =	vmul.f32 v31, v51;
	v47 =	vsub.f32 v47, v49;
	v39 =	vmul.f32 v1, v2  }
0xd9: {  	v63 =	vmul.f32 v24, v51;
	[tilespmem:$0x130] =	vst v54;
	v54 =	vsub.f32 v48, v58;
	v5 =	vmul.f32 v56, v5  }
0xda: {  	v58 =	vmul.f32 v26, v51;
	[tilespmem:$0x200] =	vst v45;
	v45 =	vsub.f32 $1.500000000e+00, v39;
	v39 =	vmax.f32 v59, $-9.999989860e-01  }
0xdb: {  	[tilespmem:$0x210] =	vst v43;
	v43 =	vmul.f32 v5, v61;
	v0 =	vshra.s32 v53, $0x1;
	v39 =	vmin.f32 v39, $9.999989860e-01  }
0xdc: {  	v56 =	vmul.f32 $5.000000000e-01, v53;
	v59 =	vsub.s32 $0x5F3759DF, v0;
	v0 =	vmul.f32 v39, v39  }
0xdd: {  	v41 =	vsub.f32 v46, v41;
	[tilespmem:$0x220] =	vst v6;
	v35 =	vmul.f32 v22, v13;
	v6 =	vmul.f32 v43, v5  }
0xde: {  	[tilespmem:$0x140] =	vst v60;
	v60 =	vmul.f32 v36, v50;
	v49 =	vmul.f32 v59, v56;
	v0 =	vsub.f32 $1.000000000e+00, v0  }
0xdf: {  	v62 =	vmul.f32 v24, v52;
	v6 =	vsub.f32 $1.500000000e+00, v6;
	v2 =	vmul.f32 v45, v2  }
0xe0: {  	[tilespmem:$0x230] =	vst v57;
	v45 =	vmul.f32 v59, v49;
	v57 =	vshra.s32 v0, $0x1;
	v49 =	vmul.f32 $5.000000000e-01, v0  }
0xe1: {  	[tilespmem:$0x300] =	vst v15;
	v4 =	vmul.f32 v33, v51;
	v5 =	vmul.f32 v6, v5;
	v46 =	vsub.s32 $0x5F3759DF, v57  }
0xe2: {  	[tilespmem:$0x310] =	vst v17;
	v55 =	vmul.f32 v2, v55;
	v6 =	vmul.f32 v46, v49  }
0xe3: {  	[tilespmem:$0x260] =	vst v54;
	v1 =	vmul.f32 v33, v50;
	v54 =	vmul.f32 v38, v51;
	v45 =	vsub.f32 $1.500000000e+00, v45  }
0xe4: {  	[tilespmem:$0x320] =	vst v20;
	v4 =	vsub.f32 v62, v4;
	v43 =	vmul.f32 v55, v2;
	v6 =	vmul.f32 v46, v6  }
0xe5: {  	v1 =	vsub.f32 v63, v1;
	[tilespmem:$0x150] =	vst v7;
	v7 =	vmul.f32 v59, v45;
	v59 =	vmul.f32 v5, v61  }
0xe6: {  	[tilespmem:$0x330] =	vst v23;
	v55 =	vmul.f32 v26, v52;
	v57 =	vmul.f32 v36, v51;
	v6 =	vsub.f32 $1.500000000e+00, v6  }
0xe7: {  	[tilespmem:$0x340] =	vst v27;
	v43 =	vsub.f32 $1.500000000e+00, v43;
	v62 =	vmul.f32 v59, v5;
	v63 =	vmul.f32 v7, v56  }
0xe8: {  	[tilespmem:$0x240] =	vst v44;
	v61 =	vsub.f32 v55, v57;
	v57 =	vmul.f32 v28, v51;
	v48 =	vmul.f32 v46, v6  }
0xe9: {  	[tilespmem:$0x350] =	vst v30;
	v59 =	vmul.f32 v38, v50;
	v45 =	vmul.f32 v63, v7  }
0xea: {  	[tilespmem:$0x160] =	vst v41;
	v2 =	vmul.f32 v43, v2;
	v43 =	vsub.f32 v58, v60;
	v55 =	vmul.f32 v48, v49  }
0xeb: {  	[tilespmem:$0x180] =	vst v61;
	v61 =	vmul.f32 v32, v51;
	v58 =	vsub.f32 $1.500000000e+00, v45;
	v6 =	vmul.f32 v28, v52  }
0xec: {  	[tilespmem:$0x170] =	vst v4;
	v44 =	vsub.f32 $1.500000000e+00, v62;
	v41 =	vmul.f32 v2, v42;
	v2 =	vmul.f32 v55, v48  }
0xed: {  	[tilespmem:$0x280] =	vst v43;
	v43 =	vmul.f32 v26, v13;
	v4 =	vsub.f32 v6, v54;
	v6 =	vmul.f32 v58, v7  }
0xee: {  	[tilespmem:$0x370] =	vst v40;
	v5 =	vmul.f32 v44, v5;
	v45 =	vmul.f32 v32, v13;
	v2 =	vsub.f32 $1.500000000e+00, v2  }
0xef: {  	[tilespmem:$0x250] =	vst v47;
	v60 =	vmul.f32 v41, v51;
	v62 =	vmul.f32 v6, v56  }
0xf0: {  	[tilespmem:$0x270] =	vst v1;
	v63 =	vmul.f32 v41, v50;
	v1 =	vmul.f32 v2, v48  }
0xf1: {  	[tilespmem:$0x360] =	vst v35;
	v44 =	vsub.f32 v57, v59;
	v42 =	vmul.f32 v5, v3;
	v5 =	vmul.f32 v62, v6  }
0xf2: {  	[tilespmem:$0x380] =	vst v43;
	v7 =	vmul.f32 v32, v52;
	v47 =	vmul.f32 v1, v49  }
0xf3: {  	[tilespmem:$0x290] =	vst v44;
	v44 =	vmul.f32 v28, v13;
	v54 =	vmul.f32 v37, v52;
	v5 =	vsub.f32 $1.500000000e+00, v5  }
0xf4: {  	[tilespmem:$0x190] =	vst v4;
	v3 =	vsub.f32 v7, v60;
	v7 =	vmul.f32 v42, v51;
	v4 =	vmul.f32 v47, v1  }
0xf5: {  	[tilespmem:$0x3A0] =	vst v45;
	v2 =	vsub.f32 v61, v63;
	v48 =	vmul.f32 v34, v52;
	v5 =	vmul.f32 v5, v6  }
0xf6: {  	[tilespmem:$0x390] =	vst v44;
	v49 =	vmul.f32 v34, v51;
	v6 =	vmul.f32 v42, v50;
	v4 =	vsub.f32 $1.500000000e+00, v4  }
0xf7: {  	v56 =	vmul.f32 v37, v51;
	[tilespmem:$0x1A0] =	vst v3;
	v3 =	vsub.f32 v48, v7;
	v46 =	vmul.f32 v5, v53  }
0xf8: {  	[tilespmem:$0x2A0] =	vst v2;
	v2 =	vsub.f32 v49, v6;
	v47 =	vmul.f32 v34, v13;
	v1 =	vmul.f32 v4, v1  }
0xf9: {  	[tilespmem:$0x1B0] =	vst v3;
	v49 =	vmul.f32 v37, v13;
	v55 =	vmul.f32 v46, v51  }
0xfa: {  	[tilespmem:$0x2B0] =	vst v2;
	v57 =	vmul.f32 v46, v50;
	v48 =	vmul.f32 v1, v0  }
0xfb: {  	v59 =	vmul.f32 v39, v52;
	[tilespmem:$0x3B0] =	vst v47;
	v58 =	vsub.f32 v54, v55  }
0xfc: {  	v61 =	vmul.f32 v39, v51;
	[tilespmem:$0x3C0] =	vst v49;
	v0 =	vsub.f32 v56, v57;
	v60 =	vmul.f32 v48, v51  }
0xfd: {  	[tilespmem:$0x1C0] =	vst v58;
	v62 =	vmul.f32 v48, v50;
	v50 =	vmul.f32 v39, v13  }
0xfe: {  	[tilespmem:$0x2C0] =	vst v0;
	v63 =	vsub.f32 v59, v60  }
0xff: {  	v1 =	vsub.f32 v61, v62;
	[tilespmem:$0x3D0] =	vst v50  }
0x100: {  	[tilespmem:$0x1D0] =	vst v63  }
0x101: {  	s9 =	simm.s32 $0x0;
	s8 =	simm.s32 $0xFFFFFFFE;
	[tilespmem:$0x2D0] =	vst v1  }
.LBB2_2:
0x102: {  	s11 =	sadd.s32 s8, s3  }
0x103: {  	s10 =	sadd.s32 $0x2, s11  }
0x104: {  	v0 =	vmov s10  }
0x105: {  	v0 =	vand.u32 $0xFFFFFFFE, v0  }
0x106: {  	v0 =	vbroadcast v0, $0x0;
	_ =	sdelay $0x5  }
0x107: {  	v1 =	vld.idx.msk [tilespmem:v0+s23+$0x0], $0xffff  }
0x108: {  	v2 =	vld.idx.msk [tilespmem:v0+s0+$0x0], $0xffff  }
0x109: {  	v0 =	vld.idx.msk [tilespmem:v0+s24+$0x0], $0xffff;
	_ =	sdelay $0x3  }
0x10a: {  	v3 =	vmul.f32 v1, v8  }
0x10b: {  	v4 =	vmul.f32 v1, v9;
	v5 =	vmul.f32 v2, v12;
	v6 =	vsub.f32 v0, v15  }
0x10c: {  	v7 =	vmul.f32 v2, v16;
	v61 =	vsub.f32 v0, v17;
	v52 =	vmul.f32 v2, v21  }
0x10d: {  	v51 =	vsub.f32 v0, v20;
	v63 =	vmul.f32 v1, v14;
	v56 =	vmul.f32 v1, v19  }
0x10e: {  	v57 =	vmul.f32 v2, v25;
	v53 =	vsub.f32 v0, v27;
	v3 =	vadd.f32 v3, v13  }
0x10f: {  	v54 =	vmul.f32 v2, v29;
	v58 =	vsub.f32 v0, v30;
	v4 =	vadd.f32 v4, v13  }
0x110: {  	v59 =	vmul.f32 v1, v22;
	v60 =	vmul.f32 v1, v24;
	v3 =	vadd.f32 v3, v5  }
0x111: {  	v6 =	vand.u32 $0x7FFFFFFF, v6;
	v4 =	vadd.f32 v4, v7;
	v7 =	vmul.f32 v1, v10  }
0x112: {  	v55 =	vsub.f32 v0, v35;
	v3 =	vsub.f32 v3, v6;
	v6 =	vmul.f32 v1, v11  }
0x113: {  	v5 =	vand.u32 $0x7FFFFFFF, v61;
	v62 =	vadd.f32 v7, v13;
	v7 =	vmul.f32 v2, v18  }
0x114: {  	v51 =	vand.u32 $0x7FFFFFFF, v51;
	v4 =	vsub.f32 v4, v5;
	v6 =	vadd.f32 v6, v13  }
0x115: {  	v53 =	vand.u32 $0x7FFFFFFF, v53;
	v5 =	vadd.f32 v62, v7;
	v7 =	vsub.f32 v0, v23  }
0x116: {  	v55 =	vand.u32 $0x7FFFFFFF, v55;
	v61 =	vadd.f32 v59, v13;
	v6 =	vadd.f32 v6, v52  }
0x117: {  	v5 =	vsub.f32 v5, v51;
	v7 =	vand.u32 $0x7FFFFFFF, v7;
	v51 =	vadd.f32 v56, v13  }
0x118: {  	v62 =	vmul.f32 v2, v31;
	v6 =	vsub.f32 v6, v7;
	v7 =	vadd.f32 v63, v13  }
0x119: {  	v52 =	vand.u32 $0x7FFFFFFF, v58;
	v51 =	vadd.f32 v51, v54;
	v63 =	vsub.f32 v0, v40  }
0x11a: {  	v56 =	vmul.f32 v2, v33;
	v58 =	vmul.f32 v2, v38;
	v7 =	vadd.f32 v7, v57  }
0x11b: {  	v51 =	vsub.f32 v51, v52;
	v52 =	vadd.f32 v61, v62;
	v54 =	vand.u32 $0x7FFFFFFF, v63  }
0x11c: {  	v61 =	vmul.f32 v1, v28;
	v7 =	vsub.f32 v7, v53;
	v53 =	vadd.f32 v60, v13  }
0x11d: {  	v57 =	vsub.f32 v0, v43;
	v60 =	vmul.f32 v1, v26;
	v52 =	vsub.f32 v52, v55  }
0x11e: {  	v63 =	vmul.f32 v2, v36;
	v55 =	vadd.f32 v61, v13;
	v53 =	vadd.f32 v53, v56  }
0x11f: {  	s12 =	sadd.s32 $0xFFFFFF80, s7;
	s10 =	sand.u32 $0x800, s9;
	v57 =	vand.u32 $0x7FFFFFFF, v57;
	v62 =	vadd.f32 v60, v13;
	v60 =	vsub.f32 v0, v44  }
0x120: {  	s12 =	sand.u32 $0x300, s12;
	s10 =	sadd.s32 $0xC00, s10;
	v61 =	vmul.f32 v1, v32;
	v55 =	vadd.f32 v55, v58;
	v53 =	vsub.f32 v53, v54  }
0x121: {  	s12 =	sor.u32 s12, s10;
	v54 =	vadd.f32 v62, v63;
	v62 =	vand.u32 $0x7FFFFFFF, v60;
	v63 =	vmul.f32 v1, v34  }
0x122: {  	[tilespmem:s12+$0x10] =	vst v4;
	v60 =	vadd.f32 v61, v13;
	v61 =	vmul.f32 v2, v41;
	v4 =	vsub.f32 v55, v62  }
0x123: {  	[tilespmem:s12+$0x0] =	vst v3;
	v62 =	vsub.f32 v0, v45;
	v3 =	vsub.f32 v54, v57  }
0x124: {  	[tilespmem:s12+$0x30] =	vst v6;
	v56 =	vadd.f32 v63, v13;
	v63 =	vmul.f32 v2, v42;
	v6 =	vadd.f32 v60, v61  }
0x125: {  	[tilespmem:s12+$0x20] =	vst v5;
	v60 =	vsub.f32 v0, v47;
	v61 =	vmul.f32 v1, v37;
	v1 =	vmul.f32 v1, v39  }
0x126: {  	[tilespmem:s12+$0x40] =	vst v7;
	v5 =	vand.u32 $0x7FFFFFFF, v62;
	v62 =	vmul.f32 v2, v46;
	v7 =	vadd.f32 v56, v63  }
0x127: {  	[tilespmem:s12+$0x50] =	vst v51;
	v2 =	vmul.f32 v2, v48;
	v5 =	vsub.f32 v6, v5;
	v63 =	vsub.f32 v0, v49  }
0x128: {  	[tilespmem:s12+$0x60] =	vst v52;
	v6 =	vand.u32 $0x7FFFFFFF, v60;
	v1 =	vadd.f32 v1, v13;
	v0 =	vsub.f32 v0, v50  }
0x129: {  	[tilespmem:s12+$0x70] =	vst v53;
	v6 =	vsub.f32 v7, v6;
	v7 =	vadd.f32 v61, v13  }
0x12a: {  	s11 =	sadd.s32 $0x3, s11;
	[tilespmem:s12+$0x410] =	vst v4;
	v1 =	vadd.f32 v1, v2  }
0x12b: {  	v57 =	vmov s11;
	[tilespmem:s12+$0x400] =	vst v3;
	v0 =	vand.u32 $0x7FFFFFFF, v0;
	v55 =	vadd.f32 v7, v62  }
0x12c: {  	v56 =	vand.u32 $0x7FFFFFFF, v63;
	[tilespmem:s12+$0x420] =	vst v5;
	v0 =	vsub.f32 v1, v0  }
0x12d: {  	[tilespmem:s12+$0x430] =	vst v6;
	v3 =	vsub.f32 v55, v56  }
0x12e: {  	[tilespmem:s12+$0x450] =	vst v0  }
0x12f: {  	[tilespmem:s12+$0x440] =	vst v3  }
0x130: {  	v0 =	vld.idx.msk [tilespmem:v57+s23+$0x0], $0xffff  }
0x131: {  	v1 =	vld.idx.msk [tilespmem:v57+s0+$0x0], $0xffff  }
0x132: {  	v2 =	vld.idx.msk [tilespmem:v57+s24+$0x0], $0xffff;
	_ =	sdelay $0x3  }
0x133: {  	v58 =	vmul.f32 v0, v8;
	v59 =	vmul.f32 v1, v12  }
0x134: {  	v60 =	vsub.f32 v2, v15;
	v61 =	vmul.f32 v0, v9;
	v6 =	vmul.f32 v0, v10  }
0x135: {  	v62 =	vmul.f32 v1, v16;
	v7 =	vsub.f32 v2, v17;
	v63 =	vmul.f32 v1, v18  }
0x136: {  	v54 =	vsub.f32 v2, v20;
	v55 =	vmul.f32 v0, v11;
	v56 =	vmul.f32 v1, v21  }
0x137: {  	v57 =	vsub.f32 v2, v23;
	v3 =	vadd.f32 v58, v13;
	v5 =	vand.u32 $0x7FFFFFFF, v60  }
0x138: {  	v4 =	vadd.f32 v61, v13;
	v6 =	vadd.f32 v6, v13;
	v7 =	vand.u32 $0x7FFFFFFF, v7  }
0x139: {  	v52 =	vand.u32 $0x7FFFFFFF, v57;
	v57 =	vsub.f32 v2, v30;
	v3 =	vadd.f32 v3, v59  }
0x13a: {  	v58 =	vmul.f32 v1, v25;
	v4 =	vadd.f32 v4, v62;
	v6 =	vadd.f32 v6, v63  }
0x13b: {  	v60 =	vmul.f32 v0, v19;
	v59 =	vsub.f32 v2, v27;
	v3 =	vsub.f32 v3, v5  }
0x13c: {  	v4 =	vsub.f32 v4, v7;
	v5 =	vand.u32 $0x7FFFFFFF, v54;
	v7 =	vmul.f32 v0, v14  }
0x13d: {  	v61 =	vmul.f32 v0, v22;
	v5 =	vsub.f32 v6, v5;
	v6 =	vadd.f32 v55, v13  }
0x13e: {  	v62 =	vadd.f32 v60, v13;
	v63 =	vmul.f32 v1, v29;
	v7 =	vadd.f32 v7, v13  }
0x13f: {  	v60 =	vmul.f32 v0, v24;
	v51 =	vand.u32 $0x7FFFFFFF, v59;
	v6 =	vadd.f32 v6, v56  }
0x140: {  	v59 =	vsub.f32 v2, v35;
	v54 =	vand.u32 $0x7FFFFFFF, v57;
	v7 =	vadd.f32 v7, v58  }
0x141: {  	v58 =	vmul.f32 v1, v31;
	v6 =	vsub.f32 v6, v52;
	v52 =	vadd.f32 v61, v13  }
0x142: {  	v61 =	vmul.f32 v0, v26;
	v7 =	vsub.f32 v7, v51;
	v51 =	vadd.f32 v62, v63  }
0x143: {  	v57 =	vmul.f32 v1, v42;
	v53 =	vand.u32 $0x7FFFFFFF, v59;
	v52 =	vadd.f32 v52, v58  }
0x144: {  	s12 =	sand.u32 $0x380, s7;
	v62 =	vmul.f32 v1, v33;
	v51 =	vsub.f32 v51, v54;
	v54 =	vadd.f32 v61, v13  }
0x145: {  	s10 =	sor.u32 s12, s10;
	v63 =	vmul.f32 v1, v36;
	v61 =	vsub.f32 v2, v43;
	v52 =	vsub.f32 v52, v53  }
0x146: {  	[tilespmem:s10+$0x40] =	vst v7;
	v7 =	vmul.f32 v0, v37;
	v53 =	vadd.f32 v60, v13;
	v60 =	vsub.f32 v2, v40  }
0x147: {  	v54 =	vadd.f32 v54, v63;
	v63 =	vand.u32 $0x7FFFFFFF, v61;
	v61 =	vmul.f32 v0, v32  }
0x148: {  	v7 =	vadd.f32 v7, v13;
	v53 =	vadd.f32 v53, v62;
	v62 =	vand.u32 $0x7FFFFFFF, v60  }
0x149: {  	v60 =	vmul.f32 v0, v28;
	v54 =	vsub.f32 v54, v63;
	v63 =	vsub.f32 v2, v44  }
0x14a: {  	[tilespmem:s10+$0x10] =	vst v4;
	v4 =	vadd.f32 v61, v13;
	v61 =	vmul.f32 v0, v34;
	v0 =	vmul.f32 v0, v39  }
0x14b: {  	[tilespmem:s10+$0x0] =	vst v3;
	v53 =	vsub.f32 v53, v62;
	v3 =	vadd.f32 v60, v13;
	v62 =	vmul.f32 v1, v38  }
0x14c: {  	[tilespmem:s10+$0x30] =	vst v6;
	v60 =	vmul.f32 v1, v41;
	v6 =	vadd.f32 v61, v13;
	v61 =	vsub.f32 v2, v49  }
0x14d: {  	[tilespmem:s10+$0x20] =	vst v5;
	v0 =	vadd.f32 v0, v13;
	v3 =	vadd.f32 v3, v62;
	v62 =	vand.u32 $0x7FFFFFFF, v63  }
0x14e: {  	[tilespmem:s10+$0x50] =	vst v51;
	v63 =	vsub.f32 v2, v45;
	v4 =	vadd.f32 v4, v60;
	v60 =	vmul.f32 v1, v46  }
0x14f: {  	[tilespmem:s10+$0x60] =	vst v52;
	v1 =	vmul.f32 v1, v48;
	v59 =	vadd.f32 v6, v57;
	v6 =	vsub.f32 v2, v47  }
0x150: {  	s8 =	sadd.s32 $0x2, s8;
	[tilespmem:s10+$0x400] =	vst v54;
	v2 =	vsub.f32 v2, v50;
	v3 =	vsub.f32 v3, v62;
	v58 =	vand.u32 $0x7FFFFFFF, v63  }
0x151: {  	p0 =	slt.u32 s8, $0xE;
	[tilespmem:s10+$0x70] =	vst v53;
	v7 =	vadd.f32 v7, v60;
	v4 =	vsub.f32 v4, v58;
	v6 =	vand.u32 $0x7FFFFFFF, v6  }
.Ltmp0:
0x152: {  	v0 =	vadd.f32 v0, v1;
	v63 =	vand.u32 $0x7FFFFFFF, v61;
	[tilespmem:s10+$0x410] =	vst v3;
	v62 =	vsub.f32 v59, v6;
	(pc) =	sbr.rel @p0 .LBB2_2-.Ltmp0, $4  }
0x153: {  	v2 =	vand.u32 $0x7FFFFFFF, v2;
	v1 =	vsub.f32 v7, v63;
	[tilespmem:s10+$0x420] =	vst v4  }
0x154: {  	v0 =	vsub.f32 v0, v2;
	[tilespmem:s10+$0x430] =	vst v62  }
0x155: {  	[tilespmem:s10+$0x440] =	vst v1  }
0x156: {  	s9 =	sadd.s32 $0x200, s9;
	s7 =	sadd.s32 $0x100, s7;
	[tilespmem:s10+$0x450] =	vst v0  }
0x157: {  	s7 =	simm.s32 $0x0;
	s8 =	rddreg [dreg:$0x5]  }
0x158: {  	[hbm4b:s8+s7] =	stream.linear.scatter [tilespmem:s2], [sflag:$0x1], $0x1000, $0x38;
	[tilespmem:$0x2C00] =	vst v63  }
0x159: {  	s11 =	rddreg [dreg:$0x6]  }
0x15a: {  	[hbm4b:s11+s7] =	stream.linear.scatter [tilespmem:s2], [sflag:$0x1], $0x1000, $0x38;
	[tilespmem:$0x2C00] =	vst v63  }
0x15b: {  	s12 =	rddreg [dreg:$0x7];
	s9 =	simm.s32 $0x80;
	s8 =	simm.s32 $0xFFFFFFFE  }
0x15c: {  	[hbm4b:s12+s7] =	stream.linear.scatter [tilespmem:s2], [sflag:$0x1], $0x1000, $0x38;
	[tilespmem:$0x2C00] =	vst v63  }
.LBB2_4:
0x15d: {  	s11 =	sadd.s32 s8, s3  }
0x15e: {  	s10 =	sadd.s32 $0x12, s11  }
0x15f: {  	v0 =	vmov s10  }
0x160: {  	v0 =	vand.u32 $0xFFFFFFFE, v0  }
0x161: {  	v0 =	vbroadcast v0, $0x0;
	_ =	sdelay $0x5  }
0x162: {  	v1 =	vld.idx.msk [tilespmem:v0+s23+$0x0], $0xffff  }
0x163: {  	v2 =	vld.idx.msk [tilespmem:v0+s0+$0x0], $0xffff  }
0x164: {  	v0 =	vld.idx.msk [tilespmem:v0+s24+$0x0], $0xffff;
	_ =	sdelay $0x3  }
0x165: {  	v3 =	vmul.f32 v1, v8  }
0x166: {  	v4 =	vmul.f32 v1, v9;
	v5 =	vmul.f32 v2, v12;
	v6 =	vsub.f32 v0, v15  }
0x167: {  	v7 =	vmul.f32 v2, v16;
	v61 =	vsub.f32 v0, v17;
	v52 =	vmul.f32 v2, v21  }
0x168: {  	v51 =	vsub.f32 v0, v20;
	v63 =	vmul.f32 v1, v14;
	v56 =	vmul.f32 v1, v19  }
0x169: {  	v57 =	vmul.f32 v2, v25;
	v53 =	vsub.f32 v0, v27;
	v3 =	vadd.f32 v3, v13  }
0x16a: {  	v54 =	vmul.f32 v2, v29;
	v58 =	vsub.f32 v0, v30;
	v4 =	vadd.f32 v4, v13  }
0x16b: {  	v59 =	vmul.f32 v1, v22;
	v60 =	vmul.f32 v1, v24;
	v3 =	vadd.f32 v3, v5  }
0x16c: {  	v6 =	vand.u32 $0x7FFFFFFF, v6;
	v4 =	vadd.f32 v4, v7;
	v7 =	vmul.f32 v1, v10  }
0x16d: {  	v55 =	vsub.f32 v0, v35;
	v3 =	vsub.f32 v3, v6;
	v6 =	vmul.f32 v1, v11  }
0x16e: {  	v5 =	vand.u32 $0x7FFFFFFF, v61;
	v62 =	vadd.f32 v7, v13;
	v7 =	vmul.f32 v2, v18  }
0x16f: {  	v51 =	vand.u32 $0x7FFFFFFF, v51;
	v4 =	vsub.f32 v4, v5;
	v6 =	vadd.f32 v6, v13  }
0x170: {  	v53 =	vand.u32 $0x7FFFFFFF, v53;
	v5 =	vadd.f32 v62, v7;
	v7 =	vsub.f32 v0, v23  }
0x171: {  	v55 =	vand.u32 $0x7FFFFFFF, v55;
	v61 =	vadd.f32 v59, v13;
	v6 =	vadd.f32 v6, v52  }
0x172: {  	v5 =	vsub.f32 v5, v51;
	v7 =	vand.u32 $0x7FFFFFFF, v7;
	v51 =	vadd.f32 v56, v13  }
0x173: {  	v62 =	vmul.f32 v2, v31;
	v6 =	vsub.f32 v6, v7;
	v7 =	vadd.f32 v63, v13  }
0x174: {  	v52 =	vand.u32 $0x7FFFFFFF, v58;
	v51 =	vadd.f32 v51, v54;
	v63 =	vsub.f32 v0, v40  }
0x175: {  	v56 =	vmul.f32 v2, v33;
	v58 =	vmul.f32 v2, v38;
	v7 =	vadd.f32 v7, v57  }
0x176: {  	v51 =	vsub.f32 v51, v52;
	v52 =	vadd.f32 v61, v62;
	v54 =	vand.u32 $0x7FFFFFFF, v63  }
0x177: {  	v61 =	vmul.f32 v1, v28;
	v7 =	vsub.f32 v7, v53;
	v53 =	vadd.f32 v60, v13  }
0x178: {  	v57 =	vsub.f32 v0, v43;
	v60 =	vmul.f32 v1, v26;
	v52 =	vsub.f32 v52, v55  }
0x179: {  	v63 =	vmul.f32 v2, v36;
	v55 =	vadd.f32 v61, v13;
	v53 =	vadd.f32 v53, v56  }
0x17a: {  	s12 =	sadd.s32 $0xFFFFFF80, s9;
	s10 =	sand.u32 $0x800, s7;
	v57 =	vand.u32 $0x7FFFFFFF, v57;
	v62 =	vadd.f32 v60, v13;
	v60 =	vsub.f32 v0, v44  }
0x17b: {  	s12 =	sand.u32 $0x300, s12;
	s10 =	sadd.s32 $0x1C00, s10;
	v61 =	vmul.f32 v1, v32;
	v55 =	vadd.f32 v55, v58;
	v53 =	vsub.f32 v53, v54  }
0x17c: {  	s12 =	sor.u32 s12, s10;
	v54 =	vadd.f32 v62, v63;
	v62 =	vand.u32 $0x7FFFFFFF, v60;
	v63 =	vmul.f32 v1, v34  }
0x17d: {  	[tilespmem:s12+$0x10] =	vst v4;
	v60 =	vadd.f32 v61, v13;
	v61 =	vmul.f32 v2, v41;
	v4 =	vsub.f32 v55, v62  }
0x17e: {  	[tilespmem:s12+$0x0] =	vst v3;
	v62 =	vsub.f32 v0, v45;
	v3 =	vsub.f32 v54, v57  }
0x17f: {  	[tilespmem:s12+$0x30] =	vst v6;
	v56 =	vadd.f32 v63, v13;
	v63 =	vmul.f32 v2, v42;
	v6 =	vadd.f32 v60, v61  }
0x180: {  	[tilespmem:s12+$0x20] =	vst v5;
	v60 =	vsub.f32 v0, v47;
	v61 =	vmul.f32 v1, v37;
	v1 =	vmul.f32 v1, v39  }
0x181: {  	[tilespmem:s12+$0x40] =	vst v7;
	v5 =	vand.u32 $0x7FFFFFFF, v62;
	v62 =	vmul.f32 v2, v46;
	v7 =	vadd.f32 v56, v63  }
0x182: {  	[tilespmem:s12+$0x50] =	vst v51;
	v2 =	vmul.f32 v2, v48;
	v5 =	vsub.f32 v6, v5;
	v63 =	vsub.f32 v0, v49  }
0x183: {  	[tilespmem:s12+$0x60] =	vst v52;
	v6 =	vand.u32 $0x7FFFFFFF, v60;
	v1 =	vadd.f32 v1, v13;
	v0 =	vsub.f32 v0, v50  }
0x184: {  	[tilespmem:s12+$0x70] =	vst v53;
	v6 =	vsub.f32 v7, v6;
	v7 =	vadd.f32 v61, v13  }
0x185: {  	s11 =	sadd.s32 $0x13, s11;
	[tilespmem:s12+$0x410] =	vst v4;
	v1 =	vadd.f32 v1, v2  }
0x186: {  	v57 =	vmov s11;
	[tilespmem:s12+$0x400] =	vst v3;
	v0 =	vand.u32 $0x7FFFFFFF, v0;
	v55 =	vadd.f32 v7, v62  }
0x187: {  	v56 =	vand.u32 $0x7FFFFFFF, v63;
	[tilespmem:s12+$0x420] =	vst v5;
	v0 =	vsub.f32 v1, v0  }
0x188: {  	[tilespmem:s12+$0x430] =	vst v6;
	v3 =	vsub.f32 v55, v56  }
0x189: {  	[tilespmem:s12+$0x450] =	vst v0  }
0x18a: {  	[tilespmem:s12+$0x440] =	vst v3  }
0x18b: {  	v0 =	vld.idx.msk [tilespmem:v57+s23+$0x0], $0xffff  }
0x18c: {  	v1 =	vld.idx.msk [tilespmem:v57+s0+$0x0], $0xffff  }
0x18d: {  	v2 =	vld.idx.msk [tilespmem:v57+s24+$0x0], $0xffff;
	_ =	sdelay $0x3  }
0x18e: {  	v58 =	vmul.f32 v0, v8;
	v59 =	vmul.f32 v1, v12  }
0x18f: {  	v60 =	vsub.f32 v2, v15;
	v61 =	vmul.f32 v0, v9;
	v6 =	vmul.f32 v0, v10  }
0x190: {  	v62 =	vmul.f32 v1, v16;
	v7 =	vsub.f32 v2, v17;
	v63 =	vmul.f32 v1, v18  }
0x191: {  	v54 =	vsub.f32 v2, v20;
	v55 =	vmul.f32 v0, v11;
	v56 =	vmul.f32 v1, v21  }
0x192: {  	v57 =	vsub.f32 v2, v23;
	v3 =	vadd.f32 v58, v13;
	v5 =	vand.u32 $0x7FFFFFFF, v60  }
0x193: {  	v4 =	vadd.f32 v61, v13;
	v6 =	vadd.f32 v6, v13;
	v7 =	vand.u32 $0x7FFFFFFF, v7  }
0x194: {  	v52 =	vand.u32 $0x7FFFFFFF, v57;
	v57 =	vsub.f32 v2, v30;
	v3 =	vadd.f32 v3, v59  }
0x195: {  	v58 =	vmul.f32 v1, v25;
	v4 =	vadd.f32 v4, v62;
	v6 =	vadd.f32 v6, v63  }
0x196: {  	v60 =	vmul.f32 v0, v19;
	v59 =	vsub.f32 v2, v27;
	v3 =	vsub.f32 v3, v5  }
0x197: {  	v4 =	vsub.f32 v4, v7;
	v5 =	vand.u32 $0x7FFFFFFF, v54;
	v7 =	vmul.f32 v0, v14  }
0x198: {  	v61 =	vmul.f32 v0, v22;
	v5 =	vsub.f32 v6, v5;
	v6 =	vadd.f32 v55, v13  }
0x199: {  	v62 =	vadd.f32 v60, v13;
	v63 =	vmul.f32 v1, v29;
	v7 =	vadd.f32 v7, v13  }
0x19a: {  	v60 =	vmul.f32 v0, v24;
	v51 =	vand.u32 $0x7FFFFFFF, v59;
	v6 =	vadd.f32 v6, v56  }
0x19b: {  	v59 =	vsub.f32 v2, v35;
	v54 =	vand.u32 $0x7FFFFFFF, v57;
	v7 =	vadd.f32 v7, v58  }
0x19c: {  	v58 =	vmul.f32 v1, v31;
	v6 =	vsub.f32 v6, v52;
	v52 =	vadd.f32 v61, v13  }
0x19d: {  	v61 =	vmul.f32 v0, v26;
	v7 =	vsub.f32 v7, v51;
	v51 =	vadd.f32 v62, v63  }
0x19e: {  	v57 =	vmul.f32 v1, v42;
	v53 =	vand.u32 $0x7FFFFFFF, v59;
	v52 =	vadd.f32 v52, v58  }
0x19f: {  	s12 =	sand.u32 $0x380, s9;
	v62 =	vmul.f32 v1, v33;
	v51 =	vsub.f32 v51, v54;
	v54 =	vadd.f32 v61, v13  }
0x1a0: {  	s10 =	sor.u32 s12, s10;
	v63 =	vmul.f32 v1, v36;
	v61 =	vsub.f32 v2, v43;
	v52 =	vsub.f32 v52, v53  }
0x1a1: {  	[tilespmem:s10+$0x40] =	vst v7;
	v7 =	vmul.f32 v0, v37;
	v53 =	vadd.f32 v60, v13;
	v60 =	vsub.f32 v2, v40  }
0x1a2: {  	v54 =	vadd.f32 v54, v63;
	v63 =	vand.u32 $0x7FFFFFFF, v61;
	v61 =	vmul.f32 v0, v32  }
0x1a3: {  	v7 =	vadd.f32 v7, v13;
	v53 =	vadd.f32 v53, v62;
	v62 =	vand.u32 $0x7FFFFFFF, v60  }
0x1a4: {  	v60 =	vmul.f32 v0, v28;
	v54 =	vsub.f32 v54, v63;
	v63 =	vsub.f32 v2, v44  }
0x1a5: {  	[tilespmem:s10+$0x10] =	vst v4;
	v4 =	vadd.f32 v61, v13;
	v61 =	vmul.f32 v0, v34;
	v0 =	vmul.f32 v0, v39  }
0x1a6: {  	[tilespmem:s10+$0x0] =	vst v3;
	v53 =	vsub.f32 v53, v62;
	v3 =	vadd.f32 v60, v13;
	v62 =	vmul.f32 v1, v38  }
0x1a7: {  	[tilespmem:s10+$0x30] =	vst v6;
	v60 =	vmul.f32 v1, v41;
	v6 =	vadd.f32 v61, v13;
	v61 =	vsub.f32 v2, v49  }
0x1a8: {  	[tilespmem:s10+$0x20] =	vst v5;
	v0 =	vadd.f32 v0, v13;
	v3 =	vadd.f32 v3, v62;
	v62 =	vand.u32 $0x7FFFFFFF, v63  }
0x1a9: {  	[tilespmem:s10+$0x50] =	vst v51;
	v63 =	vsub.f32 v2, v45;
	v4 =	vadd.f32 v4, v60;
	v60 =	vmul.f32 v1, v46  }
0x1aa: {  	[tilespmem:s10+$0x60] =	vst v52;
	v1 =	vmul.f32 v1, v48;
	v59 =	vadd.f32 v6, v57;
	v6 =	vsub.f32 v2, v47  }
0x1ab: {  	s8 =	sadd.s32 $0x2, s8;
	[tilespmem:s10+$0x400] =	vst v54;
	v2 =	vsub.f32 v2, v50;
	v3 =	vsub.f32 v3, v62;
	v58 =	vand.u32 $0x7FFFFFFF, v63  }
0x1ac: {  	p0 =	slt.u32 s8, $0xE;
	[tilespmem:s10+$0x70] =	vst v53;
	v7 =	vadd.f32 v7, v60;
	v4 =	vsub.f32 v4, v58;
	v6 =	vand.u32 $0x7FFFFFFF, v6  }
.Ltmp1:
0x1ad: {  	v0 =	vadd.f32 v0, v1;
	v63 =	vand.u32 $0x7FFFFFFF, v61;
	[tilespmem:s10+$0x410] =	vst v3;
	v62 =	vsub.f32 v59, v6;
	(pc) =	sbr.rel @p0 .LBB2_4-.Ltmp1, $4  }
0x1ae: {  	v2 =	vand.u32 $0x7FFFFFFF, v2;
	v1 =	vsub.f32 v7, v63;
	[tilespmem:s10+$0x420] =	vst v4  }
0x1af: {  	v0 =	vsub.f32 v0, v2;
	[tilespmem:s10+$0x430] =	vst v62  }
0x1b0: {  	[tilespmem:s10+$0x440] =	vst v1  }
0x1b1: {  	s7 =	sadd.s32 $0x200, s7;
	s9 =	sadd.s32 $0x100, s9;
	[tilespmem:s10+$0x450] =	vst v0  }
0x1b2: {  	s7 =	simm.s32 $0x0;
	s8 =	rddreg [dreg:$0x8]  }
0x1b3: {  	[hbm4b:s8+s7] =	stream.linear.scatter [tilespmem:s4], [sflag:$0x2], $0x1000, $0x38;
	[tilespmem:$0x2C00] =	vst v63  }
0x1b4: {  	s11 =	rddreg [dreg:$0x9]  }
0x1b5: {  	[hbm4b:s11+s7] =	stream.linear.scatter [tilespmem:s4], [sflag:$0x2], $0x1000, $0x38;
	[tilespmem:$0x2C00] =	vst v63  }
0x1b6: {  	s12 =	rddreg [dreg:$0xa]  }
0x1b7: {  	[hbm4b:s12+s7] =	stream.linear.scatter [tilespmem:s4], [sflag:$0x2], $0x1000, $0x38;
	[tilespmem:$0x2C00] =	vst v63  }
0x1b8: {  	_ =	swait.ge [sflag:s29], $0x1000  }
0x1b9: {  	[sflag:s29] =	ssyncset.done $0x0  }
0x1ba: {  	[sflag:s29] =	ssyncadd.s32 $0xFFFFF000  }
0x1bb: {  	_ =	swait.ge [sflag:s29], $0x1000  }
0x1bc: {  	[sflag:s29] =	ssyncset.done $0x0  }
0x1bd: {  	[sflag:s29] =	ssyncadd.s32 $0xFFFFF000  }
0x1be: {  	_ =	swait.ge [sflag:s29], $0x1000  }
0x1bf: {  	[sflag:s29] =	ssyncset.done $0x0  }
0x1c0: {  	s9 =	simm.s32 $0x80;
	s8 =	simm.s32 $0xFFFFFFFE;
	[sflag:s29] =	ssyncadd.s32 $0xFFFFF000  }
.LBB2_6:
0x1c1: {  	s11 =	sadd.s32 s8, s3  }
0x1c2: {  	s10 =	sadd.s32 $0x22, s11  }
0x1c3: {  	v0 =	vmov s10  }
0x1c4: {  	v0 =	vand.u32 $0xFFFFFFFE, v0  }
0x1c5: {  	v0 =	vbroadcast v0, $0x0;
	_ =	sdelay $0x5  }
0x1c6: {  	v1 =	vld.idx.msk [tilespmem:v0+s23+$0x0], $0xffff  }
0x1c7: {  	v2 =	vld.idx.msk [tilespmem:v0+s0+$0x0], $0xffff  }
0x1c8: {  	v0 =	vld.idx.msk [tilespmem:v0+s24+$0x0], $0xffff;
	_ =	sdelay $0x3  }
0x1c9: {  	v3 =	vmul.f32 v1, v8  }
0x1ca: {  	v4 =	vmul.f32 v1, v9;
	v5 =	vmul.f32 v2, v12;
	v6 =	vsub.f32 v0, v15  }
0x1cb: {  	v7 =	vmul.f32 v2, v16;
	v61 =	vsub.f32 v0, v17;
	v52 =	vmul.f32 v2, v21  }
0x1cc: {  	v51 =	vsub.f32 v0, v20;
	v63 =	vmul.f32 v1, v14;
	v56 =	vmul.f32 v1, v19  }
0x1cd: {  	v57 =	vmul.f32 v2, v25;
	v53 =	vsub.f32 v0, v27;
	v3 =	vadd.f32 v3, v13  }
0x1ce: {  	v54 =	vmul.f32 v2, v29;
	v58 =	vsub.f32 v0, v30;
	v4 =	vadd.f32 v4, v13  }
0x1cf: {  	v59 =	vmul.f32 v1, v22;
	v60 =	vmul.f32 v1, v24;
	v3 =	vadd.f32 v3, v5  }
0x1d0: {  	v6 =	vand.u32 $0x7FFFFFFF, v6;
	v4 =	vadd.f32 v4, v7;
	v7 =	vmul.f32 v1, v10  }
0x1d1: {  	v55 =	vsub.f32 v0, v35;
	v3 =	vsub.f32 v3, v6;
	v6 =	vmul.f32 v1, v11  }
0x1d2: {  	v5 =	vand.u32 $0x7FFFFFFF, v61;
	v62 =	vadd.f32 v7, v13;
	v7 =	vmul.f32 v2, v18  }
0x1d3: {  	v51 =	vand.u32 $0x7FFFFFFF, v51;
	v4 =	vsub.f32 v4, v5;
	v6 =	vadd.f32 v6, v13  }
0x1d4: {  	v53 =	vand.u32 $0x7FFFFFFF, v53;
	v5 =	vadd.f32 v62, v7;
	v7 =	vsub.f32 v0, v23  }
0x1d5: {  	v55 =	vand.u32 $0x7FFFFFFF, v55;
	v61 =	vadd.f32 v59, v13;
	v6 =	vadd.f32 v6, v52  }
0x1d6: {  	v5 =	vsub.f32 v5, v51;
	v7 =	vand.u32 $0x7FFFFFFF, v7;
	v51 =	vadd.f32 v56, v13  }
0x1d7: {  	v62 =	vmul.f32 v2, v31;
	v6 =	vsub.f32 v6, v7;
	v7 =	vadd.f32 v63, v13  }
0x1d8: {  	v52 =	vand.u32 $0x7FFFFFFF, v58;
	v51 =	vadd.f32 v51, v54;
	v63 =	vsub.f32 v0, v40  }
0x1d9: {  	v56 =	vmul.f32 v2, v33;
	v58 =	vmul.f32 v2, v38;
	v7 =	vadd.f32 v7, v57  }
0x1da: {  	v51 =	vsub.f32 v51, v52;
	v52 =	vadd.f32 v61, v62;
	v54 =	vand.u32 $0x7FFFFFFF, v63  }
0x1db: {  	v61 =	vmul.f32 v1, v28;
	v7 =	vsub.f32 v7, v53;
	v53 =	vadd.f32 v60, v13  }
0x1dc: {  	v57 =	vsub.f32 v0, v43;
	v60 =	vmul.f32 v1, v26;
	v52 =	vsub.f32 v52, v55  }
0x1dd: {  	v63 =	vmul.f32 v2, v36;
	v55 =	vadd.f32 v61, v13;
	v53 =	vadd.f32 v53, v56  }
0x1de: {  	s12 =	sadd.s32 $0xFFFFFF80, s9;
	s10 =	sand.u32 $0x800, s7;
	v57 =	vand.u32 $0x7FFFFFFF, v57;
	v62 =	vadd.f32 v60, v13;
	v60 =	vsub.f32 v0, v44  }
0x1df: {  	s12 =	sand.u32 $0x300, s12;
	s10 =	sadd.s32 $0xC00, s10;
	v61 =	vmul.f32 v1, v32;
	v55 =	vadd.f32 v55, v58;
	v53 =	vsub.f32 v53, v54  }
0x1e0: {  	s12 =	sor.u32 s12, s10;
	v54 =	vadd.f32 v62, v63;
	v62 =	vand.u32 $0x7FFFFFFF, v60;
	v63 =	vmul.f32 v1, v34  }
0x1e1: {  	[tilespmem:s12+$0x10] =	vst v4;
	v60 =	vadd.f32 v61, v13;
	v61 =	vmul.f32 v2, v41;
	v4 =	vsub.f32 v55, v62  }
0x1e2: {  	[tilespmem:s12+$0x0] =	vst v3;
	v62 =	vsub.f32 v0, v45;
	v3 =	vsub.f32 v54, v57  }
0x1e3: {  	[tilespmem:s12+$0x30] =	vst v6;
	v56 =	vadd.f32 v63, v13;
	v63 =	vmul.f32 v2, v42;
	v6 =	vadd.f32 v60, v61  }
0x1e4: {  	[tilespmem:s12+$0x20] =	vst v5;
	v60 =	vsub.f32 v0, v47;
	v61 =	vmul.f32 v1, v37;
	v1 =	vmul.f32 v1, v39  }
0x1e5: {  	[tilespmem:s12+$0x40] =	vst v7;
	v5 =	vand.u32 $0x7FFFFFFF, v62;
	v62 =	vmul.f32 v2, v46;
	v7 =	vadd.f32 v56, v63  }
0x1e6: {  	[tilespmem:s12+$0x50] =	vst v51;
	v2 =	vmul.f32 v2, v48;
	v5 =	vsub.f32 v6, v5;
	v63 =	vsub.f32 v0, v49  }
0x1e7: {  	[tilespmem:s12+$0x60] =	vst v52;
	v6 =	vand.u32 $0x7FFFFFFF, v60;
	v1 =	vadd.f32 v1, v13;
	v0 =	vsub.f32 v0, v50  }
0x1e8: {  	[tilespmem:s12+$0x70] =	vst v53;
	v6 =	vsub.f32 v7, v6;
	v7 =	vadd.f32 v61, v13  }
0x1e9: {  	s11 =	sadd.s32 $0x23, s11;
	[tilespmem:s12+$0x410] =	vst v4;
	v1 =	vadd.f32 v1, v2  }
0x1ea: {  	v57 =	vmov s11;
	[tilespmem:s12+$0x400] =	vst v3;
	v0 =	vand.u32 $0x7FFFFFFF, v0;
	v55 =	vadd.f32 v7, v62  }
0x1eb: {  	v56 =	vand.u32 $0x7FFFFFFF, v63;
	[tilespmem:s12+$0x420] =	vst v5;
	v0 =	vsub.f32 v1, v0  }
0x1ec: {  	[tilespmem:s12+$0x430] =	vst v6;
	v3 =	vsub.f32 v55, v56  }
0x1ed: {  	[tilespmem:s12+$0x450] =	vst v0  }
0x1ee: {  	[tilespmem:s12+$0x440] =	vst v3  }
0x1ef: {  	v0 =	vld.idx.msk [tilespmem:v57+s23+$0x0], $0xffff  }
0x1f0: {  	v1 =	vld.idx.msk [tilespmem:v57+s0+$0x0], $0xffff  }
0x1f1: {  	v2 =	vld.idx.msk [tilespmem:v57+s24+$0x0], $0xffff;
	_ =	sdelay $0x3  }
0x1f2: {  	v58 =	vmul.f32 v0, v8;
	v59 =	vmul.f32 v1, v12  }
0x1f3: {  	v60 =	vsub.f32 v2, v15;
	v61 =	vmul.f32 v0, v9;
	v6 =	vmul.f32 v0, v10  }
0x1f4: {  	v62 =	vmul.f32 v1, v16;
	v7 =	vsub.f32 v2, v17;
	v63 =	vmul.f32 v1, v18  }
0x1f5: {  	v54 =	vsub.f32 v2, v20;
	v55 =	vmul.f32 v0, v11;
	v56 =	vmul.f32 v1, v21  }
0x1f6: {  	v57 =	vsub.f32 v2, v23;
	v3 =	vadd.f32 v58, v13;
	v5 =	vand.u32 $0x7FFFFFFF, v60  }
0x1f7: {  	v4 =	vadd.f32 v61, v13;
	v6 =	vadd.f32 v6, v13;
	v7 =	vand.u32 $0x7FFFFFFF, v7  }
0x1f8: {  	v52 =	vand.u32 $0x7FFFFFFF, v57;
	v57 =	vsub.f32 v2, v30;
	v3 =	vadd.f32 v3, v59  }
0x1f9: {  	v58 =	vmul.f32 v1, v25;
	v4 =	vadd.f32 v4, v62;
	v6 =	vadd.f32 v6, v63  }
0x1fa: {  	v60 =	vmul.f32 v0, v19;
	v59 =	vsub.f32 v2, v27;
	v3 =	vsub.f32 v3, v5  }
0x1fb: {  	v4 =	vsub.f32 v4, v7;
	v5 =	vand.u32 $0x7FFFFFFF, v54;
	v7 =	vmul.f32 v0, v14  }
0x1fc: {  	v61 =	vmul.f32 v0, v22;
	v5 =	vsub.f32 v6, v5;
	v6 =	vadd.f32 v55, v13  }
0x1fd: {  	v62 =	vadd.f32 v60, v13;
	v63 =	vmul.f32 v1, v29;
	v7 =	vadd.f32 v7, v13  }
0x1fe: {  	v60 =	vmul.f32 v0, v24;
	v51 =	vand.u32 $0x7FFFFFFF, v59;
	v6 =	vadd.f32 v6, v56  }
0x1ff: {  	v59 =	vsub.f32 v2, v35;
	v54 =	vand.u32 $0x7FFFFFFF, v57;
	v7 =	vadd.f32 v7, v58  }
0x200: {  	v58 =	vmul.f32 v1, v31;
	v6 =	vsub.f32 v6, v52;
	v52 =	vadd.f32 v61, v13  }
0x201: {  	v61 =	vmul.f32 v0, v26;
	v7 =	vsub.f32 v7, v51;
	v51 =	vadd.f32 v62, v63  }
0x202: {  	v57 =	vmul.f32 v1, v42;
	v53 =	vand.u32 $0x7FFFFFFF, v59;
	v52 =	vadd.f32 v52, v58  }
0x203: {  	s12 =	sand.u32 $0x380, s9;
	v62 =	vmul.f32 v1, v33;
	v51 =	vsub.f32 v51, v54;
	v54 =	vadd.f32 v61, v13  }
0x204: {  	s10 =	sor.u32 s12, s10;
	v63 =	vmul.f32 v1, v36;
	v61 =	vsub.f32 v2, v43;
	v52 =	vsub.f32 v52, v53  }
0x205: {  	[tilespmem:s10+$0x40] =	vst v7;
	v7 =	vmul.f32 v0, v37;
	v53 =	vadd.f32 v60, v13;
	v60 =	vsub.f32 v2, v40  }
0x206: {  	v54 =	vadd.f32 v54, v63;
	v63 =	vand.u32 $0x7FFFFFFF, v61;
	v61 =	vmul.f32 v0, v32  }
0x207: {  	v7 =	vadd.f32 v7, v13;
	v53 =	vadd.f32 v53, v62;
	v62 =	vand.u32 $0x7FFFFFFF, v60  }
0x208: {  	v60 =	vmul.f32 v0, v28;
	v54 =	vsub.f32 v54, v63;
	v63 =	vsub.f32 v2, v44  }
0x209: {  	[tilespmem:s10+$0x10] =	vst v4;
	v4 =	vadd.f32 v61, v13;
	v61 =	vmul.f32 v0, v34;
	v0 =	vmul.f32 v0, v39  }
0x20a: {  	[tilespmem:s10+$0x0] =	vst v3;
	v53 =	vsub.f32 v53, v62;
	v3 =	vadd.f32 v60, v13;
	v62 =	vmul.f32 v1, v38  }
0x20b: {  	[tilespmem:s10+$0x30] =	vst v6;
	v60 =	vmul.f32 v1, v41;
	v6 =	vadd.f32 v61, v13;
	v61 =	vsub.f32 v2, v49  }
0x20c: {  	[tilespmem:s10+$0x20] =	vst v5;
	v0 =	vadd.f32 v0, v13;
	v3 =	vadd.f32 v3, v62;
	v62 =	vand.u32 $0x7FFFFFFF, v63  }
0x20d: {  	[tilespmem:s10+$0x50] =	vst v51;
	v63 =	vsub.f32 v2, v45;
	v4 =	vadd.f32 v4, v60;
	v60 =	vmul.f32 v1, v46  }
0x20e: {  	[tilespmem:s10+$0x60] =	vst v52;
	v1 =	vmul.f32 v1, v48;
	v59 =	vadd.f32 v6, v57;
	v6 =	vsub.f32 v2, v47  }
0x20f: {  	s8 =	sadd.s32 $0x2, s8;
	[tilespmem:s10+$0x400] =	vst v54;
	v2 =	vsub.f32 v2, v50;
	v3 =	vsub.f32 v3, v62;
	v58 =	vand.u32 $0x7FFFFFFF, v63  }
0x210: {  	p0 =	slt.u32 s8, $0xE;
	[tilespmem:s10+$0x70] =	vst v53;
	v7 =	vadd.f32 v7, v60;
	v4 =	vsub.f32 v4, v58;
	v6 =	vand.u32 $0x7FFFFFFF, v6  }
.Ltmp2:
0x211: {  	v0 =	vadd.f32 v0, v1;
	v63 =	vand.u32 $0x7FFFFFFF, v61;
	[tilespmem:s10+$0x410] =	vst v3;
	v62 =	vsub.f32 v59, v6;
	(pc) =	sbr.rel @p0 .LBB2_6-.Ltmp2, $4  }
0x212: {  	v2 =	vand.u32 $0x7FFFFFFF, v2;
	v1 =	vsub.f32 v7, v63;
	[tilespmem:s10+$0x420] =	vst v4  }
0x213: {  	v0 =	vsub.f32 v0, v2;
	[tilespmem:s10+$0x430] =	vst v62  }
0x214: {  	[tilespmem:s10+$0x440] =	vst v1  }
0x215: {  	s7 =	sadd.s32 $0x200, s7;
	s9 =	sadd.s32 $0x100, s9;
	[tilespmem:s10+$0x450] =	vst v0  }
0x216: {  	s7 =	simm.s32 $0x0;
	s8 =	rddreg [dreg:$0xb]  }
0x217: {  	[hbm4b:s8+s7] =	stream.linear.scatter [tilespmem:s2], [sflag:$0x1], $0x1000, $0x38;
	[tilespmem:$0x2C00] =	vst v63  }
0x218: {  	s11 =	rddreg [dreg:$0xc]  }
0x219: {  	[hbm4b:s11+s7] =	stream.linear.scatter [tilespmem:s2], [sflag:$0x1], $0x1000, $0x38;
	[tilespmem:$0x2C00] =	vst v63  }
0x21a: {  	s12 =	rddreg [dreg:$0xd]  }
0x21b: {  	[hbm4b:s12+s7] =	stream.linear.scatter [tilespmem:s2], [sflag:$0x1], $0x1000, $0x38;
	[tilespmem:$0x2C00] =	vst v63  }
0x21c: {  	_ =	swait.ge [sflag:s5], $0x1000  }
0x21d: {  	[sflag:s5] =	ssyncset.done $0x0  }
0x21e: {  	[sflag:s5] =	ssyncadd.s32 $0xFFFFF000  }
0x21f: {  	_ =	swait.ge [sflag:s5], $0x1000  }
0x220: {  	[sflag:s5] =	ssyncset.done $0x0  }
0x221: {  	[sflag:s5] =	ssyncadd.s32 $0xFFFFF000  }
0x222: {  	_ =	swait.ge [sflag:s5], $0x1000  }
0x223: {  	[sflag:s5] =	ssyncset.done $0x0  }
0x224: {  	s9 =	simm.s32 $0x80;
	s8 =	simm.s32 $0xFFFFFFFE;
	[sflag:s5] =	ssyncadd.s32 $0xFFFFF000  }
.LBB2_8:
0x225: {  	s11 =	sadd.s32 s8, s3  }
0x226: {  	s10 =	sadd.s32 $0x32, s11  }
0x227: {  	v0 =	vmov s10  }
0x228: {  	v0 =	vand.u32 $0xFFFFFFFE, v0  }
0x229: {  	v0 =	vbroadcast v0, $0x0;
	_ =	sdelay $0x5  }
0x22a: {  	v1 =	vld.idx.msk [tilespmem:v0+s23+$0x0], $0xffff  }
0x22b: {  	v2 =	vld.idx.msk [tilespmem:v0+s0+$0x0], $0xffff  }
0x22c: {  	v0 =	vld.idx.msk [tilespmem:v0+s24+$0x0], $0xffff;
	_ =	sdelay $0x3  }
0x22d: {  	v3 =	vmul.f32 v1, v8  }
0x22e: {  	v4 =	vmul.f32 v1, v9;
	v5 =	vmul.f32 v2, v12;
	v6 =	vsub.f32 v0, v15  }
0x22f: {  	v7 =	vmul.f32 v2, v16;
	v61 =	vsub.f32 v0, v17;
	v52 =	vmul.f32 v2, v21  }
0x230: {  	v51 =	vsub.f32 v0, v20;
	v63 =	vmul.f32 v1, v14;
	v56 =	vmul.f32 v1, v19  }
0x231: {  	v57 =	vmul.f32 v2, v25;
	v53 =	vsub.f32 v0, v27;
	v3 =	vadd.f32 v3, v13  }
0x232: {  	v54 =	vmul.f32 v2, v29;
	v58 =	vsub.f32 v0, v30;
	v4 =	vadd.f32 v4, v13  }
0x233: {  	v59 =	vmul.f32 v1, v22;
	v60 =	vmul.f32 v1, v24;
	v3 =	vadd.f32 v3, v5  }
0x234: {  	v6 =	vand.u32 $0x7FFFFFFF, v6;
	v4 =	vadd.f32 v4, v7;
	v7 =	vmul.f32 v1, v10  }
0x235: {  	v55 =	vsub.f32 v0, v35;
	v3 =	vsub.f32 v3, v6;
	v6 =	vmul.f32 v1, v11  }
0x236: {  	v5 =	vand.u32 $0x7FFFFFFF, v61;
	v62 =	vadd.f32 v7, v13;
	v7 =	vmul.f32 v2, v18  }
0x237: {  	v51 =	vand.u32 $0x7FFFFFFF, v51;
	v4 =	vsub.f32 v4, v5;
	v6 =	vadd.f32 v6, v13  }
0x238: {  	v53 =	vand.u32 $0x7FFFFFFF, v53;
	v5 =	vadd.f32 v62, v7;
	v7 =	vsub.f32 v0, v23  }
0x239: {  	v55 =	vand.u32 $0x7FFFFFFF, v55;
	v61 =	vadd.f32 v59, v13;
	v6 =	vadd.f32 v6, v52  }
0x23a: {  	v5 =	vsub.f32 v5, v51;
	v7 =	vand.u32 $0x7FFFFFFF, v7;
	v51 =	vadd.f32 v56, v13  }
0x23b: {  	v62 =	vmul.f32 v2, v31;
	v6 =	vsub.f32 v6, v7;
	v7 =	vadd.f32 v63, v13  }
0x23c: {  	v52 =	vand.u32 $0x7FFFFFFF, v58;
	v51 =	vadd.f32 v51, v54;
	v63 =	vsub.f32 v0, v40  }
0x23d: {  	v56 =	vmul.f32 v2, v33;
	v58 =	vmul.f32 v2, v38;
	v7 =	vadd.f32 v7, v57  }
0x23e: {  	v51 =	vsub.f32 v51, v52;
	v52 =	vadd.f32 v61, v62;
	v54 =	vand.u32 $0x7FFFFFFF, v63  }
0x23f: {  	v61 =	vmul.f32 v1, v28;
	v7 =	vsub.f32 v7, v53;
	v53 =	vadd.f32 v60, v13  }
0x240: {  	v57 =	vsub.f32 v0, v43;
	v60 =	vmul.f32 v1, v26;
	v52 =	vsub.f32 v52, v55  }
0x241: {  	v63 =	vmul.f32 v2, v36;
	v55 =	vadd.f32 v61, v13;
	v53 =	vadd.f32 v53, v56  }
0x242: {  	s12 =	sadd.s32 $0xFFFFFF80, s9;
	s10 =	sand.u32 $0x800, s7;
	v57 =	vand.u32 $0x7FFFFFFF, v57;
	v62 =	vadd.f32 v60, v13;
	v60 =	vsub.f32 v0, v44  }
0x243: {  	s12 =	sand.u32 $0x300, s12;
	s10 =	sadd.s32 $0x1C00, s10;
	v61 =	vmul.f32 v1, v32;
	v55 =	vadd.f32 v55, v58;
	v53 =	vsub.f32 v53, v54  }
0x244: {  	s12 =	sor.u32 s12, s10;
	v54 =	vadd.f32 v62, v63;
	v62 =	vand.u32 $0x7FFFFFFF, v60;
	v63 =	vmul.f32 v1, v34  }
0x245: {  	[tilespmem:s12+$0x10] =	vst v4;
	v60 =	vadd.f32 v61, v13;
	v61 =	vmul.f32 v2, v41;
	v4 =	vsub.f32 v55, v62  }
0x246: {  	[tilespmem:s12+$0x0] =	vst v3;
	v62 =	vsub.f32 v0, v45;
	v3 =	vsub.f32 v54, v57  }
0x247: {  	[tilespmem:s12+$0x30] =	vst v6;
	v56 =	vadd.f32 v63, v13;
	v63 =	vmul.f32 v2, v42;
	v6 =	vadd.f32 v60, v61  }
0x248: {  	[tilespmem:s12+$0x20] =	vst v5;
	v60 =	vsub.f32 v0, v47;
	v61 =	vmul.f32 v1, v37;
	v1 =	vmul.f32 v1, v39  }
0x249: {  	[tilespmem:s12+$0x40] =	vst v7;
	v5 =	vand.u32 $0x7FFFFFFF, v62;
	v62 =	vmul.f32 v2, v46;
	v7 =	vadd.f32 v56, v63  }
0x24a: {  	[tilespmem:s12+$0x50] =	vst v51;
	v2 =	vmul.f32 v2, v48;
	v5 =	vsub.f32 v6, v5;
	v63 =	vsub.f32 v0, v49  }
0x24b: {  	[tilespmem:s12+$0x60] =	vst v52;
	v6 =	vand.u32 $0x7FFFFFFF, v60;
	v1 =	vadd.f32 v1, v13;
	v0 =	vsub.f32 v0, v50  }
0x24c: {  	[tilespmem:s12+$0x70] =	vst v53;
	v6 =	vsub.f32 v7, v6;
	v7 =	vadd.f32 v61, v13  }
0x24d: {  	s11 =	sadd.s32 $0x33, s11;
	[tilespmem:s12+$0x410] =	vst v4;
	v1 =	vadd.f32 v1, v2  }
0x24e: {  	v57 =	vmov s11;
	[tilespmem:s12+$0x400] =	vst v3;
	v0 =	vand.u32 $0x7FFFFFFF, v0;
	v55 =	vadd.f32 v7, v62  }
0x24f: {  	v56 =	vand.u32 $0x7FFFFFFF, v63;
	[tilespmem:s12+$0x420] =	vst v5;
	v0 =	vsub.f32 v1, v0  }
0x250: {  	[tilespmem:s12+$0x430] =	vst v6;
	v3 =	vsub.f32 v55, v56  }
0x251: {  	[tilespmem:s12+$0x450] =	vst v0  }
0x252: {  	[tilespmem:s12+$0x440] =	vst v3  }
0x253: {  	v0 =	vld.idx.msk [tilespmem:v57+s23+$0x0], $0xffff  }
0x254: {  	v1 =	vld.idx.msk [tilespmem:v57+s0+$0x0], $0xffff  }
0x255: {  	v2 =	vld.idx.msk [tilespmem:v57+s24+$0x0], $0xffff;
	_ =	sdelay $0x3  }
0x256: {  	v58 =	vmul.f32 v0, v8;
	v59 =	vmul.f32 v1, v12  }
0x257: {  	v60 =	vsub.f32 v2, v15;
	v61 =	vmul.f32 v0, v9;
	v6 =	vmul.f32 v0, v10  }
0x258: {  	v62 =	vmul.f32 v1, v16;
	v7 =	vsub.f32 v2, v17;
	v63 =	vmul.f32 v1, v18  }
0x259: {  	v54 =	vsub.f32 v2, v20;
	v55 =	vmul.f32 v0, v11;
	v56 =	vmul.f32 v1, v21  }
0x25a: {  	v57 =	vsub.f32 v2, v23;
	v3 =	vadd.f32 v58, v13;
	v5 =	vand.u32 $0x7FFFFFFF, v60  }
0x25b: {  	v4 =	vadd.f32 v61, v13;
	v6 =	vadd.f32 v6, v13;
	v7 =	vand.u32 $0x7FFFFFFF, v7  }
0x25c: {  	v52 =	vand.u32 $0x7FFFFFFF, v57;
	v57 =	vsub.f32 v2, v30;
	v3 =	vadd.f32 v3, v59  }
0x25d: {  	v58 =	vmul.f32 v1, v25;
	v4 =	vadd.f32 v4, v62;
	v6 =	vadd.f32 v6, v63  }
0x25e: {  	v60 =	vmul.f32 v0, v19;
	v59 =	vsub.f32 v2, v27;
	v3 =	vsub.f32 v3, v5  }
0x25f: {  	v4 =	vsub.f32 v4, v7;
	v5 =	vand.u32 $0x7FFFFFFF, v54;
	v7 =	vmul.f32 v0, v14  }
0x260: {  	v61 =	vmul.f32 v0, v22;
	v5 =	vsub.f32 v6, v5;
	v6 =	vadd.f32 v55, v13  }
0x261: {  	v62 =	vadd.f32 v60, v13;
	v63 =	vmul.f32 v1, v29;
	v7 =	vadd.f32 v7, v13  }
0x262: {  	v60 =	vmul.f32 v0, v24;
	v51 =	vand.u32 $0x7FFFFFFF, v59;
	v6 =	vadd.f32 v6, v56  }
0x263: {  	v59 =	vsub.f32 v2, v35;
	v54 =	vand.u32 $0x7FFFFFFF, v57;
	v7 =	vadd.f32 v7, v58  }
0x264: {  	v58 =	vmul.f32 v1, v31;
	v6 =	vsub.f32 v6, v52;
	v52 =	vadd.f32 v61, v13  }
0x265: {  	v61 =	vmul.f32 v0, v26;
	v7 =	vsub.f32 v7, v51;
	v51 =	vadd.f32 v62, v63  }
0x266: {  	v57 =	vmul.f32 v1, v42;
	v53 =	vand.u32 $0x7FFFFFFF, v59;
	v52 =	vadd.f32 v52, v58  }
0x267: {  	s12 =	sand.u32 $0x380, s9;
	v62 =	vmul.f32 v1, v33;
	v51 =	vsub.f32 v51, v54;
	v54 =	vadd.f32 v61, v13  }
0x268: {  	s10 =	sor.u32 s12, s10;
	v63 =	vmul.f32 v1, v36;
	v61 =	vsub.f32 v2, v43;
	v52 =	vsub.f32 v52, v53  }
0x269: {  	[tilespmem:s10+$0x40] =	vst v7;
	v7 =	vmul.f32 v0, v37;
	v53 =	vadd.f32 v60, v13;
	v60 =	vsub.f32 v2, v40  }
0x26a: {  	v54 =	vadd.f32 v54, v63;
	v63 =	vand.u32 $0x7FFFFFFF, v61;
	v61 =	vmul.f32 v0, v32  }
0x26b: {  	v7 =	vadd.f32 v7, v13;
	v53 =	vadd.f32 v53, v62;
	v62 =	vand.u32 $0x7FFFFFFF, v60  }
0x26c: {  	v60 =	vmul.f32 v0, v28;
	v54 =	vsub.f32 v54, v63;
	v63 =	vsub.f32 v2, v44  }
0x26d: {  	[tilespmem:s10+$0x10] =	vst v4;
	v4 =	vadd.f32 v61, v13;
	v61 =	vmul.f32 v0, v34;
	v0 =	vmul.f32 v0, v39  }
0x26e: {  	[tilespmem:s10+$0x0] =	vst v3;
	v53 =	vsub.f32 v53, v62;
	v3 =	vadd.f32 v60, v13;
	v62 =	vmul.f32 v1, v38  }
0x26f: {  	[tilespmem:s10+$0x30] =	vst v6;
	v60 =	vmul.f32 v1, v41;
	v6 =	vadd.f32 v61, v13;
	v61 =	vsub.f32 v2, v49  }
0x270: {  	[tilespmem:s10+$0x20] =	vst v5;
	v0 =	vadd.f32 v0, v13;
	v3 =	vadd.f32 v3, v62;
	v62 =	vand.u32 $0x7FFFFFFF, v63  }
0x271: {  	[tilespmem:s10+$0x50] =	vst v51;
	v63 =	vsub.f32 v2, v45;
	v4 =	vadd.f32 v4, v60;
	v60 =	vmul.f32 v1, v46  }
0x272: {  	[tilespmem:s10+$0x60] =	vst v52;
	v1 =	vmul.f32 v1, v48;
	v59 =	vadd.f32 v6, v57;
	v6 =	vsub.f32 v2, v47  }
0x273: {  	s8 =	sadd.s32 $0x2, s8;
	[tilespmem:s10+$0x400] =	vst v54;
	v2 =	vsub.f32 v2, v50;
	v3 =	vsub.f32 v3, v62;
	v58 =	vand.u32 $0x7FFFFFFF, v63  }
0x274: {  	p0 =	slt.u32 s8, $0xE;
	[tilespmem:s10+$0x70] =	vst v53;
	v7 =	vadd.f32 v7, v60;
	v4 =	vsub.f32 v4, v58;
	v6 =	vand.u32 $0x7FFFFFFF, v6  }
.Ltmp3:
0x275: {  	v0 =	vadd.f32 v0, v1;
	v63 =	vand.u32 $0x7FFFFFFF, v61;
	[tilespmem:s10+$0x410] =	vst v3;
	v62 =	vsub.f32 v59, v6;
	(pc) =	sbr.rel @p0 .LBB2_8-.Ltmp3, $4  }
0x276: {  	v2 =	vand.u32 $0x7FFFFFFF, v2;
	v1 =	vsub.f32 v7, v63;
	[tilespmem:s10+$0x420] =	vst v4  }
0x277: {  	v0 =	vsub.f32 v0, v2;
	[tilespmem:s10+$0x430] =	vst v62  }
0x278: {  	[tilespmem:s10+$0x440] =	vst v1  }
0x279: {  	s7 =	sadd.s32 $0x200, s7;
	s9 =	sadd.s32 $0x100, s9;
	[tilespmem:s10+$0x450] =	vst v0  }
0x27a: {  	s7 =	simm.s32 $0x0  }
0x27b: {  	[hbm4b:s13+s7] =	stream.linear.scatter [tilespmem:s4], [sflag:$0x2], $0x1000, $0x38;
	[tilespmem:$0x2C00] =	vst v63  }
0x27c: {  	_ = 	snop  }
0x27d: {  	[hbm4b:s14+s7] =	stream.linear.scatter [tilespmem:s4], [sflag:$0x2], $0x1000, $0x38;
	[tilespmem:$0x2C00] =	vst v63  }
0x27e: {  	_ = 	snop  }
0x27f: {  	[hbm4b:s15+s7] =	stream.linear.scatter [tilespmem:s4], [sflag:$0x2], $0x1000, $0x38;
	[tilespmem:$0x2C00] =	vst v63  }
0x280: {  	_ =	swait.ge [sflag:s29], $0x1000  }
0x281: {  	[sflag:s29] =	ssyncset.done $0x0  }
0x282: {  	[sflag:s29] =	ssyncadd.s32 $0xFFFFF000  }
0x283: {  	_ =	swait.ge [sflag:s29], $0x1000  }
0x284: {  	[sflag:s29] =	ssyncset.done $0x0  }
0x285: {  	[sflag:s29] =	ssyncadd.s32 $0xFFFFF000  }
0x286: {  	_ =	swait.ge [sflag:s29], $0x1000  }
0x287: {  	[sflag:s29] =	ssyncset.done $0x0  }
0x288: {  	s8 =	simm.s32 $0xFFFFFFFE;
	s9 =	simm.s32 $0x80;
	[sflag:s29] =	ssyncadd.s32 $0xFFFFF000  }
.LBB2_10:
0x289: {  	s11 =	sadd.s32 s8, s3  }
0x28a: {  	s10 =	sadd.s32 $0x42, s11  }
0x28b: {  	v0 =	vmov s10  }
0x28c: {  	v0 =	vand.u32 $0xFFFFFFFE, v0  }
0x28d: {  	v0 =	vbroadcast v0, $0x0;
	_ =	sdelay $0x5  }
0x28e: {  	v1 =	vld.idx.msk [tilespmem:v0+s23+$0x0], $0xffff  }
0x28f: {  	v2 =	vld.idx.msk [tilespmem:v0+s0+$0x0], $0xffff  }
0x290: {  	v0 =	vld.idx.msk [tilespmem:v0+s24+$0x0], $0xffff;
	_ =	sdelay $0x3  }
0x291: {  	v3 =	vmul.f32 v1, v8  }
0x292: {  	v4 =	vmul.f32 v1, v9;
	v5 =	vmul.f32 v2, v12;
	v6 =	vsub.f32 v0, v15  }
0x293: {  	v7 =	vmul.f32 v2, v16;
	v61 =	vsub.f32 v0, v17;
	v52 =	vmul.f32 v2, v21  }
0x294: {  	v51 =	vsub.f32 v0, v20;
	v63 =	vmul.f32 v1, v14;
	v56 =	vmul.f32 v1, v19  }
0x295: {  	v57 =	vmul.f32 v2, v25;
	v53 =	vsub.f32 v0, v27;
	v3 =	vadd.f32 v3, v13  }
0x296: {  	v54 =	vmul.f32 v2, v29;
	v58 =	vsub.f32 v0, v30;
	v4 =	vadd.f32 v4, v13  }
0x297: {  	v59 =	vmul.f32 v1, v22;
	v60 =	vmul.f32 v1, v24;
	v3 =	vadd.f32 v3, v5  }
0x298: {  	v6 =	vand.u32 $0x7FFFFFFF, v6;
	v4 =	vadd.f32 v4, v7;
	v7 =	vmul.f32 v1, v10  }
0x299: {  	v55 =	vsub.f32 v0, v35;
	v3 =	vsub.f32 v3, v6;
	v6 =	vmul.f32 v1, v11  }
0x29a: {  	v5 =	vand.u32 $0x7FFFFFFF, v61;
	v62 =	vadd.f32 v7, v13;
	v7 =	vmul.f32 v2, v18  }
0x29b: {  	v51 =	vand.u32 $0x7FFFFFFF, v51;
	v4 =	vsub.f32 v4, v5;
	v6 =	vadd.f32 v6, v13  }
0x29c: {  	v53 =	vand.u32 $0x7FFFFFFF, v53;
	v5 =	vadd.f32 v62, v7;
	v7 =	vsub.f32 v0, v23  }
0x29d: {  	v55 =	vand.u32 $0x7FFFFFFF, v55;
	v61 =	vadd.f32 v59, v13;
	v6 =	vadd.f32 v6, v52  }
0x29e: {  	v5 =	vsub.f32 v5, v51;
	v7 =	vand.u32 $0x7FFFFFFF, v7;
	v51 =	vadd.f32 v56, v13  }
0x29f: {  	v62 =	vmul.f32 v2, v31;
	v6 =	vsub.f32 v6, v7;
	v7 =	vadd.f32 v63, v13  }
0x2a0: {  	v52 =	vand.u32 $0x7FFFFFFF, v58;
	v51 =	vadd.f32 v51, v54;
	v63 =	vsub.f32 v0, v40  }
0x2a1: {  	v56 =	vmul.f32 v2, v33;
	v58 =	vmul.f32 v2, v38;
	v7 =	vadd.f32 v7, v57  }
0x2a2: {  	v51 =	vsub.f32 v51, v52;
	v52 =	vadd.f32 v61, v62;
	v54 =	vand.u32 $0x7FFFFFFF, v63  }
0x2a3: {  	v61 =	vmul.f32 v1, v28;
	v7 =	vsub.f32 v7, v53;
	v53 =	vadd.f32 v60, v13  }
0x2a4: {  	v57 =	vsub.f32 v0, v43;
	v60 =	vmul.f32 v1, v26;
	v52 =	vsub.f32 v52, v55  }
0x2a5: {  	v63 =	vmul.f32 v2, v36;
	v55 =	vadd.f32 v61, v13;
	v53 =	vadd.f32 v53, v56  }
0x2a6: {  	s12 =	sadd.s32 $0xFFFFFF80, s9;
	s10 =	sand.u32 $0x800, s7;
	v57 =	vand.u32 $0x7FFFFFFF, v57;
	v62 =	vadd.f32 v60, v13;
	v60 =	vsub.f32 v0, v44  }
0x2a7: {  	s12 =	sand.u32 $0x300, s12;
	s10 =	sadd.s32 $0xC00, s10;
	v61 =	vmul.f32 v1, v32;
	v55 =	vadd.f32 v55, v58;
	v53 =	vsub.f32 v53, v54  }
0x2a8: {  	s12 =	sor.u32 s12, s10;
	v54 =	vadd.f32 v62, v63;
	v62 =	vand.u32 $0x7FFFFFFF, v60;
	v63 =	vmul.f32 v1, v34  }
0x2a9: {  	[tilespmem:s12+$0x10] =	vst v4;
	v60 =	vadd.f32 v61, v13;
	v61 =	vmul.f32 v2, v41;
	v4 =	vsub.f32 v55, v62  }
0x2aa: {  	[tilespmem:s12+$0x0] =	vst v3;
	v62 =	vsub.f32 v0, v45;
	v3 =	vsub.f32 v54, v57  }
0x2ab: {  	[tilespmem:s12+$0x30] =	vst v6;
	v56 =	vadd.f32 v63, v13;
	v63 =	vmul.f32 v2, v42;
	v6 =	vadd.f32 v60, v61  }
0x2ac: {  	[tilespmem:s12+$0x20] =	vst v5;
	v60 =	vsub.f32 v0, v47;
	v61 =	vmul.f32 v1, v37;
	v1 =	vmul.f32 v1, v39  }
0x2ad: {  	[tilespmem:s12+$0x40] =	vst v7;
	v5 =	vand.u32 $0x7FFFFFFF, v62;
	v62 =	vmul.f32 v2, v46;
	v7 =	vadd.f32 v56, v63  }
0x2ae: {  	[tilespmem:s12+$0x50] =	vst v51;
	v2 =	vmul.f32 v2, v48;
	v5 =	vsub.f32 v6, v5;
	v63 =	vsub.f32 v0, v49  }
0x2af: {  	[tilespmem:s12+$0x60] =	vst v52;
	v6 =	vand.u32 $0x7FFFFFFF, v60;
	v1 =	vadd.f32 v1, v13;
	v0 =	vsub.f32 v0, v50  }
0x2b0: {  	[tilespmem:s12+$0x70] =	vst v53;
	v6 =	vsub.f32 v7, v6;
	v7 =	vadd.f32 v61, v13  }
0x2b1: {  	s11 =	sadd.s32 $0x43, s11;
	[tilespmem:s12+$0x410] =	vst v4;
	v1 =	vadd.f32 v1, v2  }
0x2b2: {  	v57 =	vmov s11;
	[tilespmem:s12+$0x400] =	vst v3;
	v0 =	vand.u32 $0x7FFFFFFF, v0;
	v55 =	vadd.f32 v7, v62  }
0x2b3: {  	v56 =	vand.u32 $0x7FFFFFFF, v63;
	[tilespmem:s12+$0x420] =	vst v5;
	v0 =	vsub.f32 v1, v0  }
0x2b4: {  	[tilespmem:s12+$0x430] =	vst v6;
	v3 =	vsub.f32 v55, v56  }
0x2b5: {  	[tilespmem:s12+$0x450] =	vst v0  }
0x2b6: {  	[tilespmem:s12+$0x440] =	vst v3  }
0x2b7: {  	v0 =	vld.idx.msk [tilespmem:v57+s23+$0x0], $0xffff  }
0x2b8: {  	v1 =	vld.idx.msk [tilespmem:v57+s0+$0x0], $0xffff  }
0x2b9: {  	v2 =	vld.idx.msk [tilespmem:v57+s24+$0x0], $0xffff;
	_ =	sdelay $0x3  }
0x2ba: {  	v58 =	vmul.f32 v0, v8;
	v59 =	vmul.f32 v1, v12  }
0x2bb: {  	v60 =	vsub.f32 v2, v15;
	v61 =	vmul.f32 v0, v9;
	v6 =	vmul.f32 v0, v10  }
0x2bc: {  	v62 =	vmul.f32 v1, v16;
	v7 =	vsub.f32 v2, v17;
	v63 =	vmul.f32 v1, v18  }
0x2bd: {  	v54 =	vsub.f32 v2, v20;
	v55 =	vmul.f32 v0, v11;
	v56 =	vmul.f32 v1, v21  }
0x2be: {  	v57 =	vsub.f32 v2, v23;
	v3 =	vadd.f32 v58, v13;
	v5 =	vand.u32 $0x7FFFFFFF, v60  }
0x2bf: {  	v4 =	vadd.f32 v61, v13;
	v6 =	vadd.f32 v6, v13;
	v7 =	vand.u32 $0x7FFFFFFF, v7  }
0x2c0: {  	v52 =	vand.u32 $0x7FFFFFFF, v57;
	v57 =	vsub.f32 v2, v30;
	v3 =	vadd.f32 v3, v59  }
0x2c1: {  	v58 =	vmul.f32 v1, v25;
	v4 =	vadd.f32 v4, v62;
	v6 =	vadd.f32 v6, v63  }
0x2c2: {  	v60 =	vmul.f32 v0, v19;
	v59 =	vsub.f32 v2, v27;
	v3 =	vsub.f32 v3, v5  }
0x2c3: {  	v4 =	vsub.f32 v4, v7;
	v5 =	vand.u32 $0x7FFFFFFF, v54;
	v7 =	vmul.f32 v0, v14  }
0x2c4: {  	v61 =	vmul.f32 v0, v22;
	v5 =	vsub.f32 v6, v5;
	v6 =	vadd.f32 v55, v13  }
0x2c5: {  	v62 =	vadd.f32 v60, v13;
	v63 =	vmul.f32 v1, v29;
	v7 =	vadd.f32 v7, v13  }
0x2c6: {  	v60 =	vmul.f32 v0, v24;
	v51 =	vand.u32 $0x7FFFFFFF, v59;
	v6 =	vadd.f32 v6, v56  }
0x2c7: {  	v59 =	vsub.f32 v2, v35;
	v54 =	vand.u32 $0x7FFFFFFF, v57;
	v7 =	vadd.f32 v7, v58  }
0x2c8: {  	v58 =	vmul.f32 v1, v31;
	v6 =	vsub.f32 v6, v52;
	v52 =	vadd.f32 v61, v13  }
0x2c9: {  	v61 =	vmul.f32 v0, v26;
	v7 =	vsub.f32 v7, v51;
	v51 =	vadd.f32 v62, v63  }
0x2ca: {  	v57 =	vmul.f32 v1, v42;
	v53 =	vand.u32 $0x7FFFFFFF, v59;
	v52 =	vadd.f32 v52, v58  }
0x2cb: {  	s12 =	sand.u32 $0x380, s9;
	v62 =	vmul.f32 v1, v33;
	v51 =	vsub.f32 v51, v54;
	v54 =	vadd.f32 v61, v13  }
0x2cc: {  	s10 =	sor.u32 s12, s10;
	v63 =	vmul.f32 v1, v36;
	v61 =	vsub.f32 v2, v43;
	v52 =	vsub.f32 v52, v53  }
0x2cd: {  	[tilespmem:s10+$0x40] =	vst v7;
	v7 =	vmul.f32 v0, v37;
	v53 =	vadd.f32 v60, v13;
	v60 =	vsub.f32 v2, v40  }
0x2ce: {  	v54 =	vadd.f32 v54, v63;
	v63 =	vand.u32 $0x7FFFFFFF, v61;
	v61 =	vmul.f32 v0, v32  }
0x2cf: {  	v7 =	vadd.f32 v7, v13;
	v53 =	vadd.f32 v53, v62;
	v62 =	vand.u32 $0x7FFFFFFF, v60  }
0x2d0: {  	v60 =	vmul.f32 v0, v28;
	v54 =	vsub.f32 v54, v63;
	v63 =	vsub.f32 v2, v44  }
0x2d1: {  	[tilespmem:s10+$0x10] =	vst v4;
	v4 =	vadd.f32 v61, v13;
	v61 =	vmul.f32 v0, v34;
	v0 =	vmul.f32 v0, v39  }
0x2d2: {  	[tilespmem:s10+$0x0] =	vst v3;
	v53 =	vsub.f32 v53, v62;
	v3 =	vadd.f32 v60, v13;
	v62 =	vmul.f32 v1, v38  }
0x2d3: {  	[tilespmem:s10+$0x30] =	vst v6;
	v60 =	vmul.f32 v1, v41;
	v6 =	vadd.f32 v61, v13;
	v61 =	vsub.f32 v2, v49  }
0x2d4: {  	[tilespmem:s10+$0x20] =	vst v5;
	v0 =	vadd.f32 v0, v13;
	v3 =	vadd.f32 v3, v62;
	v62 =	vand.u32 $0x7FFFFFFF, v63  }
0x2d5: {  	[tilespmem:s10+$0x50] =	vst v51;
	v63 =	vsub.f32 v2, v45;
	v4 =	vadd.f32 v4, v60;
	v60 =	vmul.f32 v1, v46  }
0x2d6: {  	[tilespmem:s10+$0x60] =	vst v52;
	v1 =	vmul.f32 v1, v48;
	v59 =	vadd.f32 v6, v57;
	v6 =	vsub.f32 v2, v47  }
0x2d7: {  	s8 =	sadd.s32 $0x2, s8;
	[tilespmem:s10+$0x400] =	vst v54;
	v2 =	vsub.f32 v2, v50;
	v3 =	vsub.f32 v3, v62;
	v58 =	vand.u32 $0x7FFFFFFF, v63  }
0x2d8: {  	p0 =	slt.u32 s8, $0xE;
	[tilespmem:s10+$0x70] =	vst v53;
	v7 =	vadd.f32 v7, v60;
	v4 =	vsub.f32 v4, v58;
	v6 =	vand.u32 $0x7FFFFFFF, v6  }
.Ltmp4:
0x2d9: {  	v0 =	vadd.f32 v0, v1;
	v63 =	vand.u32 $0x7FFFFFFF, v61;
	[tilespmem:s10+$0x410] =	vst v3;
	v62 =	vsub.f32 v59, v6;
	(pc) =	sbr.rel @p0 .LBB2_10-.Ltmp4, $4  }
0x2da: {  	v2 =	vand.u32 $0x7FFFFFFF, v2;
	v1 =	vsub.f32 v7, v63;
	[tilespmem:s10+$0x420] =	vst v4  }
0x2db: {  	v0 =	vsub.f32 v0, v2;
	[tilespmem:s10+$0x430] =	vst v62  }
0x2dc: {  	[tilespmem:s10+$0x440] =	vst v1  }
0x2dd: {  	s7 =	sadd.s32 $0x200, s7;
	s9 =	sadd.s32 $0x100, s9;
	[tilespmem:s10+$0x450] =	vst v0  }
0x2de: {  	s7 =	simm.s32 $0x0  }
0x2df: {  	[hbm4b:s16+s7] =	stream.linear.scatter [tilespmem:s2], [sflag:$0x1], $0x1000, $0x38;
	[tilespmem:$0x2C00] =	vst v63  }
0x2e0: {  	_ = 	snop  }
0x2e1: {  	[hbm4b:s17+s7] =	stream.linear.scatter [tilespmem:s2], [sflag:$0x1], $0x1000, $0x38;
	[tilespmem:$0x2C00] =	vst v63  }
0x2e2: {  	_ = 	snop  }
0x2e3: {  	[hbm4b:s18+s7] =	stream.linear.scatter [tilespmem:s2], [sflag:$0x1], $0x1000, $0x38;
	[tilespmem:$0x2C00] =	vst v63  }
0x2e4: {  	_ =	swait.ge [sflag:s5], $0x1000  }
0x2e5: {  	[sflag:s5] =	ssyncset.done $0x0  }
0x2e6: {  	[sflag:s5] =	ssyncadd.s32 $0xFFFFF000  }
0x2e7: {  	_ =	swait.ge [sflag:s5], $0x1000  }
0x2e8: {  	[sflag:s5] =	ssyncset.done $0x0  }
0x2e9: {  	[sflag:s5] =	ssyncadd.s32 $0xFFFFF000  }
0x2ea: {  	_ =	swait.ge [sflag:s5], $0x1000  }
0x2eb: {  	[sflag:s5] =	ssyncset.done $0x0  }
0x2ec: {  	s8 =	simm.s32 $0xFFFFFFFE;
	s9 =	simm.s32 $0x80;
	[sflag:s5] =	ssyncadd.s32 $0xFFFFF000  }
.LBB2_12:
0x2ed: {  	s11 =	sadd.s32 s8, s3  }
0x2ee: {  	s10 =	sadd.s32 $0x52, s11  }
0x2ef: {  	v0 =	vmov s10  }
0x2f0: {  	v0 =	vand.u32 $0xFFFFFFFE, v0  }
0x2f1: {  	v0 =	vbroadcast v0, $0x0;
	_ =	sdelay $0x5  }
0x2f2: {  	v1 =	vld.idx.msk [tilespmem:v0+s23+$0x0], $0xffff  }
0x2f3: {  	v2 =	vld.idx.msk [tilespmem:v0+s0+$0x0], $0xffff  }
0x2f4: {  	v0 =	vld.idx.msk [tilespmem:v0+s24+$0x0], $0xffff;
	_ =	sdelay $0x3  }
0x2f5: {  	v3 =	vmul.f32 v1, v8  }
0x2f6: {  	v4 =	vmul.f32 v1, v9;
	v5 =	vmul.f32 v2, v12;
	v6 =	vsub.f32 v0, v15  }
0x2f7: {  	v7 =	vmul.f32 v2, v16;
	v61 =	vsub.f32 v0, v17;
	v52 =	vmul.f32 v2, v21  }
0x2f8: {  	v51 =	vsub.f32 v0, v20;
	v63 =	vmul.f32 v1, v14;
	v56 =	vmul.f32 v1, v19  }
0x2f9: {  	v57 =	vmul.f32 v2, v25;
	v53 =	vsub.f32 v0, v27;
	v3 =	vadd.f32 v3, v13  }
0x2fa: {  	v54 =	vmul.f32 v2, v29;
	v58 =	vsub.f32 v0, v30;
	v4 =	vadd.f32 v4, v13  }
0x2fb: {  	v59 =	vmul.f32 v1, v22;
	v60 =	vmul.f32 v1, v24;
	v3 =	vadd.f32 v3, v5  }
0x2fc: {  	v6 =	vand.u32 $0x7FFFFFFF, v6;
	v4 =	vadd.f32 v4, v7;
	v7 =	vmul.f32 v1, v10  }
0x2fd: {  	v55 =	vsub.f32 v0, v35;
	v3 =	vsub.f32 v3, v6;
	v6 =	vmul.f32 v1, v11  }
0x2fe: {  	v5 =	vand.u32 $0x7FFFFFFF, v61;
	v62 =	vadd.f32 v7, v13;
	v7 =	vmul.f32 v2, v18  }
0x2ff: {  	v51 =	vand.u32 $0x7FFFFFFF, v51;
	v4 =	vsub.f32 v4, v5;
	v6 =	vadd.f32 v6, v13  }
0x300: {  	v53 =	vand.u32 $0x7FFFFFFF, v53;
	v5 =	vadd.f32 v62, v7;
	v7 =	vsub.f32 v0, v23  }
0x301: {  	v55 =	vand.u32 $0x7FFFFFFF, v55;
	v61 =	vadd.f32 v59, v13;
	v6 =	vadd.f32 v6, v52  }
0x302: {  	v5 =	vsub.f32 v5, v51;
	v7 =	vand.u32 $0x7FFFFFFF, v7;
	v51 =	vadd.f32 v56, v13  }
0x303: {  	v62 =	vmul.f32 v2, v31;
	v6 =	vsub.f32 v6, v7;
	v7 =	vadd.f32 v63, v13  }
0x304: {  	v52 =	vand.u32 $0x7FFFFFFF, v58;
	v51 =	vadd.f32 v51, v54;
	v63 =	vsub.f32 v0, v40  }
0x305: {  	v56 =	vmul.f32 v2, v33;
	v58 =	vmul.f32 v2, v38;
	v7 =	vadd.f32 v7, v57  }
0x306: {  	v51 =	vsub.f32 v51, v52;
	v52 =	vadd.f32 v61, v62;
	v54 =	vand.u32 $0x7FFFFFFF, v63  }
0x307: {  	v61 =	vmul.f32 v1, v28;
	v7 =	vsub.f32 v7, v53;
	v53 =	vadd.f32 v60, v13  }
0x308: {  	v57 =	vsub.f32 v0, v43;
	v60 =	vmul.f32 v1, v26;
	v52 =	vsub.f32 v52, v55  }
0x309: {  	v63 =	vmul.f32 v2, v36;
	v55 =	vadd.f32 v61, v13;
	v53 =	vadd.f32 v53, v56  }
0x30a: {  	s12 =	sadd.s32 $0xFFFFFF80, s9;
	s10 =	sand.u32 $0x800, s7;
	v57 =	vand.u32 $0x7FFFFFFF, v57;
	v62 =	vadd.f32 v60, v13;
	v60 =	vsub.f32 v0, v44  }
0x30b: {  	s12 =	sand.u32 $0x300, s12;
	s10 =	sadd.s32 $0x1C00, s10;
	v61 =	vmul.f32 v1, v32;
	v55 =	vadd.f32 v55, v58;
	v53 =	vsub.f32 v53, v54  }
0x30c: {  	s12 =	sor.u32 s12, s10;
	v54 =	vadd.f32 v62, v63;
	v62 =	vand.u32 $0x7FFFFFFF, v60;
	v63 =	vmul.f32 v1, v34  }
0x30d: {  	[tilespmem:s12+$0x10] =	vst v4;
	v60 =	vadd.f32 v61, v13;
	v61 =	vmul.f32 v2, v41;
	v4 =	vsub.f32 v55, v62  }
0x30e: {  	[tilespmem:s12+$0x0] =	vst v3;
	v62 =	vsub.f32 v0, v45;
	v3 =	vsub.f32 v54, v57  }
0x30f: {  	[tilespmem:s12+$0x30] =	vst v6;
	v56 =	vadd.f32 v63, v13;
	v63 =	vmul.f32 v2, v42;
	v6 =	vadd.f32 v60, v61  }
0x310: {  	[tilespmem:s12+$0x20] =	vst v5;
	v60 =	vsub.f32 v0, v47;
	v61 =	vmul.f32 v1, v37;
	v1 =	vmul.f32 v1, v39  }
0x311: {  	[tilespmem:s12+$0x40] =	vst v7;
	v5 =	vand.u32 $0x7FFFFFFF, v62;
	v62 =	vmul.f32 v2, v46;
	v7 =	vadd.f32 v56, v63  }
0x312: {  	[tilespmem:s12+$0x50] =	vst v51;
	v2 =	vmul.f32 v2, v48;
	v5 =	vsub.f32 v6, v5;
	v63 =	vsub.f32 v0, v49  }
0x313: {  	[tilespmem:s12+$0x60] =	vst v52;
	v6 =	vand.u32 $0x7FFFFFFF, v60;
	v1 =	vadd.f32 v1, v13;
	v0 =	vsub.f32 v0, v50  }
0x314: {  	[tilespmem:s12+$0x70] =	vst v53;
	v6 =	vsub.f32 v7, v6;
	v7 =	vadd.f32 v61, v13  }
0x315: {  	s11 =	sadd.s32 $0x53, s11;
	[tilespmem:s12+$0x410] =	vst v4;
	v1 =	vadd.f32 v1, v2  }
0x316: {  	v57 =	vmov s11;
	[tilespmem:s12+$0x400] =	vst v3;
	v0 =	vand.u32 $0x7FFFFFFF, v0;
	v55 =	vadd.f32 v7, v62  }
0x317: {  	v56 =	vand.u32 $0x7FFFFFFF, v63;
	[tilespmem:s12+$0x420] =	vst v5;
	v0 =	vsub.f32 v1, v0  }
0x318: {  	[tilespmem:s12+$0x430] =	vst v6;
	v3 =	vsub.f32 v55, v56  }
0x319: {  	[tilespmem:s12+$0x450] =	vst v0  }
0x31a: {  	[tilespmem:s12+$0x440] =	vst v3  }
0x31b: {  	v0 =	vld.idx.msk [tilespmem:v57+s23+$0x0], $0xffff  }
0x31c: {  	v1 =	vld.idx.msk [tilespmem:v57+s0+$0x0], $0xffff  }
0x31d: {  	v2 =	vld.idx.msk [tilespmem:v57+s24+$0x0], $0xffff;
	_ =	sdelay $0x3  }
0x31e: {  	v58 =	vmul.f32 v0, v8;
	v59 =	vmul.f32 v1, v12  }
0x31f: {  	v60 =	vsub.f32 v2, v15;
	v61 =	vmul.f32 v0, v9;
	v6 =	vmul.f32 v0, v10  }
0x320: {  	v62 =	vmul.f32 v1, v16;
	v7 =	vsub.f32 v2, v17;
	v63 =	vmul.f32 v1, v18  }
0x321: {  	v54 =	vsub.f32 v2, v20;
	v55 =	vmul.f32 v0, v11;
	v56 =	vmul.f32 v1, v21  }
0x322: {  	v57 =	vsub.f32 v2, v23;
	v3 =	vadd.f32 v58, v13;
	v5 =	vand.u32 $0x7FFFFFFF, v60  }
0x323: {  	v4 =	vadd.f32 v61, v13;
	v6 =	vadd.f32 v6, v13;
	v7 =	vand.u32 $0x7FFFFFFF, v7  }
0x324: {  	v52 =	vand.u32 $0x7FFFFFFF, v57;
	v57 =	vsub.f32 v2, v30;
	v3 =	vadd.f32 v3, v59  }
0x325: {  	v58 =	vmul.f32 v1, v25;
	v4 =	vadd.f32 v4, v62;
	v6 =	vadd.f32 v6, v63  }
0x326: {  	v60 =	vmul.f32 v0, v19;
	v59 =	vsub.f32 v2, v27;
	v3 =	vsub.f32 v3, v5  }
0x327: {  	v4 =	vsub.f32 v4, v7;
	v5 =	vand.u32 $0x7FFFFFFF, v54;
	v7 =	vmul.f32 v0, v14  }
0x328: {  	v61 =	vmul.f32 v0, v22;
	v5 =	vsub.f32 v6, v5;
	v6 =	vadd.f32 v55, v13  }
0x329: {  	v62 =	vadd.f32 v60, v13;
	v63 =	vmul.f32 v1, v29;
	v7 =	vadd.f32 v7, v13  }
0x32a: {  	v60 =	vmul.f32 v0, v24;
	v51 =	vand.u32 $0x7FFFFFFF, v59;
	v6 =	vadd.f32 v6, v56  }
0x32b: {  	v59 =	vsub.f32 v2, v35;
	v54 =	vand.u32 $0x7FFFFFFF, v57;
	v7 =	vadd.f32 v7, v58  }
0x32c: {  	v58 =	vmul.f32 v1, v31;
	v6 =	vsub.f32 v6, v52;
	v52 =	vadd.f32 v61, v13  }
0x32d: {  	v61 =	vmul.f32 v0, v26;
	v7 =	vsub.f32 v7, v51;
	v51 =	vadd.f32 v62, v63  }
0x32e: {  	v57 =	vmul.f32 v1, v42;
	v53 =	vand.u32 $0x7FFFFFFF, v59;
	v52 =	vadd.f32 v52, v58  }
0x32f: {  	s12 =	sand.u32 $0x380, s9;
	v62 =	vmul.f32 v1, v33;
	v51 =	vsub.f32 v51, v54;
	v54 =	vadd.f32 v61, v13  }
0x330: {  	s10 =	sor.u32 s12, s10;
	v63 =	vmul.f32 v1, v36;
	v61 =	vsub.f32 v2, v43;
	v52 =	vsub.f32 v52, v53  }
0x331: {  	[tilespmem:s10+$0x40] =	vst v7;
	v7 =	vmul.f32 v0, v37;
	v53 =	vadd.f32 v60, v13;
	v60 =	vsub.f32 v2, v40  }
0x332: {  	v54 =	vadd.f32 v54, v63;
	v63 =	vand.u32 $0x7FFFFFFF, v61;
	v61 =	vmul.f32 v0, v32  }
0x333: {  	v7 =	vadd.f32 v7, v13;
	v53 =	vadd.f32 v53, v62;
	v62 =	vand.u32 $0x7FFFFFFF, v60  }
0x334: {  	v60 =	vmul.f32 v0, v28;
	v54 =	vsub.f32 v54, v63;
	v63 =	vsub.f32 v2, v44  }
0x335: {  	[tilespmem:s10+$0x10] =	vst v4;
	v4 =	vadd.f32 v61, v13;
	v61 =	vmul.f32 v0, v34;
	v0 =	vmul.f32 v0, v39  }
0x336: {  	[tilespmem:s10+$0x0] =	vst v3;
	v53 =	vsub.f32 v53, v62;
	v3 =	vadd.f32 v60, v13;
	v62 =	vmul.f32 v1, v38  }
0x337: {  	[tilespmem:s10+$0x30] =	vst v6;
	v60 =	vmul.f32 v1, v41;
	v6 =	vadd.f32 v61, v13;
	v61 =	vsub.f32 v2, v49  }
0x338: {  	[tilespmem:s10+$0x20] =	vst v5;
	v0 =	vadd.f32 v0, v13;
	v3 =	vadd.f32 v3, v62;
	v62 =	vand.u32 $0x7FFFFFFF, v63  }
0x339: {  	[tilespmem:s10+$0x50] =	vst v51;
	v63 =	vsub.f32 v2, v45;
	v4 =	vadd.f32 v4, v60;
	v60 =	vmul.f32 v1, v46  }
0x33a: {  	[tilespmem:s10+$0x60] =	vst v52;
	v1 =	vmul.f32 v1, v48;
	v59 =	vadd.f32 v6, v57;
	v6 =	vsub.f32 v2, v47  }
0x33b: {  	s8 =	sadd.s32 $0x2, s8;
	[tilespmem:s10+$0x400] =	vst v54;
	v2 =	vsub.f32 v2, v50;
	v3 =	vsub.f32 v3, v62;
	v58 =	vand.u32 $0x7FFFFFFF, v63  }
0x33c: {  	p0 =	slt.u32 s8, $0xE;
	[tilespmem:s10+$0x70] =	vst v53;
	v7 =	vadd.f32 v7, v60;
	v4 =	vsub.f32 v4, v58;
	v6 =	vand.u32 $0x7FFFFFFF, v6  }
.Ltmp5:
0x33d: {  	v0 =	vadd.f32 v0, v1;
	v63 =	vand.u32 $0x7FFFFFFF, v61;
	[tilespmem:s10+$0x410] =	vst v3;
	v62 =	vsub.f32 v59, v6;
	(pc) =	sbr.rel @p0 .LBB2_12-.Ltmp5, $4  }
0x33e: {  	v2 =	vand.u32 $0x7FFFFFFF, v2;
	v1 =	vsub.f32 v7, v63;
	[tilespmem:s10+$0x420] =	vst v4  }
0x33f: {  	v0 =	vsub.f32 v0, v2;
	[tilespmem:s10+$0x430] =	vst v62  }
0x340: {  	[tilespmem:s10+$0x440] =	vst v1  }
0x341: {  	s7 =	sadd.s32 $0x200, s7;
	s9 =	sadd.s32 $0x100, s9;
	[tilespmem:s10+$0x450] =	vst v0  }
0x342: {  	s7 =	simm.s32 $0x0  }
0x343: {  	[hbm4b:s19+s7] =	stream.linear.scatter [tilespmem:s4], [sflag:$0x2], $0x1000, $0x38;
	[tilespmem:$0x2C00] =	vst v63  }
0x344: {  	_ = 	snop  }
0x345: {  	[hbm4b:s20+s7] =	stream.linear.scatter [tilespmem:s4], [sflag:$0x2], $0x1000, $0x38;
	[tilespmem:$0x2C00] =	vst v63  }
0x346: {  	_ = 	snop  }
0x347: {  	[hbm4b:s21+s7] =	stream.linear.scatter [tilespmem:s4], [sflag:$0x2], $0x1000, $0x38;
	[tilespmem:$0x2C00] =	vst v63  }
0x348: {  	_ =	swait.ge [sflag:s29], $0x1000  }
0x349: {  	[sflag:s29] =	ssyncset.done $0x0  }
0x34a: {  	[sflag:s29] =	ssyncadd.s32 $0xFFFFF000  }
0x34b: {  	_ =	swait.ge [sflag:s29], $0x1000  }
0x34c: {  	[sflag:s29] =	ssyncset.done $0x0  }
0x34d: {  	[sflag:s29] =	ssyncadd.s32 $0xFFFFF000  }
0x34e: {  	_ =	swait.ge [sflag:s29], $0x1000  }
0x34f: {  	[sflag:s29] =	ssyncset.done $0x0  }
0x350: {  	s8 =	simm.s32 $0xFFFFFFFE;
	s9 =	simm.s32 $0x80;
	[sflag:s29] =	ssyncadd.s32 $0xFFFFF000  }
.LBB2_14:
0x351: {  	s11 =	sadd.s32 s8, s3  }
0x352: {  	s10 =	sadd.s32 $0x62, s11  }
0x353: {  	v0 =	vmov s10  }
0x354: {  	v0 =	vand.u32 $0xFFFFFFFE, v0  }
0x355: {  	v0 =	vbroadcast v0, $0x0;
	_ =	sdelay $0x5  }
0x356: {  	v1 =	vld.idx.msk [tilespmem:v0+s23+$0x0], $0xffff  }
0x357: {  	v2 =	vld.idx.msk [tilespmem:v0+s0+$0x0], $0xffff  }
0x358: {  	v0 =	vld.idx.msk [tilespmem:v0+s24+$0x0], $0xffff;
	_ =	sdelay $0x3  }
0x359: {  	v3 =	vmul.f32 v1, v8  }
0x35a: {  	v4 =	vmul.f32 v1, v9;
	v5 =	vmul.f32 v2, v12;
	v6 =	vsub.f32 v0, v15  }
0x35b: {  	v7 =	vmul.f32 v2, v16;
	v61 =	vsub.f32 v0, v17;
	v52 =	vmul.f32 v2, v21  }
0x35c: {  	v51 =	vsub.f32 v0, v20;
	v63 =	vmul.f32 v1, v14;
	v56 =	vmul.f32 v1, v19  }
0x35d: {  	v57 =	vmul.f32 v2, v25;
	v53 =	vsub.f32 v0, v27;
	v3 =	vadd.f32 v3, v13  }
0x35e: {  	v54 =	vmul.f32 v2, v29;
	v58 =	vsub.f32 v0, v30;
	v4 =	vadd.f32 v4, v13  }
0x35f: {  	v59 =	vmul.f32 v1, v22;
	v60 =	vmul.f32 v1, v24;
	v3 =	vadd.f32 v3, v5  }
0x360: {  	v6 =	vand.u32 $0x7FFFFFFF, v6;
	v4 =	vadd.f32 v4, v7;
	v7 =	vmul.f32 v1, v10  }
0x361: {  	v55 =	vsub.f32 v0, v35;
	v3 =	vsub.f32 v3, v6;
	v6 =	vmul.f32 v1, v11  }
0x362: {  	v5 =	vand.u32 $0x7FFFFFFF, v61;
	v62 =	vadd.f32 v7, v13;
	v7 =	vmul.f32 v2, v18  }
0x363: {  	v51 =	vand.u32 $0x7FFFFFFF, v51;
	v4 =	vsub.f32 v4, v5;
	v6 =	vadd.f32 v6, v13  }
0x364: {  	v53 =	vand.u32 $0x7FFFFFFF, v53;
	v5 =	vadd.f32 v62, v7;
	v7 =	vsub.f32 v0, v23  }
0x365: {  	v55 =	vand.u32 $0x7FFFFFFF, v55;
	v61 =	vadd.f32 v59, v13;
	v6 =	vadd.f32 v6, v52  }
0x366: {  	v5 =	vsub.f32 v5, v51;
	v7 =	vand.u32 $0x7FFFFFFF, v7;
	v51 =	vadd.f32 v56, v13  }
0x367: {  	v62 =	vmul.f32 v2, v31;
	v6 =	vsub.f32 v6, v7;
	v7 =	vadd.f32 v63, v13  }
0x368: {  	v52 =	vand.u32 $0x7FFFFFFF, v58;
	v51 =	vadd.f32 v51, v54;
	v63 =	vsub.f32 v0, v40  }
0x369: {  	v56 =	vmul.f32 v2, v33;
	v58 =	vmul.f32 v2, v38;
	v7 =	vadd.f32 v7, v57  }
0x36a: {  	v51 =	vsub.f32 v51, v52;
	v52 =	vadd.f32 v61, v62;
	v54 =	vand.u32 $0x7FFFFFFF, v63  }
0x36b: {  	v61 =	vmul.f32 v1, v28;
	v7 =	vsub.f32 v7, v53;
	v53 =	vadd.f32 v60, v13  }
0x36c: {  	v57 =	vsub.f32 v0, v43;
	v60 =	vmul.f32 v1, v26;
	v52 =	vsub.f32 v52, v55  }
0x36d: {  	v63 =	vmul.f32 v2, v36;
	v55 =	vadd.f32 v61, v13;
	v53 =	vadd.f32 v53, v56  }
0x36e: {  	s12 =	sadd.s32 $0xFFFFFF80, s9;
	s10 =	sand.u32 $0x800, s7;
	v57 =	vand.u32 $0x7FFFFFFF, v57;
	v62 =	vadd.f32 v60, v13;
	v60 =	vsub.f32 v0, v44  }
0x36f: {  	s12 =	sand.u32 $0x300, s12;
	s10 =	sadd.s32 $0xC00, s10;
	v61 =	vmul.f32 v1, v32;
	v55 =	vadd.f32 v55, v58;
	v53 =	vsub.f32 v53, v54  }
0x370: {  	s12 =	sor.u32 s12, s10;
	v54 =	vadd.f32 v62, v63;
	v62 =	vand.u32 $0x7FFFFFFF, v60;
	v63 =	vmul.f32 v1, v34  }
0x371: {  	[tilespmem:s12+$0x10] =	vst v4;
	v60 =	vadd.f32 v61, v13;
	v61 =	vmul.f32 v2, v41;
	v4 =	vsub.f32 v55, v62  }
0x372: {  	[tilespmem:s12+$0x0] =	vst v3;
	v62 =	vsub.f32 v0, v45;
	v3 =	vsub.f32 v54, v57  }
0x373: {  	[tilespmem:s12+$0x30] =	vst v6;
	v56 =	vadd.f32 v63, v13;
	v63 =	vmul.f32 v2, v42;
	v6 =	vadd.f32 v60, v61  }
0x374: {  	[tilespmem:s12+$0x20] =	vst v5;
	v60 =	vsub.f32 v0, v47;
	v61 =	vmul.f32 v1, v37;
	v1 =	vmul.f32 v1, v39  }
0x375: {  	[tilespmem:s12+$0x40] =	vst v7;
	v5 =	vand.u32 $0x7FFFFFFF, v62;
	v62 =	vmul.f32 v2, v46;
	v7 =	vadd.f32 v56, v63  }
0x376: {  	[tilespmem:s12+$0x50] =	vst v51;
	v2 =	vmul.f32 v2, v48;
	v5 =	vsub.f32 v6, v5;
	v63 =	vsub.f32 v0, v49  }
0x377: {  	[tilespmem:s12+$0x60] =	vst v52;
	v6 =	vand.u32 $0x7FFFFFFF, v60;
	v1 =	vadd.f32 v1, v13;
	v0 =	vsub.f32 v0, v50  }
0x378: {  	[tilespmem:s12+$0x70] =	vst v53;
	v6 =	vsub.f32 v7, v6;
	v7 =	vadd.f32 v61, v13  }
0x379: {  	s11 =	sadd.s32 $0x63, s11;
	[tilespmem:s12+$0x410] =	vst v4;
	v1 =	vadd.f32 v1, v2  }
0x37a: {  	v57 =	vmov s11;
	[tilespmem:s12+$0x400] =	vst v3;
	v0 =	vand.u32 $0x7FFFFFFF, v0;
	v55 =	vadd.f32 v7, v62  }
0x37b: {  	v56 =	vand.u32 $0x7FFFFFFF, v63;
	[tilespmem:s12+$0x420] =	vst v5;
	v0 =	vsub.f32 v1, v0  }
0x37c: {  	[tilespmem:s12+$0x430] =	vst v6;
	v3 =	vsub.f32 v55, v56  }
0x37d: {  	[tilespmem:s12+$0x450] =	vst v0  }
0x37e: {  	[tilespmem:s12+$0x440] =	vst v3  }
0x37f: {  	v0 =	vld.idx.msk [tilespmem:v57+s23+$0x0], $0xffff  }
0x380: {  	v1 =	vld.idx.msk [tilespmem:v57+s0+$0x0], $0xffff  }
0x381: {  	v2 =	vld.idx.msk [tilespmem:v57+s24+$0x0], $0xffff;
	_ =	sdelay $0x3  }
0x382: {  	v58 =	vmul.f32 v0, v8;
	v59 =	vmul.f32 v1, v12  }
0x383: {  	v60 =	vsub.f32 v2, v15;
	v61 =	vmul.f32 v0, v9;
	v6 =	vmul.f32 v0, v10  }
0x384: {  	v62 =	vmul.f32 v1, v16;
	v7 =	vsub.f32 v2, v17;
	v63 =	vmul.f32 v1, v18  }
0x385: {  	v54 =	vsub.f32 v2, v20;
	v55 =	vmul.f32 v0, v11;
	v56 =	vmul.f32 v1, v21  }
0x386: {  	v57 =	vsub.f32 v2, v23;
	v3 =	vadd.f32 v58, v13;
	v5 =	vand.u32 $0x7FFFFFFF, v60  }
0x387: {  	v4 =	vadd.f32 v61, v13;
	v6 =	vadd.f32 v6, v13;
	v7 =	vand.u32 $0x7FFFFFFF, v7  }
0x388: {  	v52 =	vand.u32 $0x7FFFFFFF, v57;
	v57 =	vsub.f32 v2, v30;
	v3 =	vadd.f32 v3, v59  }
0x389: {  	v58 =	vmul.f32 v1, v25;
	v4 =	vadd.f32 v4, v62;
	v6 =	vadd.f32 v6, v63  }
0x38a: {  	v60 =	vmul.f32 v0, v19;
	v59 =	vsub.f32 v2, v27;
	v3 =	vsub.f32 v3, v5  }
0x38b: {  	v4 =	vsub.f32 v4, v7;
	v5 =	vand.u32 $0x7FFFFFFF, v54;
	v7 =	vmul.f32 v0, v14  }
0x38c: {  	v61 =	vmul.f32 v0, v22;
	v5 =	vsub.f32 v6, v5;
	v6 =	vadd.f32 v55, v13  }
0x38d: {  	v62 =	vadd.f32 v60, v13;
	v63 =	vmul.f32 v1, v29;
	v7 =	vadd.f32 v7, v13  }
0x38e: {  	v60 =	vmul.f32 v0, v24;
	v51 =	vand.u32 $0x7FFFFFFF, v59;
	v6 =	vadd.f32 v6, v56  }
0x38f: {  	v59 =	vsub.f32 v2, v35;
	v54 =	vand.u32 $0x7FFFFFFF, v57;
	v7 =	vadd.f32 v7, v58  }
0x390: {  	v58 =	vmul.f32 v1, v31;
	v6 =	vsub.f32 v6, v52;
	v52 =	vadd.f32 v61, v13  }
0x391: {  	v61 =	vmul.f32 v0, v26;
	v7 =	vsub.f32 v7, v51;
	v51 =	vadd.f32 v62, v63  }
0x392: {  	v57 =	vmul.f32 v1, v42;
	v53 =	vand.u32 $0x7FFFFFFF, v59;
	v52 =	vadd.f32 v52, v58  }
0x393: {  	s12 =	sand.u32 $0x380, s9;
	v62 =	vmul.f32 v1, v33;
	v51 =	vsub.f32 v51, v54;
	v54 =	vadd.f32 v61, v13  }
0x394: {  	s10 =	sor.u32 s12, s10;
	v63 =	vmul.f32 v1, v36;
	v61 =	vsub.f32 v2, v43;
	v52 =	vsub.f32 v52, v53  }
0x395: {  	[tilespmem:s10+$0x40] =	vst v7;
	v7 =	vmul.f32 v0, v37;
	v53 =	vadd.f32 v60, v13;
	v60 =	vsub.f32 v2, v40  }
0x396: {  	v54 =	vadd.f32 v54, v63;
	v63 =	vand.u32 $0x7FFFFFFF, v61;
	v61 =	vmul.f32 v0, v32  }
0x397: {  	v7 =	vadd.f32 v7, v13;
	v53 =	vadd.f32 v53, v62;
	v62 =	vand.u32 $0x7FFFFFFF, v60  }
0x398: {  	v60 =	vmul.f32 v0, v28;
	v54 =	vsub.f32 v54, v63;
	v63 =	vsub.f32 v2, v44  }
0x399: {  	[tilespmem:s10+$0x10] =	vst v4;
	v4 =	vadd.f32 v61, v13;
	v61 =	vmul.f32 v0, v34;
	v0 =	vmul.f32 v0, v39  }
0x39a: {  	[tilespmem:s10+$0x0] =	vst v3;
	v53 =	vsub.f32 v53, v62;
	v3 =	vadd.f32 v60, v13;
	v62 =	vmul.f32 v1, v38  }
0x39b: {  	[tilespmem:s10+$0x30] =	vst v6;
	v60 =	vmul.f32 v1, v41;
	v6 =	vadd.f32 v61, v13;
	v61 =	vsub.f32 v2, v49  }
0x39c: {  	[tilespmem:s10+$0x20] =	vst v5;
	v0 =	vadd.f32 v0, v13;
	v3 =	vadd.f32 v3, v62;
	v62 =	vand.u32 $0x7FFFFFFF, v63  }
0x39d: {  	[tilespmem:s10+$0x50] =	vst v51;
	v63 =	vsub.f32 v2, v45;
	v4 =	vadd.f32 v4, v60;
	v60 =	vmul.f32 v1, v46  }
0x39e: {  	[tilespmem:s10+$0x60] =	vst v52;
	v1 =	vmul.f32 v1, v48;
	v59 =	vadd.f32 v6, v57;
	v6 =	vsub.f32 v2, v47  }
0x39f: {  	s8 =	sadd.s32 $0x2, s8;
	[tilespmem:s10+$0x400] =	vst v54;
	v2 =	vsub.f32 v2, v50;
	v3 =	vsub.f32 v3, v62;
	v58 =	vand.u32 $0x7FFFFFFF, v63  }
0x3a0: {  	p0 =	slt.u32 s8, $0xE;
	[tilespmem:s10+$0x70] =	vst v53;
	v7 =	vadd.f32 v7, v60;
	v4 =	vsub.f32 v4, v58;
	v6 =	vand.u32 $0x7FFFFFFF, v6  }
.Ltmp6:
0x3a1: {  	v0 =	vadd.f32 v0, v1;
	v63 =	vand.u32 $0x7FFFFFFF, v61;
	[tilespmem:s10+$0x410] =	vst v3;
	v62 =	vsub.f32 v59, v6;
	(pc) =	sbr.rel @p0 .LBB2_14-.Ltmp6, $4  }
0x3a2: {  	v2 =	vand.u32 $0x7FFFFFFF, v2;
	v1 =	vsub.f32 v7, v63;
	[tilespmem:s10+$0x420] =	vst v4  }
0x3a3: {  	v0 =	vsub.f32 v0, v2;
	[tilespmem:s10+$0x430] =	vst v62  }
0x3a4: {  	[tilespmem:s10+$0x440] =	vst v1  }
0x3a5: {  	s7 =	sadd.s32 $0x200, s7;
	s9 =	sadd.s32 $0x100, s9;
	[tilespmem:s10+$0x450] =	vst v0  }
0x3a6: {  	[hbm4b:s22+s1] =	stream.linear.scatter [tilespmem:s2], [sflag:$0x1], $0x1000, $0x38;
	[tilespmem:$0x2C00] =	vst v63  }
0x3a7: {  	_ = 	snop  }
0x3a8: {  	[hbm4b:s25+s1] =	stream.linear.scatter [tilespmem:s2], [sflag:$0x1], $0x1000, $0x38;
	[tilespmem:$0x2C00] =	vst v63  }
0x3a9: {  	_ = 	snop  }
0x3aa: {  	[hbm4b:s26+s1] =	stream.linear.scatter [tilespmem:s2], [sflag:$0x1], $0x1000, $0x38;
	[tilespmem:$0x2C00] =	vst v63  }
0x3ab: {  	_ =	swait.ge [sflag:s5], $0x1000  }
0x3ac: {  	[sflag:s5] =	ssyncset.done $0x0  }
0x3ad: {  	[sflag:s5] =	ssyncadd.s32 $0xFFFFF000  }
0x3ae: {  	_ =	swait.ge [sflag:s5], $0x1000  }
0x3af: {  	[sflag:s5] =	ssyncset.done $0x0  }
0x3b0: {  	[sflag:s5] =	ssyncadd.s32 $0xFFFFF000  }
0x3b1: {  	_ =	swait.ge [sflag:s5], $0x1000  }
0x3b2: {  	[sflag:s5] =	ssyncset.done $0x0  }
0x3b3: {  	[sflag:s5] =	ssyncadd.s32 $0xFFFFF000  }
0x3b4: {  	_ =	swait.ge [sflag:s29], $0x1000  }
0x3b5: {  	[sflag:s29] =	ssyncset.done $0x0  }
0x3b6: {  	s6 =	sadd.s32 $0x1, s6;
	[sflag:s29] =	ssyncadd.s32 $0xFFFFF000  }
0x3b7: {  	p0 =	sne.s32 s6, s28;
	_ =	swait.ge [sflag:s29], $0x1000  }
.Ltmp7:
0x3b8: {  	[sflag:s29] =	ssyncset.done $0x0;
	(pc) =	sbr.rel @p0 .LBB2_1-.Ltmp7, $4  }
0x3b9: {  	[sflag:s29] =	ssyncadd.s32 $0xFFFFF000  }
0x3ba: {  	_ =	swait.ge [sflag:s29], $0x1000  }
0x3bb: {  	[sflag:s29] =	ssyncset.done $0x0  }
0x3bc: {  	[sflag:s29] =	ssyncadd.s32 $0xFFFFF000  }
0x3bd: {  	_ =	sfence.sel $0x180000  }
0x3be: {  	[bflag:$0x0] =	sbarrier.arrive $0xFFFF  }
0x3bf: {  	_ =	strace $0x90000047  }
0x3c0: {  	s0 =	stileid.u32;
	[bflag:$0x2] =	sbarrier.arrive $0xFFFF  }
0x3c1: {  	p0 =	sne.s32 s0, $0x0;
	s0 =	rddreg [dreg:$0x3]  }
0x3c2: {  	s0 =	sadd.s32 @!p0 $0x100000, s0  }
0x3c3: {  	[sflag:s0] =	ssyncadd.tile.s32 @!p0 $0x1;
	_ =	shalt  }
.Lfunc_end2:
_tile_overlayer_lowered:
.L_overlay_start_2:
0x3c4: {  	(tag) =	ssettag $0x2  }
0x3c5: {  	s0 =	rddreg [dreg:$0x0];
	s2 =	stileid.u32  }
0x3c6: {  	s1 =	rddreg [dreg:$0x1];
	p0 =	sne.s32 s2, $0x0  }
0x3c7: {  	s3 =	rddreg [dreg:$0x2];
	[bflag:$0x3] =	sbarrier.arrive $0xFFFF;
	s2 =	simm.s32 @!p0 $0x1C03  }
0x3c8: {  	[timem:s3], [sflag:s2] =	dma.local @!p0 [hbm:s0], s1  }
0x3c9: {  	s0 =	simm.s32 @!p0 $0x3  }
0x3ca: {  	_ =	swait.ge @!p0 [sflag:s0], s1  }
0x3cb: {  	s1 =	ssub.s32 @!p0 $0x0, s1;
	[sflag:s0] =	ssyncset.done @!p0 $0x0  }
0x3cc: {  	[sflag:s0] =	ssyncadd.s32 @!p0 s1  }
0x3cd: {  	[bflag:$0x3] =	sbarrier.arrive $0xFFFF  }
0x3ce: {  	_ =	shalt  }

</sc_bundles>
